<compile_context>
chip_gen: v7x
topology: tpu7x:2x2x1
jax: 0.10.2.dev20260603
libtpu: 0.0.44.dev20260713+nightly
codegen_flags: <defaults>
</compile_context>

<pallas_src>
import functools

import jax
import jax.numpy as jnp
from jax import lax
from jax.experimental import pallas as pl
from jax.experimental.pallas import tpu as pltpu
from jax.experimental.pallas import tpu_sc as plsc

N = 2048
D = 768
HID = 768
E = 8
K = 2
BT = 512
NBMAX = (N * K) // BT + E
S = NBMAX * BT
EPS = 1e-6

NC, NS, L = 2, 16, 16
NW = NC * NS
TPT = N // NW
ROW_CHUNKS = D // L

NEG_INF = -3.0e38
D2 = D // 2
MASK_HI = -65536



def _router_body(x_ref, gw_ref, tri128_ref, tri16_ref, tri8_ref,
                 d0_ref, d1_ref, g0_ref, g1_ref, be_ref, tot_ref, xpk_ref):
    xf = x_ref[...]

    xr = xf.astype(jnp.bfloat16).astype(jnp.float32)
    lo_bits = lax.bitcast_convert_type(xr[:, :D2], jnp.int32)
    hi_bits = lax.bitcast_convert_type(xr[:, D2:], jnp.int32)
    xpk_ref[...] = ((lo_bits >> 16) & 0xFFFF) | (hi_bits & MASK_HI)
    gw = gw_ref[...]
    logits = lax.dot_general(gw, xf, (((1,), (1,)), ((), ())),
                             preferred_element_type=jnp.float32)

    eio = lax.broadcasted_iota(jnp.int32, (E, N), 0)
    m0 = jnp.max(logits, axis=0, keepdims=True)
    i0 = jnp.min(jnp.where(logits == m0, eio, E), axis=0, keepdims=True)
    masked = jnp.where(eio == i0, NEG_INF, logits)
    m1 = jnp.max(masked, axis=0, keepdims=True)
    i1 = jnp.min(jnp.where(masked == m1, eio, E), axis=0, keepdims=True)

    z = jnp.exp(m1 - m0)
    g0 = 1.0 / (1.0 + z)
    g1 = z / (1.0 + z)

    oh0 = (eio == i0).astype(jnp.float32)
    oh1 = (eio == i1).astype(jnp.float32)

    tri128 = tri128_ref[...]
    tri16 = tri16_ref[...]
    tri8 = tri8_ref[...]

    def excl_cumsum(oh):
        x3 = oh.reshape(E, N // 128, 128)
        within = lax.dot_general(x3, tri128, (((2,), (0,)), ((), ())),
                                 preferred_element_type=jnp.float32)
        totals = jnp.sum(x3, axis=2)
        offs = lax.dot_general(totals, tri16, (((1,), (0,)), ((), ())),
                               preferred_element_type=jnp.float32)
        incl = within + offs[:, :, None]
        return (incl - x3).reshape(E, N)

    r0 = jnp.sum(jnp.where(eio == i0, excl_cumsum(oh0), 0.0),
                 axis=0, keepdims=True)
    r1 = jnp.sum(jnp.where(eio == i1, excl_cumsum(oh1), 0.0),
                 axis=0, keepdims=True)

    c0 = jnp.sum(oh0, axis=1, keepdims=True)
    c1 = jnp.sum(oh1, axis=1, keepdims=True)
    ce = c0 + c1
    nb = jnp.floor((ce + (BT - 1)) * (1.0 / BT))
    start = lax.dot_general(tri8, nb, (((1,), (0,)), ((), ())),
                            preferred_element_type=jnp.float32)
    padded_off = start * BT

    sel0_off = jnp.sum(jnp.where(eio == i0, padded_off, 0.0),
                       axis=0, keepdims=True)
    sel1_off = jnp.sum(jnp.where(eio == i1, padded_off + c0, 0.0),
                       axis=0, keepdims=True)
    d0_ref[...] = (sel0_off + r0).astype(jnp.int32)
    d1_ref[...] = (sel1_off + r1).astype(jnp.int32)
    g0_ref[...] = g0
    g1_ref[...] = g1

    bio = lax.broadcasted_iota(jnp.int32, (E, NBMAX), 1).astype(jnp.float32)
    eio_b = lax.broadcasted_iota(jnp.int32, (E, NBMAX), 0)
    active = (start <= bio) & (nb > 0.0)
    be_ref[...] = jnp.max(jnp.where(active, eio_b, 0), axis=0, keepdims=True)
    tot_ref[...] = jnp.sum(nb, axis=0, keepdims=True).astype(jnp.int32)


def _router(x_flat, gate_w, tri128, tri16, tri8):
    out_shapes = (
        jax.ShapeDtypeStruct((1, N), jnp.int32),
        jax.ShapeDtypeStruct((1, N), jnp.int32),
        jax.ShapeDtypeStruct((1, N), jnp.float32),
        jax.ShapeDtypeStruct((1, N), jnp.float32),
        jax.ShapeDtypeStruct((1, NBMAX), jnp.int32),
        jax.ShapeDtypeStruct((1, 1), jnp.int32),
        jax.ShapeDtypeStruct((N, D2), jnp.int32),
    )
    return pl.pallas_call(
        _router_body,
        out_shape=out_shapes,
    )(x_flat, gate_w, tri128, tri16, tri8)



def _dispatch_body(x_hbm, d0_hbm, d1_hbm, xs_hbm, xv, idxv, sem):
    wid = lax.axis_index("s") * NC + lax.axis_index("c")
    base = wid * TPT
    pltpu.sync_copy(x_hbm.at[pl.ds(base, TPT)], xv)
    pltpu.sync_copy(d0_hbm.at[pl.ds(base, TPT)], idxv.at[0])
    pltpu.sync_copy(d1_hbm.at[pl.ds(base, TPT)], idxv.at[1])
    cp0 = pltpu.async_copy(xv, xs_hbm.at[idxv.at[0]], sem)
    cp1 = pltpu.async_copy(xv, xs_hbm.at[idxv.at[1]], sem)
    cp0.wait()
    cp1.wait()


def _dispatch(xpk, d0, d1):
    mesh = plsc.VectorSubcoreMesh(core_axis_name="c", subcore_axis_name="s")
    return pl.kernel(
        _dispatch_body,
        out_type=jax.ShapeDtypeStruct((S, D2), jnp.int32),
        mesh=mesh,
        scratch_types=[
            pltpu.VMEM((TPT, D2), jnp.int32),
            pltpu.VMEM((K, TPT), jnp.int32),
            pltpu.SemaphoreType.DMA,
        ],
    )(xpk, d0, d1)



def _gelu(v):
    return 0.5 * v * (1.0 + lax.erf(v * 0.7071067811865476))


def _rms(v, w):
    return v * lax.rsqrt(jnp.mean(v * v, axis=-1, keepdims=True) + EPS) * w


def _mega_body(be_ref, tot_ref, xs_ref, w1_ref, w2_ref, w3_ref,
               n1_ref, n2_ref, ys_ref):
    b = pl.program_id(0)

    @pl.when(b < tot_ref[0])
    def _():
        w = xs_ref[...]
        xb = jnp.concatenate(
            [lax.bitcast_convert_type(w << 16, jnp.float32),
             lax.bitcast_convert_type(w & MASK_HI, jnp.float32)],
            axis=1).astype(jnp.bfloat16)
        h1 = _gelu(lax.dot_general(xb, w1_ref[0].astype(jnp.bfloat16),
                                   (((1,), (1,)), ((), ())),
                                   preferred_element_type=jnp.float32))
        h1 = _rms(h1, n1_ref[0, 0])
        h2 = _gelu(lax.dot_general(h1.astype(jnp.bfloat16),
                                   w2_ref[0].astype(jnp.bfloat16),
                                   (((1,), (1,)), ((), ())),
                                   preferred_element_type=jnp.float32))
        h2 = _rms(h2, n2_ref[0, 0])
        ys_ref[...] = lax.dot_general((h1 + h2).astype(jnp.bfloat16),
                                      w3_ref[0].astype(jnp.bfloat16),
                                      (((1,), (1,)), ((), ())),
                                      preferred_element_type=jnp.float32)


def _megablocks(be, tot, xs, W1, W2, W3, N1, N2):
    def row_map(b, be_r, tot_r):
        return (jnp.minimum(b, tot_r[0] - 1), 0)

    def w_map(b, be_r, tot_r):
        return (be_r[b], 0, 0)

    grid_spec = pltpu.PrefetchScalarGridSpec(
        num_scalar_prefetch=2,
        grid=(NBMAX,),
        in_specs=[
            pl.BlockSpec((BT, D2), row_map),
            pl.BlockSpec((1, HID, D), w_map),
            pl.BlockSpec((1, HID, HID), w_map),
            pl.BlockSpec((1, D, HID), w_map),
            pl.BlockSpec((1, 1, HID), w_map),
            pl.BlockSpec((1, 1, HID), w_map),
        ],
        out_specs=pl.BlockSpec((BT, D), row_map),
    )
    return pl.pallas_call(
        _mega_body,
        grid_spec=grid_spec,
        out_shape=jax.ShapeDtypeStruct((S, D), jnp.float32),
        compiler_params=pltpu.CompilerParams(
            dimension_semantics=("arbitrary",)),
    )(be, tot, xs, W1, W2, W3, N1, N2)



def _combine_body(ys_hbm, d0_hbm, d1_hbm, g0_hbm, g1_hbm, out_hbm,
                  idxv, gv, r0, r1, sem_a, sem_b):
    wid = lax.axis_index("s") * NC + lax.axis_index("c")
    base = wid * TPT
    pltpu.sync_copy(d0_hbm.at[pl.ds(base, TPT)], idxv.at[0])
    pltpu.sync_copy(d1_hbm.at[pl.ds(base, TPT)], idxv.at[1])
    pltpu.sync_copy(g0_hbm.at[pl.ds(base, TPT)], gv.at[0])
    pltpu.sync_copy(g1_hbm.at[pl.ds(base, TPT)], gv.at[1])

    H = TPT // 2
    cps = []
    for h, sem in ((0, sem_a), (1, sem_b)):
        sl_h = pl.ds(h * H, H)
        cps.append((
            pltpu.async_copy(ys_hbm.at[idxv.at[0, sl_h]], r0.at[sl_h], sem),
            pltpu.async_copy(ys_hbm.at[idxv.at[1, sl_h]], r1.at[sl_h], sem),
        ))

    def token_body(t, _):
        grp = (t // L) * L
        lane = t - grp
        g0c = gv[0, pl.ds(grp, L)]
        g1c = gv[1, pl.ds(grp, L)]
        bidx = (jnp.zeros((L,), jnp.int32) + lane)[:, None]
        dn = lax.GatherDimensionNumbers(
            offset_dims=(), collapsed_slice_dims=(0,), start_index_map=(0,))
        g0 = lax.gather(g0c, bidx, dn, (1,),
                        mode=lax.GatherScatterMode.PROMISE_IN_BOUNDS)
        g1 = lax.gather(g1c, bidx, dn, (1,),
                        mode=lax.GatherScatterMode.PROMISE_IN_BOUNDS)
        for c in range(ROW_CHUNKS):
            sl = pl.ds(c * L, L)
            r0[t, sl] = g0 * r0[t, sl] + g1 * r1[t, sl]
        return 0

    for h in range(2):
        cps[h][0].wait()
        cps[h][1].wait()
        lax.fori_loop(h * H, (h + 1) * H, token_body, 0)

    pltpu.sync_copy(r0, out_hbm.at[pl.ds(base, TPT)])


def _combine(ys, d0, d1, g0, g1):
    mesh = plsc.VectorSubcoreMesh(core_axis_name="c", subcore_axis_name="s")
    return pl.kernel(
        _combine_body,
        out_type=jax.ShapeDtypeStruct((N, D), jnp.float32),
        mesh=mesh,
        scratch_types=[
            pltpu.VMEM((K, TPT), jnp.int32),
            pltpu.VMEM((K, TPT), jnp.float32),
            pltpu.VMEM((TPT, D), jnp.float32),
            pltpu.VMEM((TPT, D), jnp.float32),
            pltpu.SemaphoreType.DMA,
            pltpu.SemaphoreType.DMA,
        ],
    )(ys, d0, d1, g0, g1)



def _tri_consts():
    i = jnp.arange(128)
    tri128 = (i[:, None] <= i[None, :]).astype(jnp.float32)
    j = jnp.arange(16)
    tri16 = (j[:, None] < j[None, :]).astype(jnp.float32)
    k = jnp.arange(E)
    tri8 = (k[None, :] < k[:, None]).astype(jnp.float32)
    return tri128, tri16, tri8


def kernel(x, gate_w, W1, W2, W3, N1, N2):
    Bx, Tx, Dx = x.shape
    x_flat = x.reshape(N, D)
    tri128, tri16, tri8 = _tri_consts()
    d0, d1, g0, g1, be, tot, xpk = _router(x_flat, gate_w, tri128, tri16, tri8)
    d0, d1 = d0.reshape(N), d1.reshape(N)
    g0, g1 = g0.reshape(N), g1.reshape(N)

    xs = _dispatch(xpk, d0, d1)
    ys = _megablocks(be.reshape(NBMAX), tot.reshape(1), xs, W1, W2, W3,
                     N1.reshape(E, 1, HID), N2.reshape(E, 1, HID))
    out = _combine(ys, d0, d1, g0, g1)
    return out.reshape(Bx, Tx, Dx)

# --- scband reference (transcript-rebuilt; emitter-appended) ---
"""Pipeline reference for scband-mixture-of-experts-43430709297779 (READ-ONLY COPY).

The authoritative reference and input builder live on the scoring server;
editing this copy changes nothing except your own understanding.
"""

import jax, jax.numpy as jnp
import numpy as np

DIM = 768
HID = 768
E = 8
TOP_K = 2
B, T = 1, 2048
EPS = 1e-6


def setup_inputs(seed: int = 0) -> dict:
    key = jax.random.key(seed)
    ks = jax.random.split(key, 8)
    x = jax.random.normal(ks[0], (B, T, DIM), dtype=jnp.float32)
    gate_w = jax.random.normal(ks[1], (E, DIM), dtype=jnp.float32) * 0.02
    W1 = jax.random.normal(ks[2], (E, HID, DIM), dtype=jnp.float32) * 0.02
    W2 = jax.random.normal(ks[3], (E, HID, HID), dtype=jnp.float32) * 0.02
    W3 = jax.random.normal(ks[4], (E, DIM, HID), dtype=jnp.float32) * 0.02
    N1 = jnp.ones((E, HID), dtype=jnp.float32)
    N2 = jnp.ones((E, HID), dtype=jnp.float32)
    return {"x": x, "gate_w": gate_w, "W1": W1, "W2": W2, "W3": W3, "N1": N1, "N2": N2}


def _rmsnorm(h, w):
    return h * jax.lax.rsqrt(jnp.mean(h * h, axis=-1, keepdims=True) + EPS) * w


def _expert(x_flat, w1, w2, w3, nw1, nw2):
    h1 = jax.nn.gelu(x_flat @ w1.T, approximate=False)
    h1 = _rmsnorm(h1, nw1)
    h2 = jax.nn.gelu(h1 @ w2.T, approximate=False)
    h2 = _rmsnorm(h2, nw2)
    # dropout is identity in eval mode
    return (h2 + h1) @ w3.T


def reference(x, gate_w, W1, W2, W3, N1, N2):
    Bx, Tx, D = x.shape
    x_flat = x.reshape(-1, D)
    gate_logits = x_flat @ gate_w.T  # [N, E]
    top_v, top_i = jax.lax.top_k(gate_logits, TOP_K)  # [N, k]
    top_gates = jax.nn.softmax(top_v, axis=-1)  # [N, k]
    # all experts process all tokens (dense MoE as in the torch code)
    expert_out = jax.vmap(_expert, in_axes=(None, 0, 0, 0, 0, 0))(x_flat, W1, W2, W3, N1, N2)  # [E, N, D]
    expert_out = jnp.transpose(expert_out, (1, 0, 2))  # [N, E, D]
    sel = jnp.take_along_axis(expert_out, top_i[:, :, None], axis=1)  # [N, k, D]
    final = jnp.sum(top_gates[:, :, None] * sel, axis=1)  # [N, D]
    return final.reshape(Bx, Tx, D)

if __name__ == "__main__":
    import jax
    _d = setup_inputs()
    print(jax.jit(kernel)(*tuple(_d.values())))

</pallas_src>

<mosaic_0001>
#map = affine_map<(d0, d1) -> (0, 0)>
#map1 = affine_map<(d0, d1) -> (0)>
module attributes {stable_mosaic.version = 14 : i64} {
  func.func @_dispatch_body(%arg0: i32, %arg1: i32, %arg2: memref<2048x384xi32, #tpu.memory_space<hbm>>, %arg3: memref<2048xi32, #tpu.memory_space<hbm>>, %arg4: memref<2048xi32, #tpu.memory_space<hbm>>, %arg5: memref<8192x384xi32, #tpu.memory_space<hbm>>, %arg6: memref<64x384xi32, #tpu.memory_space<vmem>>, %arg7: memref<2x64xi32, #tpu.memory_space<vmem>>, %arg8: memref<!tpu.dma_semaphore, #tpu.memory_space<semaphore_mem>>) attributes {dimension_semantics = [#tpu.dimension_semantics<core_parallel>, #tpu.dimension_semantics<subcore_parallel>], iteration_bounds = array<i64: 2, 16>, scalar_prefetch = 0 : i64, scratch_operands = 3 : i64, tpu.core_type = #tpu.core_type<sc_vector_subcore>, window_params = [{transform_indices = #map}, {transform_indices = #map1}, {transform_indices = #map1}, {transform_indices = #map}]} {
    %mul3A = arith.constant 2 : i32
    %mul3A_0 = arith.muli %arg1, %mul3A : i32
    %add3A = arith.addi %mul3A_0, %arg0 : i32
    %mul3A_1 = arith.constant 64 : i32
    %mul3A_2 = arith.muli %add3A, %mul3A_1 : i32
    "tpu.region"() ({
      %run_scoped3A_30 = tpu.sem_alloc : memref<!tpu.dma_semaphore, #tpu.memory_space<semaphore_mem>>
      %dma_start3A_31 = arith.constant 0 : i32
      %dma_start3A_32 = tpu.memref_slice %arg2[%mul3A_2, %dma_start3A_31] : memref<2048x384xi32, #tpu.memory_space<hbm>> -> memref<64x384xi32, #tpu.memory_space<hbm>>
      %dma_start3A_33 = arith.constant 0 : i32
      %dma_start3A_34 = tpu.memref_slice %arg2[%mul3A_2, %dma_start3A_33] : memref<2048x384xi32, #tpu.memory_space<hbm>> -> memref<64x384xi32, #tpu.memory_space<hbm>>
      tpu.enqueue_dma source(%dma_start3A_34 : memref<64x384xi32, #tpu.memory_space<hbm>>) target(%arg6 : memref<64x384xi32, #tpu.memory_space<vmem>>) target_semaphore(%run_scoped3A_30 : memref<!tpu.dma_semaphore, #tpu.memory_space<semaphore_mem>>)
      %dma_wait3A_35 = arith.constant 0 : i32
      %dma_wait3A_36 = tpu.memref_slice %arg2[%mul3A_2, %dma_wait3A_35] : memref<2048x384xi32, #tpu.memory_space<hbm>> -> memref<64x384xi32, #tpu.memory_space<hbm>>
      %dma_wait3A_37 = arith.constant 0 : i32
      %dma_wait3A_38 = tpu.memref_slice %arg2[%mul3A_2, %dma_wait3A_37] : memref<2048x384xi32, #tpu.memory_space<hbm>> -> memref<64x384xi32, #tpu.memory_space<hbm>>
      tpu.wait_dma2 semaphore(%run_scoped3A_30 : memref<!tpu.dma_semaphore, #tpu.memory_space<semaphore_mem>>) src(%dma_wait3A_38 : memref<64x384xi32, #tpu.memory_space<hbm>>) dst(%arg6 : memref<64x384xi32, #tpu.memory_space<vmem>>)
      tpu.yield
    }) : () -> ()
    %run_scoped3A = arith.constant 0 : i32
    "tpu.region"() ({
      %run_scoped3A_30 = tpu.sem_alloc : memref<!tpu.dma_semaphore, #tpu.memory_space<semaphore_mem>>
      %dma_start3A_31 = arith.constant 0 : i32
      %dma_start3A_32 = tpu.memref_slice %arg7[%run_scoped3A, %dma_start3A_31] : memref<2x64xi32, #tpu.memory_space<vmem>> -> memref<1x64xi32, #tpu.memory_space<vmem>>
      %dma_start3A_33 = tpu.memref_squeeze %dma_start3A_32 : memref<1x64xi32, #tpu.memory_space<vmem>> -> memref<64xi32, #tpu.memory_space<vmem>>
      %dma_start3A_34 = tpu.memref_slice %arg3[%mul3A_2] : memref<2048xi32, #tpu.memory_space<hbm>> -> memref<64xi32, #tpu.memory_space<hbm>>
      %dma_start3A_35 = arith.constant 0 : i32
      %dma_start3A_36 = tpu.memref_slice %arg7[%run_scoped3A, %dma_start3A_35] : memref<2x64xi32, #tpu.memory_space<vmem>> -> memref<1x64xi32, #tpu.memory_space<vmem>>
      %dma_start3A_37 = tpu.memref_squeeze %dma_start3A_36 : memref<1x64xi32, #tpu.memory_space<vmem>> -> memref<64xi32, #tpu.memory_space<vmem>>
      %dma_start3A_38 = tpu.memref_slice %arg3[%mul3A_2] : memref<2048xi32, #tpu.memory_space<hbm>> -> memref<64xi32, #tpu.memory_space<hbm>>
      tpu.enqueue_dma source(%dma_start3A_38 : memref<64xi32, #tpu.memory_space<hbm>>) target(%dma_start3A_37 : memref<64xi32, #tpu.memory_space<vmem>>) target_semaphore(%run_scoped3A_30 : memref<!tpu.dma_semaphore, #tpu.memory_space<semaphore_mem>>)
      %dma_wait3A_39 = arith.constant 0 : i32
      %dma_wait3A_40 = tpu.memref_slice %arg7[%run_scoped3A, %dma_wait3A_39] : memref<2x64xi32, #tpu.memory_space<vmem>> -> memref<1x64xi32, #tpu.memory_space<vmem>>
      %dma_wait3A_41 = tpu.memref_squeeze %dma_wait3A_40 : memref<1x64xi32, #tpu.memory_space<vmem>> -> memref<64xi32, #tpu.memory_space<vmem>>
      %dma_wait3A_42 = tpu.memref_slice %arg3[%mul3A_2] : memref<2048xi32, #tpu.memory_space<hbm>> -> memref<64xi32, #tpu.memory_space<hbm>>
      %dma_wait3A_43 = arith.constant 0 : i32
      %dma_wait3A_44 = tpu.memref_slice %arg7[%run_scoped3A, %dma_wait3A_43] : memref<2x64xi32, #tpu.memory_space<vmem>> -> memref<1x64xi32, #tpu.memory_space<vmem>>
      %dma_wait3A_45 = tpu.memref_squeeze %dma_wait3A_44 : memref<1x64xi32, #tpu.memory_space<vmem>> -> memref<64xi32, #tpu.memory_space<vmem>>
      %dma_wait3A_46 = tpu.memref_slice %arg3[%mul3A_2] : memref<2048xi32, #tpu.memory_space<hbm>> -> memref<64xi32, #tpu.memory_space<hbm>>
      tpu.wait_dma2 semaphore(%run_scoped3A_30 : memref<!tpu.dma_semaphore, #tpu.memory_space<semaphore_mem>>) src(%dma_wait3A_46 : memref<64xi32, #tpu.memory_space<hbm>>) dst(%dma_wait3A_45 : memref<64xi32, #tpu.memory_space<vmem>>)
      tpu.yield
    }) : () -> ()
    %run_scoped3A_3 = arith.constant 1 : i32
    "tpu.region"() ({
      %run_scoped3A_30 = tpu.sem_alloc : memref<!tpu.dma_semaphore, #tpu.memory_space<semaphore_mem>>
      %dma_start3A_31 = arith.constant 0 : i32
      %dma_start3A_32 = tpu.memref_slice %arg7[%run_scoped3A_3, %dma_start3A_31] : memref<2x64xi32, #tpu.memory_space<vmem>> -> memref<1x64xi32, #tpu.memory_space<vmem>>
      %dma_start3A_33 = tpu.memref_squeeze %dma_start3A_32 : memref<1x64xi32, #tpu.memory_space<vmem>> -> memref<64xi32, #tpu.memory_space<vmem>>
      %dma_start3A_34 = tpu.memref_slice %arg4[%mul3A_2] : memref<2048xi32, #tpu.memory_space<hbm>> -> memref<64xi32, #tpu.memory_space<hbm>>
      %dma_start3A_35 = arith.constant 0 : i32
      %dma_start3A_36 = tpu.memref_slice %arg7[%run_scoped3A_3, %dma_start3A_35] : memref<2x64xi32, #tpu.memory_space<vmem>> -> memref<1x64xi32, #tpu.memory_space<vmem>>
      %dma_start3A_37 = tpu.memref_squeeze %dma_start3A_36 : memref<1x64xi32, #tpu.memory_space<vmem>> -> memref<64xi32, #tpu.memory_space<vmem>>
      %dma_start3A_38 = tpu.memref_slice %arg4[%mul3A_2] : memref<2048xi32, #tpu.memory_space<hbm>> -> memref<64xi32, #tpu.memory_space<hbm>>
      tpu.enqueue_dma source(%dma_start3A_38 : memref<64xi32, #tpu.memory_space<hbm>>) target(%dma_start3A_37 : memref<64xi32, #tpu.memory_space<vmem>>) target_semaphore(%run_scoped3A_30 : memref<!tpu.dma_semaphore, #tpu.memory_space<semaphore_mem>>)
      %dma_wait3A_39 = arith.constant 0 : i32
      %dma_wait3A_40 = tpu.memref_slice %arg7[%run_scoped3A_3, %dma_wait3A_39] : memref<2x64xi32, #tpu.memory_space<vmem>> -> memref<1x64xi32, #tpu.memory_space<vmem>>
      %dma_wait3A_41 = tpu.memref_squeeze %dma_wait3A_40 : memref<1x64xi32, #tpu.memory_space<vmem>> -> memref<64xi32, #tpu.memory_space<vmem>>
      %dma_wait3A_42 = tpu.memref_slice %arg4[%mul3A_2] : memref<2048xi32, #tpu.memory_space<hbm>> -> memref<64xi32, #tpu.memory_space<hbm>>
      %dma_wait3A_43 = arith.constant 0 : i32
      %dma_wait3A_44 = tpu.memref_slice %arg7[%run_scoped3A_3, %dma_wait3A_43] : memref<2x64xi32, #tpu.memory_space<vmem>> -> memref<1x64xi32, #tpu.memory_space<vmem>>
      %dma_wait3A_45 = tpu.memref_squeeze %dma_wait3A_44 : memref<1x64xi32, #tpu.memory_space<vmem>> -> memref<64xi32, #tpu.memory_space<vmem>>
      %dma_wait3A_46 = tpu.memref_slice %arg4[%mul3A_2] : memref<2048xi32, #tpu.memory_space<hbm>> -> memref<64xi32, #tpu.memory_space<hbm>>
      tpu.wait_dma2 semaphore(%run_scoped3A_30 : memref<!tpu.dma_semaphore, #tpu.memory_space<semaphore_mem>>) src(%dma_wait3A_46 : memref<64xi32, #tpu.memory_space<hbm>>) dst(%dma_wait3A_45 : memref<64xi32, #tpu.memory_space<vmem>>)
      tpu.yield
    }) : () -> ()
    %dma_start3A = arith.constant 0 : i32
    %dma_start3A_4 = arith.constant 0 : i32
    %dma_start3A_5 = tpu.memref_slice %arg7[%dma_start3A, %dma_start3A_4] : memref<2x64xi32, #tpu.memory_space<vmem>> -> memref<1x64xi32, #tpu.memory_space<vmem>>
    %dma_start3A_6 = tpu.memref_squeeze %dma_start3A_5 : memref<1x64xi32, #tpu.memory_space<vmem>> -> memref<64xi32, #tpu.memory_space<vmem>>
    %dma_start3A_7 = arith.constant 0 : i32
    %dma_start3A_8 = arith.constant 0 : i32
    %dma_start3A_9 = tpu.memref_slice %arg5[%dma_start3A_7, %dma_start3A_8] : memref<8192x384xi32, #tpu.memory_space<hbm>> -> memref<8192x384xi32, #tpu.memory_space<hbm>>
    tpu.enqueue_indirect_dma source(%arg6 : memref<64x384xi32, #tpu.memory_space<vmem>>) target(%dma_start3A_9 : memref<8192x384xi32, #tpu.memory_space<hbm>>) offsets(%dma_start3A_6 : memref<64xi32, #tpu.memory_space<vmem>>) semaphore(%arg8 : memref<!tpu.dma_semaphore, #tpu.memory_space<semaphore_mem>>)
    %dma_start3A_10 = arith.constant 1 : i32
    %dma_start3A_11 = arith.constant 0 : i32
    %dma_start3A_12 = tpu.memref_slice %arg7[%dma_start3A_10, %dma_start3A_11] : memref<2x64xi32, #tpu.memory_space<vmem>> -> memref<1x64xi32, #tpu.memory_space<vmem>>
    %dma_start3A_13 = tpu.memref_squeeze %dma_start3A_12 : memref<1x64xi32, #tpu.memory_space<vmem>> -> memref<64xi32, #tpu.memory_space<vmem>>
    %dma_start3A_14 = arith.constant 0 : i32
    %dma_start3A_15 = arith.constant 0 : i32
    %dma_start3A_16 = tpu.memref_slice %arg5[%dma_start3A_14, %dma_start3A_15] : memref<8192x384xi32, #tpu.memory_space<hbm>> -> memref<8192x384xi32, #tpu.memory_space<hbm>>
    tpu.enqueue_indirect_dma source(%arg6 : memref<64x384xi32, #tpu.memory_space<vmem>>) target(%dma_start3A_16 : memref<8192x384xi32, #tpu.memory_space<hbm>>) offsets(%dma_start3A_13 : memref<64xi32, #tpu.memory_space<vmem>>) semaphore(%arg8 : memref<!tpu.dma_semaphore, #tpu.memory_space<semaphore_mem>>)
    %dma_wait3A = arith.constant 0 : i32
    %dma_wait3A_17 = arith.constant 0 : i32
    %dma_wait3A_18 = tpu.memref_slice %arg7[%dma_wait3A, %dma_wait3A_17] : memref<2x64xi32, #tpu.memory_space<vmem>> -> memref<1x64xi32, #tpu.memory_space<vmem>>
    %dma_wait3A_19 = tpu.memref_squeeze %dma_wait3A_18 : memref<1x64xi32, #tpu.memory_space<vmem>> -> memref<64xi32, #tpu.memory_space<vmem>>
    %dma_wait3A_20 = arith.constant 0 : i32
    %dma_wait3A_21 = arith.constant 0 : i32
    %dma_wait3A_22 = tpu.memref_slice %arg5[%dma_wait3A_20, %dma_wait3A_21] : memref<8192x384xi32, #tpu.memory_space<hbm>> -> memref<8192x384xi32, #tpu.memory_space<hbm>>
    tpu.wait_indirect_dma semaphore(%arg8 : memref<!tpu.dma_semaphore, #tpu.memory_space<semaphore_mem>>) src(%arg6 : memref<64x384xi32, #tpu.memory_space<vmem>>) dst(%dma_wait3A_22 : memref<8192x384xi32, #tpu.memory_space<hbm>>)
    %dma_wait3A_23 = arith.constant 1 : i32
    %dma_wait3A_24 = arith.constant 0 : i32
    %dma_wait3A_25 = tpu.memref_slice %arg7[%dma_wait3A_23, %dma_wait3A_24] : memref<2x64xi32, #tpu.memory_space<vmem>> -> memref<1x64xi32, #tpu.memory_space<vmem>>
    %dma_wait3A_26 = tpu.memref_squeeze %dma_wait3A_25 : memref<1x64xi32, #tpu.memory_space<vmem>> -> memref<64xi32, #tpu.memory_space<vmem>>
    %dma_wait3A_27 = arith.constant 0 : i32
    %dma_wait3A_28 = arith.constant 0 : i32
    %dma_wait3A_29 = tpu.memref_slice %arg5[%dma_wait3A_27, %dma_wait3A_28] : memref<8192x384xi32, #tpu.memory_space<hbm>> -> memref<8192x384xi32, #tpu.memory_space<hbm>>
    tpu.wait_indirect_dma semaphore(%arg8 : memref<!tpu.dma_semaphore, #tpu.memory_space<semaphore_mem>>) src(%arg6 : memref<64x384xi32, #tpu.memory_space<vmem>>) dst(%dma_wait3A_29 : memref<8192x384xi32, #tpu.memory_space<hbm>>)
    return
  }
}

#map = affine_map<(d0, d1) -> (0, 0)>
#map1 = affine_map<(d0, d1) -> (0)>
module attributes {stable_mosaic.version = 14 : i64} {
  func.func @_combine_body(%arg0: i32, %arg1: i32, %arg2: memref<8192x768xf32, #tpu.memory_space<hbm>>, %arg3: memref<2048xi32, #tpu.memory_space<hbm>>, %arg4: memref<2048xi32, #tpu.memory_space<hbm>>, %arg5: memref<2048xf32, #tpu.memory_space<hbm>>, %arg6: memref<2048xf32, #tpu.memory_space<hbm>>, %arg7: memref<2048x768xf32, #tpu.memory_space<hbm>>, %arg8: memref<2x64xi32, #tpu.memory_space<vmem>>, %arg9: memref<2x64xf32, #tpu.memory_space<vmem>>, %arg10: memref<64x768xf32, #tpu.memory_space<vmem>>, %arg11: memref<64x768xf32, #tpu.memory_space<vmem>>, %arg12: memref<!tpu.dma_semaphore, #tpu.memory_space<semaphore_mem>>, %arg13: memref<!tpu.dma_semaphore, #tpu.memory_space<semaphore_mem>>) attributes {dimension_semantics = [#tpu.dimension_semantics<core_parallel>, #tpu.dimension_semantics<subcore_parallel>], iteration_bounds = array<i64: 2, 16>, scalar_prefetch = 0 : i64, scratch_operands = 6 : i64, tpu.core_type = #tpu.core_type<sc_vector_subcore>, window_params = [{transform_indices = #map}, {transform_indices = #map1}, {transform_indices = #map1}, {transform_indices = #map1}, {transform_indices = #map1}, {transform_indices = #map}]} {
    %mul3A = arith.constant 2 : i32
    %mul3A_0 = arith.muli %arg1, %mul3A : i32
    %add3A = arith.addi %mul3A_0, %arg0 : i32
    %mul3A_1 = arith.constant 64 : i32
    %mul3A_2 = arith.muli %add3A, %mul3A_1 : i32
    %run_scoped3A = arith.constant 0 : i32
    "tpu.region"() ({
      %run_scoped3A_97 = tpu.sem_alloc : memref<!tpu.dma_semaphore, #tpu.memory_space<semaphore_mem>>
      %dma_start3A_98 = arith.constant 0 : i32
      %dma_start3A_99 = tpu.memref_slice %arg8[%run_scoped3A, %dma_start3A_98] : memref<2x64xi32, #tpu.memory_space<vmem>> -> memref<1x64xi32, #tpu.memory_space<vmem>>
      %dma_start3A_100 = tpu.memref_squeeze %dma_start3A_99 : memref<1x64xi32, #tpu.memory_space<vmem>> -> memref<64xi32, #tpu.memory_space<vmem>>
      %dma_start3A_101 = tpu.memref_slice %arg3[%mul3A_2] : memref<2048xi32, #tpu.memory_space<hbm>> -> memref<64xi32, #tpu.memory_space<hbm>>
      %dma_start3A_102 = arith.constant 0 : i32
      %dma_start3A_103 = tpu.memref_slice %arg8[%run_scoped3A, %dma_start3A_102] : memref<2x64xi32, #tpu.memory_space<vmem>> -> memref<1x64xi32, #tpu.memory_space<vmem>>
      %dma_start3A_104 = tpu.memref_squeeze %dma_start3A_103 : memref<1x64xi32, #tpu.memory_space<vmem>> -> memref<64xi32, #tpu.memory_space<vmem>>
      %dma_start3A_105 = tpu.memref_slice %arg3[%mul3A_2] : memref<2048xi32, #tpu.memory_space<hbm>> -> memref<64xi32, #tpu.memory_space<hbm>>
      tpu.enqueue_dma source(%dma_start3A_105 : memref<64xi32, #tpu.memory_space<hbm>>) target(%dma_start3A_104 : memref<64xi32, #tpu.memory_space<vmem>>) target_semaphore(%run_scoped3A_97 : memref<!tpu.dma_semaphore, #tpu.memory_space<semaphore_mem>>)
      %dma_wait3A_106 = arith.constant 0 : i32
      %dma_wait3A_107 = tpu.memref_slice %arg8[%run_scoped3A, %dma_wait3A_106] : memref<2x64xi32, #tpu.memory_space<vmem>> -> memref<1x64xi32, #tpu.memory_space<vmem>>
      %dma_wait3A_108 = tpu.memref_squeeze %dma_wait3A_107 : memref<1x64xi32, #tpu.memory_space<vmem>> -> memref<64xi32, #tpu.memory_space<vmem>>
      %dma_wait3A_109 = tpu.memref_slice %arg3[%mul3A_2] : memref<2048xi32, #tpu.memory_space<hbm>> -> memref<64xi32, #tpu.memory_space<hbm>>
      %dma_wait3A_110 = arith.constant 0 : i32
      %dma_wait3A_111 = tpu.memref_slice %arg8[%run_scoped3A, %dma_wait3A_110] : memref<2x64xi32, #tpu.memory_space<vmem>> -> memref<1x64xi32, #tpu.memory_space<vmem>>
      %dma_wait3A_112 = tpu.memref_squeeze %dma_wait3A_111 : memref<1x64xi32, #tpu.memory_space<vmem>> -> memref<64xi32, #tpu.memory_space<vmem>>
      %dma_wait3A_113 = tpu.memref_slice %arg3[%mul3A_2] : memref<2048xi32, #tpu.memory_space<hbm>> -> memref<64xi32, #tpu.memory_space<hbm>>
      tpu.wait_dma2 semaphore(%run_scoped3A_97 : memref<!tpu.dma_semaphore, #tpu.memory_space<semaphore_mem>>) src(%dma_wait3A_113 : memref<64xi32, #tpu.memory_space<hbm>>) dst(%dma_wait3A_112 : memref<64xi32, #tpu.memory_space<vmem>>)
      tpu.yield
    }) : () -> ()
    %run_scoped3A_3 = arith.constant 1 : i32
    "tpu.region"() ({
      %run_scoped3A_97 = tpu.sem_alloc : memref<!tpu.dma_semaphore, #tpu.memory_space<semaphore_mem>>
      %dma_start3A_98 = arith.constant 0 : i32
      %dma_start3A_99 = tpu.memref_slice %arg8[%run_scoped3A_3, %dma_start3A_98] : memref<2x64xi32, #tpu.memory_space<vmem>> -> memref<1x64xi32, #tpu.memory_space<vmem>>
      %dma_start3A_100 = tpu.memref_squeeze %dma_start3A_99 : memref<1x64xi32, #tpu.memory_space<vmem>> -> memref<64xi32, #tpu.memory_space<vmem>>
      %dma_start3A_101 = tpu.memref_slice %arg4[%mul3A_2] : memref<2048xi32, #tpu.memory_space<hbm>> -> memref<64xi32, #tpu.memory_space<hbm>>
      %dma_start3A_102 = arith.constant 0 : i32
      %dma_start3A_103 = tpu.memref_slice %arg8[%run_scoped3A_3, %dma_start3A_102] : memref<2x64xi32, #tpu.memory_space<vmem>> -> memref<1x64xi32, #tpu.memory_space<vmem>>
      %dma_start3A_104 = tpu.memref_squeeze %dma_start3A_103 : memref<1x64xi32, #tpu.memory_space<vmem>> -> memref<64xi32, #tpu.memory_space<vmem>>
      %dma_start3A_105 = tpu.memref_slice %arg4[%mul3A_2] : memref<2048xi32, #tpu.memory_space<hbm>> -> memref<64xi32, #tpu.memory_space<hbm>>
      tpu.enqueue_dma source(%dma_start3A_105 : memref<64xi32, #tpu.memory_space<hbm>>) target(%dma_start3A_104 : memref<64xi32, #tpu.memory_space<vmem>>) target_semaphore(%run_scoped3A_97 : memref<!tpu.dma_semaphore, #tpu.memory_space<semaphore_mem>>)
      %dma_wait3A_106 = arith.constant 0 : i32
      %dma_wait3A_107 = tpu.memref_slice %arg8[%run_scoped3A_3, %dma_wait3A_106] : memref<2x64xi32, #tpu.memory_space<vmem>> -> memref<1x64xi32, #tpu.memory_space<vmem>>
      %dma_wait3A_108 = tpu.memref_squeeze %dma_wait3A_107 : memref<1x64xi32, #tpu.memory_space<vmem>> -> memref<64xi32, #tpu.memory_space<vmem>>
      %dma_wait3A_109 = tpu.memref_slice %arg4[%mul3A_2] : memref<2048xi32, #tpu.memory_space<hbm>> -> memref<64xi32, #tpu.memory_space<hbm>>
      %dma_wait3A_110 = arith.constant 0 : i32
      %dma_wait3A_111 = tpu.memref_slice %arg8[%run_scoped3A_3, %dma_wait3A_110] : memref<2x64xi32, #tpu.memory_space<vmem>> -> memref<1x64xi32, #tpu.memory_space<vmem>>
      %dma_wait3A_112 = tpu.memref_squeeze %dma_wait3A_111 : memref<1x64xi32, #tpu.memory_space<vmem>> -> memref<64xi32, #tpu.memory_space<vmem>>
      %dma_wait3A_113 = tpu.memref_slice %arg4[%mul3A_2] : memref<2048xi32, #tpu.memory_space<hbm>> -> memref<64xi32, #tpu.memory_space<hbm>>
      tpu.wait_dma2 semaphore(%run_scoped3A_97 : memref<!tpu.dma_semaphore, #tpu.memory_space<semaphore_mem>>) src(%dma_wait3A_113 : memref<64xi32, #tpu.memory_space<hbm>>) dst(%dma_wait3A_112 : memref<64xi32, #tpu.memory_space<vmem>>)
      tpu.yield
    }) : () -> ()
    %run_scoped3A_4 = arith.constant 0 : i32
    "tpu.region"() ({
      %run_scoped3A_97 = tpu.sem_alloc : memref<!tpu.dma_semaphore, #tpu.memory_space<semaphore_mem>>
      %dma_start3A_98 = arith.constant 0 : i32
      %dma_start3A_99 = tpu.memref_slice %arg9[%run_scoped3A_4, %dma_start3A_98] : memref<2x64xf32, #tpu.memory_space<vmem>> -> memref<1x64xf32, #tpu.memory_space<vmem>>
      %dma_start3A_100 = tpu.memref_squeeze %dma_start3A_99 : memref<1x64xf32, #tpu.memory_space<vmem>> -> memref<64xf32, #tpu.memory_space<vmem>>
      %dma_start3A_101 = tpu.memref_slice %arg5[%mul3A_2] : memref<2048xf32, #tpu.memory_space<hbm>> -> memref<64xf32, #tpu.memory_space<hbm>>
      %dma_start3A_102 = arith.constant 0 : i32
      %dma_start3A_103 = tpu.memref_slice %arg9[%run_scoped3A_4, %dma_start3A_102] : memref<2x64xf32, #tpu.memory_space<vmem>> -> memref<1x64xf32, #tpu.memory_space<vmem>>
      %dma_start3A_104 = tpu.memref_squeeze %dma_start3A_103 : memref<1x64xf32, #tpu.memory_space<vmem>> -> memref<64xf32, #tpu.memory_space<vmem>>
      %dma_start3A_105 = tpu.memref_slice %arg5[%mul3A_2] : memref<2048xf32, #tpu.memory_space<hbm>> -> memref<64xf32, #tpu.memory_space<hbm>>
      tpu.enqueue_dma source(%dma_start3A_105 : memref<64xf32, #tpu.memory_space<hbm>>) target(%dma_start3A_104 : memref<64xf32, #tpu.memory_space<vmem>>) target_semaphore(%run_scoped3A_97 : memref<!tpu.dma_semaphore, #tpu.memory_space<semaphore_mem>>)
      %dma_wait3A_106 = arith.constant 0 : i32
      %dma_wait3A_107 = tpu.memref_slice %arg9[%run_scoped3A_4, %dma_wait3A_106] : memref<2x64xf32, #tpu.memory_space<vmem>> -> memref<1x64xf32, #tpu.memory_space<vmem>>
      %dma_wait3A_108 = tpu.memref_squeeze %dma_wait3A_107 : memref<1x64xf32, #tpu.memory_space<vmem>> -> memref<64xf32, #tpu.memory_space<vmem>>
      %dma_wait3A_109 = tpu.memref_slice %arg5[%mul3A_2] : memref<2048xf32, #tpu.memory_space<hbm>> -> memref<64xf32, #tpu.memory_space<hbm>>
      %dma_wait3A_110 = arith.constant 0 : i32
      %dma_wait3A_111 = tpu.memref_slice %arg9[%run_scoped3A_4, %dma_wait3A_110] : memref<2x64xf32, #tpu.memory_space<vmem>> -> memref<1x64xf32, #tpu.memory_space<vmem>>
      %dma_wait3A_112 = tpu.memref_squeeze %dma_wait3A_111 : memref<1x64xf32, #tpu.memory_space<vmem>> -> memref<64xf32, #tpu.memory_space<vmem>>
      %dma_wait3A_113 = tpu.memref_slice %arg5[%mul3A_2] : memref<2048xf32, #tpu.memory_space<hbm>> -> memref<64xf32, #tpu.memory_space<hbm>>
      tpu.wait_dma2 semaphore(%run_scoped3A_97 : memref<!tpu.dma_semaphore, #tpu.memory_space<semaphore_mem>>) src(%dma_wait3A_113 : memref<64xf32, #tpu.memory_space<hbm>>) dst(%dma_wait3A_112 : memref<64xf32, #tpu.memory_space<vmem>>)
      tpu.yield
    }) : () -> ()
    %run_scoped3A_5 = arith.constant 1 : i32
    "tpu.region"() ({
      %run_scoped3A_97 = tpu.sem_alloc : memref<!tpu.dma_semaphore, #tpu.memory_space<semaphore_mem>>
      %dma_start3A_98 = arith.constant 0 : i32
      %dma_start3A_99 = tpu.memref_slice %arg9[%run_scoped3A_5, %dma_start3A_98] : memref<2x64xf32, #tpu.memory_space<vmem>> -> memref<1x64xf32, #tpu.memory_space<vmem>>
      %dma_start3A_100 = tpu.memref_squeeze %dma_start3A_99 : memref<1x64xf32, #tpu.memory_space<vmem>> -> memref<64xf32, #tpu.memory_space<vmem>>
      %dma_start3A_101 = tpu.memref_slice %arg6[%mul3A_2] : memref<2048xf32, #tpu.memory_space<hbm>> -> memref<64xf32, #tpu.memory_space<hbm>>
      %dma_start3A_102 = arith.constant 0 : i32
      %dma_start3A_103 = tpu.memref_slice %arg9[%run_scoped3A_5, %dma_start3A_102] : memref<2x64xf32, #tpu.memory_space<vmem>> -> memref<1x64xf32, #tpu.memory_space<vmem>>
      %dma_start3A_104 = tpu.memref_squeeze %dma_start3A_103 : memref<1x64xf32, #tpu.memory_space<vmem>> -> memref<64xf32, #tpu.memory_space<vmem>>
      %dma_start3A_105 = tpu.memref_slice %arg6[%mul3A_2] : memref<2048xf32, #tpu.memory_space<hbm>> -> memref<64xf32, #tpu.memory_space<hbm>>
      tpu.enqueue_dma source(%dma_start3A_105 : memref<64xf32, #tpu.memory_space<hbm>>) target(%dma_start3A_104 : memref<64xf32, #tpu.memory_space<vmem>>) target_semaphore(%run_scoped3A_97 : memref<!tpu.dma_semaphore, #tpu.memory_space<semaphore_mem>>)
      %dma_wait3A_106 = arith.constant 0 : i32
      %dma_wait3A_107 = tpu.memref_slice %arg9[%run_scoped3A_5, %dma_wait3A_106] : memref<2x64xf32, #tpu.memory_space<vmem>> -> memref<1x64xf32, #tpu.memory_space<vmem>>
      %dma_wait3A_108 = tpu.memref_squeeze %dma_wait3A_107 : memref<1x64xf32, #tpu.memory_space<vmem>> -> memref<64xf32, #tpu.memory_space<vmem>>
      %dma_wait3A_109 = tpu.memref_slice %arg6[%mul3A_2] : memref<2048xf32, #tpu.memory_space<hbm>> -> memref<64xf32, #tpu.memory_space<hbm>>
      %dma_wait3A_110 = arith.constant 0 : i32
      %dma_wait3A_111 = tpu.memref_slice %arg9[%run_scoped3A_5, %dma_wait3A_110] : memref<2x64xf32, #tpu.memory_space<vmem>> -> memref<1x64xf32, #tpu.memory_space<vmem>>
      %dma_wait3A_112 = tpu.memref_squeeze %dma_wait3A_111 : memref<1x64xf32, #tpu.memory_space<vmem>> -> memref<64xf32, #tpu.memory_space<vmem>>
      %dma_wait3A_113 = tpu.memref_slice %arg6[%mul3A_2] : memref<2048xf32, #tpu.memory_space<hbm>> -> memref<64xf32, #tpu.memory_space<hbm>>
      tpu.wait_dma2 semaphore(%run_scoped3A_97 : memref<!tpu.dma_semaphore, #tpu.memory_space<semaphore_mem>>) src(%dma_wait3A_113 : memref<64xf32, #tpu.memory_space<hbm>>) dst(%dma_wait3A_112 : memref<64xf32, #tpu.memory_space<vmem>>)
      tpu.yield
    }) : () -> ()
    %dma_start3A = arith.constant 0 : i32
    %dma_start3A_6 = arith.constant 0 : i32
    %dma_start3A_7 = arith.constant 0 : i32
    %dma_start3A_8 = tpu.memref_slice %arg10[%dma_start3A_6, %dma_start3A_7] : memref<64x768xf32, #tpu.memory_space<vmem>> -> memref<32x768xf32, #tpu.memory_space<vmem>>
    %dma_start3A_9 = arith.constant 0 : i32
    %dma_start3A_10 = tpu.memref_slice %arg8[%dma_start3A, %dma_start3A_9] : memref<2x64xi32, #tpu.memory_space<vmem>> -> memref<1x32xi32, #tpu.memory_space<vmem>>
    %dma_start3A_11 = tpu.memref_squeeze %dma_start3A_10 : memref<1x32xi32, #tpu.memory_space<vmem>> -> memref<32xi32, #tpu.memory_space<vmem>>
    %dma_start3A_12 = arith.constant 0 : i32
    %dma_start3A_13 = arith.constant 0 : i32
    %dma_start3A_14 = tpu.memref_slice %arg2[%dma_start3A_12, %dma_start3A_13] : memref<8192x768xf32, #tpu.memory_space<hbm>> -> memref<8192x768xf32, #tpu.memory_space<hbm>>
    tpu.enqueue_indirect_dma source(%dma_start3A_14 : memref<8192x768xf32, #tpu.memory_space<hbm>>) target(%dma_start3A_8 : memref<32x768xf32, #tpu.memory_space<vmem>>) offsets(%dma_start3A_11 : memref<32xi32, #tpu.memory_space<vmem>>) semaphore(%arg12 : memref<!tpu.dma_semaphore, #tpu.memory_space<semaphore_mem>>)
    %dma_start3A_15 = arith.constant 1 : i32
    %dma_start3A_16 = arith.constant 0 : i32
    %dma_start3A_17 = arith.constant 0 : i32
    %dma_start3A_18 = tpu.memref_slice %arg11[%dma_start3A_16, %dma_start3A_17] : memref<64x768xf32, #tpu.memory_space<vmem>> -> memref<32x768xf32, #tpu.memory_space<vmem>>
    %dma_start3A_19 = arith.constant 0 : i32
    %dma_start3A_20 = tpu.memref_slice %arg8[%dma_start3A_15, %dma_start3A_19] : memref<2x64xi32, #tpu.memory_space<vmem>> -> memref<1x32xi32, #tpu.memory_space<vmem>>
    %dma_start3A_21 = tpu.memref_squeeze %dma_start3A_20 : memref<1x32xi32, #tpu.memory_space<vmem>> -> memref<32xi32, #tpu.memory_space<vmem>>
    %dma_start3A_22 = arith.constant 0 : i32
    %dma_start3A_23 = arith.constant 0 : i32
    %dma_start3A_24 = tpu.memref_slice %arg2[%dma_start3A_22, %dma_start3A_23] : memref<8192x768xf32, #tpu.memory_space<hbm>> -> memref<8192x768xf32, #tpu.memory_space<hbm>>
    tpu.enqueue_indirect_dma source(%dma_start3A_24 : memref<8192x768xf32, #tpu.memory_space<hbm>>) target(%dma_start3A_18 : memref<32x768xf32, #tpu.memory_space<vmem>>) offsets(%dma_start3A_21 : memref<32xi32, #tpu.memory_space<vmem>>) semaphore(%arg12 : memref<!tpu.dma_semaphore, #tpu.memory_space<semaphore_mem>>)
    %dma_start3A_25 = arith.constant 0 : i32
    %dma_start3A_26 = arith.constant 32 : i32
    %dma_start3A_27 = arith.constant 0 : i32
    %dma_start3A_28 = tpu.memref_slice %arg10[%dma_start3A_26, %dma_start3A_27] : memref<64x768xf32, #tpu.memory_space<vmem>> -> memref<32x768xf32, #tpu.memory_space<vmem>>
    %dma_start3A_29 = arith.constant 32 : i32
    %dma_start3A_30 = tpu.memref_slice %arg8[%dma_start3A_25, %dma_start3A_29] : memref<2x64xi32, #tpu.memory_space<vmem>> -> memref<1x32xi32, #tpu.memory_space<vmem>>
    %dma_start3A_31 = tpu.memref_squeeze %dma_start3A_30 : memref<1x32xi32, #tpu.memory_space<vmem>> -> memref<32xi32, #tpu.memory_space<vmem>>
    %dma_start3A_32 = arith.constant 0 : i32
    %dma_start3A_33 = arith.constant 0 : i32
    %dma_start3A_34 = tpu.memref_slice %arg2[%dma_start3A_32, %dma_start3A_33] : memref<8192x768xf32, #tpu.memory_space<hbm>> -> memref<8192x768xf32, #tpu.memory_space<hbm>>
    tpu.enqueue_indirect_dma source(%dma_start3A_34 : memref<8192x768xf32, #tpu.memory_space<hbm>>) target(%dma_start3A_28 : memref<32x768xf32, #tpu.memory_space<vmem>>) offsets(%dma_start3A_31 : memref<32xi32, #tpu.memory_space<vmem>>) semaphore(%arg13 : memref<!tpu.dma_semaphore, #tpu.memory_space<semaphore_mem>>)
    %dma_start3A_35 = arith.constant 1 : i32
    %dma_start3A_36 = arith.constant 32 : i32
    %dma_start3A_37 = arith.constant 0 : i32
    %dma_start3A_38 = tpu.memref_slice %arg11[%dma_start3A_36, %dma_start3A_37] : memref<64x768xf32, #tpu.memory_space<vmem>> -> memref<32x768xf32, #tpu.memory_space<vmem>>
    %dma_start3A_39 = arith.constant 32 : i32
    %dma_start3A_40 = tpu.memref_slice %arg8[%dma_start3A_35, %dma_start3A_39] : memref<2x64xi32, #tpu.memory_space<vmem>> -> memref<1x32xi32, #tpu.memory_space<vmem>>
    %dma_start3A_41 = tpu.memref_squeeze %dma_start3A_40 : memref<1x32xi32, #tpu.memory_space<vmem>> -> memref<32xi32, #tpu.memory_space<vmem>>
    %dma_start3A_42 = arith.constant 0 : i32
    %dma_start3A_43 = arith.constant 0 : i32
    %dma_start3A_44 = tpu.memref_slice %arg2[%dma_start3A_42, %dma_start3A_43] : memref<8192x768xf32, #tpu.memory_space<hbm>> -> memref<8192x768xf32, #tpu.memory_space<hbm>>
    tpu.enqueue_indirect_dma source(%dma_start3A_44 : memref<8192x768xf32, #tpu.memory_space<hbm>>) target(%dma_start3A_38 : memref<32x768xf32, #tpu.memory_space<vmem>>) offsets(%dma_start3A_41 : memref<32xi32, #tpu.memory_space<vmem>>) semaphore(%arg13 : memref<!tpu.dma_semaphore, #tpu.memory_space<semaphore_mem>>)
    %dma_wait3A = arith.constant 0 : i32
    %dma_wait3A_45 = arith.constant 0 : i32
    %dma_wait3A_46 = arith.constant 0 : i32
    %dma_wait3A_47 = tpu.memref_slice %arg10[%dma_wait3A_45, %dma_wait3A_46] : memref<64x768xf32, #tpu.memory_space<vmem>> -> memref<32x768xf32, #tpu.memory_space<vmem>>
    %dma_wait3A_48 = arith.constant 0 : i32
    %dma_wait3A_49 = tpu.memref_slice %arg8[%dma_wait3A, %dma_wait3A_48] : memref<2x64xi32, #tpu.memory_space<vmem>> -> memref<1x32xi32, #tpu.memory_space<vmem>>
    %dma_wait3A_50 = tpu.memref_squeeze %dma_wait3A_49 : memref<1x32xi32, #tpu.memory_space<vmem>> -> memref<32xi32, #tpu.memory_space<vmem>>
    %dma_wait3A_51 = arith.constant 0 : i32
    %dma_wait3A_52 = arith.constant 0 : i32
    %dma_wait3A_53 = tpu.memref_slice %arg2[%dma_wait3A_51, %dma_wait3A_52] : memref<8192x768xf32, #tpu.memory_space<hbm>> -> memref<8192x768xf32, #tpu.memory_space<hbm>>
    tpu.wait_indirect_dma semaphore(%arg12 : memref<!tpu.dma_semaphore, #tpu.memory_space<semaphore_mem>>) src(%dma_wait3A_53 : memref<8192x768xf32, #tpu.memory_space<hbm>>) dst(%dma_wait3A_47 : memref<32x768xf32, #tpu.memory_space<vmem>>)
    %dma_wait3A_54 = arith.constant 1 : i32
    %dma_wait3A_55 = arith.constant 0 : i32
    %dma_wait3A_56 = arith.constant 0 : i32
    %dma_wait3A_57 = tpu.memref_slice %arg11[%dma_wait3A_55, %dma_wait3A_56] : memref<64x768xf32, #tpu.memory_space<vmem>> -> memref<32x768xf32, #tpu.memory_space<vmem>>
    %dma_wait3A_58 = arith.constant 0 : i32
    %dma_wait3A_59 = tpu.memref_slice %arg8[%dma_wait3A_54, %dma_wait3A_58] : memref<2x64xi32, #tpu.memory_space<vmem>> -> memref<1x32xi32, #tpu.memory_space<vmem>>
    %dma_wait3A_60 = tpu.memref_squeeze %dma_wait3A_59 : memref<1x32xi32, #tpu.memory_space<vmem>> -> memref<32xi32, #tpu.memory_space<vmem>>
    %dma_wait3A_61 = arith.constant 0 : i32
    %dma_wait3A_62 = arith.constant 0 : i32
    %dma_wait3A_63 = tpu.memref_slice %arg2[%dma_wait3A_61, %dma_wait3A_62] : memref<8192x768xf32, #tpu.memory_space<hbm>> -> memref<8192x768xf32, #tpu.memory_space<hbm>>
    tpu.wait_indirect_dma semaphore(%arg12 : memref<!tpu.dma_semaphore, #tpu.memory_space<semaphore_mem>>) src(%dma_wait3A_63 : memref<8192x768xf32, #tpu.memory_space<hbm>>) dst(%dma_wait3A_57 : memref<32x768xf32, #tpu.memory_space<vmem>>)
    %scan3A = arith.constant 0 : i32
    %scan3A_64 = arith.constant 0 : i32
    %scan3A_65 = arith.constant 32 : i32
    %scan3A_66 = arith.addi %scan3A_64, %scan3A_65 : i32
    %scan3A_67 = arith.constant 1 : i32
    %scan3A_68 = scf.for %scan3A_97 = %scan3A_64 to %scan3A_66 step %scan3A_67 iter_args(%scan3A_98 = %scan3A) -> (i32)  : i32 {
      %jit3A = arith.constant 16 : i32
      %div3A = arith.divsi %scan3A_97, %jit3A : i32
      %sign3A = arith.constant 0 : i32
      %sign3A_99 = arith.cmpi sgt, %scan3A_97, %sign3A : i32
      %sign3A_100 = arith.extui %sign3A_99 : i1 to i32
      %sign3A_101 = arith.constant 0 : i32
      %sign3A_102 = arith.cmpi slt, %scan3A_97, %sign3A_101 : i32
      %sign3A_103 = arith.extui %sign3A_102 : i1 to i32
      %sign3A_104 = arith.subi %sign3A_100, %sign3A_103 : i32
      %sign3A_105 = arith.constant 0 : i32
      %sign3A_106 = arith.cmpi sgt, %jit3A, %sign3A_105 : i32
      %sign3A_107 = arith.extui %sign3A_106 : i1 to i32
      %sign3A_108 = arith.constant 0 : i32
      %sign3A_109 = arith.cmpi slt, %jit3A, %sign3A_108 : i32
      %sign3A_110 = arith.extui %sign3A_109 : i1 to i32
      %sign3A_111 = arith.subi %sign3A_107, %sign3A_110 : i32
      %ne3A = arith.cmpi ne, %sign3A_104, %sign3A_111 : i32
      %rem3A = arith.remsi %scan3A_97, %jit3A : i32
      %ne3A_112 = arith.constant 0 : i32
      %ne3A_113 = arith.cmpi ne, %rem3A, %ne3A_112 : i32
      %and3A = arith.andi %ne3A, %ne3A_113 : i1
      %sub3A = arith.constant 1 : i32
      %sub3A_114 = arith.subi %div3A, %sub3A : i32
      %select_n3A = arith.select %and3A, %sub3A_114, %div3A : i32
      %mul3A_115 = arith.constant 16 : i32
      %mul3A_116 = arith.muli %select_n3A, %mul3A_115 : i32
      %sub3A_117 = arith.subi %scan3A_97, %mul3A_116 : i32
      %get3A = arith.constant 0 : i32
      %get3A_118 = arith.index_cast %get3A : i32 to index
      %get3A_119 = arith.index_cast %mul3A_116 : i32 to index
      %get3A_120 = tpu.vector_load %arg9[%get3A_118, %get3A_119] {strides = array<i32>} : memref<2x64xf32, #tpu.memory_space<vmem>>, vector<1x16xf32>,
      %get3A_121 = vector.shape_cast %get3A_120 : vector<1x16xf32> to vector<16xf32>
      %get3A_122 = arith.constant 1 : i32
      %get3A_123 = arith.index_cast %get3A_122 : i32 to index
      %get3A_124 = arith.index_cast %mul3A_116 : i32 to index
      %get3A_125 = tpu.vector_load %arg9[%get3A_123, %get3A_124] {strides = array<i32>} : memref<2x64xf32, #tpu.memory_space<vmem>>, vector<1x16xf32>,
      %get3A_126 = vector.shape_cast %get3A_125 : vector<1x16xf32> to vector<16xf32>
      %broadcast_in_dim3A = arith.constant 0 : i32
      %broadcast_in_dim3A_127 = vector.broadcast %broadcast_in_dim3A : i32 to vector<16xi32>
      %add3A_128 = vector.broadcast %sub3A_117 : i32 to vector<16xi32>
      %add3A_129 = arith.addi %broadcast_in_dim3A_127, %add3A_128 : vector<16xi32>
      %broadcast_in_dim3A_130 = vector.shape_cast %add3A_129 : vector<16xi32> to vector<16x1xi32>
      %gather3A = vector.shape_cast %broadcast_in_dim3A_130 : vector<16x1xi32> to vector<16xi32>
      %gather3A_131 = tpu.dynamic_gather %get3A_121[%gather3A] in [0] : vector<16xf32>, vector<16xi32> -> vector<16xf32>
      %gather3A_132 = vector.shape_cast %broadcast_in_dim3A_130 : vector<16x1xi32> to vector<16xi32>
      %gather3A_133 = tpu.dynamic_gather %get3A_126[%gather3A_132] in [0] : vector<16xf32>, vector<16xi32> -> vector<16xf32>
      %get3A_134 = arith.index_cast %scan3A_97 : i32 to index
      %get3A_135 = arith.constant 0 : index
      %get3A_136 = tpu.vector_load %arg10[%get3A_134, %get3A_135] {strides = array<i32>} : memref<64x768xf32, #tpu.memory_space<vmem>>, vector<1x16xf32>,
      %get3A_137 = vector.shape_cast %get3A_136 : vector<1x16xf32> to vector<16xf32>
      %mul3A_138 = arith.mulf %gather3A_131, %get3A_137 : vector<16xf32>
      %get3A_139 = arith.index_cast %scan3A_97 : i32 to index
      %get3A_140 = arith.constant 0 : index
      %get3A_141 = tpu.vector_load %arg11[%get3A_139, %get3A_140] {strides = array<i32>} : memref<64x768xf32, #tpu.memory_space<vmem>>, vector<1x16xf32>,
      %get3A_142 = vector.shape_cast %get3A_141 : vector<1x16xf32> to vector<16xf32>
      %mul3A_143 = arith.mulf %gather3A_133, %get3A_142 : vector<16xf32>
      %add3A_144 = arith.addf %mul3A_138, %mul3A_143 : vector<16xf32>
      %swap3A = arith.index_cast %scan3A_97 : i32 to index
      %swap3A_145 = arith.constant 0 : index
      %swap3A_146 = tpu.vector_load %arg10[%swap3A, %swap3A_145] {strides = array<i32>} : memref<64x768xf32, #tpu.memory_space<vmem>>, vector<1x16xf32>,
      %swap3A_147 = vector.shape_cast %swap3A_146 : vector<1x16xf32> to vector<16xf32>
      %swap3A_148 = vector.shape_cast %add3A_144 : vector<16xf32> to vector<1x16xf32>
      tpu.vector_store %arg10[%swap3A, %swap3A_145], %swap3A_148 {strides = array<i32>} : memref<64x768xf32, #tpu.memory_space<vmem>>, vector<1x16xf32>,
      %get3A_149 = arith.index_cast %scan3A_97 : i32 to index
      %get3A_150 = arith.constant 16 : index
      %get3A_151 = tpu.vector_load %arg10[%get3A_149, %get3A_150] {strides = array<i32>} : memref<64x768xf32, #tpu.memory_space<vmem>>, vector<1x16xf32>,
      %get3A_152 = vector.shape_cast %get3A_151 : vector<1x16xf32> to vector<16xf32>
      %mul3A_153 = arith.mulf %gather3A_131, %get3A_152 : vector<16xf32>
      %get3A_154 = arith.index_cast %scan3A_97 : i32 to index
      %get3A_155 = arith.constant 16 : index
      %get3A_156 = tpu.vector_load %arg11[%get3A_154, %get3A_155] {strides = array<i32>} : memref<64x768xf32, #tpu.memory_space<vmem>>, vector<1x16xf32>,
      %get3A_157 = vector.shape_cast %get3A_156 : vector<1x16xf32> to vector<16xf32>
      %mul3A_158 = arith.mulf %gather3A_133, %get3A_157 : vector<16xf32>
      %add3A_159 = arith.addf %mul3A_153, %mul3A_158 : vector<16xf32>
      %swap3A_160 = arith.index_cast %scan3A_97 : i32 to index
      %swap3A_161 = arith.constant 16 : index
      %swap3A_162 = tpu.vector_load %arg10[%swap3A_160, %swap3A_161] {strides = array<i32>} : memref<64x768xf32, #tpu.memory_space<vmem>>, vector<1x16xf32>,
      %swap3A_163 = vector.shape_cast %swap3A_162 : vector<1x16xf32> to vector<16xf32>
      %swap3A_164 = vector.shape_cast %add3A_159 : vector<16xf32> to vector<1x16xf32>
      tpu.vector_store %arg10[%swap3A_160, %swap3A_161], %swap3A_164 {strides = array<i32>} : memref<64x768xf32, #tpu.memory_space<vmem>>, vector<1x16xf32>,
      %get3A_165 = arith.index_cast %scan3A_97 : i32 to index
      %get3A_166 = arith.constant 32 : index
      %get3A_167 = tpu.vector_load %arg10[%get3A_165, %get3A_166] {strides = array<i32>} : memref<64x768xf32, #tpu.memory_space<vmem>>, vector<1x16xf32>,
      %get3A_168 = vector.shape_cast %get3A_167 : vector<1x16xf32> to vector<16xf32>
      %mul3A_169 = arith.mulf %gather3A_131, %get3A_168 : vector<16xf32>
      %get3A_170 = arith.index_cast %scan3A_97 : i32 to index
      %get3A_171 = arith.constant 32 : index
      %get3A_172 = tpu.vector_load %arg11[%get3A_170, %get3A_171] {strides = array<i32>} : memref<64x768xf32, #tpu.memory_space<vmem>>, vector<1x16xf32>,
      %get3A_173 = vector.shape_cast %get3A_172 : vector<1x16xf32> to vector<16xf32>
      %mul3A_174 = arith.mulf %gather3A_133, %get3A_173 : vector<16xf32>
      %add3A_175 = arith.addf %mul3A_169, %mul3A_174 : vector<16xf32>
      %swap3A_176 = arith.index_cast %scan3A_97 : i32 to index
      %swap3A_177 = arith.constant 32 : index
      %swap3A_178 = tpu.vector_load %arg10[%swap3A_176, %swap3A_177] {strides = array<i32>} : memref<64x768xf32, #tpu.memory_space<vmem>>, vector<1x16xf32>,
      %swap3A_179 = vector.shape_cast %swap3A_178 : vector<1x16xf32> to vector<16xf32>
      %swap3A_180 = vector.shape_cast %add3A_175 : vector<16xf32> to vector<1x16xf32>
      tpu.vector_store %arg10[%swap3A_176, %swap3A_177], %swap3A_180 {strides = array<i32>} : memref<64x768xf32, #tpu.memory_space<vmem>>, vector<1x16xf32>,
      %get3A_181 = arith.index_cast %scan3A_97 : i32 to index
      %get3A_182 = arith.constant 48 : index
      %get3A_183 = tpu.vector_load %arg10[%get3A_181, %get3A_182] {strides = array<i32>} : memref<64x768xf32, #tpu.memory_space<vmem>>, vector<1x16xf32>,
      %get3A_184 = vector.shape_cast %get3A_183 : vector<1x16xf32> to vector<16xf32>
      %mul3A_185 = arith.mulf %gather3A_131, %get3A_184 : vector<16xf32>
      %get3A_186 = arith.index_cast %scan3A_97 : i32 to index
      %get3A_187 = arith.constant 48 : index
      %get3A_188 = tpu.vector_load %arg11[%get3A_186, %get3A_187] {strides = array<i32>} : memref<64x768xf32, #tpu.memory_space<vmem>>, vector<1x16xf32>,
      %get3A_189 = vector.shape_cast %get3A_188 : vector<1x16xf32> to vector<16xf32>
      %mul3A_190 = arith.mulf %gather3A_133, %get3A_189 : vector<16xf32>
      %add3A_191 = arith.addf %mul3A_185, %mul3A_190 : vector<16xf32>
      %swap3A_192 = arith.index_cast %scan3A_97 : i32 to index
      %swap3A_193 = arith.constant 48 : index
      %swap3A_194 = tpu.vector_load %arg10[%swap3A_192, %swap3A_193] {strides = array<i32>} : memref<64x768xf32, #tpu.memory_space<vmem>>, vector<1x16xf32>,
      %swap3A_195 = vector.shape_cast %swap3A_194 : vector<1x16xf32> to vector<16xf32>
      %swap3A_196 = vector.shape_cast %add3A_191 : vector<16xf32> to vector<1x16xf32>
      tpu.vector_store %arg10[%swap3A_192, %swap3A_193], %swap3A_196 {strides = array<i32>} : memref<64x768xf32, #tpu.memory_space<vmem>>, vector<1x16xf32>,
      %get3A_197 = arith.index_cast %scan3A_97 : i32 to index
      %get3A_198 = arith.constant 64 : index
      %get3A_199 = tpu.vector_load %arg10[%get3A_197, %get3A_198] {strides = array<i32>} : memref<64x768xf32, #tpu.memory_space<vmem>>, vector<1x16xf32>,
      %get3A_200 = vector.shape_cast %get3A_199 : vector<1x16xf32> to vector<16xf32>
      %mul3A_201 = arith.mulf %gather3A_131, %get3A_200 : vector<16xf32>
      %get3A_202 = arith.index_cast %scan3A_97 : i32 to index
      %get3A_203 = arith.constant 64 : index
      %get3A_204 = tpu.vector_load %arg11[%get3A_202, %get3A_203] {strides = array<i32>} : memref<64x768xf32, #tpu.memory_space<vmem>>, vector<1x16xf32>,
      %get3A_205 = vector.shape_cast %get3A_204 : vector<1x16xf32> to vector<16xf32>
      %mul3A_206 = arith.mulf %gather3A_133, %get3A_205 : vector<16xf32>
      %add3A_207 = arith.addf %mul3A_201, %mul3A_206 : vector<16xf32>
      %swap3A_208 = arith.index_cast %scan3A_97 : i32 to index
      %swap3A_209 = arith.constant 64 : index
      %swap3A_210 = tpu.vector_load %arg10[%swap3A_208, %swap3A_209] {strides = array<i32>} : memref<64x768xf32, #tpu.memory_space<vmem>>, vector<1x16xf32>,
      %swap3A_211 = vector.shape_cast %swap3A_210 : vector<1x16xf32> to vector<16xf32>
      %swap3A_212 = vector.shape_cast %add3A_207 : vector<16xf32> to vector<1x16xf32>
      tpu.vector_store %arg10[%swap3A_208, %swap3A_209], %swap3A_212 {strides = array<i32>} : memref<64x768xf32, #tpu.memory_space<vmem>>, vector<1x16xf32>,
      %get3A_213 = arith.index_cast %scan3A_97 : i32 to index
      %get3A_214 = arith.constant 80 : index
      %get3A_215 = tpu.vector_load %arg10[%get3A_213, %get3A_214] {strides = array<i32>} : memref<64x768xf32, #tpu.memory_space<vmem>>, vector<1x16xf32>,
      %get3A_216 = vector.shape_cast %get3A_215 : vector<1x16xf32> to vector<16xf32>
      %mul3A_217 = arith.mulf %gather3A_131, %get3A_216 : vector<16xf32>
      %get3A_218 = arith.index_cast %scan3A_97 : i32 to index
      %get3A_219 = arith.constant 80 : index
      %get3A_220 = tpu.vector_load %arg11[%get3A_218, %get3A_219] {strides = array<i32>} : memref<64x768xf32, #tpu.memory_space<vmem>>, vector<1x16xf32>,
      %get3A_221 = vector.shape_cast %get3A_220 : vector<1x16xf32> to vector<16xf32>
      %mul3A_222 = arith.mulf %gather3A_133, %get3A_221 : vector<16xf32>
      %add3A_223 = arith.addf %mul3A_217, %mul3A_222 : vector<16xf32>
      %swap3A_224 = arith.index_cast %scan3A_97 : i32 to index
      %swap3A_225 = arith.constant 80 : index
      %swap3A_226 = tpu.vector_load %arg10[%swap3A_224, %swap3A_225] {strides = array<i32>} : memref<64x768xf32, #tpu.memory_space<vmem>>, vector<1x16xf32>,
      %swap3A_227 = vector.shape_cast %swap3A_226 : vector<1x16xf32> to vector<16xf32>
      %swap3A_228 = vector.shape_cast %add3A_223 : vector<16xf32> to vector<1x16xf32>
      tpu.vector_store %arg10[%swap3A_224, %swap3A_225], %swap3A_228 {strides = array<i32>} : memref<64x768xf32, #tpu.memory_space<vmem>>, vector<1x16xf32>,
      %get3A_229 = arith.index_cast %scan3A_97 : i32 to index
      %get3A_230 = arith.constant 96 : index
      %get3A_231 = tpu.vector_load %arg10[%get3A_229, %get3A_230] {strides = array<i32>} : memref<64x768xf32, #tpu.memory_space<vmem>>, vector<1x16xf32>,
      %get3A_232 = vector.shape_cast %get3A_231 : vector<1x16xf32> to vector<16xf32>
      %mul3A_233 = arith.mulf %gather3A_131, %get3A_232 : vector<16xf32>
      %get3A_234 = arith.index_cast %scan3A_97 : i32 to index
      %get3A_235 = arith.constant 96 : index
      %get3A_236 = tpu.vector_load %arg11[%get3A_234, %get3A_235] {strides = array<i32>} : memref<64x768xf32, #tpu.memory_space<vmem>>, vector<1x16xf32>,
      %get3A_237 = vector.shape_cast %get3A_236 : vector<1x16xf32> to vector<16xf32>
      %mul3A_238 = arith.mulf %gather3A_133, %get3A_237 : vector<16xf32>
      %add3A_239 = arith.addf %mul3A_233, %mul3A_238 : vector<16xf32>
      %swap3A_240 = arith.index_cast %scan3A_97 : i32 to index
      %swap3A_241 = arith.constant 96 : index
      %swap3A_242 = tpu.vector_load %arg10[%swap3A_240, %swap3A_241] {strides = array<i32>} : memref<64x768xf32, #tpu.memory_space<vmem>>, vector<1x16xf32>,
      %swap3A_243 = vector.shape_cast %swap3A_242 : vector<1x16xf32> to vector<16xf32>
      %swap3A_244 = vector.shape_cast %add3A_239 : vector<16xf32> to vector<1x16xf32>
      tpu.vector_store %arg10[%swap3A_240, %swap3A_241], %swap3A_244 {strides = array<i32>} : memref<64x768xf32, #tpu.memory_space<vmem>>, vector<1x16xf32>,
      %get3A_245 = arith.index_cast %scan3A_97 : i32 to index
      %get3A_246 = arith.constant 112 : index
      %get3A_247 = tpu.vector_load %arg10[%get3A_245, %get3A_246] {strides = array<i32>} : memref<64x768xf32, #tpu.memory_space<vmem>>, vector<1x16xf32>,
      %get3A_248 = vector.shape_cast %get3A_247 : vector<1x16xf32> to vector<16xf32>
      %mul3A_249 = arith.mulf %gather3A_131, %get3A_248 : vector<16xf32>
      %get3A_250 = arith.index_cast %scan3A_97 : i32 to index
      %get3A_251 = arith.constant 112 : index
      %get3A_252 = tpu.vector_load %arg11[%get3A_250, %get3A_251] {strides = array<i32>} : memref<64x768xf32, #tpu.memory_space<vmem>>, vector<1x16xf32>,
      %get3A_253 = vector.shape_cast %get3A_252 : vector<1x16xf32> to vector<16xf32>
      %mul3A_254 = arith.mulf %gather3A_133, %get3A_253 : vector<16xf32>
      %add3A_255 = arith.addf %mul3A_249, %mul3A_254 : vector<16xf32>
      %swap3A_256 = arith.index_cast %scan3A_97 : i32 to index
      %swap3A_257 = arith.constant 112 : index
      %swap3A_258 = tpu.vector_load %arg10[%swap3A_256, %swap3A_257] {strides = array<i32>} : memref<64x768xf32, #tpu.memory_space<vmem>>, vector<1x16xf32>,
      %swap3A_259 = vector.shape_cast %swap3A_258 : vector<1x16xf32> to vector<16xf32>
      %swap3A_260 = vector.shape_cast %add3A_255 : vector<16xf32> to vector<1x16xf32>
      tpu.vector_store %arg10[%swap3A_256, %swap3A_257], %swap3A_260 {strides = array<i32>} : memref<64x768xf32, #tpu.memory_space<vmem>>, vector<1x16xf32>,
      %get3A_261 = arith.index_cast %scan3A_97 : i32 to index
      %get3A_262 = arith.constant 128 : index
      %get3A_263 = tpu.vector_load %arg10[%get3A_261, %get3A_262] {strides = array<i32>} : memref<64x768xf32, #tpu.memory_space<vmem>>, vector<1x16xf32>,
      %get3A_264 = vector.shape_cast %get3A_263 : vector<1x16xf32> to vector<16xf32>
      %mul3A_265 = arith.mulf %gather3A_131, %get3A_264 : vector<16xf32>
      %get3A_266 = arith.index_cast %scan3A_97 : i32 to index
      %get3A_267 = arith.constant 128 : index
      %get3A_268 = tpu.vector_load %arg11[%get3A_266, %get3A_267] {strides = array<i32>} : memref<64x768xf32, #tpu.memory_space<vmem>>, vector<1x16xf32>,
      %get3A_269 = vector.shape_cast %get3A_268 : vector<1x16xf32> to vector<16xf32>
      %mul3A_270 = arith.mulf %gather3A_133, %get3A_269 : vector<16xf32>
      %add3A_271 = arith.addf %mul3A_265, %mul3A_270 : vector<16xf32>
      %swap3A_272 = arith.index_cast %scan3A_97 : i32 to index
      %swap3A_273 = arith.constant 128 : index
      %swap3A_274 = tpu.vector_load %arg10[%swap3A_272, %swap3A_273] {strides = array<i32>} : memref<64x768xf32, #tpu.memory_space<vmem>>, vector<1x16xf32>,
      %swap3A_275 = vector.shape_cast %swap3A_274 : vector<1x16xf32> to vector<16xf32>
      %swap3A_276 = vector.shape_cast %add3A_271 : vector<16xf32> to vector<1x16xf32>
      tpu.vector_store %arg10[%swap3A_272, %swap3A_273], %swap3A_276 {strides = array<i32>} : memref<64x768xf32, #tpu.memory_space<vmem>>, vector<1x16xf32>,
      %get3A_277 = arith.index_cast %scan3A_97 : i32 to index
      %get3A_278 = arith.constant 144 : index
      %get3A_279 = tpu.vector_load %arg10[%get3A_277, %get3A_278] {strides = array<i32>} : memref<64x768xf32, #tpu.memory_space<vmem>>, vector<1x16xf32>,
      %get3A_280 = vector.shape_cast %get3A_279 : vector<1x16xf32> to vector<16xf32>
      %mul3A_281 = arith.mulf %gather3A_131, %get3A_280 : vector<16xf32>
      %get3A_282 = arith.index_cast %scan3A_97 : i32 to index
      %get3A_283 = arith.constant 144 : index
      %get3A_284 = tpu.vector_load %arg11[%get3A_282, %get3A_283] {strides = array<i32>} : memref<64x768xf32, #tpu.memory_space<vmem>>, vector<1x16xf32>,
      %get3A_285 = vector.shape_cast %get3A_284 : vector<1x16xf32> to vector<16xf32>
      %mul3A_286 = arith.mulf %gather3A_133, %get3A_285 : vector<16xf32>
      %add3A_287 = arith.addf %mul3A_281, %mul3A_286 : vector<16xf32>
      %swap3A_288 = arith.index_cast %scan3A_97 : i32 to index
      %swap3A_289 = arith.constant 144 : index
      %swap3A_290 = tpu.vector_load %arg10[%swap3A_288, %swap3A_289] {strides = array<i32>} : memref<64x768xf32, #tpu.memory_space<vmem>>, vector<1x16xf32>,
      %swap3A_291 = vector.shape_cast %swap3A_290 : vector<1x16xf32> to vector<16xf32>
      %swap3A_292 = vector.shape_cast %add3A_287 : vector<16xf32> to vector<1x16xf32>
      tpu.vector_store %arg10[%swap3A_288, %swap3A_289], %swap3A_292 {strides = array<i32>} : memref<64x768xf32, #tpu.memory_space<vmem>>, vector<1x16xf32>,
      %get3A_293 = arith.index_cast %scan3A_97 : i32 to index
      %get3A_294 = arith.constant 160 : index
      %get3A_295 = tpu.vector_load %arg10[%get3A_293, %get3A_294] {strides = array<i32>} : memref<64x768xf32, #tpu.memory_space<vmem>>, vector<1x16xf32>,
      %get3A_296 = vector.shape_cast %get3A_295 : vector<1x16xf32> to vector<16xf32>
      %mul3A_297 = arith.mulf %gather3A_131, %get3A_296 : vector<16xf32>
      %get3A_298 = arith.index_cast %scan3A_97 : i32 to index
      %get3A_299 = arith.constant 160 : index
      %get3A_300 = tpu.vector_load %arg11[%get3A_298, %get3A_299] {strides = array<i32>} : memref<64x768xf32, #tpu.memory_space<vmem>>, vector<1x16xf32>,
      %get3A_301 = vector.shape_cast %get3A_300 : vector<1x16xf32> to vector<16xf32>
      %mul3A_302 = arith.mulf %gather3A_133, %get3A_301 : vector<16xf32>
      %add3A_303 = arith.addf %mul3A_297, %mul3A_302 : vector<16xf32>
      %swap3A_304 = arith.index_cast %scan3A_97 : i32 to index
      %swap3A_305 = arith.constant 160 : index
      %swap3A_306 = tpu.vector_load %arg10[%swap3A_304, %swap3A_305] {strides = array<i32>} : memref<64x768xf32, #tpu.memory_space<vmem>>, vector<1x16xf32>,
      %swap3A_307 = vector.shape_cast %swap3A_306 : vector<1x16xf32> to vector<16xf32>
      %swap3A_308 = vector.shape_cast %add3A_303 : vector<16xf32> to vector<1x16xf32>
      tpu.vector_store %arg10[%swap3A_304, %swap3A_305], %swap3A_308 {strides = array<i32>} : memref<64x768xf32, #tpu.memory_space<vmem>>, vector<1x16xf32>,
      %get3A_309 = arith.index_cast %scan3A_97 : i32 to index
      %get3A_310 = arith.constant 176 : index
      %get3A_311 = tpu.vector_load %arg10[%get3A_309, %get3A_310] {strides = array<i32>} : memref<64x768xf32, #tpu.memory_space<vmem>>, vector<1x16xf32>,
      %get3A_312 = vector.shape_cast %get3A_311 : vector<1x16xf32> to vector<16xf32>
      %mul3A_313 = arith.mulf %gather3A_131, %get3A_312 : vector<16xf32>
      %get3A_314 = arith.index_cast %scan3A_97 : i32 to index
      %get3A_315 = arith.constant 176 : index
      %get3A_316 = tpu.vector_load %arg11[%get3A_314, %get3A_315] {strides = array<i32>} : memref<64x768xf32, #tpu.memory_space<vmem>>, vector<1x16xf32>,
      %get3A_317 = vector.shape_cast %get3A_316 : vector<1x16xf32> to vector<16xf32>
      %mul3A_318 = arith.mulf %gather3A_133, %get3A_317 : vector<16xf32>
      %add3A_319 = arith.addf %mul3A_313, %mul3A_318 : vector<16xf32>
      %swap3A_320 = arith.index_cast %scan3A_97 : i32 to index
      %swap3A_321 = arith.constant 176 : index
      %swap3A_322 = tpu.vector_load %arg10[%swap3A_320, %swap3A_321] {strides = array<i32>} : memref<64x768xf32, #tpu.memory_space<vmem>>, vector<1x16xf32>,
      %swap3A_323 = vector.shape_cast %swap3A_322 : vector<1x16xf32> to vector<16xf32>
      %swap3A_324 = vector.shape_cast %add3A_319 : vector<16xf32> to vector<1x16xf32>
      tpu.vector_store %arg10[%swap3A_320, %swap3A_321], %swap3A_324 {strides = array<i32>} : memref<64x768xf32, #tpu.memory_space<vmem>>, vector<1x16xf32>,
      %get3A_325 = arith.index_cast %scan3A_97 : i32 to index
      %get3A_326 = arith.constant 192 : index
      %get3A_327 = tpu.vector_load %arg10[%get3A_325, %get3A_326] {strides = array<i32>} : memref<64x768xf32, #tpu.memory_space<vmem>>, vector<1x16xf32>,
      %get3A_328 = vector.shape_cast %get3A_327 : vector<1x16xf32> to vector<16xf32>
      %mul3A_329 = arith.mulf %gather3A_131, %get3A_328 : vector<16xf32>
      %get3A_330 = arith.index_cast %scan3A_97 : i32 to index
      %get3A_331 = arith.constant 192 : index
      %get3A_332 = tpu.vector_load %arg11[%get3A_330, %get3A_331] {strides = array<i32>} : memref<64x768xf32, #tpu.memory_space<vmem>>, vector<1x16xf32>,
      %get3A_333 = vector.shape_cast %get3A_332 : vector<1x16xf32> to vector<16xf32>
      %mul3A_334 = arith.mulf %gather3A_133, %get3A_333 : vector<16xf32>
      %add3A_335 = arith.addf %mul3A_329, %mul3A_334 : vector<16xf32>
      %swap3A_336 = arith.index_cast %scan3A_97 : i32 to index
      %swap3A_337 = arith.constant 192 : index
      %swap3A_338 = tpu.vector_load %arg10[%swap3A_336, %swap3A_337] {strides = array<i32>} : memref<64x768xf32, #tpu.memory_space<vmem>>, vector<1x16xf32>,
      %swap3A_339 = vector.shape_cast %swap3A_338 : vector<1x16xf32> to vector<16xf32>
      %swap3A_340 = vector.shape_cast %add3A_335 : vector<16xf32> to vector<1x16xf32>
      tpu.vector_store %arg10[%swap3A_336, %swap3A_337], %swap3A_340 {strides = array<i32>} : memref<64x768xf32, #tpu.memory_space<vmem>>, vector<1x16xf32>,
      %get3A_341 = arith.index_cast %scan3A_97 : i32 to index
      %get3A_342 = arith.constant 208 : index
      %get3A_343 = tpu.vector_load %arg10[%get3A_341, %get3A_342] {strides = array<i32>} : memref<64x768xf32, #tpu.memory_space<vmem>>, vector<1x16xf32>,
      %get3A_344 = vector.shape_cast %get3A_343 : vector<1x16xf32> to vector<16xf32>
      %mul3A_345 = arith.mulf %gather3A_131, %get3A_344 : vector<16xf32>
      %get3A_346 = arith.index_cast %scan3A_97 : i32 to index
      %get3A_347 = arith.constant 208 : index
      %get3A_348 = tpu.vector_load %arg11[%get3A_346, %get3A_347] {strides = array<i32>} : memref<64x768xf32, #tpu.memory_space<vmem>>, vector<1x16xf32>,
      %get3A_349 = vector.shape_cast %get3A_348 : vector<1x16xf32> to vector<16xf32>
      %mul3A_350 = arith.mulf %gather3A_133, %get3A_349 : vector<16xf32>
      %add3A_351 = arith.addf %mul3A_345, %mul3A_350 : vector<16xf32>
      %swap3A_352 = arith.index_cast %scan3A_97 : i32 to index
      %swap3A_353 = arith.constant 208 : index
      %swap3A_354 = tpu.vector_load %arg10[%swap3A_352, %swap3A_353] {strides = array<i32>} : memref<64x768xf32, #tpu.memory_space<vmem>>, vector<1x16xf32>,
      %swap3A_355 = vector.shape_cast %swap3A_354 : vector<1x16xf32> to vector<16xf32>
      %swap3A_356 = vector.shape_cast %add3A_351 : vector<16xf32> to vector<1x16xf32>
      tpu.vector_store %arg10[%swap3A_352, %swap3A_353], %swap3A_356 {strides = array<i32>} : memref<64x768xf32, #tpu.memory_space<vmem>>, vector<1x16xf32>,
      %get3A_357 = arith.index_cast %scan3A_97 : i32 to index
      %get3A_358 = arith.constant 224 : index
      %get3A_359 = tpu.vector_load %arg10[%get3A_357, %get3A_358] {strides = array<i32>} : memref<64x768xf32, #tpu.memory_space<vmem>>, vector<1x16xf32>,
      %get3A_360 = vector.shape_cast %get3A_359 : vector<1x16xf32> to vector<16xf32>
      %mul3A_361 = arith.mulf %gather3A_131, %get3A_360 : vector<16xf32>
      %get3A_362 = arith.index_cast %scan3A_97 : i32 to index
      %get3A_363 = arith.constant 224 : index
      %get3A_364 = tpu.vector_load %arg11[%get3A_362, %get3A_363] {strides = array<i32>} : memref<64x768xf32, #tpu.memory_space<vmem>>, vector<1x16xf32>,
      %get3A_365 = vector.shape_cast %get3A_364 : vector<1x16xf32> to vector<16xf32>
      %mul3A_366 = arith.mulf %gather3A_133, %get3A_365 : vector<16xf32>
      %add3A_367 = arith.addf %mul3A_361, %mul3A_366 : vector<16xf32>
      %swap3A_368 = arith.index_cast %scan3A_97 : i32 to index
      %swap3A_369 = arith.constant 224 : index
      %swap3A_370 = tpu.vector_load %arg10[%swap3A_368, %swap3A_369] {strides = array<i32>} : memref<64x768xf32, #tpu.memory_space<vmem>>, vector<1x16xf32>,
      %swap3A_371 = vector.shape_cast %swap3A_370 : vector<1x16xf32> to vector<16xf32>
      %swap3A_372 = vector.shape_cast %add3A_367 : vector<16xf32> to vector<1x16xf32>
      tpu.vector_store %arg10[%swap3A_368, %swap3A_369], %swap3A_372 {strides = array<i32>} : memref<64x768xf32, #tpu.memory_space<vmem>>, vector<1x16xf32>,
      %get3A_373 = arith.index_cast %scan3A_97 : i32 to index
      %get3A_374 = arith.constant 240 : index
      %get3A_375 = tpu.vector_load %arg10[%get3A_373, %get3A_374] {strides = array<i32>} : memref<64x768xf32, #tpu.memory_space<vmem>>, vector<1x16xf32>,
      %get3A_376 = vector.shape_cast %get3A_375 : vector<1x16xf32> to vector<16xf32>
      %mul3A_377 = arith.mulf %gather3A_131, %get3A_376 : vector<16xf32>
      %get3A_378 = arith.index_cast %scan3A_97 : i32 to index
      %get3A_379 = arith.constant 240 : index
      %get3A_380 = tpu.vector_load %arg11[%get3A_378, %get3A_379] {strides = array<i32>} : memref<64x768xf32, #tpu.memory_space<vmem>>, vector<1x16xf32>,
      %get3A_381 = vector.shape_cast %get3A_380 : vector<1x16xf32> to vector<16xf32>
      %mul3A_382 = arith.mulf %gather3A_133, %get3A_381 : vector<16xf32>
      %add3A_383 = arith.addf %mul3A_377, %mul3A_382 : vector<16xf32>
      %swap3A_384 = arith.index_cast %scan3A_97 : i32 to index
      %swap3A_385 = arith.constant 240 : index
      %swap3A_386 = tpu.vector_load %arg10[%swap3A_384, %swap3A_385] {strides = array<i32>} : memref<64x768xf32, #tpu.memory_space<vmem>>, vector<1x16xf32>,
      %swap3A_387 = vector.shape_cast %swap3A_386 : vector<1x16xf32> to vector<16xf32>
      %swap3A_388 = vector.shape_cast %add3A_383 : vector<16xf32> to vector<1x16xf32>
      tpu.vector_store %arg10[%swap3A_384, %swap3A_385], %swap3A_388 {strides = array<i32>} : memref<64x768xf32, #tpu.memory_space<vmem>>, vector<1x16xf32>,
      %get3A_389 = arith.index_cast %scan3A_97 : i32 to index
      %get3A_390 = arith.constant 256 : index
      %get3A_391 = tpu.vector_load %arg10[%get3A_389, %get3A_390] {strides = array<i32>} : memref<64x768xf32, #tpu.memory_space<vmem>>, vector<1x16xf32>,
      %get3A_392 = vector.shape_cast %get3A_391 : vector<1x16xf32> to vector<16xf32>
      %mul3A_393 = arith.mulf %gather3A_131, %get3A_392 : vector<16xf32>
      %get3A_394 = arith.index_cast %scan3A_97 : i32 to index
      %get3A_395 = arith.constant 256 : index
      %get3A_396 = tpu.vector_load %arg11[%get3A_394, %get3A_395] {strides = array<i32>} : memref<64x768xf32, #tpu.memory_space<vmem>>, vector<1x16xf32>,
      %get3A_397 = vector.shape_cast %get3A_396 : vector<1x16xf32> to vector<16xf32>
      %mul3A_398 = arith.mulf %gather3A_133, %get3A_397 : vector<16xf32>
      %add3A_399 = arith.addf %mul3A_393, %mul3A_398 : vector<16xf32>
      %swap3A_400 = arith.index_cast %scan3A_97 : i32 to index
      %swap3A_401 = arith.constant 256 : index
      %swap3A_402 = tpu.vector_load %arg10[%swap3A_400, %swap3A_401] {strides = array<i32>} : memref<64x768xf32, #tpu.memory_space<vmem>>, vector<1x16xf32>,
      %swap3A_403 = vector.shape_cast %swap3A_402 : vector<1x16xf32> to vector<16xf32>
      %swap3A_404 = vector.shape_cast %add3A_399 : vector<16xf32> to vector<1x16xf32>
      tpu.vector_store %arg10[%swap3A_400, %swap3A_401], %swap3A_404 {strides = array<i32>} : memref<64x768xf32, #tpu.memory_space<vmem>>, vector<1x16xf32>,
      %get3A_405 = arith.index_cast %scan3A_97 : i32 to index
      %get3A_406 = arith.constant 272 : index
      %get3A_407 = tpu.vector_load %arg10[%get3A_405, %get3A_406] {strides = array<i32>} : memref<64x768xf32, #tpu.memory_space<vmem>>, vector<1x16xf32>,
      %get3A_408 = vector.shape_cast %get3A_407 : vector<1x16xf32> to vector<16xf32>
      %mul3A_409 = arith.mulf %gather3A_131, %get3A_408 : vector<16xf32>
      %get3A_410 = arith.index_cast %scan3A_97 : i32 to index
      %get3A_411 = arith.constant 272 : index
      %get3A_412 = tpu.vector_load %arg11[%get3A_410, %get3A_411] {strides = array<i32>} : memref<64x768xf32, #tpu.memory_space<vmem>>, vector<1x16xf32>,
      %get3A_413 = vector.shape_cast %get3A_412 : vector<1x16xf32> to vector<16xf32>
      %mul3A_414 = arith.mulf %gather3A_133, %get3A_413 : vector<16xf32>
      %add3A_415 = arith.addf %mul3A_409, %mul3A_414 : vector<16xf32>
      %swap3A_416 = arith.index_cast %scan3A_97 : i32 to index
      %swap3A_417 = arith.constant 272 : index
      %swap3A_418 = tpu.vector_load %arg10[%swap3A_416, %swap3A_417] {strides = array<i32>} : memref<64x768xf32, #tpu.memory_space<vmem>>, vector<1x16xf32>,
      %swap3A_419 = vector.shape_cast %swap3A_418 : vector<1x16xf32> to vector<16xf32>
      %swap3A_420 = vector.shape_cast %add3A_415 : vector<16xf32> to vector<1x16xf32>
      tpu.vector_store %arg10[%swap3A_416, %swap3A_417], %swap3A_420 {strides = array<i32>} : memref<64x768xf32, #tpu.memory_space<vmem>>, vector<1x16xf32>,
      %get3A_421 = arith.index_cast %scan3A_97 : i32 to index
      %get3A_422 = arith.constant 288 : index
      %get3A_423 = tpu.vector_load %arg10[%get3A_421, %get3A_422] {strides = array<i32>} : memref<64x768xf32, #tpu.memory_space<vmem>>, vector<1x16xf32>,
      %get3A_424 = vector.shape_cast %get3A_423 : vector<1x16xf32> to vector<16xf32>
      %mul3A_425 = arith.mulf %gather3A_131, %get3A_424 : vector<16xf32>
      %get3A_426 = arith.index_cast %scan3A_97 : i32 to index
      %get3A_427 = arith.constant 288 : index
      %get3A_428 = tpu.vector_load %arg11[%get3A_426, %get3A_427] {strides = array<i32>} : memref<64x768xf32, #tpu.memory_space<vmem>>, vector<1x16xf32>,
      %get3A_429 = vector.shape_cast %get3A_428 : vector<1x16xf32> to vector<16xf32>
      %mul3A_430 = arith.mulf %gather3A_133, %get3A_429 : vector<16xf32>
      %add3A_431 = arith.addf %mul3A_425, %mul3A_430 : vector<16xf32>
      %swap3A_432 = arith.index_cast %scan3A_97 : i32 to index
      %swap3A_433 = arith.constant 288 : index
      %swap3A_434 = tpu.vector_load %arg10[%swap3A_432, %swap3A_433] {strides = array<i32>} : memref<64x768xf32, #tpu.memory_space<vmem>>, vector<1x16xf32>,
      %swap3A_435 = vector.shape_cast %swap3A_434 : vector<1x16xf32> to vector<16xf32>
      %swap3A_436 = vector.shape_cast %add3A_431 : vector<16xf32> to vector<1x16xf32>
      tpu.vector_store %arg10[%swap3A_432, %swap3A_433], %swap3A_436 {strides = array<i32>} : memref<64x768xf32, #tpu.memory_space<vmem>>, vector<1x16xf32>,
      %get3A_437 = arith.index_cast %scan3A_97 : i32 to index
      %get3A_438 = arith.constant 304 : index
      %get3A_439 = tpu.vector_load %arg10[%get3A_437, %get3A_438] {strides = array<i32>} : memref<64x768xf32, #tpu.memory_space<vmem>>, vector<1x16xf32>,
      %get3A_440 = vector.shape_cast %get3A_439 : vector<1x16xf32> to vector<16xf32>
      %mul3A_441 = arith.mulf %gather3A_131, %get3A_440 : vector<16xf32>
      %get3A_442 = arith.index_cast %scan3A_97 : i32 to index
      %get3A_443 = arith.constant 304 : index
      %get3A_444 = tpu.vector_load %arg11[%get3A_442, %get3A_443] {strides = array<i32>} : memref<64x768xf32, #tpu.memory_space<vmem>>, vector<1x16xf32>,
      %get3A_445 = vector.shape_cast %get3A_444 : vector<1x16xf32> to vector<16xf32>
      %mul3A_446 = arith.mulf %gather3A_133, %get3A_445 : vector<16xf32>
      %add3A_447 = arith.addf %mul3A_441, %mul3A_446 : vector<16xf32>
      %swap3A_448 = arith.index_cast %scan3A_97 : i32 to index
      %swap3A_449 = arith.constant 304 : index
      %swap3A_450 = tpu.vector_load %arg10[%swap3A_448, %swap3A_449] {strides = array<i32>} : memref<64x768xf32, #tpu.memory_space<vmem>>, vector<1x16xf32>,
      %swap3A_451 = vector.shape_cast %swap3A_450 : vector<1x16xf32> to vector<16xf32>
      %swap3A_452 = vector.shape_cast %add3A_447 : vector<16xf32> to vector<1x16xf32>
      tpu.vector_store %arg10[%swap3A_448, %swap3A_449], %swap3A_452 {strides = array<i32>} : memref<64x768xf32, #tpu.memory_space<vmem>>, vector<1x16xf32>,
      %get3A_453 = arith.index_cast %scan3A_97 : i32 to index
      %get3A_454 = arith.constant 320 : index
      %get3A_455 = tpu.vector_load %arg10[%get3A_453, %get3A_454] {strides = array<i32>} : memref<64x768xf32, #tpu.memory_space<vmem>>, vector<1x16xf32>,
      %get3A_456 = vector.shape_cast %get3A_455 : vector<1x16xf32> to vector<16xf32>
      %mul3A_457 = arith.mulf %gather3A_131, %get3A_456 : vector<16xf32>
      %get3A_458 = arith.index_cast %scan3A_97 : i32 to index
      %get3A_459 = arith.constant 320 : index
      %get3A_460 = tpu.vector_load %arg11[%get3A_458, %get3A_459] {strides = array<i32>} : memref<64x768xf32, #tpu.memory_space<vmem>>, vector<1x16xf32>,
      %get3A_461 = vector.shape_cast %get3A_460 : vector<1x16xf32> to vector<16xf32>
      %mul3A_462 = arith.mulf %gather3A_133, %get3A_461 : vector<16xf32>
      %add3A_463 = arith.addf %mul3A_457, %mul3A_462 : vector<16xf32>
      %swap3A_464 = arith.index_cast %scan3A_97 : i32 to index
      %swap3A_465 = arith.constant 320 : index
      %swap3A_466 = tpu.vector_load %arg10[%swap3A_464, %swap3A_465] {strides = array<i32>} : memref<64x768xf32, #tpu.memory_space<vmem>>, vector<1x16xf32>,
      %swap3A_467 = vector.shape_cast %swap3A_466 : vector<1x16xf32> to vector<16xf32>
      %swap3A_468 = vector.shape_cast %add3A_463 : vector<16xf32> to vector<1x16xf32>
      tpu.vector_store %arg10[%swap3A_464, %swap3A_465], %swap3A_468 {strides = array<i32>} : memref<64x768xf32, #tpu.memory_space<vmem>>, vector<1x16xf32>,
      %get3A_469 = arith.index_cast %scan3A_97 : i32 to index
      %get3A_470 = arith.constant 336 : index
      %get3A_471 = tpu.vector_load %arg10[%get3A_469, %get3A_470] {strides = array<i32>} : memref<64x768xf32, #tpu.memory_space<vmem>>, vector<1x16xf32>,
      %get3A_472 = vector.shape_cast %get3A_471 : vector<1x16xf32> to vector<16xf32>
      %mul3A_473 = arith.mulf %gather3A_131, %get3A_472 : vector<16xf32>
      %get3A_474 = arith.index_cast %scan3A_97 : i32 to index
      %get3A_475 = arith.constant 336 : index
      %get3A_476 = tpu.vector_load %arg11[%get3A_474, %get3A_475] {strides = array<i32>} : memref<64x768xf32, #tpu.memory_space<vmem>>, vector<1x16xf32>,
      %get3A_477 = vector.shape_cast %get3A_476 : vector<1x16xf32> to vector<16xf32>
      %mul3A_478 = arith.mulf %gather3A_133, %get3A_477 : vector<16xf32>
      %add3A_479 = arith.addf %mul3A_473, %mul3A_478 : vector<16xf32>
      %swap3A_480 = arith.index_cast %scan3A_97 : i32 to index
      %swap3A_481 = arith.constant 336 : index
      %swap3A_482 = tpu.vector_load %arg10[%swap3A_480, %swap3A_481] {strides = array<i32>} : memref<64x768xf32, #tpu.memory_space<vmem>>, vector<1x16xf32>,
      %swap3A_483 = vector.shape_cast %swap3A_482 : vector<1x16xf32> to vector<16xf32>
      %swap3A_484 = vector.shape_cast %add3A_479 : vector<16xf32> to vector<1x16xf32>
      tpu.vector_store %arg10[%swap3A_480, %swap3A_481], %swap3A_484 {strides = array<i32>} : memref<64x768xf32, #tpu.memory_space<vmem>>, vector<1x16xf32>,
      %get3A_485 = arith.index_cast %scan3A_97 : i32 to index
      %get3A_486 = arith.constant 352 : index
      %get3A_487 = tpu.vector_load %arg10[%get3A_485, %get3A_486] {strides = array<i32>} : memref<64x768xf32, #tpu.memory_space<vmem>>, vector<1x16xf32>,
      %get3A_488 = vector.shape_cast %get3A_487 : vector<1x16xf32> to vector<16xf32>
      %mul3A_489 = arith.mulf %gather3A_131, %get3A_488 : vector<16xf32>
      %get3A_490 = arith.index_cast %scan3A_97 : i32 to index
      %get3A_491 = arith.constant 352 : index
      %get3A_492 = tpu.vector_load %arg11[%get3A_490, %get3A_491] {strides = array<i32>} : memref<64x768xf32, #tpu.memory_space<vmem>>, vector<1x16xf32>,
      %get3A_493 = vector.shape_cast %get3A_492 : vector<1x16xf32> to vector<16xf32>
      %mul3A_494 = arith.mulf %gather3A_133, %get3A_493 : vector<16xf32>
      %add3A_495 = arith.addf %mul3A_489, %mul3A_494 : vector<16xf32>
      %swap3A_496 = arith.index_cast %scan3A_97 : i32 to index
      %swap3A_497 = arith.constant 352 : index
      %swap3A_498 = tpu.vector_load %arg10[%swap3A_496, %swap3A_497] {strides = array<i32>} : memref<64x768xf32, #tpu.memory_space<vmem>>, vector<1x16xf32>,
      %swap3A_499 = vector.shape_cast %swap3A_498 : vector<1x16xf32> to vector<16xf32>
      %swap3A_500 = vector.shape_cast %add3A_495 : vector<16xf32> to vector<1x16xf32>
      tpu.vector_store %arg10[%swap3A_496, %swap3A_497], %swap3A_500 {strides = array<i32>} : memref<64x768xf32, #tpu.memory_space<vmem>>, vector<1x16xf32>,
      %get3A_501 = arith.index_cast %scan3A_97 : i32 to index
      %get3A_502 = arith.constant 368 : index
      %get3A_503 = tpu.vector_load %arg10[%get3A_501, %get3A_502] {strides = array<i32>} : memref<64x768xf32, #tpu.memory_space<vmem>>, vector<1x16xf32>,
      %get3A_504 = vector.shape_cast %get3A_503 : vector<1x16xf32> to vector<16xf32>
      %mul3A_505 = arith.mulf %gather3A_131, %get3A_504 : vector<16xf32>
      %get3A_506 = arith.index_cast %scan3A_97 : i32 to index
      %get3A_507 = arith.constant 368 : index
      %get3A_508 = tpu.vector_load %arg11[%get3A_506, %get3A_507] {strides = array<i32>} : memref<64x768xf32, #tpu.memory_space<vmem>>, vector<1x16xf32>,
      %get3A_509 = vector.shape_cast %get3A_508 : vector<1x16xf32> to vector<16xf32>
      %mul3A_510 = arith.mulf %gather3A_133, %get3A_509 : vector<16xf32>
      %add3A_511 = arith.addf %mul3A_505, %mul3A_510 : vector<16xf32>
      %swap3A_512 = arith.index_cast %scan3A_97 : i32 to index
      %swap3A_513 = arith.constant 368 : index
      %swap3A_514 = tpu.vector_load %arg10[%swap3A_512, %swap3A_513] {strides = array<i32>} : memref<64x768xf32, #tpu.memory_space<vmem>>, vector<1x16xf32>,
      %swap3A_515 = vector.shape_cast %swap3A_514 : vector<1x16xf32> to vector<16xf32>
      %swap3A_516 = vector.shape_cast %add3A_511 : vector<16xf32> to vector<1x16xf32>
      tpu.vector_store %arg10[%swap3A_512, %swap3A_513], %swap3A_516 {strides = array<i32>} : memref<64x768xf32, #tpu.memory_space<vmem>>, vector<1x16xf32>,
      %get3A_517 = arith.index_cast %scan3A_97 : i32 to index
      %get3A_518 = arith.constant 384 : index
      %get3A_519 = tpu.vector_load %arg10[%get3A_517, %get3A_518] {strides = array<i32>} : memref<64x768xf32, #tpu.memory_space<vmem>>, vector<1x16xf32>,
      %get3A_520 = vector.shape_cast %get3A_519 : vector<1x16xf32> to vector<16xf32>
      %mul3A_521 = arith.mulf %gather3A_131, %get3A_520 : vector<16xf32>
      %get3A_522 = arith.index_cast %scan3A_97 : i32 to index
      %get3A_523 = arith.constant 384 : index
      %get3A_524 = tpu.vector_load %arg11[%get3A_522, %get3A_523] {strides = array<i32>} : memref<64x768xf32, #tpu.memory_space<vmem>>, vector<1x16xf32>,
      %get3A_525 = vector.shape_cast %get3A_524 : vector<1x16xf32> to vector<16xf32>
      %mul3A_526 = arith.mulf %gather3A_133, %get3A_525 : vector<16xf32>
      %add3A_527 = arith.addf %mul3A_521, %mul3A_526 : vector<16xf32>
      %swap3A_528 = arith.index_cast %scan3A_97 : i32 to index
      %swap3A_529 = arith.constant 384 : index
      %swap3A_530 = tpu.vector_load %arg10[%swap3A_528, %swap3A_529] {strides = array<i32>} : memref<64x768xf32, #tpu.memory_space<vmem>>, vector<1x16xf32>,
      %swap3A_531 = vector.shape_cast %swap3A_530 : vector<1x16xf32> to vector<16xf32>
      %swap3A_532 = vector.shape_cast %add3A_527 : vector<16xf32> to vector<1x16xf32>
      tpu.vector_store %arg10[%swap3A_528, %swap3A_529], %swap3A_532 {strides = array<i32>} : memref<64x768xf32, #tpu.memory_space<vmem>>, vector<1x16xf32>,
      %get3A_533 = arith.index_cast %scan3A_97 : i32 to index
      %get3A_534 = arith.constant 400 : index
      %get3A_535 = tpu.vector_load %arg10[%get3A_533, %get3A_534] {strides = array<i32>} : memref<64x768xf32, #tpu.memory_space<vmem>>, vector<1x16xf32>,
      %get3A_536 = vector.shape_cast %get3A_535 : vector<1x16xf32> to vector<16xf32>
      %mul3A_537 = arith.mulf %gather3A_131, %get3A_536 : vector<16xf32>
      %get3A_538 = arith.index_cast %scan3A_97 : i32 to index
      %get3A_539 = arith.constant 400 : index
      %get3A_540 = tpu.vector_load %arg11[%get3A_538, %get3A_539] {strides = array<i32>} : memref<64x768xf32, #tpu.memory_space<vmem>>, vector<1x16xf32>,
      %get3A_541 = vector.shape_cast %get3A_540 : vector<1x16xf32> to vector<16xf32>
      %mul3A_542 = arith.mulf %gather3A_133, %get3A_541 : vector<16xf32>
      %add3A_543 = arith.addf %mul3A_537, %mul3A_542 : vector<16xf32>
      %swap3A_544 = arith.index_cast %scan3A_97 : i32 to index
      %swap3A_545 = arith.constant 400 : index
      %swap3A_546 = tpu.vector_load %arg10[%swap3A_544, %swap3A_545] {strides = array<i32>} : memref<64x768xf32, #tpu.memory_space<vmem>>, vector<1x16xf32>,
      %swap3A_547 = vector.shape_cast %swap3A_546 : vector<1x16xf32> to vector<16xf32>
      %swap3A_548 = vector.shape_cast %add3A_543 : vector<16xf32> to vector<1x16xf32>
      tpu.vector_store %arg10[%swap3A_544, %swap3A_545], %swap3A_548 {strides = array<i32>} : memref<64x768xf32, #tpu.memory_space<vmem>>, vector<1x16xf32>,
      %get3A_549 = arith.index_cast %scan3A_97 : i32 to index
      %get3A_550 = arith.constant 416 : index
      %get3A_551 = tpu.vector_load %arg10[%get3A_549, %get3A_550] {strides = array<i32>} : memref<64x768xf32, #tpu.memory_space<vmem>>, vector<1x16xf32>,
      %get3A_552 = vector.shape_cast %get3A_551 : vector<1x16xf32> to vector<16xf32>
      %mul3A_553 = arith.mulf %gather3A_131, %get3A_552 : vector<16xf32>
      %get3A_554 = arith.index_cast %scan3A_97 : i32 to index
      %get3A_555 = arith.constant 416 : index
      %get3A_556 = tpu.vector_load %arg11[%get3A_554, %get3A_555] {strides = array<i32>} : memref<64x768xf32, #tpu.memory_space<vmem>>, vector<1x16xf32>,
      %get3A_557 = vector.shape_cast %get3A_556 : vector<1x16xf32> to vector<16xf32>
      %mul3A_558 = arith.mulf %gather3A_133, %get3A_557 : vector<16xf32>
      %add3A_559 = arith.addf %mul3A_553, %mul3A_558 : vector<16xf32>
      %swap3A_560 = arith.index_cast %scan3A_97 : i32 to index
      %swap3A_561 = arith.constant 416 : index
      %swap3A_562 = tpu.vector_load %arg10[%swap3A_560, %swap3A_561] {strides = array<i32>} : memref<64x768xf32, #tpu.memory_space<vmem>>, vector<1x16xf32>,
      %swap3A_563 = vector.shape_cast %swap3A_562 : vector<1x16xf32> to vector<16xf32>
      %swap3A_564 = vector.shape_cast %add3A_559 : vector<16xf32> to vector<1x16xf32>
      tpu.vector_store %arg10[%swap3A_560, %swap3A_561], %swap3A_564 {strides = array<i32>} : memref<64x768xf32, #tpu.memory_space<vmem>>, vector<1x16xf32>,
      %get3A_565 = arith.index_cast %scan3A_97 : i32 to index
      %get3A_566 = arith.constant 432 : index
      %get3A_567 = tpu.vector_load %arg10[%get3A_565, %get3A_566] {strides = array<i32>} : memref<64x768xf32, #tpu.memory_space<vmem>>, vector<1x16xf32>,
      %get3A_568 = vector.shape_cast %get3A_567 : vector<1x16xf32> to vector<16xf32>
      %mul3A_569 = arith.mulf %gather3A_131, %get3A_568 : vector<16xf32>
      %get3A_570 = arith.index_cast %scan3A_97 : i32 to index
      %get3A_571 = arith.constant 432 : index
      %get3A_572 = tpu.vector_load %arg11[%get3A_570, %get3A_571] {strides = array<i32>} : memref<64x768xf32, #tpu.memory_space<vmem>>, vector<1x16xf32>,
      %get3A_573 = vector.shape_cast %get3A_572 : vector<1x16xf32> to vector<16xf32>
      %mul3A_574 = arith.mulf %gather3A_133, %get3A_573 : vector<16xf32>
      %add3A_575 = arith.addf %mul3A_569, %mul3A_574 : vector<16xf32>
      %swap3A_576 = arith.index_cast %scan3A_97 : i32 to index
      %swap3A_577 = arith.constant 432 : index
      %swap3A_578 = tpu.vector_load %arg10[%swap3A_576, %swap3A_577] {strides = array<i32>} : memref<64x768xf32, #tpu.memory_space<vmem>>, vector<1x16xf32>,
      %swap3A_579 = vector.shape_cast %swap3A_578 : vector<1x16xf32> to vector<16xf32>
      %swap3A_580 = vector.shape_cast %add3A_575 : vector<16xf32> to vector<1x16xf32>
      tpu.vector_store %arg10[%swap3A_576, %swap3A_577], %swap3A_580 {strides = array<i32>} : memref<64x768xf32, #tpu.memory_space<vmem>>, vector<1x16xf32>,
      %get3A_581 = arith.index_cast %scan3A_97 : i32 to index
      %get3A_582 = arith.constant 448 : index
      %get3A_583 = tpu.vector_load %arg10[%get3A_581, %get3A_582] {strides = array<i32>} : memref<64x768xf32, #tpu.memory_space<vmem>>, vector<1x16xf32>,
      %get3A_584 = vector.shape_cast %get3A_583 : vector<1x16xf32> to vector<16xf32>
      %mul3A_585 = arith.mulf %gather3A_131, %get3A_584 : vector<16xf32>
      %get3A_586 = arith.index_cast %scan3A_97 : i32 to index
      %get3A_587 = arith.constant 448 : index
      %get3A_588 = tpu.vector_load %arg11[%get3A_586, %get3A_587] {strides = array<i32>} : memref<64x768xf32, #tpu.memory_space<vmem>>, vector<1x16xf32>,
      %get3A_589 = vector.shape_cast %get3A_588 : vector<1x16xf32> to vector<16xf32>
      %mul3A_590 = arith.mulf %gather3A_133, %get3A_589 : vector<16xf32>
      %add3A_591 = arith.addf %mul3A_585, %mul3A_590 : vector<16xf32>
      %swap3A_592 = arith.index_cast %scan3A_97 : i32 to index
      %swap3A_593 = arith.constant 448 : index
      %swap3A_594 = tpu.vector_load %arg10[%swap3A_592, %swap3A_593] {strides = array<i32>} : memref<64x768xf32, #tpu.memory_space<vmem>>, vector<1x16xf32>,
      %swap3A_595 = vector.shape_cast %swap3A_594 : vector<1x16xf32> to vector<16xf32>
      %swap3A_596 = vector.shape_cast %add3A_591 : vector<16xf32> to vector<1x16xf32>
      tpu.vector_store %arg10[%swap3A_592, %swap3A_593], %swap3A_596 {strides = array<i32>} : memref<64x768xf32, #tpu.memory_space<vmem>>, vector<1x16xf32>,
      %get3A_597 = arith.index_cast %scan3A_97 : i32 to index
      %get3A_598 = arith.constant 464 : index
      %get3A_599 = tpu.vector_load %arg10[%get3A_597, %get3A_598] {strides = array<i32>} : memref<64x768xf32, #tpu.memory_space<vmem>>, vector<1x16xf32>,
      %get3A_600 = vector.shape_cast %get3A_599 : vector<1x16xf32> to vector<16xf32>
      %mul3A_601 = arith.mulf %gather3A_131, %get3A_600 : vector<16xf32>
      %get3A_602 = arith.index_cast %scan3A_97 : i32 to index
      %get3A_603 = arith.constant 464 : index
      %get3A_604 = tpu.vector_load %arg11[%get3A_602, %get3A_603] {strides = array<i32>} : memref<64x768xf32, #tpu.memory_space<vmem>>, vector<1x16xf32>,
      %get3A_605 = vector.shape_cast %get3A_604 : vector<1x16xf32> to vector<16xf32>
      %mul3A_606 = arith.mulf %gather3A_133, %get3A_605 : vector<16xf32>
      %add3A_607 = arith.addf %mul3A_601, %mul3A_606 : vector<16xf32>
      %swap3A_608 = arith.index_cast %scan3A_97 : i32 to index
      %swap3A_609 = arith.constant 464 : index
      %swap3A_610 = tpu.vector_load %arg10[%swap3A_608, %swap3A_609] {strides = array<i32>} : memref<64x768xf32, #tpu.memory_space<vmem>>, vector<1x16xf32>,
      %swap3A_611 = vector.shape_cast %swap3A_610 : vector<1x16xf32> to vector<16xf32>
      %swap3A_612 = vector.shape_cast %add3A_607 : vector<16xf32> to vector<1x16xf32>
      tpu.vector_store %arg10[%swap3A_608, %swap3A_609], %swap3A_612 {strides = array<i32>} : memref<64x768xf32, #tpu.memory_space<vmem>>, vector<1x16xf32>,
      %get3A_613 = arith.index_cast %scan3A_97 : i32 to index
      %get3A_614 = arith.constant 480 : index
      %get3A_615 = tpu.vector_load %arg10[%get3A_613, %get3A_614] {strides = array<i32>} : memref<64x768xf32, #tpu.memory_space<vmem>>, vector<1x16xf32>,
      %get3A_616 = vector.shape_cast %get3A_615 : vector<1x16xf32> to vector<16xf32>
      %mul3A_617 = arith.mulf %gather3A_131, %get3A_616 : vector<16xf32>
      %get3A_618 = arith.index_cast %scan3A_97 : i32 to index
      %get3A_619 = arith.constant 480 : index
      %get3A_620 = tpu.vector_load %arg11[%get3A_618, %get3A_619] {strides = array<i32>} : memref<64x768xf32, #tpu.memory_space<vmem>>, vector<1x16xf32>,
      %get3A_621 = vector.shape_cast %get3A_620 : vector<1x16xf32> to vector<16xf32>
      %mul3A_622 = arith.mulf %gather3A_133, %get3A_621 : vector<16xf32>
      %add3A_623 = arith.addf %mul3A_617, %mul3A_622 : vector<16xf32>
      %swap3A_624 = arith.index_cast %scan3A_97 : i32 to index
      %swap3A_625 = arith.constant 480 : index
      %swap3A_626 = tpu.vector_load %arg10[%swap3A_624, %swap3A_625] {strides = array<i32>} : memref<64x768xf32, #tpu.memory_space<vmem>>, vector<1x16xf32>,
      %swap3A_627 = vector.shape_cast %swap3A_626 : vector<1x16xf32> to vector<16xf32>
      %swap3A_628 = vector.shape_cast %add3A_623 : vector<16xf32> to vector<1x16xf32>
      tpu.vector_store %arg10[%swap3A_624, %swap3A_625], %swap3A_628 {strides = array<i32>} : memref<64x768xf32, #tpu.memory_space<vmem>>, vector<1x16xf32>,
      %get3A_629 = arith.index_cast %scan3A_97 : i32 to index
      %get3A_630 = arith.constant 496 : index
      %get3A_631 = tpu.vector_load %arg10[%get3A_629, %get3A_630] {strides = array<i32>} : memref<64x768xf32, #tpu.memory_space<vmem>>, vector<1x16xf32>,
      %get3A_632 = vector.shape_cast %get3A_631 : vector<1x16xf32> to vector<16xf32>
      %mul3A_633 = arith.mulf %gather3A_131, %get3A_632 : vector<16xf32>
      %get3A_634 = arith.index_cast %scan3A_97 : i32 to index
      %get3A_635 = arith.constant 496 : index
      %get3A_636 = tpu.vector_load %arg11[%get3A_634, %get3A_635] {strides = array<i32>} : memref<64x768xf32, #tpu.memory_space<vmem>>, vector<1x16xf32>,
      %get3A_637 = vector.shape_cast %get3A_636 : vector<1x16xf32> to vector<16xf32>
      %mul3A_638 = arith.mulf %gather3A_133, %get3A_637 : vector<16xf32>
      %add3A_639 = arith.addf %mul3A_633, %mul3A_638 : vector<16xf32>
      %swap3A_640 = arith.index_cast %scan3A_97 : i32 to index
      %swap3A_641 = arith.constant 496 : index
      %swap3A_642 = tpu.vector_load %arg10[%swap3A_640, %swap3A_641] {strides = array<i32>} : memref<64x768xf32, #tpu.memory_space<vmem>>, vector<1x16xf32>,
      %swap3A_643 = vector.shape_cast %swap3A_642 : vector<1x16xf32> to vector<16xf32>
      %swap3A_644 = vector.shape_cast %add3A_639 : vector<16xf32> to vector<1x16xf32>
      tpu.vector_store %arg10[%swap3A_640, %swap3A_641], %swap3A_644 {strides = array<i32>} : memref<64x768xf32, #tpu.memory_space<vmem>>, vector<1x16xf32>,
      %get3A_645 = arith.index_cast %scan3A_97 : i32 to index
      %get3A_646 = arith.constant 512 : index
      %get3A_647 = tpu.vector_load %arg10[%get3A_645, %get3A_646] {strides = array<i32>} : memref<64x768xf32, #tpu.memory_space<vmem>>, vector<1x16xf32>,
      %get3A_648 = vector.shape_cast %get3A_647 : vector<1x16xf32> to vector<16xf32>
      %mul3A_649 = arith.mulf %gather3A_131, %get3A_648 : vector<16xf32>
      %get3A_650 = arith.index_cast %scan3A_97 : i32 to index
      %get3A_651 = arith.constant 512 : index
      %get3A_652 = tpu.vector_load %arg11[%get3A_650, %get3A_651] {strides = array<i32>} : memref<64x768xf32, #tpu.memory_space<vmem>>, vector<1x16xf32>,
      %get3A_653 = vector.shape_cast %get3A_652 : vector<1x16xf32> to vector<16xf32>
      %mul3A_654 = arith.mulf %gather3A_133, %get3A_653 : vector<16xf32>
      %add3A_655 = arith.addf %mul3A_649, %mul3A_654 : vector<16xf32>
      %swap3A_656 = arith.index_cast %scan3A_97 : i32 to index
      %swap3A_657 = arith.constant 512 : index
      %swap3A_658 = tpu.vector_load %arg10[%swap3A_656, %swap3A_657] {strides = array<i32>} : memref<64x768xf32, #tpu.memory_space<vmem>>, vector<1x16xf32>,
      %swap3A_659 = vector.shape_cast %swap3A_658 : vector<1x16xf32> to vector<16xf32>
      %swap3A_660 = vector.shape_cast %add3A_655 : vector<16xf32> to vector<1x16xf32>
      tpu.vector_store %arg10[%swap3A_656, %swap3A_657], %swap3A_660 {strides = array<i32>} : memref<64x768xf32, #tpu.memory_space<vmem>>, vector<1x16xf32>,
      %get3A_661 = arith.index_cast %scan3A_97 : i32 to index
      %get3A_662 = arith.constant 528 : index
      %get3A_663 = tpu.vector_load %arg10[%get3A_661, %get3A_662] {strides = array<i32>} : memref<64x768xf32, #tpu.memory_space<vmem>>, vector<1x16xf32>,
      %get3A_664 = vector.shape_cast %get3A_663 : vector<1x16xf32> to vector<16xf32>
      %mul3A_665 = arith.mulf %gather3A_131, %get3A_664 : vector<16xf32>
      %get3A_666 = arith.index_cast %scan3A_97 : i32 to index
      %get3A_667 = arith.constant 528 : index
      %get3A_668 = tpu.vector_load %arg11[%get3A_666, %get3A_667] {strides = array<i32>} : memref<64x768xf32, #tpu.memory_space<vmem>>, vector<1x16xf32>,
      %get3A_669 = vector.shape_cast %get3A_668 : vector<1x16xf32> to vector<16xf32>
      %mul3A_670 = arith.mulf %gather3A_133, %get3A_669 : vector<16xf32>
      %add3A_671 = arith.addf %mul3A_665, %mul3A_670 : vector<16xf32>
      %swap3A_672 = arith.index_cast %scan3A_97 : i32 to index
      %swap3A_673 = arith.constant 528 : index
      %swap3A_674 = tpu.vector_load %arg10[%swap3A_672, %swap3A_673] {strides = array<i32>} : memref<64x768xf32, #tpu.memory_space<vmem>>, vector<1x16xf32>,
      %swap3A_675 = vector.shape_cast %swap3A_674 : vector<1x16xf32> to vector<16xf32>
      %swap3A_676 = vector.shape_cast %add3A_671 : vector<16xf32> to vector<1x16xf32>
      tpu.vector_store %arg10[%swap3A_672, %swap3A_673], %swap3A_676 {strides = array<i32>} : memref<64x768xf32, #tpu.memory_space<vmem>>, vector<1x16xf32>,
      %get3A_677 = arith.index_cast %scan3A_97 : i32 to index
      %get3A_678 = arith.constant 544 : index
      %get3A_679 = tpu.vector_load %arg10[%get3A_677, %get3A_678] {strides = array<i32>} : memref<64x768xf32, #tpu.memory_space<vmem>>, vector<1x16xf32>,
      %get3A_680 = vector.shape_cast %get3A_679 : vector<1x16xf32> to vector<16xf32>
      %mul3A_681 = arith.mulf %gather3A_131, %get3A_680 : vector<16xf32>
      %get3A_682 = arith.index_cast %scan3A_97 : i32 to index
      %get3A_683 = arith.constant 544 : index
      %get3A_684 = tpu.vector_load %arg11[%get3A_682, %get3A_683] {strides = array<i32>} : memref<64x768xf32, #tpu.memory_space<vmem>>, vector<1x16xf32>,
      %get3A_685 = vector.shape_cast %get3A_684 : vector<1x16xf32> to vector<16xf32>
      %mul3A_686 = arith.mulf %gather3A_133, %get3A_685 : vector<16xf32>
      %add3A_687 = arith.addf %mul3A_681, %mul3A_686 : vector<16xf32>
      %swap3A_688 = arith.index_cast %scan3A_97 : i32 to index
      %swap3A_689 = arith.constant 544 : index
      %swap3A_690 = tpu.vector_load %arg10[%swap3A_688, %swap3A_689] {strides = array<i32>} : memref<64x768xf32, #tpu.memory_space<vmem>>, vector<1x16xf32>,
      %swap3A_691 = vector.shape_cast %swap3A_690 : vector<1x16xf32> to vector<16xf32>
      %swap3A_692 = vector.shape_cast %add3A_687 : vector<16xf32> to vector<1x16xf32>
      tpu.vector_store %arg10[%swap3A_688, %swap3A_689], %swap3A_692 {strides = array<i32>} : memref<64x768xf32, #tpu.memory_space<vmem>>, vector<1x16xf32>,
      %get3A_693 = arith.index_cast %scan3A_97 : i32 to index
      %get3A_694 = arith.constant 560 : index
      %get3A_695 = tpu.vector_load %arg10[%get3A_693, %get3A_694] {strides = array<i32>} : memref<64x768xf32, #tpu.memory_space<vmem>>, vector<1x16xf32>,
      %get3A_696 = vector.shape_cast %get3A_695 : vector<1x16xf32> to vector<16xf32>
      %mul3A_697 = arith.mulf %gather3A_131, %get3A_696 : vector<16xf32>
      %get3A_698 = arith.index_cast %scan3A_97 : i32 to index
      %get3A_699 = arith.constant 560 : index
      %get3A_700 = tpu.vector_load %arg11[%get3A_698, %get3A_699] {strides = array<i32>} : memref<64x768xf32, #tpu.memory_space<vmem>>, vector<1x16xf32>,
      %get3A_701 = vector.shape_cast %get3A_700 : vector<1x16xf32> to vector<16xf32>
      %mul3A_702 = arith.mulf %gather3A_133, %get3A_701 : vector<16xf32>
      %add3A_703 = arith.addf %mul3A_697, %mul3A_702 : vector<16xf32>
      %swap3A_704 = arith.index_cast %scan3A_97 : i32 to index
      %swap3A_705 = arith.constant 560 : index
      %swap3A_706 = tpu.vector_load %arg10[%swap3A_704, %swap3A_705] {strides = array<i32>} : memref<64x768xf32, #tpu.memory_space<vmem>>, vector<1x16xf32>,
      %swap3A_707 = vector.shape_cast %swap3A_706 : vector<1x16xf32> to vector<16xf32>
      %swap3A_708 = vector.shape_cast %add3A_703 : vector<16xf32> to vector<1x16xf32>
      tpu.vector_store %arg10[%swap3A_704, %swap3A_705], %swap3A_708 {strides = array<i32>} : memref<64x768xf32, #tpu.memory_space<vmem>>, vector<1x16xf32>,
      %get3A_709 = arith.index_cast %scan3A_97 : i32 to index
      %get3A_710 = arith.constant 576 : index
      %get3A_711 = tpu.vector_load %arg10[%get3A_709, %get3A_710] {strides = array<i32>} : memref<64x768xf32, #tpu.memory_space<vmem>>, vector<1x16xf32>,
      %get3A_712 = vector.shape_cast %get3A_711 : vector<1x16xf32> to vector<16xf32>
      %mul3A_713 = arith.mulf %gather3A_131, %get3A_712 : vector<16xf32>
      %get3A_714 = arith.index_cast %scan3A_97 : i32 to index
      %get3A_715 = arith.constant 576 : index
      %get3A_716 = tpu.vector_load %arg11[%get3A_714, %get3A_715] {strides = array<i32>} : memref<64x768xf32, #tpu.memory_space<vmem>>, vector<1x16xf32>,
      %get3A_717 = vector.shape_cast %get3A_716 : vector<1x16xf32> to vector<16xf32>
      %mul3A_718 = arith.mulf %gather3A_133, %get3A_717 : vector<16xf32>
      %add3A_719 = arith.addf %mul3A_713, %mul3A_718 : vector<16xf32>
      %swap3A_720 = arith.index_cast %scan3A_97 : i32 to index
      %swap3A_721 = arith.constant 576 : index
      %swap3A_722 = tpu.vector_load %arg10[%swap3A_720, %swap3A_721] {strides = array<i32>} : memref<64x768xf32, #tpu.memory_space<vmem>>, vector<1x16xf32>,
      %swap3A_723 = vector.shape_cast %swap3A_722 : vector<1x16xf32> to vector<16xf32>
      %swap3A_724 = vector.shape_cast %add3A_719 : vector<16xf32> to vector<1x16xf32>
      tpu.vector_store %arg10[%swap3A_720, %swap3A_721], %swap3A_724 {strides = array<i32>} : memref<64x768xf32, #tpu.memory_space<vmem>>, vector<1x16xf32>,
      %get3A_725 = arith.index_cast %scan3A_97 : i32 to index
      %get3A_726 = arith.constant 592 : index
      %get3A_727 = tpu.vector_load %arg10[%get3A_725, %get3A_726] {strides = array<i32>} : memref<64x768xf32, #tpu.memory_space<vmem>>, vector<1x16xf32>,
      %get3A_728 = vector.shape_cast %get3A_727 : vector<1x16xf32> to vector<16xf32>
      %mul3A_729 = arith.mulf %gather3A_131, %get3A_728 : vector<16xf32>
      %get3A_730 = arith.index_cast %scan3A_97 : i32 to index
      %get3A_731 = arith.constant 592 : index
      %get3A_732 = tpu.vector_load %arg11[%get3A_730, %get3A_731] {strides = array<i32>} : memref<64x768xf32, #tpu.memory_space<vmem>>, vector<1x16xf32>,
      %get3A_733 = vector.shape_cast %get3A_732 : vector<1x16xf32> to vector<16xf32>
      %mul3A_734 = arith.mulf %gather3A_133, %get3A_733 : vector<16xf32>
      %add3A_735 = arith.addf %mul3A_729, %mul3A_734 : vector<16xf32>
      %swap3A_736 = arith.index_cast %scan3A_97 : i32 to index
      %swap3A_737 = arith.constant 592 : index
      %swap3A_738 = tpu.vector_load %arg10[%swap3A_736, %swap3A_737] {strides = array<i32>} : memref<64x768xf32, #tpu.memory_space<vmem>>, vector<1x16xf32>,
      %swap3A_739 = vector.shape_cast %swap3A_738 : vector<1x16xf32> to vector<16xf32>
      %swap3A_740 = vector.shape_cast %add3A_735 : vector<16xf32> to vector<1x16xf32>
      tpu.vector_store %arg10[%swap3A_736, %swap3A_737], %swap3A_740 {strides = array<i32>} : memref<64x768xf32, #tpu.memory_space<vmem>>, vector<1x16xf32>,
      %get3A_741 = arith.index_cast %scan3A_97 : i32 to index
      %get3A_742 = arith.constant 608 : index
      %get3A_743 = tpu.vector_load %arg10[%get3A_741, %get3A_742] {strides = array<i32>} : memref<64x768xf32, #tpu.memory_space<vmem>>, vector<1x16xf32>,
      %get3A_744 = vector.shape_cast %get3A_743 : vector<1x16xf32> to vector<16xf32>
      %mul3A_745 = arith.mulf %gather3A_131, %get3A_744 : vector<16xf32>
      %get3A_746 = arith.index_cast %scan3A_97 : i32 to index
      %get3A_747 = arith.constant 608 : index
      %get3A_748 = tpu.vector_load %arg11[%get3A_746, %get3A_747] {strides = array<i32>} : memref<64x768xf32, #tpu.memory_space<vmem>>, vector<1x16xf32>,
      %get3A_749 = vector.shape_cast %get3A_748 : vector<1x16xf32> to vector<16xf32>
      %mul3A_750 = arith.mulf %gather3A_133, %get3A_749 : vector<16xf32>
      %add3A_751 = arith.addf %mul3A_745, %mul3A_750 : vector<16xf32>
      %swap3A_752 = arith.index_cast %scan3A_97 : i32 to index
      %swap3A_753 = arith.constant 608 : index
      %swap3A_754 = tpu.vector_load %arg10[%swap3A_752, %swap3A_753] {strides = array<i32>} : memref<64x768xf32, #tpu.memory_space<vmem>>, vector<1x16xf32>,
      %swap3A_755 = vector.shape_cast %swap3A_754 : vector<1x16xf32> to vector<16xf32>
      %swap3A_756 = vector.shape_cast %add3A_751 : vector<16xf32> to vector<1x16xf32>
      tpu.vector_store %arg10[%swap3A_752, %swap3A_753], %swap3A_756 {strides = array<i32>} : memref<64x768xf32, #tpu.memory_space<vmem>>, vector<1x16xf32>,
      %get3A_757 = arith.index_cast %scan3A_97 : i32 to index
      %get3A_758 = arith.constant 624 : index
      %get3A_759 = tpu.vector_load %arg10[%get3A_757, %get3A_758] {strides = array<i32>} : memref<64x768xf32, #tpu.memory_space<vmem>>, vector<1x16xf32>,
      %get3A_760 = vector.shape_cast %get3A_759 : vector<1x16xf32> to vector<16xf32>
      %mul3A_761 = arith.mulf %gather3A_131, %get3A_760 : vector<16xf32>
      %get3A_762 = arith.index_cast %scan3A_97 : i32 to index
      %get3A_763 = arith.constant 624 : index
      %get3A_764 = tpu.vector_load %arg11[%get3A_762, %get3A_763] {strides = array<i32>} : memref<64x768xf32, #tpu.memory_space<vmem>>, vector<1x16xf32>,
      %get3A_765 = vector.shape_cast %get3A_764 : vector<1x16xf32> to vector<16xf32>
      %mul3A_766 = arith.mulf %gather3A_133, %get3A_765 : vector<16xf32>
      %add3A_767 = arith.addf %mul3A_761, %mul3A_766 : vector<16xf32>
      %swap3A_768 = arith.index_cast %scan3A_97 : i32 to index
      %swap3A_769 = arith.constant 624 : index
      %swap3A_770 = tpu.vector_load %arg10[%swap3A_768, %swap3A_769] {strides = array<i32>} : memref<64x768xf32, #tpu.memory_space<vmem>>, vector<1x16xf32>,
      %swap3A_771 = vector.shape_cast %swap3A_770 : vector<1x16xf32> to vector<16xf32>
      %swap3A_772 = vector.shape_cast %add3A_767 : vector<16xf32> to vector<1x16xf32>
      tpu.vector_store %arg10[%swap3A_768, %swap3A_769], %swap3A_772 {strides = array<i32>} : memref<64x768xf32, #tpu.memory_space<vmem>>, vector<1x16xf32>,
      %get3A_773 = arith.index_cast %scan3A_97 : i32 to index
      %get3A_774 = arith.constant 640 : index
      %get3A_775 = tpu.vector_load %arg10[%get3A_773, %get3A_774] {strides = array<i32>} : memref<64x768xf32, #tpu.memory_space<vmem>>, vector<1x16xf32>,
      %get3A_776 = vector.shape_cast %get3A_775 : vector<1x16xf32> to vector<16xf32>
      %mul3A_777 = arith.mulf %gather3A_131, %get3A_776 : vector<16xf32>
      %get3A_778 = arith.index_cast %scan3A_97 : i32 to index
      %get3A_779 = arith.constant 640 : index
      %get3A_780 = tpu.vector_load %arg11[%get3A_778, %get3A_779] {strides = array<i32>} : memref<64x768xf32, #tpu.memory_space<vmem>>, vector<1x16xf32>,
      %get3A_781 = vector.shape_cast %get3A_780 : vector<1x16xf32> to vector<16xf32>
      %mul3A_782 = arith.mulf %gather3A_133, %get3A_781 : vector<16xf32>
      %add3A_783 = arith.addf %mul3A_777, %mul3A_782 : vector<16xf32>
      %swap3A_784 = arith.index_cast %scan3A_97 : i32 to index
      %swap3A_785 = arith.constant 640 : index
      %swap3A_786 = tpu.vector_load %arg10[%swap3A_784, %swap3A_785] {strides = array<i32>} : memref<64x768xf32, #tpu.memory_space<vmem>>, vector<1x16xf32>,
      %swap3A_787 = vector.shape_cast %swap3A_786 : vector<1x16xf32> to vector<16xf32>
      %swap3A_788 = vector.shape_cast %add3A_783 : vector<16xf32> to vector<1x16xf32>
      tpu.vector_store %arg10[%swap3A_784, %swap3A_785], %swap3A_788 {strides = array<i32>} : memref<64x768xf32, #tpu.memory_space<vmem>>, vector<1x16xf32>,
      %get3A_789 = arith.index_cast %scan3A_97 : i32 to index
      %get3A_790 = arith.constant 656 : index
      %get3A_791 = tpu.vector_load %arg10[%get3A_789, %get3A_790] {strides = array<i32>} : memref<64x768xf32, #tpu.memory_space<vmem>>, vector<1x16xf32>,
      %get3A_792 = vector.shape_cast %get3A_791 : vector<1x16xf32> to vector<16xf32>
      %mul3A_793 = arith.mulf %gather3A_131, %get3A_792 : vector<16xf32>
      %get3A_794 = arith.index_cast %scan3A_97 : i32 to index
      %get3A_795 = arith.constant 656 : index
      %get3A_796 = tpu.vector_load %arg11[%get3A_794, %get3A_795] {strides = array<i32>} : memref<64x768xf32, #tpu.memory_space<vmem>>, vector<1x16xf32>,
      %get3A_797 = vector.shape_cast %get3A_796 : vector<1x16xf32> to vector<16xf32>
      %mul3A_798 = arith.mulf %gather3A_133, %get3A_797 : vector<16xf32>
      %add3A_799 = arith.addf %mul3A_793, %mul3A_798 : vector<16xf32>
      %swap3A_800 = arith.index_cast %scan3A_97 : i32 to index
      %swap3A_801 = arith.constant 656 : index
      %swap3A_802 = tpu.vector_load %arg10[%swap3A_800, %swap3A_801] {strides = array<i32>} : memref<64x768xf32, #tpu.memory_space<vmem>>, vector<1x16xf32>,
      %swap3A_803 = vector.shape_cast %swap3A_802 : vector<1x16xf32> to vector<16xf32>
      %swap3A_804 = vector.shape_cast %add3A_799 : vector<16xf32> to vector<1x16xf32>
      tpu.vector_store %arg10[%swap3A_800, %swap3A_801], %swap3A_804 {strides = array<i32>} : memref<64x768xf32, #tpu.memory_space<vmem>>, vector<1x16xf32>,
      %get3A_805 = arith.index_cast %scan3A_97 : i32 to index
      %get3A_806 = arith.constant 672 : index
      %get3A_807 = tpu.vector_load %arg10[%get3A_805, %get3A_806] {strides = array<i32>} : memref<64x768xf32, #tpu.memory_space<vmem>>, vector<1x16xf32>,
      %get3A_808 = vector.shape_cast %get3A_807 : vector<1x16xf32> to vector<16xf32>
      %mul3A_809 = arith.mulf %gather3A_131, %get3A_808 : vector<16xf32>
      %get3A_810 = arith.index_cast %scan3A_97 : i32 to index
      %get3A_811 = arith.constant 672 : index
      %get3A_812 = tpu.vector_load %arg11[%get3A_810, %get3A_811] {strides = array<i32>} : memref<64x768xf32, #tpu.memory_space<vmem>>, vector<1x16xf32>,
      %get3A_813 = vector.shape_cast %get3A_812 : vector<1x16xf32> to vector<16xf32>
      %mul3A_814 = arith.mulf %gather3A_133, %get3A_813 : vector<16xf32>
      %add3A_815 = arith.addf %mul3A_809, %mul3A_814 : vector<16xf32>
      %swap3A_816 = arith.index_cast %scan3A_97 : i32 to index
      %swap3A_817 = arith.constant 672 : index
      %swap3A_818 = tpu.vector_load %arg10[%swap3A_816, %swap3A_817] {strides = array<i32>} : memref<64x768xf32, #tpu.memory_space<vmem>>, vector<1x16xf32>,
      %swap3A_819 = vector.shape_cast %swap3A_818 : vector<1x16xf32> to vector<16xf32>
      %swap3A_820 = vector.shape_cast %add3A_815 : vector<16xf32> to vector<1x16xf32>
      tpu.vector_store %arg10[%swap3A_816, %swap3A_817], %swap3A_820 {strides = array<i32>} : memref<64x768xf32, #tpu.memory_space<vmem>>, vector<1x16xf32>,
      %get3A_821 = arith.index_cast %scan3A_97 : i32 to index
      %get3A_822 = arith.constant 688 : index
      %get3A_823 = tpu.vector_load %arg10[%get3A_821, %get3A_822] {strides = array<i32>} : memref<64x768xf32, #tpu.memory_space<vmem>>, vector<1x16xf32>,
      %get3A_824 = vector.shape_cast %get3A_823 : vector<1x16xf32> to vector<16xf32>
      %mul3A_825 = arith.mulf %gather3A_131, %get3A_824 : vector<16xf32>
      %get3A_826 = arith.index_cast %scan3A_97 : i32 to index
      %get3A_827 = arith.constant 688 : index
      %get3A_828 = tpu.vector_load %arg11[%get3A_826, %get3A_827] {strides = array<i32>} : memref<64x768xf32, #tpu.memory_space<vmem>>, vector<1x16xf32>,
      %get3A_829 = vector.shape_cast %get3A_828 : vector<1x16xf32> to vector<16xf32>
      %mul3A_830 = arith.mulf %gather3A_133, %get3A_829 : vector<16xf32>
      %add3A_831 = arith.addf %mul3A_825, %mul3A_830 : vector<16xf32>
      %swap3A_832 = arith.index_cast %scan3A_97 : i32 to index
      %swap3A_833 = arith.constant 688 : index
      %swap3A_834 = tpu.vector_load %arg10[%swap3A_832, %swap3A_833] {strides = array<i32>} : memref<64x768xf32, #tpu.memory_space<vmem>>, vector<1x16xf32>,
      %swap3A_835 = vector.shape_cast %swap3A_834 : vector<1x16xf32> to vector<16xf32>
      %swap3A_836 = vector.shape_cast %add3A_831 : vector<16xf32> to vector<1x16xf32>
      tpu.vector_store %arg10[%swap3A_832, %swap3A_833], %swap3A_836 {strides = array<i32>} : memref<64x768xf32, #tpu.memory_space<vmem>>, vector<1x16xf32>,
      %get3A_837 = arith.index_cast %scan3A_97 : i32 to index
      %get3A_838 = arith.constant 704 : index
      %get3A_839 = tpu.vector_load %arg10[%get3A_837, %get3A_838] {strides = array<i32>} : memref<64x768xf32, #tpu.memory_space<vmem>>, vector<1x16xf32>,
      %get3A_840 = vector.shape_cast %get3A_839 : vector<1x16xf32> to vector<16xf32>
      %mul3A_841 = arith.mulf %gather3A_131, %get3A_840 : vector<16xf32>
      %get3A_842 = arith.index_cast %scan3A_97 : i32 to index
      %get3A_843 = arith.constant 704 : index
      %get3A_844 = tpu.vector_load %arg11[%get3A_842, %get3A_843] {strides = array<i32>} : memref<64x768xf32, #tpu.memory_space<vmem>>, vector<1x16xf32>,
      %get3A_845 = vector.shape_cast %get3A_844 : vector<1x16xf32> to vector<16xf32>
      %mul3A_846 = arith.mulf %gather3A_133, %get3A_845 : vector<16xf32>
      %add3A_847 = arith.addf %mul3A_841, %mul3A_846 : vector<16xf32>
      %swap3A_848 = arith.index_cast %scan3A_97 : i32 to index
      %swap3A_849 = arith.constant 704 : index
      %swap3A_850 = tpu.vector_load %arg10[%swap3A_848, %swap3A_849] {strides = array<i32>} : memref<64x768xf32, #tpu.memory_space<vmem>>, vector<1x16xf32>,
      %swap3A_851 = vector.shape_cast %swap3A_850 : vector<1x16xf32> to vector<16xf32>
      %swap3A_852 = vector.shape_cast %add3A_847 : vector<16xf32> to vector<1x16xf32>
      tpu.vector_store %arg10[%swap3A_848, %swap3A_849], %swap3A_852 {strides = array<i32>} : memref<64x768xf32, #tpu.memory_space<vmem>>, vector<1x16xf32>,
      %get3A_853 = arith.index_cast %scan3A_97 : i32 to index
      %get3A_854 = arith.constant 720 : index
      %get3A_855 = tpu.vector_load %arg10[%get3A_853, %get3A_854] {strides = array<i32>} : memref<64x768xf32, #tpu.memory_space<vmem>>, vector<1x16xf32>,
      %get3A_856 = vector.shape_cast %get3A_855 : vector<1x16xf32> to vector<16xf32>
      %mul3A_857 = arith.mulf %gather3A_131, %get3A_856 : vector<16xf32>
      %get3A_858 = arith.index_cast %scan3A_97 : i32 to index
      %get3A_859 = arith.constant 720 : index
      %get3A_860 = tpu.vector_load %arg11[%get3A_858, %get3A_859] {strides = array<i32>} : memref<64x768xf32, #tpu.memory_space<vmem>>, vector<1x16xf32>,
      %get3A_861 = vector.shape_cast %get3A_860 : vector<1x16xf32> to vector<16xf32>
      %mul3A_862 = arith.mulf %gather3A_133, %get3A_861 : vector<16xf32>
      %add3A_863 = arith.addf %mul3A_857, %mul3A_862 : vector<16xf32>
      %swap3A_864 = arith.index_cast %scan3A_97 : i32 to index
      %swap3A_865 = arith.constant 720 : index
      %swap3A_866 = tpu.vector_load %arg10[%swap3A_864, %swap3A_865] {strides = array<i32>} : memref<64x768xf32, #tpu.memory_space<vmem>>, vector<1x16xf32>,
      %swap3A_867 = vector.shape_cast %swap3A_866 : vector<1x16xf32> to vector<16xf32>
      %swap3A_868 = vector.shape_cast %add3A_863 : vector<16xf32> to vector<1x16xf32>
      tpu.vector_store %arg10[%swap3A_864, %swap3A_865], %swap3A_868 {strides = array<i32>} : memref<64x768xf32, #tpu.memory_space<vmem>>, vector<1x16xf32>,
      %get3A_869 = arith.index_cast %scan3A_97 : i32 to index
      %get3A_870 = arith.constant 736 : index
      %get3A_871 = tpu.vector_load %arg10[%get3A_869, %get3A_870] {strides = array<i32>} : memref<64x768xf32, #tpu.memory_space<vmem>>, vector<1x16xf32>,
      %get3A_872 = vector.shape_cast %get3A_871 : vector<1x16xf32> to vector<16xf32>
      %mul3A_873 = arith.mulf %gather3A_131, %get3A_872 : vector<16xf32>
      %get3A_874 = arith.index_cast %scan3A_97 : i32 to index
      %get3A_875 = arith.constant 736 : index
      %get3A_876 = tpu.vector_load %arg11[%get3A_874, %get3A_875] {strides = array<i32>} : memref<64x768xf32, #tpu.memory_space<vmem>>, vector<1x16xf32>,
      %get3A_877 = vector.shape_cast %get3A_876 : vector<1x16xf32> to vector<16xf32>
      %mul3A_878 = arith.mulf %gather3A_133, %get3A_877 : vector<16xf32>
      %add3A_879 = arith.addf %mul3A_873, %mul3A_878 : vector<16xf32>
      %swap3A_880 = arith.index_cast %scan3A_97 : i32 to index
      %swap3A_881 = arith.constant 736 : index
      %swap3A_882 = tpu.vector_load %arg10[%swap3A_880, %swap3A_881] {strides = array<i32>} : memref<64x768xf32, #tpu.memory_space<vmem>>, vector<1x16xf32>,
      %swap3A_883 = vector.shape_cast %swap3A_882 : vector<1x16xf32> to vector<16xf32>
      %swap3A_884 = vector.shape_cast %add3A_879 : vector<16xf32> to vector<1x16xf32>
      tpu.vector_store %arg10[%swap3A_880, %swap3A_881], %swap3A_884 {strides = array<i32>} : memref<64x768xf32, #tpu.memory_space<vmem>>, vector<1x16xf32>,
      %get3A_885 = arith.index_cast %scan3A_97 : i32 to index
      %get3A_886 = arith.constant 752 : index
      %get3A_887 = tpu.vector_load %arg10[%get3A_885, %get3A_886] {strides = array<i32>} : memref<64x768xf32, #tpu.memory_space<vmem>>, vector<1x16xf32>,
      %get3A_888 = vector.shape_cast %get3A_887 : vector<1x16xf32> to vector<16xf32>
      %mul3A_889 = arith.mulf %gather3A_131, %get3A_888 : vector<16xf32>
      %get3A_890 = arith.index_cast %scan3A_97 : i32 to index
      %get3A_891 = arith.constant 752 : index
      %get3A_892 = tpu.vector_load %arg11[%get3A_890, %get3A_891] {strides = array<i32>} : memref<64x768xf32, #tpu.memory_space<vmem>>, vector<1x16xf32>,
      %get3A_893 = vector.shape_cast %get3A_892 : vector<1x16xf32> to vector<16xf32>
      %mul3A_894 = arith.mulf %gather3A_133, %get3A_893 : vector<16xf32>
      %add3A_895 = arith.addf %mul3A_889, %mul3A_894 : vector<16xf32>
      %swap3A_896 = arith.index_cast %scan3A_97 : i32 to index
      %swap3A_897 = arith.constant 752 : index
      %swap3A_898 = tpu.vector_load %arg10[%swap3A_896, %swap3A_897] {strides = array<i32>} : memref<64x768xf32, #tpu.memory_space<vmem>>, vector<1x16xf32>,
      %swap3A_899 = vector.shape_cast %swap3A_898 : vector<1x16xf32> to vector<16xf32>
      %swap3A_900 = vector.shape_cast %add3A_895 : vector<16xf32> to vector<1x16xf32>
      tpu.vector_store %arg10[%swap3A_896, %swap3A_897], %swap3A_900 {strides = array<i32>} : memref<64x768xf32, #tpu.memory_space<vmem>>, vector<1x16xf32>,
      %scan3A_901 = arith.constant 0 : i32
      scf.yield %scan3A_901 : i32
    }
    %scan3A_69 = arith.constant 32 : i32
    %dma_wait3A_70 = arith.constant 0 : i32
    %dma_wait3A_71 = arith.constant 32 : i32
    %dma_wait3A_72 = arith.constant 0 : i32
    %dma_wait3A_73 = tpu.memref_slice %arg10[%dma_wait3A_71, %dma_wait3A_72] : memref<64x768xf32, #tpu.memory_space<vmem>> -> memref<32x768xf32, #tpu.memory_space<vmem>>
    %dma_wait3A_74 = arith.constant 32 : i32
    %dma_wait3A_75 = tpu.memref_slice %arg8[%dma_wait3A_70, %dma_wait3A_74] : memref<2x64xi32, #tpu.memory_space<vmem>> -> memref<1x32xi32, #tpu.memory_space<vmem>>
    %dma_wait3A_76 = tpu.memref_squeeze %dma_wait3A_75 : memref<1x32xi32, #tpu.memory_space<vmem>> -> memref<32xi32, #tpu.memory_space<vmem>>
    %dma_wait3A_77 = arith.constant 0 : i32
    %dma_wait3A_78 = arith.constant 0 : i32
    %dma_wait3A_79 = tpu.memref_slice %arg2[%dma_wait3A_77, %dma_wait3A_78] : memref<8192x768xf32, #tpu.memory_space<hbm>> -> memref<8192x768xf32, #tpu.memory_space<hbm>>
    tpu.wait_indirect_dma semaphore(%arg13 : memref<!tpu.dma_semaphore, #tpu.memory_space<semaphore_mem>>) src(%dma_wait3A_79 : memref<8192x768xf32, #tpu.memory_space<hbm>>) dst(%dma_wait3A_73 : memref<32x768xf32, #tpu.memory_space<vmem>>)
    %dma_wait3A_80 = arith.constant 1 : i32
    %dma_wait3A_81 = arith.constant 32 : i32
    %dma_wait3A_82 = arith.constant 0 : i32
    %dma_wait3A_83 = tpu.memref_slice %arg11[%dma_wait3A_81, %dma_wait3A_82] : memref<64x768xf32, #tpu.memory_space<vmem>> -> memref<32x768xf32, #tpu.memory_space<vmem>>
    %dma_wait3A_84 = arith.constant 32 : i32
    %dma_wait3A_85 = tpu.memref_slice %arg8[%dma_wait3A_80, %dma_wait3A_84] : memref<2x64xi32, #tpu.memory_space<vmem>> -> memref<1x32xi32, #tpu.memory_space<vmem>>
    %dma_wait3A_86 = tpu.memref_squeeze %dma_wait3A_85 : memref<1x32xi32, #tpu.memory_space<vmem>> -> memref<32xi32, #tpu.memory_space<vmem>>
    %dma_wait3A_87 = arith.constant 0 : i32
    %dma_wait3A_88 = arith.constant 0 : i32
    %dma_wait3A_89 = tpu.memref_slice %arg2[%dma_wait3A_87, %dma_wait3A_88] : memref<8192x768xf32, #tpu.memory_space<hbm>> -> memref<8192x768xf32, #tpu.memory_space<hbm>>
    tpu.wait_indirect_dma semaphore(%arg13 : memref<!tpu.dma_semaphore, #tpu.memory_space<semaphore_mem>>) src(%dma_wait3A_89 : memref<8192x768xf32, #tpu.memory_space<hbm>>) dst(%dma_wait3A_83 : memref<32x768xf32, #tpu.memory_space<vmem>>)
    %scan3A_90 = arith.constant 0 : i32
    %scan3A_91 = arith.constant 32 : i32
    %scan3A_92 = arith.constant 32 : i32
    %scan3A_93 = arith.addi %scan3A_91, %scan3A_92 : i32
    %scan3A_94 = arith.constant 1 : i32
    %scan3A_95 = scf.for %scan3A_97 = %scan3A_91 to %scan3A_93 step %scan3A_94 iter_args(%scan3A_98 = %scan3A_90) -> (i32)  : i32 {
      %jit3A = arith.constant 16 : i32
      %div3A = arith.divsi %scan3A_97, %jit3A : i32
      %sign3A = arith.constant 0 : i32
      %sign3A_99 = arith.cmpi sgt, %scan3A_97, %sign3A : i32
      %sign3A_100 = arith.extui %sign3A_99 : i1 to i32
      %sign3A_101 = arith.constant 0 : i32
      %sign3A_102 = arith.cmpi slt, %scan3A_97, %sign3A_101 : i32
      %sign3A_103 = arith.extui %sign3A_102 : i1 to i32
      %sign3A_104 = arith.subi %sign3A_100, %sign3A_103 : i32
      %sign3A_105 = arith.constant 0 : i32
      %sign3A_106 = arith.cmpi sgt, %jit3A, %sign3A_105 : i32
      %sign3A_107 = arith.extui %sign3A_106 : i1 to i32
      %sign3A_108 = arith.constant 0 : i32
      %sign3A_109 = arith.cmpi slt, %jit3A, %sign3A_108 : i32
      %sign3A_110 = arith.extui %sign3A_109 : i1 to i32
      %sign3A_111 = arith.subi %sign3A_107, %sign3A_110 : i32
      %ne3A = arith.cmpi ne, %sign3A_104, %sign3A_111 : i32
      %rem3A = arith.remsi %scan3A_97, %jit3A : i32
      %ne3A_112 = arith.constant 0 : i32
      %ne3A_113 = arith.cmpi ne, %rem3A, %ne3A_112 : i32
      %and3A = arith.andi %ne3A, %ne3A_113 : i1
      %sub3A = arith.constant 1 : i32
      %sub3A_114 = arith.subi %div3A, %sub3A : i32
      %select_n3A = arith.select %and3A, %sub3A_114, %div3A : i32
      %mul3A_115 = arith.constant 16 : i32
      %mul3A_116 = arith.muli %select_n3A, %mul3A_115 : i32
      %sub3A_117 = arith.subi %scan3A_97, %mul3A_116 : i32
      %get3A = arith.constant 0 : i32
      %get3A_118 = arith.index_cast %get3A : i32 to index
      %get3A_119 = arith.index_cast %mul3A_116 : i32 to index
      %get3A_120 = tpu.vector_load %arg9[%get3A_118, %get3A_119] {strides = array<i32>} : memref<2x64xf32, #tpu.memory_space<vmem>>, vector<1x16xf32>,
      %get3A_121 = vector.shape_cast %get3A_120 : vector<1x16xf32> to vector<16xf32>
      %get3A_122 = arith.constant 1 : i32
      %get3A_123 = arith.index_cast %get3A_122 : i32 to index
      %get3A_124 = arith.index_cast %mul3A_116 : i32 to index
      %get3A_125 = tpu.vector_load %arg9[%get3A_123, %get3A_124] {strides = array<i32>} : memref<2x64xf32, #tpu.memory_space<vmem>>, vector<1x16xf32>,
      %get3A_126 = vector.shape_cast %get3A_125 : vector<1x16xf32> to vector<16xf32>
      %broadcast_in_dim3A = arith.constant 0 : i32
      %broadcast_in_dim3A_127 = vector.broadcast %broadcast_in_dim3A : i32 to vector<16xi32>
      %add3A_128 = vector.broadcast %sub3A_117 : i32 to vector<16xi32>
      %add3A_129 = arith.addi %broadcast_in_dim3A_127, %add3A_128 : vector<16xi32>
      %broadcast_in_dim3A_130 = vector.shape_cast %add3A_129 : vector<16xi32> to vector<16x1xi32>
      %gather3A = vector.shape_cast %broadcast_in_dim3A_130 : vector<16x1xi32> to vector<16xi32>
      %gather3A_131 = tpu.dynamic_gather %get3A_121[%gather3A] in [0] : vector<16xf32>, vector<16xi32> -> vector<16xf32>
      %gather3A_132 = vector.shape_cast %broadcast_in_dim3A_130 : vector<16x1xi32> to vector<16xi32>
      %gather3A_133 = tpu.dynamic_gather %get3A_126[%gather3A_132] in [0] : vector<16xf32>, vector<16xi32> -> vector<16xf32>
      %get3A_134 = arith.index_cast %scan3A_97 : i32 to index
      %get3A_135 = arith.constant 0 : index
      %get3A_136 = tpu.vector_load %arg10[%get3A_134, %get3A_135] {strides = array<i32>} : memref<64x768xf32, #tpu.memory_space<vmem>>, vector<1x16xf32>,
      %get3A_137 = vector.shape_cast %get3A_136 : vector<1x16xf32> to vector<16xf32>
      %mul3A_138 = arith.mulf %gather3A_131, %get3A_137 : vector<16xf32>
      %get3A_139 = arith.index_cast %scan3A_97 : i32 to index
      %get3A_140 = arith.constant 0 : index
      %get3A_141 = tpu.vector_load %arg11[%get3A_139, %get3A_140] {strides = array<i32>} : memref<64x768xf32, #tpu.memory_space<vmem>>, vector<1x16xf32>,
      %get3A_142 = vector.shape_cast %get3A_141 : vector<1x16xf32> to vector<16xf32>
      %mul3A_143 = arith.mulf %gather3A_133, %get3A_142 : vector<16xf32>
      %add3A_144 = arith.addf %mul3A_138, %mul3A_143 : vector<16xf32>
      %swap3A = arith.index_cast %scan3A_97 : i32 to index
      %swap3A_145 = arith.constant 0 : index
      %swap3A_146 = tpu.vector_load %arg10[%swap3A, %swap3A_145] {strides = array<i32>} : memref<64x768xf32, #tpu.memory_space<vmem>>, vector<1x16xf32>,
      %swap3A_147 = vector.shape_cast %swap3A_146 : vector<1x16xf32> to vector<16xf32>
      %swap3A_148 = vector.shape_cast %add3A_144 : vector<16xf32> to vector<1x16xf32>
      tpu.vector_store %arg10[%swap3A, %swap3A_145], %swap3A_148 {strides = array<i32>} : memref<64x768xf32, #tpu.memory_space<vmem>>, vector<1x16xf32>,
      %get3A_149 = arith.index_cast %scan3A_97 : i32 to index
      %get3A_150 = arith.constant 16 : index
      %get3A_151 = tpu.vector_load %arg10[%get3A_149, %get3A_150] {strides = array<i32>} : memref<64x768xf32, #tpu.memory_space<vmem>>, vector<1x16xf32>,
      %get3A_152 = vector.shape_cast %get3A_151 : vector<1x16xf32> to vector<16xf32>
      %mul3A_153 = arith.mulf %gather3A_131, %get3A_152 : vector<16xf32>
      %get3A_154 = arith.index_cast %scan3A_97 : i32 to index
      %get3A_155 = arith.constant 16 : index
      %get3A_156 = tpu.vector_load %arg11[%get3A_154, %get3A_155] {strides = array<i32>} : memref<64x768xf32, #tpu.memory_space<vmem>>, vector<1x16xf32>,
      %get3A_157 = vector.shape_cast %get3A_156 : vector<1x16xf32> to vector<16xf32>
      %mul3A_158 = arith.mulf %gather3A_133, %get3A_157 : vector<16xf32>
      %add3A_159 = arith.addf %mul3A_153, %mul3A_158 : vector<16xf32>
      %swap3A_160 = arith.index_cast %scan3A_97 : i32 to index
      %swap3A_161 = arith.constant 16 : index
      %swap3A_162 = tpu.vector_load %arg10[%swap3A_160, %swap3A_161] {strides = array<i32>} : memref<64x768xf32, #tpu.memory_space<vmem>>, vector<1x16xf32>,
      %swap3A_163 = vector.shape_cast %swap3A_162 : vector<1x16xf32> to vector<16xf32>
      %swap3A_164 = vector.shape_cast %add3A_159 : vector<16xf32> to vector<1x16xf32>
      tpu.vector_store %arg10[%swap3A_160, %swap3A_161], %swap3A_164 {strides = array<i32>} : memref<64x768xf32, #tpu.memory_space<vmem>>, vector<1x16xf32>,
      %get3A_165 = arith.index_cast %scan3A_97 : i32 to index
      %get3A_166 = arith.constant 32 : index
      %get3A_167 = tpu.vector_load %arg10[%get3A_165, %get3A_166] {strides = array<i32>} : memref<64x768xf32, #tpu.memory_space<vmem>>, vector<1x16xf32>,
      %get3A_168 = vector.shape_cast %get3A_167 : vector<1x16xf32> to vector<16xf32>
      %mul3A_169 = arith.mulf %gather3A_131, %get3A_168 : vector<16xf32>
      %get3A_170 = arith.index_cast %scan3A_97 : i32 to index
      %get3A_171 = arith.constant 32 : index
      %get3A_172 = tpu.vector_load %arg11[%get3A_170, %get3A_171] {strides = array<i32>} : memref<64x768xf32, #tpu.memory_space<vmem>>, vector<1x16xf32>,
      %get3A_173 = vector.shape_cast %get3A_172 : vector<1x16xf32> to vector<16xf32>
      %mul3A_174 = arith.mulf %gather3A_133, %get3A_173 : vector<16xf32>
      %add3A_175 = arith.addf %mul3A_169, %mul3A_174 : vector<16xf32>
      %swap3A_176 = arith.index_cast %scan3A_97 : i32 to index
      %swap3A_177 = arith.constant 32 : index
      %swap3A_178 = tpu.vector_load %arg10[%swap3A_176, %swap3A_177] {strides = array<i32>} : memref<64x768xf32, #tpu.memory_space<vmem>>, vector<1x16xf32>,
      %swap3A_179 = vector.shape_cast %swap3A_178 : vector<1x16xf32> to vector<16xf32>
      %swap3A_180 = vector.shape_cast %add3A_175 : vector<16xf32> to vector<1x16xf32>
      tpu.vector_store %arg10[%swap3A_176, %swap3A_177], %swap3A_180 {strides = array<i32>} : memref<64x768xf32, #tpu.memory_space<vmem>>, vector<1x16xf32>,
      %get3A_181 = arith.index_cast %scan3A_97 : i32 to index
      %get3A_182 = arith.constant 48 : index
      %get3A_183 = tpu.vector_load %arg10[%get3A_181, %get3A_182] {strides = array<i32>} : memref<64x768xf32, #tpu.memory_space<vmem>>, vector<1x16xf32>,
      %get3A_184 = vector.shape_cast %get3A_183 : vector<1x16xf32> to vector<16xf32>
      %mul3A_185 = arith.mulf %gather3A_131, %get3A_184 : vector<16xf32>
      %get3A_186 = arith.index_cast %scan3A_97 : i32 to index
      %get3A_187 = arith.constant 48 : index
      %get3A_188 = tpu.vector_load %arg11[%get3A_186, %get3A_187] {strides = array<i32>} : memref<64x768xf32, #tpu.memory_space<vmem>>, vector<1x16xf32>,
      %get3A_189 = vector.shape_cast %get3A_188 : vector<1x16xf32> to vector<16xf32>
      %mul3A_190 = arith.mulf %gather3A_133, %get3A_189 : vector<16xf32>
      %add3A_191 = arith.addf %mul3A_185, %mul3A_190 : vector<16xf32>
      %swap3A_192 = arith.index_cast %scan3A_97 : i32 to index
      %swap3A_193 = arith.constant 48 : index
      %swap3A_194 = tpu.vector_load %arg10[%swap3A_192, %swap3A_193] {strides = array<i32>} : memref<64x768xf32, #tpu.memory_space<vmem>>, vector<1x16xf32>,
      %swap3A_195 = vector.shape_cast %swap3A_194 : vector<1x16xf32> to vector<16xf32>
      %swap3A_196 = vector.shape_cast %add3A_191 : vector<16xf32> to vector<1x16xf32>
      tpu.vector_store %arg10[%swap3A_192, %swap3A_193], %swap3A_196 {strides = array<i32>} : memref<64x768xf32, #tpu.memory_space<vmem>>, vector<1x16xf32>,
      %get3A_197 = arith.index_cast %scan3A_97 : i32 to index
      %get3A_198 = arith.constant 64 : index
      %get3A_199 = tpu.vector_load %arg10[%get3A_197, %get3A_198] {strides = array<i32>} : memref<64x768xf32, #tpu.memory_space<vmem>>, vector<1x16xf32>,
      %get3A_200 = vector.shape_cast %get3A_199 : vector<1x16xf32> to vector<16xf32>
      %mul3A_201 = arith.mulf %gather3A_131, %get3A_200 : vector<16xf32>
      %get3A_202 = arith.index_cast %scan3A_97 : i32 to index
      %get3A_203 = arith.constant 64 : index
      %get3A_204 = tpu.vector_load %arg11[%get3A_202, %get3A_203] {strides = array<i32>} : memref<64x768xf32, #tpu.memory_space<vmem>>, vector<1x16xf32>,
      %get3A_205 = vector.shape_cast %get3A_204 : vector<1x16xf32> to vector<16xf32>
      %mul3A_206 = arith.mulf %gather3A_133, %get3A_205 : vector<16xf32>
      %add3A_207 = arith.addf %mul3A_201, %mul3A_206 : vector<16xf32>
      %swap3A_208 = arith.index_cast %scan3A_97 : i32 to index
      %swap3A_209 = arith.constant 64 : index
      %swap3A_210 = tpu.vector_load %arg10[%swap3A_208, %swap3A_209] {strides = array<i32>} : memref<64x768xf32, #tpu.memory_space<vmem>>, vector<1x16xf32>,
      %swap3A_211 = vector.shape_cast %swap3A_210 : vector<1x16xf32> to vector<16xf32>
      %swap3A_212 = vector.shape_cast %add3A_207 : vector<16xf32> to vector<1x16xf32>
      tpu.vector_store %arg10[%swap3A_208, %swap3A_209], %swap3A_212 {strides = array<i32>} : memref<64x768xf32, #tpu.memory_space<vmem>>, vector<1x16xf32>,
      %get3A_213 = arith.index_cast %scan3A_97 : i32 to index
      %get3A_214 = arith.constant 80 : index
      %get3A_215 = tpu.vector_load %arg10[%get3A_213, %get3A_214] {strides = array<i32>} : memref<64x768xf32, #tpu.memory_space<vmem>>, vector<1x16xf32>,
      %get3A_216 = vector.shape_cast %get3A_215 : vector<1x16xf32> to vector<16xf32>
      %mul3A_217 = arith.mulf %gather3A_131, %get3A_216 : vector<16xf32>
      %get3A_218 = arith.index_cast %scan3A_97 : i32 to index
      %get3A_219 = arith.constant 80 : index
      %get3A_220 = tpu.vector_load %arg11[%get3A_218, %get3A_219] {strides = array<i32>} : memref<64x768xf32, #tpu.memory_space<vmem>>, vector<1x16xf32>,
      %get3A_221 = vector.shape_cast %get3A_220 : vector<1x16xf32> to vector<16xf32>
      %mul3A_222 = arith.mulf %gather3A_133, %get3A_221 : vector<16xf32>
      %add3A_223 = arith.addf %mul3A_217, %mul3A_222 : vector<16xf32>
      %swap3A_224 = arith.index_cast %scan3A_97 : i32 to index
      %swap3A_225 = arith.constant 80 : index
      %swap3A_226 = tpu.vector_load %arg10[%swap3A_224, %swap3A_225] {strides = array<i32>} : memref<64x768xf32, #tpu.memory_space<vmem>>, vector<1x16xf32>,
      %swap3A_227 = vector.shape_cast %swap3A_226 : vector<1x16xf32> to vector<16xf32>
      %swap3A_228 = vector.shape_cast %add3A_223 : vector<16xf32> to vector<1x16xf32>
      tpu.vector_store %arg10[%swap3A_224, %swap3A_225], %swap3A_228 {strides = array<i32>} : memref<64x768xf32, #tpu.memory_space<vmem>>, vector<1x16xf32>,
      %get3A_229 = arith.index_cast %scan3A_97 : i32 to index
      %get3A_230 = arith.constant 96 : index
      %get3A_231 = tpu.vector_load %arg10[%get3A_229, %get3A_230] {strides = array<i32>} : memref<64x768xf32, #tpu.memory_space<vmem>>, vector<1x16xf32>,
      %get3A_232 = vector.shape_cast %get3A_231 : vector<1x16xf32> to vector<16xf32>
      %mul3A_233 = arith.mulf %gather3A_131, %get3A_232 : vector<16xf32>
      %get3A_234 = arith.index_cast %scan3A_97 : i32 to index
      %get3A_235 = arith.constant 96 : index
      %get3A_236 = tpu.vector_load %arg11[%get3A_234, %get3A_235] {strides = array<i32>} : memref<64x768xf32, #tpu.memory_space<vmem>>, vector<1x16xf32>,
      %get3A_237 = vector.shape_cast %get3A_236 : vector<1x16xf32> to vector<16xf32>
      %mul3A_238 = arith.mulf %gather3A_133, %get3A_237 : vector<16xf32>
      %add3A_239 = arith.addf %mul3A_233, %mul3A_238 : vector<16xf32>
      %swap3A_240 = arith.index_cast %scan3A_97 : i32 to index
      %swap3A_241 = arith.constant 96 : index
      %swap3A_242 = tpu.vector_load %arg10[%swap3A_240, %swap3A_241] {strides = array<i32>} : memref<64x768xf32, #tpu.memory_space<vmem>>, vector<1x16xf32>,
      %swap3A_243 = vector.shape_cast %swap3A_242 : vector<1x16xf32> to vector<16xf32>
      %swap3A_244 = vector.shape_cast %add3A_239 : vector<16xf32> to vector<1x16xf32>
      tpu.vector_store %arg10[%swap3A_240, %swap3A_241], %swap3A_244 {strides = array<i32>} : memref<64x768xf32, #tpu.memory_space<vmem>>, vector<1x16xf32>,
      %get3A_245 = arith.index_cast %scan3A_97 : i32 to index
      %get3A_246 = arith.constant 112 : index
      %get3A_247 = tpu.vector_load %arg10[%get3A_245, %get3A_246] {strides = array<i32>} : memref<64x768xf32, #tpu.memory_space<vmem>>, vector<1x16xf32>,
      %get3A_248 = vector.shape_cast %get3A_247 : vector<1x16xf32> to vector<16xf32>
      %mul3A_249 = arith.mulf %gather3A_131, %get3A_248 : vector<16xf32>
      %get3A_250 = arith.index_cast %scan3A_97 : i32 to index
      %get3A_251 = arith.constant 112 : index
      %get3A_252 = tpu.vector_load %arg11[%get3A_250, %get3A_251] {strides = array<i32>} : memref<64x768xf32, #tpu.memory_space<vmem>>, vector<1x16xf32>,
      %get3A_253 = vector.shape_cast %get3A_252 : vector<1x16xf32> to vector<16xf32>
      %mul3A_254 = arith.mulf %gather3A_133, %get3A_253 : vector<16xf32>
      %add3A_255 = arith.addf %mul3A_249, %mul3A_254 : vector<16xf32>
      %swap3A_256 = arith.index_cast %scan3A_97 : i32 to index
      %swap3A_257 = arith.constant 112 : index
      %swap3A_258 = tpu.vector_load %arg10[%swap3A_256, %swap3A_257] {strides = array<i32>} : memref<64x768xf32, #tpu.memory_space<vmem>>, vector<1x16xf32>,
      %swap3A_259 = vector.shape_cast %swap3A_258 : vector<1x16xf32> to vector<16xf32>
      %swap3A_260 = vector.shape_cast %add3A_255 : vector<16xf32> to vector<1x16xf32>
      tpu.vector_store %arg10[%swap3A_256, %swap3A_257], %swap3A_260 {strides = array<i32>} : memref<64x768xf32, #tpu.memory_space<vmem>>, vector<1x16xf32>,
      %get3A_261 = arith.index_cast %scan3A_97 : i32 to index
      %get3A_262 = arith.constant 128 : index
      %get3A_263 = tpu.vector_load %arg10[%get3A_261, %get3A_262] {strides = array<i32>} : memref<64x768xf32, #tpu.memory_space<vmem>>, vector<1x16xf32>,
      %get3A_264 = vector.shape_cast %get3A_263 : vector<1x16xf32> to vector<16xf32>
      %mul3A_265 = arith.mulf %gather3A_131, %get3A_264 : vector<16xf32>
      %get3A_266 = arith.index_cast %scan3A_97 : i32 to index
      %get3A_267 = arith.constant 128 : index
      %get3A_268 = tpu.vector_load %arg11[%get3A_266, %get3A_267] {strides = array<i32>} : memref<64x768xf32, #tpu.memory_space<vmem>>, vector<1x16xf32>,
      %get3A_269 = vector.shape_cast %get3A_268 : vector<1x16xf32> to vector<16xf32>
      %mul3A_270 = arith.mulf %gather3A_133, %get3A_269 : vector<16xf32>
      %add3A_271 = arith.addf %mul3A_265, %mul3A_270 : vector<16xf32>
      %swap3A_272 = arith.index_cast %scan3A_97 : i32 to index
      %swap3A_273 = arith.constant 128 : index
      %swap3A_274 = tpu.vector_load %arg10[%swap3A_272, %swap3A_273] {strides = array<i32>} : memref<64x768xf32, #tpu.memory_space<vmem>>, vector<1x16xf32>,
      %swap3A_275 = vector.shape_cast %swap3A_274 : vector<1x16xf32> to vector<16xf32>
      %swap3A_276 = vector.shape_cast %add3A_271 : vector<16xf32> to vector<1x16xf32>
      tpu.vector_store %arg10[%swap3A_272, %swap3A_273], %swap3A_276 {strides = array<i32>} : memref<64x768xf32, #tpu.memory_space<vmem>>, vector<1x16xf32>,
      %get3A_277 = arith.index_cast %scan3A_97 : i32 to index
      %get3A_278 = arith.constant 144 : index
      %get3A_279 = tpu.vector_load %arg10[%get3A_277, %get3A_278] {strides = array<i32>} : memref<64x768xf32, #tpu.memory_space<vmem>>, vector<1x16xf32>,
      %get3A_280 = vector.shape_cast %get3A_279 : vector<1x16xf32> to vector<16xf32>
      %mul3A_281 = arith.mulf %gather3A_131, %get3A_280 : vector<16xf32>
      %get3A_282 = arith.index_cast %scan3A_97 : i32 to index
      %get3A_283 = arith.constant 144 : index
      %get3A_284 = tpu.vector_load %arg11[%get3A_282, %get3A_283] {strides = array<i32>} : memref<64x768xf32, #tpu.memory_space<vmem>>, vector<1x16xf32>,
      %get3A_285 = vector.shape_cast %get3A_284 : vector<1x16xf32> to vector<16xf32>
      %mul3A_286 = arith.mulf %gather3A_133, %get3A_285 : vector<16xf32>
      %add3A_287 = arith.addf %mul3A_281, %mul3A_286 : vector<16xf32>
      %swap3A_288 = arith.index_cast %scan3A_97 : i32 to index
      %swap3A_289 = arith.constant 144 : index
      %swap3A_290 = tpu.vector_load %arg10[%swap3A_288, %swap3A_289] {strides = array<i32>} : memref<64x768xf32, #tpu.memory_space<vmem>>, vector<1x16xf32>,
      %swap3A_291 = vector.shape_cast %swap3A_290 : vector<1x16xf32> to vector<16xf32>
      %swap3A_292 = vector.shape_cast %add3A_287 : vector<16xf32> to vector<1x16xf32>
      tpu.vector_store %arg10[%swap3A_288, %swap3A_289], %swap3A_292 {strides = array<i32>} : memref<64x768xf32, #tpu.memory_space<vmem>>, vector<1x16xf32>,
      %get3A_293 = arith.index_cast %scan3A_97 : i32 to index
      %get3A_294 = arith.constant 160 : index
      %get3A_295 = tpu.vector_load %arg10[%get3A_293, %get3A_294] {strides = array<i32>} : memref<64x768xf32, #tpu.memory_space<vmem>>, vector<1x16xf32>,
      %get3A_296 = vector.shape_cast %get3A_295 : vector<1x16xf32> to vector<16xf32>
      %mul3A_297 = arith.mulf %gather3A_131, %get3A_296 : vector<16xf32>
      %get3A_298 = arith.index_cast %scan3A_97 : i32 to index
      %get3A_299 = arith.constant 160 : index
      %get3A_300 = tpu.vector_load %arg11[%get3A_298, %get3A_299] {strides = array<i32>} : memref<64x768xf32, #tpu.memory_space<vmem>>, vector<1x16xf32>,
      %get3A_301 = vector.shape_cast %get3A_300 : vector<1x16xf32> to vector<16xf32>
      %mul3A_302 = arith.mulf %gather3A_133, %get3A_301 : vector<16xf32>
      %add3A_303 = arith.addf %mul3A_297, %mul3A_302 : vector<16xf32>
      %swap3A_304 = arith.index_cast %scan3A_97 : i32 to index
      %swap3A_305 = arith.constant 160 : index
      %swap3A_306 = tpu.vector_load %arg10[%swap3A_304, %swap3A_305] {strides = array<i32>} : memref<64x768xf32, #tpu.memory_space<vmem>>, vector<1x16xf32>,
      %swap3A_307 = vector.shape_cast %swap3A_306 : vector<1x16xf32> to vector<16xf32>
      %swap3A_308 = vector.shape_cast %add3A_303 : vector<16xf32> to vector<1x16xf32>
      tpu.vector_store %arg10[%swap3A_304, %swap3A_305], %swap3A_308 {strides = array<i32>} : memref<64x768xf32, #tpu.memory_space<vmem>>, vector<1x16xf32>,
      %get3A_309 = arith.index_cast %scan3A_97 : i32 to index
      %get3A_310 = arith.constant 176 : index
      %get3A_311 = tpu.vector_load %arg10[%get3A_309, %get3A_310] {strides = array<i32>} : memref<64x768xf32, #tpu.memory_space<vmem>>, vector<1x16xf32>,
      %get3A_312 = vector.shape_cast %get3A_311 : vector<1x16xf32> to vector<16xf32>
      %mul3A_313 = arith.mulf %gather3A_131, %get3A_312 : vector<16xf32>
      %get3A_314 = arith.index_cast %scan3A_97 : i32 to index
      %get3A_315 = arith.constant 176 : index
      %get3A_316 = tpu.vector_load %arg11[%get3A_314, %get3A_315] {strides = array<i32>} : memref<64x768xf32, #tpu.memory_space<vmem>>, vector<1x16xf32>,
      %get3A_317 = vector.shape_cast %get3A_316 : vector<1x16xf32> to vector<16xf32>
      %mul3A_318 = arith.mulf %gather3A_133, %get3A_317 : vector<16xf32>
      %add3A_319 = arith.addf %mul3A_313, %mul3A_318 : vector<16xf32>
      %swap3A_320 = arith.index_cast %scan3A_97 : i32 to index
      %swap3A_321 = arith.constant 176 : index
      %swap3A_322 = tpu.vector_load %arg10[%swap3A_320, %swap3A_321] {strides = array<i32>} : memref<64x768xf32, #tpu.memory_space<vmem>>, vector<1x16xf32>,
      %swap3A_323 = vector.shape_cast %swap3A_322 : vector<1x16xf32> to vector<16xf32>
      %swap3A_324 = vector.shape_cast %add3A_319 : vector<16xf32> to vector<1x16xf32>
      tpu.vector_store %arg10[%swap3A_320, %swap3A_321], %swap3A_324 {strides = array<i32>} : memref<64x768xf32, #tpu.memory_space<vmem>>, vector<1x16xf32>,
      %get3A_325 = arith.index_cast %scan3A_97 : i32 to index
      %get3A_326 = arith.constant 192 : index
      %get3A_327 = tpu.vector_load %arg10[%get3A_325, %get3A_326] {strides = array<i32>} : memref<64x768xf32, #tpu.memory_space<vmem>>, vector<1x16xf32>,
      %get3A_328 = vector.shape_cast %get3A_327 : vector<1x16xf32> to vector<16xf32>
      %mul3A_329 = arith.mulf %gather3A_131, %get3A_328 : vector<16xf32>
      %get3A_330 = arith.index_cast %scan3A_97 : i32 to index
      %get3A_331 = arith.constant 192 : index
      %get3A_332 = tpu.vector_load %arg11[%get3A_330, %get3A_331] {strides = array<i32>} : memref<64x768xf32, #tpu.memory_space<vmem>>, vector<1x16xf32>,
      %get3A_333 = vector.shape_cast %get3A_332 : vector<1x16xf32> to vector<16xf32>
      %mul3A_334 = arith.mulf %gather3A_133, %get3A_333 : vector<16xf32>
      %add3A_335 = arith.addf %mul3A_329, %mul3A_334 : vector<16xf32>
      %swap3A_336 = arith.index_cast %scan3A_97 : i32 to index
      %swap3A_337 = arith.constant 192 : index
      %swap3A_338 = tpu.vector_load %arg10[%swap3A_336, %swap3A_337] {strides = array<i32>} : memref<64x768xf32, #tpu.memory_space<vmem>>, vector<1x16xf32>,
      %swap3A_339 = vector.shape_cast %swap3A_338 : vector<1x16xf32> to vector<16xf32>
      %swap3A_340 = vector.shape_cast %add3A_335 : vector<16xf32> to vector<1x16xf32>
      tpu.vector_store %arg10[%swap3A_336, %swap3A_337], %swap3A_340 {strides = array<i32>} : memref<64x768xf32, #tpu.memory_space<vmem>>, vector<1x16xf32>,
      %get3A_341 = arith.index_cast %scan3A_97 : i32 to index
      %get3A_342 = arith.constant 208 : index
      %get3A_343 = tpu.vector_load %arg10[%get3A_341, %get3A_342] {strides = array<i32>} : memref<64x768xf32, #tpu.memory_space<vmem>>, vector<1x16xf32>,
      %get3A_344 = vector.shape_cast %get3A_343 : vector<1x16xf32> to vector<16xf32>
      %mul3A_345 = arith.mulf %gather3A_131, %get3A_344 : vector<16xf32>
      %get3A_346 = arith.index_cast %scan3A_97 : i32 to index
      %get3A_347 = arith.constant 208 : index
      %get3A_348 = tpu.vector_load %arg11[%get3A_346, %get3A_347] {strides = array<i32>} : memref<64x768xf32, #tpu.memory_space<vmem>>, vector<1x16xf32>,
      %get3A_349 = vector.shape_cast %get3A_348 : vector<1x16xf32> to vector<16xf32>
      %mul3A_350 = arith.mulf %gather3A_133, %get3A_349 : vector<16xf32>
      %add3A_351 = arith.addf %mul3A_345, %mul3A_350 : vector<16xf32>
      %swap3A_352 = arith.index_cast %scan3A_97 : i32 to index
      %swap3A_353 = arith.constant 208 : index
      %swap3A_354 = tpu.vector_load %arg10[%swap3A_352, %swap3A_353] {strides = array<i32>} : memref<64x768xf32, #tpu.memory_space<vmem>>, vector<1x16xf32>,
      %swap3A_355 = vector.shape_cast %swap3A_354 : vector<1x16xf32> to vector<16xf32>
      %swap3A_356 = vector.shape_cast %add3A_351 : vector<16xf32> to vector<1x16xf32>
      tpu.vector_store %arg10[%swap3A_352, %swap3A_353], %swap3A_356 {strides = array<i32>} : memref<64x768xf32, #tpu.memory_space<vmem>>, vector<1x16xf32>,
      %get3A_357 = arith.index_cast %scan3A_97 : i32 to index
      %get3A_358 = arith.constant 224 : index
      %get3A_359 = tpu.vector_load %arg10[%get3A_357, %get3A_358] {strides = array<i32>} : memref<64x768xf32, #tpu.memory_space<vmem>>, vector<1x16xf32>,
      %get3A_360 = vector.shape_cast %get3A_359 : vector<1x16xf32> to vector<16xf32>
      %mul3A_361 = arith.mulf %gather3A_131, %get3A_360 : vector<16xf32>
      %get3A_362 = arith.index_cast %scan3A_97 : i32 to index
      %get3A_363 = arith.constant 224 : index
      %get3A_364 = tpu.vector_load %arg11[%get3A_362, %get3A_363] {strides = array<i32>} : memref<64x768xf32, #tpu.memory_space<vmem>>, vector<1x16xf32>,
      %get3A_365 = vector.shape_cast %get3A_364 : vector<1x16xf32> to vector<16xf32>
      %mul3A_366 = arith.mulf %gather3A_133, %get3A_365 : vector<16xf32>
      %add3A_367 = arith.addf %mul3A_361, %mul3A_366 : vector<16xf32>
      %swap3A_368 = arith.index_cast %scan3A_97 : i32 to index
      %swap3A_369 = arith.constant 224 : index
      %swap3A_370 = tpu.vector_load %arg10[%swap3A_368, %swap3A_369] {strides = array<i32>} : memref<64x768xf32, #tpu.memory_space<vmem>>, vector<1x16xf32>,
      %swap3A_371 = vector.shape_cast %swap3A_370 : vector<1x16xf32> to vector<16xf32>
      %swap3A_372 = vector.shape_cast %add3A_367 : vector<16xf32> to vector<1x16xf32>
      tpu.vector_store %arg10[%swap3A_368, %swap3A_369], %swap3A_372 {strides = array<i32>} : memref<64x768xf32, #tpu.memory_space<vmem>>, vector<1x16xf32>,
      %get3A_373 = arith.index_cast %scan3A_97 : i32 to index
      %get3A_374 = arith.constant 240 : index
      %get3A_375 = tpu.vector_load %arg10[%get3A_373, %get3A_374] {strides = array<i32>} : memref<64x768xf32, #tpu.memory_space<vmem>>, vector<1x16xf32>,
      %get3A_376 = vector.shape_cast %get3A_375 : vector<1x16xf32> to vector<16xf32>
      %mul3A_377 = arith.mulf %gather3A_131, %get3A_376 : vector<16xf32>
      %get3A_378 = arith.index_cast %scan3A_97 : i32 to index
      %get3A_379 = arith.constant 240 : index
      %get3A_380 = tpu.vector_load %arg11[%get3A_378, %get3A_379] {strides = array<i32>} : memref<64x768xf32, #tpu.memory_space<vmem>>, vector<1x16xf32>,
      %get3A_381 = vector.shape_cast %get3A_380 : vector<1x16xf32> to vector<16xf32>
      %mul3A_382 = arith.mulf %gather3A_133, %get3A_381 : vector<16xf32>
      %add3A_383 = arith.addf %mul3A_377, %mul3A_382 : vector<16xf32>
      %swap3A_384 = arith.index_cast %scan3A_97 : i32 to index
      %swap3A_385 = arith.constant 240 : index
      %swap3A_386 = tpu.vector_load %arg10[%swap3A_384, %swap3A_385] {strides = array<i32>} : memref<64x768xf32, #tpu.memory_space<vmem>>, vector<1x16xf32>,
      %swap3A_387 = vector.shape_cast %swap3A_386 : vector<1x16xf32> to vector<16xf32>
      %swap3A_388 = vector.shape_cast %add3A_383 : vector<16xf32> to vector<1x16xf32>
      tpu.vector_store %arg10[%swap3A_384, %swap3A_385], %swap3A_388 {strides = array<i32>} : memref<64x768xf32, #tpu.memory_space<vmem>>, vector<1x16xf32>,
      %get3A_389 = arith.index_cast %scan3A_97 : i32 to index
      %get3A_390 = arith.constant 256 : index
      %get3A_391 = tpu.vector_load %arg10[%get3A_389, %get3A_390] {strides = array<i32>} : memref<64x768xf32, #tpu.memory_space<vmem>>, vector<1x16xf32>,
      %get3A_392 = vector.shape_cast %get3A_391 : vector<1x16xf32> to vector<16xf32>
      %mul3A_393 = arith.mulf %gather3A_131, %get3A_392 : vector<16xf32>
      %get3A_394 = arith.index_cast %scan3A_97 : i32 to index
      %get3A_395 = arith.constant 256 : index
      %get3A_396 = tpu.vector_load %arg11[%get3A_394, %get3A_395] {strides = array<i32>} : memref<64x768xf32, #tpu.memory_space<vmem>>, vector<1x16xf32>,
      %get3A_397 = vector.shape_cast %get3A_396 : vector<1x16xf32> to vector<16xf32>
      %mul3A_398 = arith.mulf %gather3A_133, %get3A_397 : vector<16xf32>
      %add3A_399 = arith.addf %mul3A_393, %mul3A_398 : vector<16xf32>
      %swap3A_400 = arith.index_cast %scan3A_97 : i32 to index
      %swap3A_401 = arith.constant 256 : index
      %swap3A_402 = tpu.vector_load %arg10[%swap3A_400, %swap3A_401] {strides = array<i32>} : memref<64x768xf32, #tpu.memory_space<vmem>>, vector<1x16xf32>,
      %swap3A_403 = vector.shape_cast %swap3A_402 : vector<1x16xf32> to vector<16xf32>
      %swap3A_404 = vector.shape_cast %add3A_399 : vector<16xf32> to vector<1x16xf32>
      tpu.vector_store %arg10[%swap3A_400, %swap3A_401], %swap3A_404 {strides = array<i32>} : memref<64x768xf32, #tpu.memory_space<vmem>>, vector<1x16xf32>,
      %get3A_405 = arith.index_cast %scan3A_97 : i32 to index
      %get3A_406 = arith.constant 272 : index
      %get3A_407 = tpu.vector_load %arg10[%get3A_405, %get3A_406] {strides = array<i32>} : memref<64x768xf32, #tpu.memory_space<vmem>>, vector<1x16xf32>,
      %get3A_408 = vector.shape_cast %get3A_407 : vector<1x16xf32> to vector<16xf32>
      %mul3A_409 = arith.mulf %gather3A_131, %get3A_408 : vector<16xf32>
      %get3A_410 = arith.index_cast %scan3A_97 : i32 to index
      %get3A_411 = arith.constant 272 : index
      %get3A_412 = tpu.vector_load %arg11[%get3A_410, %get3A_411] {strides = array<i32>} : memref<64x768xf32, #tpu.memory_space<vmem>>, vector<1x16xf32>,
      %get3A_413 = vector.shape_cast %get3A_412 : vector<1x16xf32> to vector<16xf32>
      %mul3A_414 = arith.mulf %gather3A_133, %get3A_413 : vector<16xf32>
      %add3A_415 = arith.addf %mul3A_409, %mul3A_414 : vector<16xf32>
      %swap3A_416 = arith.index_cast %scan3A_97 : i32 to index
      %swap3A_417 = arith.constant 272 : index
      %swap3A_418 = tpu.vector_load %arg10[%swap3A_416, %swap3A_417] {strides = array<i32>} : memref<64x768xf32, #tpu.memory_space<vmem>>, vector<1x16xf32>,
      %swap3A_419 = vector.shape_cast %swap3A_418 : vector<1x16xf32> to vector<16xf32>
      %swap3A_420 = vector.shape_cast %add3A_415 : vector<16xf32> to vector<1x16xf32>
      tpu.vector_store %arg10[%swap3A_416, %swap3A_417], %swap3A_420 {strides = array<i32>} : memref<64x768xf32, #tpu.memory_space<vmem>>, vector<1x16xf32>,
      %get3A_421 = arith.index_cast %scan3A_97 : i32 to index
      %get3A_422 = arith.constant 288 : index
      %get3A_423 = tpu.vector_load %arg10[%get3A_421, %get3A_422] {strides = array<i32>} : memref<64x768xf32, #tpu.memory_space<vmem>>, vector<1x16xf32>,
      %get3A_424 = vector.shape_cast %get3A_423 : vector<1x16xf32> to vector<16xf32>
      %mul3A_425 = arith.mulf %gather3A_131, %get3A_424 : vector<16xf32>
      %get3A_426 = arith.index_cast %scan3A_97 : i32 to index
      %get3A_427 = arith.constant 288 : index
      %get3A_428 = tpu.vector_load %arg11[%get3A_426, %get3A_427] {strides = array<i32>} : memref<64x768xf32, #tpu.memory_space<vmem>>, vector<1x16xf32>,
      %get3A_429 = vector.shape_cast %get3A_428 : vector<1x16xf32> to vector<16xf32>
      %mul3A_430 = arith.mulf %gather3A_133, %get3A_429 : vector<16xf32>
      %add3A_431 = arith.addf %mul3A_425, %mul3A_430 : vector<16xf32>
      %swap3A_432 = arith.index_cast %scan3A_97 : i32 to index
      %swap3A_433 = arith.constant 288 : index
      %swap3A_434 = tpu.vector_load %arg10[%swap3A_432, %swap3A_433] {strides = array<i32>} : memref<64x768xf32, #tpu.memory_space<vmem>>, vector<1x16xf32>,
      %swap3A_435 = vector.shape_cast %swap3A_434 : vector<1x16xf32> to vector<16xf32>
      %swap3A_436 = vector.shape_cast %add3A_431 : vector<16xf32> to vector<1x16xf32>
      tpu.vector_store %arg10[%swap3A_432, %swap3A_433], %swap3A_436 {strides = array<i32>} : memref<64x768xf32, #tpu.memory_space<vmem>>, vector<1x16xf32>,
      %get3A_437 = arith.index_cast %scan3A_97 : i32 to index
      %get3A_438 = arith.constant 304 : index
      %get3A_439 = tpu.vector_load %arg10[%get3A_437, %get3A_438] {strides = array<i32>} : memref<64x768xf32, #tpu.memory_space<vmem>>, vector<1x16xf32>,
      %get3A_440 = vector.shape_cast %get3A_439 : vector<1x16xf32> to vector<16xf32>
      %mul3A_441 = arith.mulf %gather3A_131, %get3A_440 : vector<16xf32>
      %get3A_442 = arith.index_cast %scan3A_97 : i32 to index
      %get3A_443 = arith.constant 304 : index
      %get3A_444 = tpu.vector_load %arg11[%get3A_442, %get3A_443] {strides = array<i32>} : memref<64x768xf32, #tpu.memory_space<vmem>>, vector<1x16xf32>,
      %get3A_445 = vector.shape_cast %get3A_444 : vector<1x16xf32> to vector<16xf32>
      %mul3A_446 = arith.mulf %gather3A_133, %get3A_445 : vector<16xf32>
      %add3A_447 = arith.addf %mul3A_441, %mul3A_446 : vector<16xf32>
      %swap3A_448 = arith.index_cast %scan3A_97 : i32 to index
      %swap3A_449 = arith.constant 304 : index
      %swap3A_450 = tpu.vector_load %arg10[%swap3A_448, %swap3A_449] {strides = array<i32>} : memref<64x768xf32, #tpu.memory_space<vmem>>, vector<1x16xf32>,
      %swap3A_451 = vector.shape_cast %swap3A_450 : vector<1x16xf32> to vector<16xf32>
      %swap3A_452 = vector.shape_cast %add3A_447 : vector<16xf32> to vector<1x16xf32>
      tpu.vector_store %arg10[%swap3A_448, %swap3A_449], %swap3A_452 {strides = array<i32>} : memref<64x768xf32, #tpu.memory_space<vmem>>, vector<1x16xf32>,
      %get3A_453 = arith.index_cast %scan3A_97 : i32 to index
      %get3A_454 = arith.constant 320 : index
      %get3A_455 = tpu.vector_load %arg10[%get3A_453, %get3A_454] {strides = array<i32>} : memref<64x768xf32, #tpu.memory_space<vmem>>, vector<1x16xf32>,
      %get3A_456 = vector.shape_cast %get3A_455 : vector<1x16xf32> to vector<16xf32>
      %mul3A_457 = arith.mulf %gather3A_131, %get3A_456 : vector<16xf32>
      %get3A_458 = arith.index_cast %scan3A_97 : i32 to index
      %get3A_459 = arith.constant 320 : index
      %get3A_460 = tpu.vector_load %arg11[%get3A_458, %get3A_459] {strides = array<i32>} : memref<64x768xf32, #tpu.memory_space<vmem>>, vector<1x16xf32>,
      %get3A_461 = vector.shape_cast %get3A_460 : vector<1x16xf32> to vector<16xf32>
      %mul3A_462 = arith.mulf %gather3A_133, %get3A_461 : vector<16xf32>
      %add3A_463 = arith.addf %mul3A_457, %mul3A_462 : vector<16xf32>
      %swap3A_464 = arith.index_cast %scan3A_97 : i32 to index
      %swap3A_465 = arith.constant 320 : index
      %swap3A_466 = tpu.vector_load %arg10[%swap3A_464, %swap3A_465] {strides = array<i32>} : memref<64x768xf32, #tpu.memory_space<vmem>>, vector<1x16xf32>,
      %swap3A_467 = vector.shape_cast %swap3A_466 : vector<1x16xf32> to vector<16xf32>
      %swap3A_468 = vector.shape_cast %add3A_463 : vector<16xf32> to vector<1x16xf32>
      tpu.vector_store %arg10[%swap3A_464, %swap3A_465], %swap3A_468 {strides = array<i32>} : memref<64x768xf32, #tpu.memory_space<vmem>>, vector<1x16xf32>,
      %get3A_469 = arith.index_cast %scan3A_97 : i32 to index
      %get3A_470 = arith.constant 336 : index
      %get3A_471 = tpu.vector_load %arg10[%get3A_469, %get3A_470] {strides = array<i32>} : memref<64x768xf32, #tpu.memory_space<vmem>>, vector<1x16xf32>,
      %get3A_472 = vector.shape_cast %get3A_471 : vector<1x16xf32> to vector<16xf32>
      %mul3A_473 = arith.mulf %gather3A_131, %get3A_472 : vector<16xf32>
      %get3A_474 = arith.index_cast %scan3A_97 : i32 to index
      %get3A_475 = arith.constant 336 : index
      %get3A_476 = tpu.vector_load %arg11[%get3A_474, %get3A_475] {strides = array<i32>} : memref<64x768xf32, #tpu.memory_space<vmem>>, vector<1x16xf32>,
      %get3A_477 = vector.shape_cast %get3A_476 : vector<1x16xf32> to vector<16xf32>
      %mul3A_478 = arith.mulf %gather3A_133, %get3A_477 : vector<16xf32>
      %add3A_479 = arith.addf %mul3A_473, %mul3A_478 : vector<16xf32>
      %swap3A_480 = arith.index_cast %scan3A_97 : i32 to index
      %swap3A_481 = arith.constant 336 : index
      %swap3A_482 = tpu.vector_load %arg10[%swap3A_480, %swap3A_481] {strides = array<i32>} : memref<64x768xf32, #tpu.memory_space<vmem>>, vector<1x16xf32>,
      %swap3A_483 = vector.shape_cast %swap3A_482 : vector<1x16xf32> to vector<16xf32>
      %swap3A_484 = vector.shape_cast %add3A_479 : vector<16xf32> to vector<1x16xf32>
      tpu.vector_store %arg10[%swap3A_480, %swap3A_481], %swap3A_484 {strides = array<i32>} : memref<64x768xf32, #tpu.memory_space<vmem>>, vector<1x16xf32>,
      %get3A_485 = arith.index_cast %scan3A_97 : i32 to index
      %get3A_486 = arith.constant 352 : index
      %get3A_487 = tpu.vector_load %arg10[%get3A_485, %get3A_486] {strides = array<i32>} : memref<64x768xf32, #tpu.memory_space<vmem>>, vector<1x16xf32>,
      %get3A_488 = vector.shape_cast %get3A_487 : vector<1x16xf32> to vector<16xf32>
      %mul3A_489 = arith.mulf %gather3A_131, %get3A_488 : vector<16xf32>
      %get3A_490 = arith.index_cast %scan3A_97 : i32 to index
      %get3A_491 = arith.constant 352 : index
      %get3A_492 = tpu.vector_load %arg11[%get3A_490, %get3A_491] {strides = array<i32>} : memref<64x768xf32, #tpu.memory_space<vmem>>, vector<1x16xf32>,
      %get3A_493 = vector.shape_cast %get3A_492 : vector<1x16xf32> to vector<16xf32>
      %mul3A_494 = arith.mulf %gather3A_133, %get3A_493 : vector<16xf32>
      %add3A_495 = arith.addf %mul3A_489, %mul3A_494 : vector<16xf32>
      %swap3A_496 = arith.index_cast %scan3A_97 : i32 to index
      %swap3A_497 = arith.constant 352 : index
      %swap3A_498 = tpu.vector_load %arg10[%swap3A_496, %swap3A_497] {strides = array<i32>} : memref<64x768xf32, #tpu.memory_space<vmem>>, vector<1x16xf32>,
      %swap3A_499 = vector.shape_cast %swap3A_498 : vector<1x16xf32> to vector<16xf32>
      %swap3A_500 = vector.shape_cast %add3A_495 : vector<16xf32> to vector<1x16xf32>
      tpu.vector_store %arg10[%swap3A_496, %swap3A_497], %swap3A_500 {strides = array<i32>} : memref<64x768xf32, #tpu.memory_space<vmem>>, vector<1x16xf32>,
      %get3A_501 = arith.index_cast %scan3A_97 : i32 to index
      %get3A_502 = arith.constant 368 : index
      %get3A_503 = tpu.vector_load %arg10[%get3A_501, %get3A_502] {strides = array<i32>} : memref<64x768xf32, #tpu.memory_space<vmem>>, vector<1x16xf32>,
      %get3A_504 = vector.shape_cast %get3A_503 : vector<1x16xf32> to vector<16xf32>
      %mul3A_505 = arith.mulf %gather3A_131, %get3A_504 : vector<16xf32>
      %get3A_506 = arith.index_cast %scan3A_97 : i32 to index
      %get3A_507 = arith.constant 368 : index
      %get3A_508 = tpu.vector_load %arg11[%get3A_506, %get3A_507] {strides = array<i32>} : memref<64x768xf32, #tpu.memory_space<vmem>>, vector<1x16xf32>,
      %get3A_509 = vector.shape_cast %get3A_508 : vector<1x16xf32> to vector<16xf32>
      %mul3A_510 = arith.mulf %gather3A_133, %get3A_509 : vector<16xf32>
      %add3A_511 = arith.addf %mul3A_505, %mul3A_510 : vector<16xf32>
      %swap3A_512 = arith.index_cast %scan3A_97 : i32 to index
      %swap3A_513 = arith.constant 368 : index
      %swap3A_514 = tpu.vector_load %arg10[%swap3A_512, %swap3A_513] {strides = array<i32>} : memref<64x768xf32, #tpu.memory_space<vmem>>, vector<1x16xf32>,
      %swap3A_515 = vector.shape_cast %swap3A_514 : vector<1x16xf32> to vector<16xf32>
      %swap3A_516 = vector.shape_cast %add3A_511 : vector<16xf32> to vector<1x16xf32>
      tpu.vector_store %arg10[%swap3A_512, %swap3A_513], %swap3A_516 {strides = array<i32>} : memref<64x768xf32, #tpu.memory_space<vmem>>, vector<1x16xf32>,
      %get3A_517 = arith.index_cast %scan3A_97 : i32 to index
      %get3A_518 = arith.constant 384 : index
      %get3A_519 = tpu.vector_load %arg10[%get3A_517, %get3A_518] {strides = array<i32>} : memref<64x768xf32, #tpu.memory_space<vmem>>, vector<1x16xf32>,
      %get3A_520 = vector.shape_cast %get3A_519 : vector<1x16xf32> to vector<16xf32>
      %mul3A_521 = arith.mulf %gather3A_131, %get3A_520 : vector<16xf32>
      %get3A_522 = arith.index_cast %scan3A_97 : i32 to index
      %get3A_523 = arith.constant 384 : index
      %get3A_524 = tpu.vector_load %arg11[%get3A_522, %get3A_523] {strides = array<i32>} : memref<64x768xf32, #tpu.memory_space<vmem>>, vector<1x16xf32>,
      %get3A_525 = vector.shape_cast %get3A_524 : vector<1x16xf32> to vector<16xf32>
      %mul3A_526 = arith.mulf %gather3A_133, %get3A_525 : vector<16xf32>
      %add3A_527 = arith.addf %mul3A_521, %mul3A_526 : vector<16xf32>
      %swap3A_528 = arith.index_cast %scan3A_97 : i32 to index
      %swap3A_529 = arith.constant 384 : index
      %swap3A_530 = tpu.vector_load %arg10[%swap3A_528, %swap3A_529] {strides = array<i32>} : memref<64x768xf32, #tpu.memory_space<vmem>>, vector<1x16xf32>,
      %swap3A_531 = vector.shape_cast %swap3A_530 : vector<1x16xf32> to vector<16xf32>
      %swap3A_532 = vector.shape_cast %add3A_527 : vector<16xf32> to vector<1x16xf32>
      tpu.vector_store %arg10[%swap3A_528, %swap3A_529], %swap3A_532 {strides = array<i32>} : memref<64x768xf32, #tpu.memory_space<vmem>>, vector<1x16xf32>,
      %get3A_533 = arith.index_cast %scan3A_97 : i32 to index
      %get3A_534 = arith.constant 400 : index
      %get3A_535 = tpu.vector_load %arg10[%get3A_533, %get3A_534] {strides = array<i32>} : memref<64x768xf32, #tpu.memory_space<vmem>>, vector<1x16xf32>,
      %get3A_536 = vector.shape_cast %get3A_535 : vector<1x16xf32> to vector<16xf32>
      %mul3A_537 = arith.mulf %gather3A_131, %get3A_536 : vector<16xf32>
      %get3A_538 = arith.index_cast %scan3A_97 : i32 to index
      %get3A_539 = arith.constant 400 : index
      %get3A_540 = tpu.vector_load %arg11[%get3A_538, %get3A_539] {strides = array<i32>} : memref<64x768xf32, #tpu.memory_space<vmem>>, vector<1x16xf32>,
      %get3A_541 = vector.shape_cast %get3A_540 : vector<1x16xf32> to vector<16xf32>
      %mul3A_542 = arith.mulf %gather3A_133, %get3A_541 : vector<16xf32>
      %add3A_543 = arith.addf %mul3A_537, %mul3A_542 : vector<16xf32>
      %swap3A_544 = arith.index_cast %scan3A_97 : i32 to index
      %swap3A_545 = arith.constant 400 : index
      %swap3A_546 = tpu.vector_load %arg10[%swap3A_544, %swap3A_545] {strides = array<i32>} : memref<64x768xf32, #tpu.memory_space<vmem>>, vector<1x16xf32>,
      %swap3A_547 = vector.shape_cast %swap3A_546 : vector<1x16xf32> to vector<16xf32>
      %swap3A_548 = vector.shape_cast %add3A_543 : vector<16xf32> to vector<1x16xf32>
      tpu.vector_store %arg10[%swap3A_544, %swap3A_545], %swap3A_548 {strides = array<i32>} : memref<64x768xf32, #tpu.memory_space<vmem>>, vector<1x16xf32>,
      %get3A_549 = arith.index_cast %scan3A_97 : i32 to index
      %get3A_550 = arith.constant 416 : index
      %get3A_551 = tpu.vector_load %arg10[%get3A_549, %get3A_550] {strides = array<i32>} : memref<64x768xf32, #tpu.memory_space<vmem>>, vector<1x16xf32>,
      %get3A_552 = vector.shape_cast %get3A_551 : vector<1x16xf32> to vector<16xf32>
      %mul3A_553 = arith.mulf %gather3A_131, %get3A_552 : vector<16xf32>
      %get3A_554 = arith.index_cast %scan3A_97 : i32 to index
      %get3A_555 = arith.constant 416 : index
      %get3A_556 = tpu.vector_load %arg11[%get3A_554, %get3A_555] {strides = array<i32>} : memref<64x768xf32, #tpu.memory_space<vmem>>, vector<1x16xf32>,
      %get3A_557 = vector.shape_cast %get3A_556 : vector<1x16xf32> to vector<16xf32>
      %mul3A_558 = arith.mulf %gather3A_133, %get3A_557 : vector<16xf32>
      %add3A_559 = arith.addf %mul3A_553, %mul3A_558 : vector<16xf32>
      %swap3A_560 = arith.index_cast %scan3A_97 : i32 to index
      %swap3A_561 = arith.constant 416 : index
      %swap3A_562 = tpu.vector_load %arg10[%swap3A_560, %swap3A_561] {strides = array<i32>} : memref<64x768xf32, #tpu.memory_space<vmem>>, vector<1x16xf32>,
      %swap3A_563 = vector.shape_cast %swap3A_562 : vector<1x16xf32> to vector<16xf32>
      %swap3A_564 = vector.shape_cast %add3A_559 : vector<16xf32> to vector<1x16xf32>
      tpu.vector_store %arg10[%swap3A_560, %swap3A_561], %swap3A_564 {strides = array<i32>} : memref<64x768xf32, #tpu.memory_space<vmem>>, vector<1x16xf32>,
      %get3A_565 = arith.index_cast %scan3A_97 : i32 to index
      %get3A_566 = arith.constant 432 : index
      %get3A_567 = tpu.vector_load %arg10[%get3A_565, %get3A_566] {strides = array<i32>} : memref<64x768xf32, #tpu.memory_space<vmem>>, vector<1x16xf32>,
      %get3A_568 = vector.shape_cast %get3A_567 : vector<1x16xf32> to vector<16xf32>
      %mul3A_569 = arith.mulf %gather3A_131, %get3A_568 : vector<16xf32>
      %get3A_570 = arith.index_cast %scan3A_97 : i32 to index
      %get3A_571 = arith.constant 432 : index
      %get3A_572 = tpu.vector_load %arg11[%get3A_570, %get3A_571] {strides = array<i32>} : memref<64x768xf32, #tpu.memory_space<vmem>>, vector<1x16xf32>,
      %get3A_573 = vector.shape_cast %get3A_572 : vector<1x16xf32> to vector<16xf32>
      %mul3A_574 = arith.mulf %gather3A_133, %get3A_573 : vector<16xf32>
      %add3A_575 = arith.addf %mul3A_569, %mul3A_574 : vector<16xf32>
      %swap3A_576 = arith.index_cast %scan3A_97 : i32 to index
      %swap3A_577 = arith.constant 432 : index
      %swap3A_578 = tpu.vector_load %arg10[%swap3A_576, %swap3A_577] {strides = array<i32>} : memref<64x768xf32, #tpu.memory_space<vmem>>, vector<1x16xf32>,
      %swap3A_579 = vector.shape_cast %swap3A_578 : vector<1x16xf32> to vector<16xf32>
      %swap3A_580 = vector.shape_cast %add3A_575 : vector<16xf32> to vector<1x16xf32>
      tpu.vector_store %arg10[%swap3A_576, %swap3A_577], %swap3A_580 {strides = array<i32>} : memref<64x768xf32, #tpu.memory_space<vmem>>, vector<1x16xf32>,
      %get3A_581 = arith.index_cast %scan3A_97 : i32 to index
      %get3A_582 = arith.constant 448 : index
      %get3A_583 = tpu.vector_load %arg10[%get3A_581, %get3A_582] {strides = array<i32>} : memref<64x768xf32, #tpu.memory_space<vmem>>, vector<1x16xf32>,
      %get3A_584 = vector.shape_cast %get3A_583 : vector<1x16xf32> to vector<16xf32>
      %mul3A_585 = arith.mulf %gather3A_131, %get3A_584 : vector<16xf32>
      %get3A_586 = arith.index_cast %scan3A_97 : i32 to index
      %get3A_587 = arith.constant 448 : index
      %get3A_588 = tpu.vector_load %arg11[%get3A_586, %get3A_587] {strides = array<i32>} : memref<64x768xf32, #tpu.memory_space<vmem>>, vector<1x16xf32>,
      %get3A_589 = vector.shape_cast %get3A_588 : vector<1x16xf32> to vector<16xf32>
      %mul3A_590 = arith.mulf %gather3A_133, %get3A_589 : vector<16xf32>
      %add3A_591 = arith.addf %mul3A_585, %mul3A_590 : vector<16xf32>
      %swap3A_592 = arith.index_cast %scan3A_97 : i32 to index
      %swap3A_593 = arith.constant 448 : index
      %swap3A_594 = tpu.vector_load %arg10[%swap3A_592, %swap3A_593] {strides = array<i32>} : memref<64x768xf32, #tpu.memory_space<vmem>>, vector<1x16xf32>,
      %swap3A_595 = vector.shape_cast %swap3A_594 : vector<1x16xf32> to vector<16xf32>
      %swap3A_596 = vector.shape_cast %add3A_591 : vector<16xf32> to vector<1x16xf32>
      tpu.vector_store %arg10[%swap3A_592, %swap3A_593], %swap3A_596 {strides = array<i32>} : memref<64x768xf32, #tpu.memory_space<vmem>>, vector<1x16xf32>,
      %get3A_597 = arith.index_cast %scan3A_97 : i32 to index
      %get3A_598 = arith.constant 464 : index
      %get3A_599 = tpu.vector_load %arg10[%get3A_597, %get3A_598] {strides = array<i32>} : memref<64x768xf32, #tpu.memory_space<vmem>>, vector<1x16xf32>,
      %get3A_600 = vector.shape_cast %get3A_599 : vector<1x16xf32> to vector<16xf32>
      %mul3A_601 = arith.mulf %gather3A_131, %get3A_600 : vector<16xf32>
      %get3A_602 = arith.index_cast %scan3A_97 : i32 to index
      %get3A_603 = arith.constant 464 : index
      %get3A_604 = tpu.vector_load %arg11[%get3A_602, %get3A_603] {strides = array<i32>} : memref<64x768xf32, #tpu.memory_space<vmem>>, vector<1x16xf32>,
      %get3A_605 = vector.shape_cast %get3A_604 : vector<1x16xf32> to vector<16xf32>
      %mul3A_606 = arith.mulf %gather3A_133, %get3A_605 : vector<16xf32>
      %add3A_607 = arith.addf %mul3A_601, %mul3A_606 : vector<16xf32>
      %swap3A_608 = arith.index_cast %scan3A_97 : i32 to index
      %swap3A_609 = arith.constant 464 : index
      %swap3A_610 = tpu.vector_load %arg10[%swap3A_608, %swap3A_609] {strides = array<i32>} : memref<64x768xf32, #tpu.memory_space<vmem>>, vector<1x16xf32>,
      %swap3A_611 = vector.shape_cast %swap3A_610 : vector<1x16xf32> to vector<16xf32>
      %swap3A_612 = vector.shape_cast %add3A_607 : vector<16xf32> to vector<1x16xf32>
      tpu.vector_store %arg10[%swap3A_608, %swap3A_609], %swap3A_612 {strides = array<i32>} : memref<64x768xf32, #tpu.memory_space<vmem>>, vector<1x16xf32>,
      %get3A_613 = arith.index_cast %scan3A_97 : i32 to index
      %get3A_614 = arith.constant 480 : index
      %get3A_615 = tpu.vector_load %arg10[%get3A_613, %get3A_614] {strides = array<i32>} : memref<64x768xf32, #tpu.memory_space<vmem>>, vector<1x16xf32>,
      %get3A_616 = vector.shape_cast %get3A_615 : vector<1x16xf32> to vector<16xf32>
      %mul3A_617 = arith.mulf %gather3A_131, %get3A_616 : vector<16xf32>
      %get3A_618 = arith.index_cast %scan3A_97 : i32 to index
      %get3A_619 = arith.constant 480 : index
      %get3A_620 = tpu.vector_load %arg11[%get3A_618, %get3A_619] {strides = array<i32>} : memref<64x768xf32, #tpu.memory_space<vmem>>, vector<1x16xf32>,
      %get3A_621 = vector.shape_cast %get3A_620 : vector<1x16xf32> to vector<16xf32>
      %mul3A_622 = arith.mulf %gather3A_133, %get3A_621 : vector<16xf32>
      %add3A_623 = arith.addf %mul3A_617, %mul3A_622 : vector<16xf32>
      %swap3A_624 = arith.index_cast %scan3A_97 : i32 to index
      %swap3A_625 = arith.constant 480 : index
      %swap3A_626 = tpu.vector_load %arg10[%swap3A_624, %swap3A_625] {strides = array<i32>} : memref<64x768xf32, #tpu.memory_space<vmem>>, vector<1x16xf32>,
      %swap3A_627 = vector.shape_cast %swap3A_626 : vector<1x16xf32> to vector<16xf32>
      %swap3A_628 = vector.shape_cast %add3A_623 : vector<16xf32> to vector<1x16xf32>
      tpu.vector_store %arg10[%swap3A_624, %swap3A_625], %swap3A_628 {strides = array<i32>} : memref<64x768xf32, #tpu.memory_space<vmem>>, vector<1x16xf32>,
      %get3A_629 = arith.index_cast %scan3A_97 : i32 to index
      %get3A_630 = arith.constant 496 : index
      %get3A_631 = tpu.vector_load %arg10[%get3A_629, %get3A_630] {strides = array<i32>} : memref<64x768xf32, #tpu.memory_space<vmem>>, vector<1x16xf32>,
      %get3A_632 = vector.shape_cast %get3A_631 : vector<1x16xf32> to vector<16xf32>
      %mul3A_633 = arith.mulf %gather3A_131, %get3A_632 : vector<16xf32>
      %get3A_634 = arith.index_cast %scan3A_97 : i32 to index
      %get3A_635 = arith.constant 496 : index
      %get3A_636 = tpu.vector_load %arg11[%get3A_634, %get3A_635] {strides = array<i32>} : memref<64x768xf32, #tpu.memory_space<vmem>>, vector<1x16xf32>,
      %get3A_637 = vector.shape_cast %get3A_636 : vector<1x16xf32> to vector<16xf32>
      %mul3A_638 = arith.mulf %gather3A_133, %get3A_637 : vector<16xf32>
      %add3A_639 = arith.addf %mul3A_633, %mul3A_638 : vector<16xf32>
      %swap3A_640 = arith.index_cast %scan3A_97 : i32 to index
      %swap3A_641 = arith.constant 496 : index
      %swap3A_642 = tpu.vector_load %arg10[%swap3A_640, %swap3A_641] {strides = array<i32>} : memref<64x768xf32, #tpu.memory_space<vmem>>, vector<1x16xf32>,
      %swap3A_643 = vector.shape_cast %swap3A_642 : vector<1x16xf32> to vector<16xf32>
      %swap3A_644 = vector.shape_cast %add3A_639 : vector<16xf32> to vector<1x16xf32>
      tpu.vector_store %arg10[%swap3A_640, %swap3A_641], %swap3A_644 {strides = array<i32>} : memref<64x768xf32, #tpu.memory_space<vmem>>, vector<1x16xf32>,
      %get3A_645 = arith.index_cast %scan3A_97 : i32 to index
      %get3A_646 = arith.constant 512 : index
      %get3A_647 = tpu.vector_load %arg10[%get3A_645, %get3A_646] {strides = array<i32>} : memref<64x768xf32, #tpu.memory_space<vmem>>, vector<1x16xf32>,
      %get3A_648 = vector.shape_cast %get3A_647 : vector<1x16xf32> to vector<16xf32>
      %mul3A_649 = arith.mulf %gather3A_131, %get3A_648 : vector<16xf32>
      %get3A_650 = arith.index_cast %scan3A_97 : i32 to index
      %get3A_651 = arith.constant 512 : index
      %get3A_652 = tpu.vector_load %arg11[%get3A_650, %get3A_651] {strides = array<i32>} : memref<64x768xf32, #tpu.memory_space<vmem>>, vector<1x16xf32>,
      %get3A_653 = vector.shape_cast %get3A_652 : vector<1x16xf32> to vector<16xf32>
      %mul3A_654 = arith.mulf %gather3A_133, %get3A_653 : vector<16xf32>
      %add3A_655 = arith.addf %mul3A_649, %mul3A_654 : vector<16xf32>
      %swap3A_656 = arith.index_cast %scan3A_97 : i32 to index
      %swap3A_657 = arith.constant 512 : index
      %swap3A_658 = tpu.vector_load %arg10[%swap3A_656, %swap3A_657] {strides = array<i32>} : memref<64x768xf32, #tpu.memory_space<vmem>>, vector<1x16xf32>,
      %swap3A_659 = vector.shape_cast %swap3A_658 : vector<1x16xf32> to vector<16xf32>
      %swap3A_660 = vector.shape_cast %add3A_655 : vector<16xf32> to vector<1x16xf32>
      tpu.vector_store %arg10[%swap3A_656, %swap3A_657], %swap3A_660 {strides = array<i32>} : memref<64x768xf32, #tpu.memory_space<vmem>>, vector<1x16xf32>,
      %get3A_661 = arith.index_cast %scan3A_97 : i32 to index
      %get3A_662 = arith.constant 528 : index
      %get3A_663 = tpu.vector_load %arg10[%get3A_661, %get3A_662] {strides = array<i32>} : memref<64x768xf32, #tpu.memory_space<vmem>>, vector<1x16xf32>,
      %get3A_664 = vector.shape_cast %get3A_663 : vector<1x16xf32> to vector<16xf32>
      %mul3A_665 = arith.mulf %gather3A_131, %get3A_664 : vector<16xf32>
      %get3A_666 = arith.index_cast %scan3A_97 : i32 to index
      %get3A_667 = arith.constant 528 : index
      %get3A_668 = tpu.vector_load %arg11[%get3A_666, %get3A_667] {strides = array<i32>} : memref<64x768xf32, #tpu.memory_space<vmem>>, vector<1x16xf32>,
      %get3A_669 = vector.shape_cast %get3A_668 : vector<1x16xf32> to vector<16xf32>
      %mul3A_670 = arith.mulf %gather3A_133, %get3A_669 : vector<16xf32>
      %add3A_671 = arith.addf %mul3A_665, %mul3A_670 : vector<16xf32>
      %swap3A_672 = arith.index_cast %scan3A_97 : i32 to index
      %swap3A_673 = arith.constant 528 : index
      %swap3A_674 = tpu.vector_load %arg10[%swap3A_672, %swap3A_673] {strides = array<i32>} : memref<64x768xf32, #tpu.memory_space<vmem>>, vector<1x16xf32>,
      %swap3A_675 = vector.shape_cast %swap3A_674 : vector<1x16xf32> to vector<16xf32>
      %swap3A_676 = vector.shape_cast %add3A_671 : vector<16xf32> to vector<1x16xf32>
      tpu.vector_store %arg10[%swap3A_672, %swap3A_673], %swap3A_676 {strides = array<i32>} : memref<64x768xf32, #tpu.memory_space<vmem>>, vector<1x16xf32>,
      %get3A_677 = arith.index_cast %scan3A_97 : i32 to index
      %get3A_678 = arith.constant 544 : index
      %get3A_679 = tpu.vector_load %arg10[%get3A_677, %get3A_678] {strides = array<i32>} : memref<64x768xf32, #tpu.memory_space<vmem>>, vector<1x16xf32>,
      %get3A_680 = vector.shape_cast %get3A_679 : vector<1x16xf32> to vector<16xf32>
      %mul3A_681 = arith.mulf %gather3A_131, %get3A_680 : vector<16xf32>
      %get3A_682 = arith.index_cast %scan3A_97 : i32 to index
      %get3A_683 = arith.constant 544 : index
      %get3A_684 = tpu.vector_load %arg11[%get3A_682, %get3A_683] {strides = array<i32>} : memref<64x768xf32, #tpu.memory_space<vmem>>, vector<1x16xf32>,
      %get3A_685 = vector.shape_cast %get3A_684 : vector<1x16xf32> to vector<16xf32>
      %mul3A_686 = arith.mulf %gather3A_133, %get3A_685 : vector<16xf32>
      %add3A_687 = arith.addf %mul3A_681, %mul3A_686 : vector<16xf32>
      %swap3A_688 = arith.index_cast %scan3A_97 : i32 to index
      %swap3A_689 = arith.constant 544 : index
      %swap3A_690 = tpu.vector_load %arg10[%swap3A_688, %swap3A_689] {strides = array<i32>} : memref<64x768xf32, #tpu.memory_space<vmem>>, vector<1x16xf32>,
      %swap3A_691 = vector.shape_cast %swap3A_690 : vector<1x16xf32> to vector<16xf32>
      %swap3A_692 = vector.shape_cast %add3A_687 : vector<16xf32> to vector<1x16xf32>
      tpu.vector_store %arg10[%swap3A_688, %swap3A_689], %swap3A_692 {strides = array<i32>} : memref<64x768xf32, #tpu.memory_space<vmem>>, vector<1x16xf32>,
      %get3A_693 = arith.index_cast %scan3A_97 : i32 to index
      %get3A_694 = arith.constant 560 : index
      %get3A_695 = tpu.vector_load %arg10[%get3A_693, %get3A_694] {strides = array<i32>} : memref<64x768xf32, #tpu.memory_space<vmem>>, vector<1x16xf32>,
      %get3A_696 = vector.shape_cast %get3A_695 : vector<1x16xf32> to vector<16xf32>
      %mul3A_697 = arith.mulf %gather3A_131, %get3A_696 : vector<16xf32>
      %get3A_698 = arith.index_cast %scan3A_97 : i32 to index
      %get3A_699 = arith.constant 560 : index
      %get3A_700 = tpu.vector_load %arg11[%get3A_698, %get3A_699] {strides = array<i32>} : memref<64x768xf32, #tpu.memory_space<vmem>>, vector<1x16xf32>,
      %get3A_701 = vector.shape_cast %get3A_700 : vector<1x16xf32> to vector<16xf32>
      %mul3A_702 = arith.mulf %gather3A_133, %get3A_701 : vector<16xf32>
      %add3A_703 = arith.addf %mul3A_697, %mul3A_702 : vector<16xf32>
      %swap3A_704 = arith.index_cast %scan3A_97 : i32 to index
      %swap3A_705 = arith.constant 560 : index
      %swap3A_706 = tpu.vector_load %arg10[%swap3A_704, %swap3A_705] {strides = array<i32>} : memref<64x768xf32, #tpu.memory_space<vmem>>, vector<1x16xf32>,
      %swap3A_707 = vector.shape_cast %swap3A_706 : vector<1x16xf32> to vector<16xf32>
      %swap3A_708 = vector.shape_cast %add3A_703 : vector<16xf32> to vector<1x16xf32>
      tpu.vector_store %arg10[%swap3A_704, %swap3A_705], %swap3A_708 {strides = array<i32>} : memref<64x768xf32, #tpu.memory_space<vmem>>, vector<1x16xf32>,
      %get3A_709 = arith.index_cast %scan3A_97 : i32 to index
      %get3A_710 = arith.constant 576 : index
      %get3A_711 = tpu.vector_load %arg10[%get3A_709, %get3A_710] {strides = array<i32>} : memref<64x768xf32, #tpu.memory_space<vmem>>, vector<1x16xf32>,
      %get3A_712 = vector.shape_cast %get3A_711 : vector<1x16xf32> to vector<16xf32>
      %mul3A_713 = arith.mulf %gather3A_131, %get3A_712 : vector<16xf32>
      %get3A_714 = arith.index_cast %scan3A_97 : i32 to index
      %get3A_715 = arith.constant 576 : index
      %get3A_716 = tpu.vector_load %arg11[%get3A_714, %get3A_715] {strides = array<i32>} : memref<64x768xf32, #tpu.memory_space<vmem>>, vector<1x16xf32>,
      %get3A_717 = vector.shape_cast %get3A_716 : vector<1x16xf32> to vector<16xf32>
      %mul3A_718 = arith.mulf %gather3A_133, %get3A_717 : vector<16xf32>
      %add3A_719 = arith.addf %mul3A_713, %mul3A_718 : vector<16xf32>
      %swap3A_720 = arith.index_cast %scan3A_97 : i32 to index
      %swap3A_721 = arith.constant 576 : index
      %swap3A_722 = tpu.vector_load %arg10[%swap3A_720, %swap3A_721] {strides = array<i32>} : memref<64x768xf32, #tpu.memory_space<vmem>>, vector<1x16xf32>,
      %swap3A_723 = vector.shape_cast %swap3A_722 : vector<1x16xf32> to vector<16xf32>
      %swap3A_724 = vector.shape_cast %add3A_719 : vector<16xf32> to vector<1x16xf32>
      tpu.vector_store %arg10[%swap3A_720, %swap3A_721], %swap3A_724 {strides = array<i32>} : memref<64x768xf32, #tpu.memory_space<vmem>>, vector<1x16xf32>,
      %get3A_725 = arith.index_cast %scan3A_97 : i32 to index
      %get3A_726 = arith.constant 592 : index
      %get3A_727 = tpu.vector_load %arg10[%get3A_725, %get3A_726] {strides = array<i32>} : memref<64x768xf32, #tpu.memory_space<vmem>>, vector<1x16xf32>,
      %get3A_728 = vector.shape_cast %get3A_727 : vector<1x16xf32> to vector<16xf32>
      %mul3A_729 = arith.mulf %gather3A_131, %get3A_728 : vector<16xf32>
      %get3A_730 = arith.index_cast %scan3A_97 : i32 to index
      %get3A_731 = arith.constant 592 : index
      %get3A_732 = tpu.vector_load %arg11[%get3A_730, %get3A_731] {strides = array<i32>} : memref<64x768xf32, #tpu.memory_space<vmem>>, vector<1x16xf32>,
      %get3A_733 = vector.shape_cast %get3A_732 : vector<1x16xf32> to vector<16xf32>
      %mul3A_734 = arith.mulf %gather3A_133, %get3A_733 : vector<16xf32>
      %add3A_735 = arith.addf %mul3A_729, %mul3A_734 : vector<16xf32>
      %swap3A_736 = arith.index_cast %scan3A_97 : i32 to index
      %swap3A_737 = arith.constant 592 : index
      %swap3A_738 = tpu.vector_load %arg10[%swap3A_736, %swap3A_737] {strides = array<i32>} : memref<64x768xf32, #tpu.memory_space<vmem>>, vector<1x16xf32>,
      %swap3A_739 = vector.shape_cast %swap3A_738 : vector<1x16xf32> to vector<16xf32>
      %swap3A_740 = vector.shape_cast %add3A_735 : vector<16xf32> to vector<1x16xf32>
      tpu.vector_store %arg10[%swap3A_736, %swap3A_737], %swap3A_740 {strides = array<i32>} : memref<64x768xf32, #tpu.memory_space<vmem>>, vector<1x16xf32>,
      %get3A_741 = arith.index_cast %scan3A_97 : i32 to index
      %get3A_742 = arith.constant 608 : index
      %get3A_743 = tpu.vector_load %arg10[%get3A_741, %get3A_742] {strides = array<i32>} : memref<64x768xf32, #tpu.memory_space<vmem>>, vector<1x16xf32>,
      %get3A_744 = vector.shape_cast %get3A_743 : vector<1x16xf32> to vector<16xf32>
      %mul3A_745 = arith.mulf %gather3A_131, %get3A_744 : vector<16xf32>
      %get3A_746 = arith.index_cast %scan3A_97 : i32 to index
      %get3A_747 = arith.constant 608 : index
      %get3A_748 = tpu.vector_load %arg11[%get3A_746, %get3A_747] {strides = array<i32>} : memref<64x768xf32, #tpu.memory_space<vmem>>, vector<1x16xf32>,
      %get3A_749 = vector.shape_cast %get3A_748 : vector<1x16xf32> to vector<16xf32>
      %mul3A_750 = arith.mulf %gather3A_133, %get3A_749 : vector<16xf32>
      %add3A_751 = arith.addf %mul3A_745, %mul3A_750 : vector<16xf32>
      %swap3A_752 = arith.index_cast %scan3A_97 : i32 to index
      %swap3A_753 = arith.constant 608 : index
      %swap3A_754 = tpu.vector_load %arg10[%swap3A_752, %swap3A_753] {strides = array<i32>} : memref<64x768xf32, #tpu.memory_space<vmem>>, vector<1x16xf32>,
      %swap3A_755 = vector.shape_cast %swap3A_754 : vector<1x16xf32> to vector<16xf32>
      %swap3A_756 = vector.shape_cast %add3A_751 : vector<16xf32> to vector<1x16xf32>
      tpu.vector_store %arg10[%swap3A_752, %swap3A_753], %swap3A_756 {strides = array<i32>} : memref<64x768xf32, #tpu.memory_space<vmem>>, vector<1x16xf32>,
      %get3A_757 = arith.index_cast %scan3A_97 : i32 to index
      %get3A_758 = arith.constant 624 : index
      %get3A_759 = tpu.vector_load %arg10[%get3A_757, %get3A_758] {strides = array<i32>} : memref<64x768xf32, #tpu.memory_space<vmem>>, vector<1x16xf32>,
      %get3A_760 = vector.shape_cast %get3A_759 : vector<1x16xf32> to vector<16xf32>
      %mul3A_761 = arith.mulf %gather3A_131, %get3A_760 : vector<16xf32>
      %get3A_762 = arith.index_cast %scan3A_97 : i32 to index
      %get3A_763 = arith.constant 624 : index
      %get3A_764 = tpu.vector_load %arg11[%get3A_762, %get3A_763] {strides = array<i32>} : memref<64x768xf32, #tpu.memory_space<vmem>>, vector<1x16xf32>,
      %get3A_765 = vector.shape_cast %get3A_764 : vector<1x16xf32> to vector<16xf32>
      %mul3A_766 = arith.mulf %gather3A_133, %get3A_765 : vector<16xf32>
      %add3A_767 = arith.addf %mul3A_761, %mul3A_766 : vector<16xf32>
      %swap3A_768 = arith.index_cast %scan3A_97 : i32 to index
      %swap3A_769 = arith.constant 624 : index
      %swap3A_770 = tpu.vector_load %arg10[%swap3A_768, %swap3A_769] {strides = array<i32>} : memref<64x768xf32, #tpu.memory_space<vmem>>, vector<1x16xf32>,
      %swap3A_771 = vector.shape_cast %swap3A_770 : vector<1x16xf32> to vector<16xf32>
      %swap3A_772 = vector.shape_cast %add3A_767 : vector<16xf32> to vector<1x16xf32>
      tpu.vector_store %arg10[%swap3A_768, %swap3A_769], %swap3A_772 {strides = array<i32>} : memref<64x768xf32, #tpu.memory_space<vmem>>, vector<1x16xf32>,
      %get3A_773 = arith.index_cast %scan3A_97 : i32 to index
      %get3A_774 = arith.constant 640 : index
      %get3A_775 = tpu.vector_load %arg10[%get3A_773, %get3A_774] {strides = array<i32>} : memref<64x768xf32, #tpu.memory_space<vmem>>, vector<1x16xf32>,
      %get3A_776 = vector.shape_cast %get3A_775 : vector<1x16xf32> to vector<16xf32>
      %mul3A_777 = arith.mulf %gather3A_131, %get3A_776 : vector<16xf32>
      %get3A_778 = arith.index_cast %scan3A_97 : i32 to index
      %get3A_779 = arith.constant 640 : index
      %get3A_780 = tpu.vector_load %arg11[%get3A_778, %get3A_779] {strides = array<i32>} : memref<64x768xf32, #tpu.memory_space<vmem>>, vector<1x16xf32>,
      %get3A_781 = vector.shape_cast %get3A_780 : vector<1x16xf32> to vector<16xf32>
      %mul3A_782 = arith.mulf %gather3A_133, %get3A_781 : vector<16xf32>
      %add3A_783 = arith.addf %mul3A_777, %mul3A_782 : vector<16xf32>
      %swap3A_784 = arith.index_cast %scan3A_97 : i32 to index
      %swap3A_785 = arith.constant 640 : index
      %swap3A_786 = tpu.vector_load %arg10[%swap3A_784, %swap3A_785] {strides = array<i32>} : memref<64x768xf32, #tpu.memory_space<vmem>>, vector<1x16xf32>,
      %swap3A_787 = vector.shape_cast %swap3A_786 : vector<1x16xf32> to vector<16xf32>
      %swap3A_788 = vector.shape_cast %add3A_783 : vector<16xf32> to vector<1x16xf32>
      tpu.vector_store %arg10[%swap3A_784, %swap3A_785], %swap3A_788 {strides = array<i32>} : memref<64x768xf32, #tpu.memory_space<vmem>>, vector<1x16xf32>,
      %get3A_789 = arith.index_cast %scan3A_97 : i32 to index
      %get3A_790 = arith.constant 656 : index
      %get3A_791 = tpu.vector_load %arg10[%get3A_789, %get3A_790] {strides = array<i32>} : memref<64x768xf32, #tpu.memory_space<vmem>>, vector<1x16xf32>,
      %get3A_792 = vector.shape_cast %get3A_791 : vector<1x16xf32> to vector<16xf32>
      %mul3A_793 = arith.mulf %gather3A_131, %get3A_792 : vector<16xf32>
      %get3A_794 = arith.index_cast %scan3A_97 : i32 to index
      %get3A_795 = arith.constant 656 : index
      %get3A_796 = tpu.vector_load %arg11[%get3A_794, %get3A_795] {strides = array<i32>} : memref<64x768xf32, #tpu.memory_space<vmem>>, vector<1x16xf32>,
      %get3A_797 = vector.shape_cast %get3A_796 : vector<1x16xf32> to vector<16xf32>
      %mul3A_798 = arith.mulf %gather3A_133, %get3A_797 : vector<16xf32>
      %add3A_799 = arith.addf %mul3A_793, %mul3A_798 : vector<16xf32>
      %swap3A_800 = arith.index_cast %scan3A_97 : i32 to index
      %swap3A_801 = arith.constant 656 : index
      %swap3A_802 = tpu.vector_load %arg10[%swap3A_800, %swap3A_801] {strides = array<i32>} : memref<64x768xf32, #tpu.memory_space<vmem>>, vector<1x16xf32>,
      %swap3A_803 = vector.shape_cast %swap3A_802 : vector<1x16xf32> to vector<16xf32>
      %swap3A_804 = vector.shape_cast %add3A_799 : vector<16xf32> to vector<1x16xf32>
      tpu.vector_store %arg10[%swap3A_800, %swap3A_801], %swap3A_804 {strides = array<i32>} : memref<64x768xf32, #tpu.memory_space<vmem>>, vector<1x16xf32>,
      %get3A_805 = arith.index_cast %scan3A_97 : i32 to index
      %get3A_806 = arith.constant 672 : index
      %get3A_807 = tpu.vector_load %arg10[%get3A_805, %get3A_806] {strides = array<i32>} : memref<64x768xf32, #tpu.memory_space<vmem>>, vector<1x16xf32>,
      %get3A_808 = vector.shape_cast %get3A_807 : vector<1x16xf32> to vector<16xf32>
      %mul3A_809 = arith.mulf %gather3A_131, %get3A_808 : vector<16xf32>
      %get3A_810 = arith.index_cast %scan3A_97 : i32 to index
      %get3A_811 = arith.constant 672 : index
      %get3A_812 = tpu.vector_load %arg11[%get3A_810, %get3A_811] {strides = array<i32>} : memref<64x768xf32, #tpu.memory_space<vmem>>, vector<1x16xf32>,
      %get3A_813 = vector.shape_cast %get3A_812 : vector<1x16xf32> to vector<16xf32>
      %mul3A_814 = arith.mulf %gather3A_133, %get3A_813 : vector<16xf32>
      %add3A_815 = arith.addf %mul3A_809, %mul3A_814 : vector<16xf32>
      %swap3A_816 = arith.index_cast %scan3A_97 : i32 to index
      %swap3A_817 = arith.constant 672 : index
      %swap3A_818 = tpu.vector_load %arg10[%swap3A_816, %swap3A_817] {strides = array<i32>} : memref<64x768xf32, #tpu.memory_space<vmem>>, vector<1x16xf32>,
      %swap3A_819 = vector.shape_cast %swap3A_818 : vector<1x16xf32> to vector<16xf32>
      %swap3A_820 = vector.shape_cast %add3A_815 : vector<16xf32> to vector<1x16xf32>
      tpu.vector_store %arg10[%swap3A_816, %swap3A_817], %swap3A_820 {strides = array<i32>} : memref<64x768xf32, #tpu.memory_space<vmem>>, vector<1x16xf32>,
      %get3A_821 = arith.index_cast %scan3A_97 : i32 to index
      %get3A_822 = arith.constant 688 : index
      %get3A_823 = tpu.vector_load %arg10[%get3A_821, %get3A_822] {strides = array<i32>} : memref<64x768xf32, #tpu.memory_space<vmem>>, vector<1x16xf32>,
      %get3A_824 = vector.shape_cast %get3A_823 : vector<1x16xf32> to vector<16xf32>
      %mul3A_825 = arith.mulf %gather3A_131, %get3A_824 : vector<16xf32>
      %get3A_826 = arith.index_cast %scan3A_97 : i32 to index
      %get3A_827 = arith.constant 688 : index
      %get3A_828 = tpu.vector_load %arg11[%get3A_826, %get3A_827] {strides = array<i32>} : memref<64x768xf32, #tpu.memory_space<vmem>>, vector<1x16xf32>,
      %get3A_829 = vector.shape_cast %get3A_828 : vector<1x16xf32> to vector<16xf32>
      %mul3A_830 = arith.mulf %gather3A_133, %get3A_829 : vector<16xf32>
      %add3A_831 = arith.addf %mul3A_825, %mul3A_830 : vector<16xf32>
      %swap3A_832 = arith.index_cast %scan3A_97 : i32 to index
      %swap3A_833 = arith.constant 688 : index
      %swap3A_834 = tpu.vector_load %arg10[%swap3A_832, %swap3A_833] {strides = array<i32>} : memref<64x768xf32, #tpu.memory_space<vmem>>, vector<1x16xf32>,
      %swap3A_835 = vector.shape_cast %swap3A_834 : vector<1x16xf32> to vector<16xf32>
      %swap3A_836 = vector.shape_cast %add3A_831 : vector<16xf32> to vector<1x16xf32>
      tpu.vector_store %arg10[%swap3A_832, %swap3A_833], %swap3A_836 {strides = array<i32>} : memref<64x768xf32, #tpu.memory_space<vmem>>, vector<1x16xf32>,
      %get3A_837 = arith.index_cast %scan3A_97 : i32 to index
      %get3A_838 = arith.constant 704 : index
      %get3A_839 = tpu.vector_load %arg10[%get3A_837, %get3A_838] {strides = array<i32>} : memref<64x768xf32, #tpu.memory_space<vmem>>, vector<1x16xf32>,
      %get3A_840 = vector.shape_cast %get3A_839 : vector<1x16xf32> to vector<16xf32>
      %mul3A_841 = arith.mulf %gather3A_131, %get3A_840 : vector<16xf32>
      %get3A_842 = arith.index_cast %scan3A_97 : i32 to index
      %get3A_843 = arith.constant 704 : index
      %get3A_844 = tpu.vector_load %arg11[%get3A_842, %get3A_843] {strides = array<i32>} : memref<64x768xf32, #tpu.memory_space<vmem>>, vector<1x16xf32>,
      %get3A_845 = vector.shape_cast %get3A_844 : vector<1x16xf32> to vector<16xf32>
      %mul3A_846 = arith.mulf %gather3A_133, %get3A_845 : vector<16xf32>
      %add3A_847 = arith.addf %mul3A_841, %mul3A_846 : vector<16xf32>
      %swap3A_848 = arith.index_cast %scan3A_97 : i32 to index
      %swap3A_849 = arith.constant 704 : index
      %swap3A_850 = tpu.vector_load %arg10[%swap3A_848, %swap3A_849] {strides = array<i32>} : memref<64x768xf32, #tpu.memory_space<vmem>>, vector<1x16xf32>,
      %swap3A_851 = vector.shape_cast %swap3A_850 : vector<1x16xf32> to vector<16xf32>
      %swap3A_852 = vector.shape_cast %add3A_847 : vector<16xf32> to vector<1x16xf32>
      tpu.vector_store %arg10[%swap3A_848, %swap3A_849], %swap3A_852 {strides = array<i32>} : memref<64x768xf32, #tpu.memory_space<vmem>>, vector<1x16xf32>,
      %get3A_853 = arith.index_cast %scan3A_97 : i32 to index
      %get3A_854 = arith.constant 720 : index
      %get3A_855 = tpu.vector_load %arg10[%get3A_853, %get3A_854] {strides = array<i32>} : memref<64x768xf32, #tpu.memory_space<vmem>>, vector<1x16xf32>,
      %get3A_856 = vector.shape_cast %get3A_855 : vector<1x16xf32> to vector<16xf32>
      %mul3A_857 = arith.mulf %gather3A_131, %get3A_856 : vector<16xf32>
      %get3A_858 = arith.index_cast %scan3A_97 : i32 to index
      %get3A_859 = arith.constant 720 : index
      %get3A_860 = tpu.vector_load %arg11[%get3A_858, %get3A_859] {strides = array<i32>} : memref<64x768xf32, #tpu.memory_space<vmem>>, vector<1x16xf32>,
      %get3A_861 = vector.shape_cast %get3A_860 : vector<1x16xf32> to vector<16xf32>
      %mul3A_862 = arith.mulf %gather3A_133, %get3A_861 : vector<16xf32>
      %add3A_863 = arith.addf %mul3A_857, %mul3A_862 : vector<16xf32>
      %swap3A_864 = arith.index_cast %scan3A_97 : i32 to index
      %swap3A_865 = arith.constant 720 : index
      %swap3A_866 = tpu.vector_load %arg10[%swap3A_864, %swap3A_865] {strides = array<i32>} : memref<64x768xf32, #tpu.memory_space<vmem>>, vector<1x16xf32>,
      %swap3A_867 = vector.shape_cast %swap3A_866 : vector<1x16xf32> to vector<16xf32>
      %swap3A_868 = vector.shape_cast %add3A_863 : vector<16xf32> to vector<1x16xf32>
      tpu.vector_store %arg10[%swap3A_864, %swap3A_865], %swap3A_868 {strides = array<i32>} : memref<64x768xf32, #tpu.memory_space<vmem>>, vector<1x16xf32>,
      %get3A_869 = arith.index_cast %scan3A_97 : i32 to index
      %get3A_870 = arith.constant 736 : index
      %get3A_871 = tpu.vector_load %arg10[%get3A_869, %get3A_870] {strides = array<i32>} : memref<64x768xf32, #tpu.memory_space<vmem>>, vector<1x16xf32>,
      %get3A_872 = vector.shape_cast %get3A_871 : vector<1x16xf32> to vector<16xf32>
      %mul3A_873 = arith.mulf %gather3A_131, %get3A_872 : vector<16xf32>
      %get3A_874 = arith.index_cast %scan3A_97 : i32 to index
      %get3A_875 = arith.constant 736 : index
      %get3A_876 = tpu.vector_load %arg11[%get3A_874, %get3A_875] {strides = array<i32>} : memref<64x768xf32, #tpu.memory_space<vmem>>, vector<1x16xf32>,
      %get3A_877 = vector.shape_cast %get3A_876 : vector<1x16xf32> to vector<16xf32>
      %mul3A_878 = arith.mulf %gather3A_133, %get3A_877 : vector<16xf32>
      %add3A_879 = arith.addf %mul3A_873, %mul3A_878 : vector<16xf32>
      %swap3A_880 = arith.index_cast %scan3A_97 : i32 to index
      %swap3A_881 = arith.constant 736 : index
      %swap3A_882 = tpu.vector_load %arg10[%swap3A_880, %swap3A_881] {strides = array<i32>} : memref<64x768xf32, #tpu.memory_space<vmem>>, vector<1x16xf32>,
      %swap3A_883 = vector.shape_cast %swap3A_882 : vector<1x16xf32> to vector<16xf32>
      %swap3A_884 = vector.shape_cast %add3A_879 : vector<16xf32> to vector<1x16xf32>
      tpu.vector_store %arg10[%swap3A_880, %swap3A_881], %swap3A_884 {strides = array<i32>} : memref<64x768xf32, #tpu.memory_space<vmem>>, vector<1x16xf32>,
      %get3A_885 = arith.index_cast %scan3A_97 : i32 to index
      %get3A_886 = arith.constant 752 : index
      %get3A_887 = tpu.vector_load %arg10[%get3A_885, %get3A_886] {strides = array<i32>} : memref<64x768xf32, #tpu.memory_space<vmem>>, vector<1x16xf32>,
      %get3A_888 = vector.shape_cast %get3A_887 : vector<1x16xf32> to vector<16xf32>
      %mul3A_889 = arith.mulf %gather3A_131, %get3A_888 : vector<16xf32>
      %get3A_890 = arith.index_cast %scan3A_97 : i32 to index
      %get3A_891 = arith.constant 752 : index
      %get3A_892 = tpu.vector_load %arg11[%get3A_890, %get3A_891] {strides = array<i32>} : memref<64x768xf32, #tpu.memory_space<vmem>>, vector<1x16xf32>,
      %get3A_893 = vector.shape_cast %get3A_892 : vector<1x16xf32> to vector<16xf32>
      %mul3A_894 = arith.mulf %gather3A_133, %get3A_893 : vector<16xf32>
      %add3A_895 = arith.addf %mul3A_889, %mul3A_894 : vector<16xf32>
      %swap3A_896 = arith.index_cast %scan3A_97 : i32 to index
      %swap3A_897 = arith.constant 752 : index
      %swap3A_898 = tpu.vector_load %arg10[%swap3A_896, %swap3A_897] {strides = array<i32>} : memref<64x768xf32, #tpu.memory_space<vmem>>, vector<1x16xf32>,
      %swap3A_899 = vector.shape_cast %swap3A_898 : vector<1x16xf32> to vector<16xf32>
      %swap3A_900 = vector.shape_cast %add3A_895 : vector<16xf32> to vector<1x16xf32>
      tpu.vector_store %arg10[%swap3A_896, %swap3A_897], %swap3A_900 {strides = array<i32>} : memref<64x768xf32, #tpu.memory_space<vmem>>, vector<1x16xf32>,
      %scan3A_901 = arith.constant 0 : i32
      scf.yield %scan3A_901 : i32
    }
    %scan3A_96 = arith.constant 32 : i32
    "tpu.region"() ({
      %run_scoped3A_97 = tpu.sem_alloc : memref<!tpu.dma_semaphore, #tpu.memory_space<semaphore_mem>>
      %dma_start3A_98 = arith.constant 0 : i32
      %dma_start3A_99 = tpu.memref_slice %arg7[%mul3A_2, %dma_start3A_98] : memref<2048x768xf32, #tpu.memory_space<hbm>> -> memref<64x768xf32, #tpu.memory_space<hbm>>
      %dma_start3A_100 = arith.constant 0 : i32
      %dma_start3A_101 = tpu.memref_slice %arg7[%mul3A_2, %dma_start3A_100] : memref<2048x768xf32, #tpu.memory_space<hbm>> -> memref<64x768xf32, #tpu.memory_space<hbm>>
      tpu.enqueue_dma source(%arg10 : memref<64x768xf32, #tpu.memory_space<vmem>>) target(%dma_start3A_101 : memref<64x768xf32, #tpu.memory_space<hbm>>) target_semaphore(%run_scoped3A_97 : memref<!tpu.dma_semaphore, #tpu.memory_space<semaphore_mem>>)
      %dma_wait3A_102 = arith.constant 0 : i32
      %dma_wait3A_103 = tpu.memref_slice %arg7[%mul3A_2, %dma_wait3A_102] : memref<2048x768xf32, #tpu.memory_space<hbm>> -> memref<64x768xf32, #tpu.memory_space<hbm>>
      %dma_wait3A_104 = arith.constant 0 : i32
      %dma_wait3A_105 = tpu.memref_slice %arg7[%mul3A_2, %dma_wait3A_104] : memref<2048x768xf32, #tpu.memory_space<hbm>> -> memref<64x768xf32, #tpu.memory_space<hbm>>
      tpu.wait_dma2 semaphore(%run_scoped3A_97 : memref<!tpu.dma_semaphore, #tpu.memory_space<semaphore_mem>>) src(%arg10 : memref<64x768xf32, #tpu.memory_space<vmem>>) dst(%dma_wait3A_105 : memref<64x768xf32, #tpu.memory_space<hbm>>)
      tpu.yield
    }) : () -> ()
    return
  }
}

module attributes {stable_mosaic.version = 14 : i64} {
  func.func @_mega_body(%arg0: i32, %arg1: memref<16xi32, #tpu.memory_space<smem>>, %arg2: memref<1xi32, #tpu.memory_space<smem>>, %arg3: memref<512x384xi32, #tpu.memory_space<vmem>>, %arg4: memref<1x768x768xf32, #tpu.memory_space<vmem>>, %arg5: memref<1x768x768xf32, #tpu.memory_space<vmem>>, %arg6: memref<1x768x768xf32, #tpu.memory_space<vmem>>, %arg7: memref<1x1x768xf32, #tpu.memory_space<vmem>>, %arg8: memref<1x1x768xf32, #tpu.memory_space<vmem>>, %arg9: memref<512x768xf32, #tpu.memory_space<vmem>>) attributes {dimension_semantics = [#tpu.dimension_semantics<arbitrary>], iteration_bounds = array<i64: 16>, scalar_prefetch = 2 : i64, scratch_operands = 0 : i64, tpu.core_type = #tpu.core_type<tc>, window_params = [{transform_indices = @transform_0, window_bounds = array<i64: 512, 384>}, {transform_indices = @transform_1, window_bounds = array<i64: 1, 768, 768>}, {transform_indices = @transform_2, window_bounds = array<i64: 1, 768, 768>}, {transform_indices = @transform_3, window_bounds = array<i64: 1, 768, 768>}, {transform_indices = @transform_4, window_bounds = array<i64: 1, 1, 768>}, {transform_indices = @transform_5, window_bounds = array<i64: 1, 1, 768>}, {transform_indices = @transform_6, window_bounds = array<i64: 512, 768>}]} {
    %get3A = arith.constant 0 : index
    %get3A_0 = memref.load %arg2[%get3A] : memref<1xi32, #tpu.memory_space<smem>>
    %lt3A = arith.cmpi slt, %arg0, %get3A_0 : i32
    %convert_element_type3A = arith.extui %lt3A : i1 to i32
    %cond3A = arith.constant 0 : i32
    %cond3A_1 = arith.cmpi ne, %convert_element_type3A, %cond3A : i32
    scf.if %cond3A_1 {
      %get3A_2 = arith.constant 0 : index
      %get3A_3 = arith.constant 0 : index
      %get3A_4 = vector.load %arg3[%get3A_2, %get3A_3] : memref<512x384xi32, #tpu.memory_space<vmem>>, vector<512x384xi32>
      %shift_left3A = arith.constant 16 : i32
      %shift_left3A_5 = vector.broadcast %shift_left3A : i32 to vector<512x384xi32>
      %shift_left3A_6 = arith.shli %get3A_4, %shift_left3A_5 : vector<512x384xi32>
      %bitcast_convert_type3A = tpu.bitcast %shift_left3A_6 : vector<512x384xi32> -> vector<512x384xf32>
      %and3A = arith.constant -65536 : i32
      %and3A_7 = vector.broadcast %and3A : i32 to vector<512x384xi32>
      %and3A_8 = arith.andi %get3A_4, %and3A_7 : vector<512x384xi32>
      %bitcast_convert_type3A_9 = tpu.bitcast %and3A_8 : vector<512x384xi32> -> vector<512x384xf32>
      %concatenate3A = tpu.concatenate %bitcast_convert_type3A, %bitcast_convert_type3A_9 in 1 : vector<512x384xf32>, vector<512x384xf32> -> vector<512x768xf32>
      %convert_element_type3A_10 = arith.truncf %concatenate3A : vector<512x768xf32> to vector<512x768xbf16>
      %get3A_11 = arith.constant 0 : index
      %get3A_12 = arith.constant 0 : index
      %get3A_13 = arith.constant 0 : index
      %get3A_14 = vector.load %arg4[%get3A_11, %get3A_12, %get3A_13] : memref<1x768x768xf32, #tpu.memory_space<vmem>>, vector<1x768x768xf32>
      %get3A_15 = vector.shape_cast %get3A_14 : vector<1x768x768xf32> to vector<768x768xf32>
      %convert_element_type3A_16 = arith.truncf %get3A_15 : vector<768x768xf32> to vector<768x768xbf16>
      %dot_general3A = arith.constant dense<0.000000e+00> : vector<512x768xf32>
      %dot_general3A_17 = tpu.matmul %convert_element_type3A_10, %convert_element_type3A_16, %dot_general3A {dimension_numbers = #tpu.dot_dimension_numbers<[1], [1], [0], [0], [0, 0, 1, 0], [], []>, transpose_lhs_hint = false} : vector<512x768xbf16>, vector<768x768xbf16>, vector<512x768xf32> -> vector<512x768xf32>
      %mul3A = arith.constant 5.000000e-01 : f32
      %mul3A_18 = vector.broadcast %mul3A : f32 to vector<512x768xf32>
      %mul3A_19 = arith.mulf %mul3A_18, %dot_general3A_17 : vector<512x768xf32>
      %mul3A_20 = arith.constant 0.707106769 : f32
      %mul3A_21 = vector.broadcast %mul3A_20 : f32 to vector<512x768xf32>
      %mul3A_22 = arith.mulf %dot_general3A_17, %mul3A_21 : vector<512x768xf32>
      %erf3A = math.erf %mul3A_22 : vector<512x768xf32>
      %add3A = arith.constant 1.000000e+00 : f32
      %add3A_23 = vector.broadcast %add3A : f32 to vector<512x768xf32>
      %add3A_24 = arith.addf %add3A_23, %erf3A : vector<512x768xf32>
      %mul3A_25 = arith.mulf %mul3A_19, %add3A_24 : vector<512x768xf32>
      %get3A_26 = arith.constant 0 : index
      %get3A_27 = arith.constant 0 : index
      %get3A_28 = arith.constant 0 : index
      %get3A_29 = vector.load %arg7[%get3A_26, %get3A_27, %get3A_28] : memref<1x1x768xf32, #tpu.memory_space<vmem>>, vector<1x1x768xf32>
      %get3A_30 = vector.shape_cast %get3A_29 : vector<1x1x768xf32> to vector<768xf32>
      %mul3A_31 = arith.mulf %mul3A_25, %mul3A_25 : vector<512x768xf32>
      %reduce_sum3A = arith.constant dense<0.000000e+00> : vector<512xf32>
      %reduce_sum3A_32 = vector.multi_reduction <add>, %mul3A_31, %reduce_sum3A [1] : vector<512x768xf32> to vector<512xf32>
      %broadcast_in_dim3A = vector.shape_cast %reduce_sum3A_32 : vector<512xf32> to vector<512x1xf32>
      %div3A = arith.constant 7.680000e+02 : f32
      %div3A_33 = vector.broadcast %div3A : f32 to vector<512x1xf32>
      %div3A_34 = arith.divf %broadcast_in_dim3A, %div3A_33 : vector<512x1xf32>
      %add3A_35 = arith.constant 9.99999997E-7 : f32
      %add3A_36 = vector.broadcast %add3A_35 : f32 to vector<512x1xf32>
      %add3A_37 = arith.addf %div3A_34, %add3A_36 : vector<512x1xf32>
      %rsqrt3A = math.rsqrt %add3A_37 : vector<512x1xf32>
      %mul3A_38 = vector.broadcast %rsqrt3A : vector<512x1xf32> to vector<512x768xf32>
      %mul3A_39 = arith.mulf %mul3A_25, %mul3A_38 : vector<512x768xf32>
      %broadcast_in_dim3A_40 = vector.shape_cast %get3A_30 : vector<768xf32> to vector<1x768xf32>
      %mul3A_41 = vector.broadcast %broadcast_in_dim3A_40 : vector<1x768xf32> to vector<512x768xf32>
      %mul3A_42 = arith.mulf %mul3A_39, %mul3A_41 : vector<512x768xf32>
      %convert_element_type3A_43 = arith.truncf %mul3A_42 : vector<512x768xf32> to vector<512x768xbf16>
      %get3A_44 = arith.constant 0 : index
      %get3A_45 = arith.constant 0 : index
      %get3A_46 = arith.constant 0 : index
      %get3A_47 = vector.load %arg5[%get3A_44, %get3A_45, %get3A_46] : memref<1x768x768xf32, #tpu.memory_space<vmem>>, vector<1x768x768xf32>
      %get3A_48 = vector.shape_cast %get3A_47 : vector<1x768x768xf32> to vector<768x768xf32>
      %convert_element_type3A_49 = arith.truncf %get3A_48 : vector<768x768xf32> to vector<768x768xbf16>
      %dot_general3A_50 = arith.constant dense<0.000000e+00> : vector<512x768xf32>
      %dot_general3A_51 = tpu.matmul %convert_element_type3A_43, %convert_element_type3A_49, %dot_general3A_50 {dimension_numbers = #tpu.dot_dimension_numbers<[1], [1], [0], [0], [0, 0, 1, 0], [], []>, transpose_lhs_hint = false} : vector<512x768xbf16>, vector<768x768xbf16>, vector<512x768xf32> -> vector<512x768xf32>
      %mul3A_52 = arith.constant 5.000000e-01 : f32
      %mul3A_53 = vector.broadcast %mul3A_52 : f32 to vector<512x768xf32>
      %mul3A_54 = arith.mulf %mul3A_53, %dot_general3A_51 : vector<512x768xf32>
      %mul3A_55 = arith.constant 0.707106769 : f32
      %mul3A_56 = vector.broadcast %mul3A_55 : f32 to vector<512x768xf32>
      %mul3A_57 = arith.mulf %dot_general3A_51, %mul3A_56 : vector<512x768xf32>
      %erf3A_58 = math.erf %mul3A_57 : vector<512x768xf32>
      %add3A_59 = arith.constant 1.000000e+00 : f32
      %add3A_60 = vector.broadcast %add3A_59 : f32 to vector<512x768xf32>
      %add3A_61 = arith.addf %add3A_60, %erf3A_58 : vector<512x768xf32>
      %mul3A_62 = arith.mulf %mul3A_54, %add3A_61 : vector<512x768xf32>
      %get3A_63 = arith.constant 0 : index
      %get3A_64 = arith.constant 0 : index
      %get3A_65 = arith.constant 0 : index
      %get3A_66 = vector.load %arg8[%get3A_63, %get3A_64, %get3A_65] : memref<1x1x768xf32, #tpu.memory_space<vmem>>, vector<1x1x768xf32>
      %get3A_67 = vector.shape_cast %get3A_66 : vector<1x1x768xf32> to vector<768xf32>
      %mul3A_68 = arith.mulf %mul3A_62, %mul3A_62 : vector<512x768xf32>
      %reduce_sum3A_69 = arith.constant dense<0.000000e+00> : vector<512xf32>
      %reduce_sum3A_70 = vector.multi_reduction <add>, %mul3A_68, %reduce_sum3A_69 [1] : vector<512x768xf32> to vector<512xf32>
      %broadcast_in_dim3A_71 = vector.shape_cast %reduce_sum3A_70 : vector<512xf32> to vector<512x1xf32>
      %div3A_72 = arith.constant 7.680000e+02 : f32
      %div3A_73 = vector.broadcast %div3A_72 : f32 to vector<512x1xf32>
      %div3A_74 = arith.divf %broadcast_in_dim3A_71, %div3A_73 : vector<512x1xf32>
      %add3A_75 = arith.constant 9.99999997E-7 : f32
      %add3A_76 = vector.broadcast %add3A_75 : f32 to vector<512x1xf32>
      %add3A_77 = arith.addf %div3A_74, %add3A_76 : vector<512x1xf32>
      %rsqrt3A_78 = math.rsqrt %add3A_77 : vector<512x1xf32>
      %mul3A_79 = vector.broadcast %rsqrt3A_78 : vector<512x1xf32> to vector<512x768xf32>
      %mul3A_80 = arith.mulf %mul3A_62, %mul3A_79 : vector<512x768xf32>
      %broadcast_in_dim3A_81 = vector.shape_cast %get3A_67 : vector<768xf32> to vector<1x768xf32>
      %mul3A_82 = vector.broadcast %broadcast_in_dim3A_81 : vector<1x768xf32> to vector<512x768xf32>
      %mul3A_83 = arith.mulf %mul3A_80, %mul3A_82 : vector<512x768xf32>
      %add3A_84 = arith.addf %mul3A_42, %mul3A_83 : vector<512x768xf32>
      %convert_element_type3A_85 = arith.truncf %add3A_84 : vector<512x768xf32> to vector<512x768xbf16>
      %get3A_86 = arith.constant 0 : index
      %get3A_87 = arith.constant 0 : index
      %get3A_88 = arith.constant 0 : index
      %get3A_89 = vector.load %arg6[%get3A_86, %get3A_87, %get3A_88] : memref<1x768x768xf32, #tpu.memory_space<vmem>>, vector<1x768x768xf32>
      %get3A_90 = vector.shape_cast %get3A_89 : vector<1x768x768xf32> to vector<768x768xf32>
      %convert_element_type3A_91 = arith.truncf %get3A_90 : vector<768x768xf32> to vector<768x768xbf16>
      %dot_general3A_92 = arith.constant dense<0.000000e+00> : vector<512x768xf32>
      %dot_general3A_93 = tpu.matmul %convert_element_type3A_85, %convert_element_type3A_91, %dot_general3A_92 {dimension_numbers = #tpu.dot_dimension_numbers<[1], [1], [0], [0], [0, 0, 1, 0], [], []>, transpose_lhs_hint = false} : vector<512x768xbf16>, vector<768x768xbf16>, vector<512x768xf32> -> vector<512x768xf32>
      %swap3A = arith.constant 0 : index
      %swap3A_94 = arith.constant 0 : index
      %swap3A_95 = vector.load %arg9[%swap3A, %swap3A_94] : memref<512x768xf32, #tpu.memory_space<vmem>>, vector<512x768xf32>
      tpu.vector_store %arg9[%swap3A, %swap3A_94], %dot_general3A_93 {strides = array<i32>} : memref<512x768xf32, #tpu.memory_space<vmem>>, vector<512x768xf32>,
    } else {
    }
    return
  }
  func.func @transform_0(%arg0: i32, %arg1: memref<16xi32, #tpu.memory_space<smem>>, %arg2: memref<1xi32, #tpu.memory_space<smem>>) -> (i32, i32) {
    %get3A = arith.constant 0 : index
    %get3A_0 = memref.load %arg2[%get3A] : memref<1xi32, #tpu.memory_space<smem>>
    %sub3A = arith.constant 1 : i32
    %sub3A_1 = arith.subi %get3A_0, %sub3A : i32
    %min3A = arith.minsi %arg0, %sub3A_1 : i32
    %c0_i32 = arith.constant 0 : i32
    %c0_i32_2 = arith.constant 0 : i32
    return %min3A, %c0_i32 : i32, i32
  }
  func.func @transform_1(%arg0: i32, %arg1: memref<16xi32, #tpu.memory_space<smem>>, %arg2: memref<1xi32, #tpu.memory_space<smem>>) -> (i32, i32, i32) {
    %get3A = arith.index_cast %arg0 : i32 to index
    %get3A_0 = memref.load %arg1[%get3A] : memref<16xi32, #tpu.memory_space<smem>>
    %c0_i32 = arith.constant 0 : i32
    %c0_i32_1 = arith.constant 0 : i32
    %c0_i32_2 = arith.constant 0 : i32
    return %get3A_0, %c0_i32, %c0_i32_1 : i32, i32, i32
  }
  func.func @transform_2(%arg0: i32, %arg1: memref<16xi32, #tpu.memory_space<smem>>, %arg2: memref<1xi32, #tpu.memory_space<smem>>) -> (i32, i32, i32) {
    %get3A = arith.index_cast %arg0 : i32 to index
    %get3A_0 = memref.load %arg1[%get3A] : memref<16xi32, #tpu.memory_space<smem>>
    %c0_i32 = arith.constant 0 : i32
    %c0_i32_1 = arith.constant 0 : i32
    %c0_i32_2 = arith.constant 0 : i32
    return %get3A_0, %c0_i32, %c0_i32_1 : i32, i32, i32
  }
  func.func @transform_3(%arg0: i32, %arg1: memref<16xi32, #tpu.memory_space<smem>>, %arg2: memref<1xi32, #tpu.memory_space<smem>>) -> (i32, i32, i32) {
    %get3A = arith.index_cast %arg0 : i32 to index
    %get3A_0 = memref.load %arg1[%get3A] : memref<16xi32, #tpu.memory_space<smem>>
    %c0_i32 = arith.constant 0 : i32
    %c0_i32_1 = arith.constant 0 : i32
    %c0_i32_2 = arith.constant 0 : i32
    return %get3A_0, %c0_i32, %c0_i32_1 : i32, i32, i32
  }
  func.func @transform_4(%arg0: i32, %arg1: memref<16xi32, #tpu.memory_space<smem>>, %arg2: memref<1xi32, #tpu.memory_space<smem>>) -> (i32, i32, i32) {
    %get3A = arith.index_cast %arg0 : i32 to index
    %get3A_0 = memref.load %arg1[%get3A] : memref<16xi32, #tpu.memory_space<smem>>
    %c0_i32 = arith.constant 0 : i32
    %c0_i32_1 = arith.constant 0 : i32
    %c0_i32_2 = arith.constant 0 : i32
    return %get3A_0, %c0_i32, %c0_i32_1 : i32, i32, i32
  }
  func.func @transform_5(%arg0: i32, %arg1: memref<16xi32, #tpu.memory_space<smem>>, %arg2: memref<1xi32, #tpu.memory_space<smem>>) -> (i32, i32, i32) {
    %get3A = arith.index_cast %arg0 : i32 to index
    %get3A_0 = memref.load %arg1[%get3A] : memref<16xi32, #tpu.memory_space<smem>>
    %c0_i32 = arith.constant 0 : i32
    %c0_i32_1 = arith.constant 0 : i32
    %c0_i32_2 = arith.constant 0 : i32
    return %get3A_0, %c0_i32, %c0_i32_1 : i32, i32, i32
  }
  func.func @transform_6(%arg0: i32, %arg1: memref<16xi32, #tpu.memory_space<smem>>, %arg2: memref<1xi32, #tpu.memory_space<smem>>) -> (i32, i32) {
    %get3A = arith.constant 0 : index
    %get3A_0 = memref.load %arg2[%get3A] : memref<1xi32, #tpu.memory_space<smem>>
    %sub3A = arith.constant 1 : i32
    %sub3A_1 = arith.subi %get3A_0, %sub3A : i32
    %min3A = arith.minsi %arg0, %sub3A_1 : i32
    %c0_i32 = arith.constant 0 : i32
    %c0_i32_2 = arith.constant 0 : i32
    return %min3A, %c0_i32 : i32, i32
  }
}

module attributes {stable_mosaic.version = 14 : i64} {
  func.func @_router_body(%arg0: memref<2048x768xf32, #tpu.memory_space<vmem>>, %arg1: memref<8x768xf32, #tpu.memory_space<vmem>>, %arg2: memref<128x128xf32, #tpu.memory_space<vmem>>, %arg3: memref<16x16xf32, #tpu.memory_space<vmem>>, %arg4: memref<8x8xf32, #tpu.memory_space<vmem>>, %arg5: memref<1x2048xi32, #tpu.memory_space<vmem>>, %arg6: memref<1x2048xi32, #tpu.memory_space<vmem>>, %arg7: memref<1x2048xf32, #tpu.memory_space<vmem>>, %arg8: memref<1x2048xf32, #tpu.memory_space<vmem>>, %arg9: memref<1x16xi32, #tpu.memory_space<vmem>>, %arg10: memref<1x1xi32, #tpu.memory_space<vmem>>, %arg11: memref<2048x384xi32, #tpu.memory_space<vmem>>) attributes {dimension_semantics = [], scalar_prefetch = 0 : i64, scratch_operands = 0 : i64, tpu.core_type = #tpu.core_type<tc>} {
    %get3A = arith.constant 0 : index
    %get3A_0 = arith.constant 0 : index
    %get3A_1 = vector.load %arg0[%get3A, %get3A_0] : memref<2048x768xf32, #tpu.memory_space<vmem>>, vector<2048x768xf32>
    %convert_element_type3A = arith.truncf %get3A_1 : vector<2048x768xf32> to vector<2048x768xbf16>
    %convert_element_type3A_2 = arith.extf %convert_element_type3A : vector<2048x768xbf16> to vector<2048x768xf32>
    %slice3A = vector.extract_strided_slice %convert_element_type3A_2 {offsets = [0, 0], sizes = [2048, 384], strides = [1, 1]} : vector<2048x768xf32> to vector<2048x384xf32>
    %bitcast_convert_type3A = tpu.bitcast %slice3A : vector<2048x384xf32> -> vector<2048x384xi32>
    %slice3A_3 = vector.extract_strided_slice %convert_element_type3A_2 {offsets = [0, 384], sizes = [2048, 384], strides = [1, 1]} : vector<2048x768xf32> to vector<2048x384xf32>
    %bitcast_convert_type3A_4 = tpu.bitcast %slice3A_3 : vector<2048x384xf32> -> vector<2048x384xi32>
    %shift_right_arithmetic3A = arith.constant 16 : i32
    %shift_right_arithmetic3A_5 = vector.broadcast %shift_right_arithmetic3A : i32 to vector<2048x384xi32>
    %shift_right_arithmetic3A_6 = arith.shrsi %bitcast_convert_type3A, %shift_right_arithmetic3A_5 : vector<2048x384xi32>
    %and3A = arith.constant 65535 : i32
    %and3A_7 = vector.broadcast %and3A : i32 to vector<2048x384xi32>
    %and3A_8 = arith.andi %shift_right_arithmetic3A_6, %and3A_7 : vector<2048x384xi32>
    %and3A_9 = arith.constant -65536 : i32
    %and3A_10 = vector.broadcast %and3A_9 : i32 to vector<2048x384xi32>
    %and3A_11 = arith.andi %bitcast_convert_type3A_4, %and3A_10 : vector<2048x384xi32>
    %or3A = arith.ori %and3A_8, %and3A_11 : vector<2048x384xi32>
    %swap3A = arith.constant 0 : index
    %swap3A_12 = arith.constant 0 : index
    %swap3A_13 = vector.load %arg11[%swap3A, %swap3A_12] : memref<2048x384xi32, #tpu.memory_space<vmem>>, vector<2048x384xi32>
    tpu.vector_store %arg11[%swap3A, %swap3A_12], %or3A {strides = array<i32>} : memref<2048x384xi32, #tpu.memory_space<vmem>>, vector<2048x384xi32>,
    %get3A_14 = arith.constant 0 : index
    %get3A_15 = arith.constant 0 : index
    %get3A_16 = vector.load %arg1[%get3A_14, %get3A_15] : memref<8x768xf32, #tpu.memory_space<vmem>>, vector<8x768xf32>
    %dot_general3A = arith.constant dense<0.000000e+00> : vector<8x2048xf32>
    %dot_general3A_17 = tpu.matmul %get3A_16, %get3A_1, %dot_general3A {dimension_numbers = #tpu.dot_dimension_numbers<[1], [1], [0], [0], [0, 0, 1, 0], [], []>, transpose_lhs_hint = false} : vector<8x768xf32>, vector<2048x768xf32>, vector<8x2048xf32> -> vector<8x2048xf32>
    %iota3A = tpu.iota {dimensions = array<i32: 0>} : vector<8x2048xi32>
    %reduce_max3A = arith.constant dense<0xFF800000> : vector<2048xf32>
    %reduce_max3A_18 = vector.multi_reduction <maximumf>, %dot_general3A_17, %reduce_max3A [0] : vector<8x2048xf32> to vector<2048xf32>
    %broadcast_in_dim3A = vector.shape_cast %reduce_max3A_18 : vector<2048xf32> to vector<1x2048xf32>
    %eq3A = vector.broadcast %broadcast_in_dim3A : vector<1x2048xf32> to vector<8x2048xf32>
    %eq3A_19 = arith.cmpf oeq, %dot_general3A_17, %eq3A : vector<8x2048xf32>
    %jit3A = arith.constant 8 : i32
    %broadcast_in_dim3A_20 = vector.broadcast %jit3A : i32 to vector<8x2048xi32>
    %select_n3A = arith.select %eq3A_19, %iota3A, %broadcast_in_dim3A_20 : vector<8x2048xi1>, vector<8x2048xi32>
    %reduce_min3A = arith.constant dense<2147483647> : vector<2048xi32>
    %reduce_min3A_21 = vector.multi_reduction <minsi>, %select_n3A, %reduce_min3A [0] : vector<8x2048xi32> to vector<2048xi32>
    %broadcast_in_dim3A_22 = vector.shape_cast %reduce_min3A_21 : vector<2048xi32> to vector<1x2048xi32>
    %eq3A_23 = vector.broadcast %broadcast_in_dim3A_22 : vector<1x2048xi32> to vector<8x2048xi32>
    %eq3A_24 = arith.cmpi eq, %iota3A, %eq3A_23 : vector<8x2048xi32>
    %jit3A_25 = arith.constant -3.000000e+38 : f32
    %broadcast_in_dim3A_26 = vector.broadcast %jit3A_25 : f32 to vector<8x2048xf32>
    %select_n3A_27 = arith.select %eq3A_24, %broadcast_in_dim3A_26, %dot_general3A_17 : vector<8x2048xi1>, vector<8x2048xf32>
    %reduce_max3A_28 = arith.constant dense<0xFF800000> : vector<2048xf32>
    %reduce_max3A_29 = vector.multi_reduction <maximumf>, %select_n3A_27, %reduce_max3A_28 [0] : vector<8x2048xf32> to vector<2048xf32>
    %broadcast_in_dim3A_30 = vector.shape_cast %reduce_max3A_29 : vector<2048xf32> to vector<1x2048xf32>
    %eq3A_31 = vector.broadcast %broadcast_in_dim3A_30 : vector<1x2048xf32> to vector<8x2048xf32>
    %eq3A_32 = arith.cmpf oeq, %select_n3A_27, %eq3A_31 : vector<8x2048xf32>
    %jit3A_33 = arith.constant 8 : i32
    %broadcast_in_dim3A_34 = vector.broadcast %jit3A_33 : i32 to vector<8x2048xi32>
    %select_n3A_35 = arith.select %eq3A_32, %iota3A, %broadcast_in_dim3A_34 : vector<8x2048xi1>, vector<8x2048xi32>
    %reduce_min3A_36 = arith.constant dense<2147483647> : vector<2048xi32>
    %reduce_min3A_37 = vector.multi_reduction <minsi>, %select_n3A_35, %reduce_min3A_36 [0] : vector<8x2048xi32> to vector<2048xi32>
    %broadcast_in_dim3A_38 = vector.shape_cast %reduce_min3A_37 : vector<2048xi32> to vector<1x2048xi32>
    %sub3A = arith.subf %broadcast_in_dim3A_30, %broadcast_in_dim3A : vector<1x2048xf32>
    %exp3A = math.exp %sub3A : vector<1x2048xf32>
    %add3A = arith.constant 1.000000e+00 : f32
    %add3A_39 = vector.broadcast %add3A : f32 to vector<1x2048xf32>
    %add3A_40 = arith.addf %add3A_39, %exp3A : vector<1x2048xf32>
    %div3A = arith.constant 1.000000e+00 : f32
    %div3A_41 = vector.broadcast %div3A : f32 to vector<1x2048xf32>
    %div3A_42 = arith.divf %div3A_41, %add3A_40 : vector<1x2048xf32>
    %add3A_43 = arith.constant 1.000000e+00 : f32
    %add3A_44 = vector.broadcast %add3A_43 : f32 to vector<1x2048xf32>
    %add3A_45 = arith.addf %add3A_44, %exp3A : vector<1x2048xf32>
    %div3A_46 = arith.divf %exp3A, %add3A_45 : vector<1x2048xf32>
    %eq3A_47 = vector.broadcast %broadcast_in_dim3A_22 : vector<1x2048xi32> to vector<8x2048xi32>
    %eq3A_48 = arith.cmpi eq, %iota3A, %eq3A_47 : vector<8x2048xi32>
    %convert_element_type3A_49 = arith.extui %eq3A_48 : vector<8x2048xi1> to vector<8x2048xi32>
    %convert_element_type3A_50 = arith.sitofp %convert_element_type3A_49 : vector<8x2048xi32> to vector<8x2048xf32>
    %eq3A_51 = vector.broadcast %broadcast_in_dim3A_38 : vector<1x2048xi32> to vector<8x2048xi32>
    %eq3A_52 = arith.cmpi eq, %iota3A, %eq3A_51 : vector<8x2048xi32>
    %convert_element_type3A_53 = arith.extui %eq3A_52 : vector<8x2048xi1> to vector<8x2048xi32>
    %convert_element_type3A_54 = arith.sitofp %convert_element_type3A_53 : vector<8x2048xi32> to vector<8x2048xf32>
    %get3A_55 = arith.constant 0 : index
    %get3A_56 = arith.constant 0 : index
    %get3A_57 = vector.load %arg2[%get3A_55, %get3A_56] : memref<128x128xf32, #tpu.memory_space<vmem>>, vector<128x128xf32>
    %get3A_58 = arith.constant 0 : index
    %get3A_59 = arith.constant 0 : index
    %get3A_60 = vector.load %arg3[%get3A_58, %get3A_59] : memref<16x16xf32, #tpu.memory_space<vmem>>, vector<16x16xf32>
    %get3A_61 = arith.constant 0 : index
    %get3A_62 = arith.constant 0 : index
    %get3A_63 = vector.load %arg4[%get3A_61, %get3A_62] : memref<8x8xf32, #tpu.memory_space<vmem>>, vector<8x8xf32>
    %eq3A_64 = vector.broadcast %broadcast_in_dim3A_22 : vector<1x2048xi32> to vector<8x2048xi32>
    %eq3A_65 = arith.cmpi eq, %iota3A, %eq3A_64 : vector<8x2048xi32>
    %reshape3A = vector.shape_cast %convert_element_type3A_50 : vector<8x2048xf32> to vector<8x16x128xf32>
    %dot_general3A_66 = arith.constant dense<0.000000e+00> : vector<8x16x128xf32>
    %dot_general3A_67 = tpu.matmul %reshape3A, %get3A_57, %dot_general3A_66 {dimension_numbers = #tpu.dot_dimension_numbers<[2], [0], [0, 1], [1], [0, 0, 0, 1, 1, 1], [], []>, transpose_lhs_hint = false} : vector<8x16x128xf32>, vector<128x128xf32>, vector<8x16x128xf32> -> vector<8x16x128xf32>
    %reduce_sum3A = arith.constant dense<0.000000e+00> : vector<8x16xf32>
    %reduce_sum3A_68 = vector.multi_reduction <add>, %reshape3A, %reduce_sum3A [2] : vector<8x16x128xf32> to vector<8x16xf32>
    %dot_general3A_69 = arith.constant dense<0.000000e+00> : vector<8x16xf32>
    %dot_general3A_70 = tpu.matmul %reduce_sum3A_68, %get3A_60, %dot_general3A_69 {dimension_numbers = #tpu.dot_dimension_numbers<[1], [0], [0], [1], [0, 0, 1, 1], [], []>, transpose_lhs_hint = false} : vector<8x16xf32>, vector<16x16xf32>, vector<8x16xf32> -> vector<8x16xf32>
    %broadcast_in_dim3A_71 = vector.shape_cast %dot_general3A_70 : vector<8x16xf32> to vector<8x16x1xf32>
    %add3A_72 = vector.broadcast %broadcast_in_dim3A_71 : vector<8x16x1xf32> to vector<8x16x128xf32>
    %add3A_73 = arith.addf %dot_general3A_67, %add3A_72 : vector<8x16x128xf32>
    %sub3A_74 = arith.subf %add3A_73, %reshape3A : vector<8x16x128xf32>
    %reshape3A_75 = vector.shape_cast %sub3A_74 : vector<8x16x128xf32> to vector<8x2048xf32>
    %jit3A_76 = arith.constant 0.000000e+00 : f32
    %broadcast_in_dim3A_77 = vector.broadcast %jit3A_76 : f32 to vector<8x2048xf32>
    %select_n3A_78 = arith.select %eq3A_65, %reshape3A_75, %broadcast_in_dim3A_77 : vector<8x2048xi1>, vector<8x2048xf32>
    %reduce_sum3A_79 = arith.constant dense<0.000000e+00> : vector<2048xf32>
    %reduce_sum3A_80 = vector.multi_reduction <add>, %select_n3A_78, %reduce_sum3A_79 [0] : vector<8x2048xf32> to vector<2048xf32>
    %broadcast_in_dim3A_81 = vector.shape_cast %reduce_sum3A_80 : vector<2048xf32> to vector<1x2048xf32>
    %eq3A_82 = vector.broadcast %broadcast_in_dim3A_38 : vector<1x2048xi32> to vector<8x2048xi32>
    %eq3A_83 = arith.cmpi eq, %iota3A, %eq3A_82 : vector<8x2048xi32>
    %reshape3A_84 = vector.shape_cast %convert_element_type3A_54 : vector<8x2048xf32> to vector<8x16x128xf32>
    %dot_general3A_85 = arith.constant dense<0.000000e+00> : vector<8x16x128xf32>
    %dot_general3A_86 = tpu.matmul %reshape3A_84, %get3A_57, %dot_general3A_85 {dimension_numbers = #tpu.dot_dimension_numbers<[2], [0], [0, 1], [1], [0, 0, 0, 1, 1, 1], [], []>, transpose_lhs_hint = false} : vector<8x16x128xf32>, vector<128x128xf32>, vector<8x16x128xf32> -> vector<8x16x128xf32>
    %reduce_sum3A_87 = arith.constant dense<0.000000e+00> : vector<8x16xf32>
    %reduce_sum3A_88 = vector.multi_reduction <add>, %reshape3A_84, %reduce_sum3A_87 [2] : vector<8x16x128xf32> to vector<8x16xf32>
    %dot_general3A_89 = arith.constant dense<0.000000e+00> : vector<8x16xf32>
    %dot_general3A_90 = tpu.matmul %reduce_sum3A_88, %get3A_60, %dot_general3A_89 {dimension_numbers = #tpu.dot_dimension_numbers<[1], [0], [0], [1], [0, 0, 1, 1], [], []>, transpose_lhs_hint = false} : vector<8x16xf32>, vector<16x16xf32>, vector<8x16xf32> -> vector<8x16xf32>
    %broadcast_in_dim3A_91 = vector.shape_cast %dot_general3A_90 : vector<8x16xf32> to vector<8x16x1xf32>
    %add3A_92 = vector.broadcast %broadcast_in_dim3A_91 : vector<8x16x1xf32> to vector<8x16x128xf32>
    %add3A_93 = arith.addf %dot_general3A_86, %add3A_92 : vector<8x16x128xf32>
    %sub3A_94 = arith.subf %add3A_93, %reshape3A_84 : vector<8x16x128xf32>
    %reshape3A_95 = vector.shape_cast %sub3A_94 : vector<8x16x128xf32> to vector<8x2048xf32>
    %jit3A_96 = arith.constant 0.000000e+00 : f32
    %broadcast_in_dim3A_97 = vector.broadcast %jit3A_96 : f32 to vector<8x2048xf32>
    %select_n3A_98 = arith.select %eq3A_83, %reshape3A_95, %broadcast_in_dim3A_97 : vector<8x2048xi1>, vector<8x2048xf32>
    %reduce_sum3A_99 = arith.constant dense<0.000000e+00> : vector<2048xf32>
    %reduce_sum3A_100 = vector.multi_reduction <add>, %select_n3A_98, %reduce_sum3A_99 [0] : vector<8x2048xf32> to vector<2048xf32>
    %broadcast_in_dim3A_101 = vector.shape_cast %reduce_sum3A_100 : vector<2048xf32> to vector<1x2048xf32>
    %reduce_sum3A_102 = arith.constant dense<0.000000e+00> : vector<8xf32>
    %reduce_sum3A_103 = vector.multi_reduction <add>, %convert_element_type3A_50, %reduce_sum3A_102 [1] : vector<8x2048xf32> to vector<8xf32>
    %broadcast_in_dim3A_104 = vector.shape_cast %reduce_sum3A_103 : vector<8xf32> to vector<8x1xf32>
    %reduce_sum3A_105 = arith.constant dense<0.000000e+00> : vector<8xf32>
    %reduce_sum3A_106 = vector.multi_reduction <add>, %convert_element_type3A_54, %reduce_sum3A_105 [1] : vector<8x2048xf32> to vector<8xf32>
    %broadcast_in_dim3A_107 = vector.shape_cast %reduce_sum3A_106 : vector<8xf32> to vector<8x1xf32>
    %add3A_108 = arith.addf %broadcast_in_dim3A_104, %broadcast_in_dim3A_107 : vector<8x1xf32>
    %add3A_109 = arith.constant 5.110000e+02 : f32
    %add3A_110 = vector.broadcast %add3A_109 : f32 to vector<8x1xf32>
    %add3A_111 = arith.addf %add3A_108, %add3A_110 : vector<8x1xf32>
    %mul3A = arith.constant 0.001953125 : f32
    %mul3A_112 = vector.broadcast %mul3A : f32 to vector<8x1xf32>
    %mul3A_113 = arith.mulf %add3A_111, %mul3A_112 : vector<8x1xf32>
    %floor3A = math.floor %mul3A_113 : vector<8x1xf32>
    %dot_general3A_114 = arith.constant dense<0.000000e+00> : vector<8x1xf32>
    %dot_general3A_115 = tpu.matmul %get3A_63, %floor3A, %dot_general3A_114 {dimension_numbers = #tpu.dot_dimension_numbers<[1], [0], [0], [1], [0, 0, 1, 1], [], []>, transpose_lhs_hint = false} : vector<8x8xf32>, vector<8x1xf32>, vector<8x1xf32> -> vector<8x1xf32>
    %mul3A_116 = arith.constant 5.120000e+02 : f32
    %mul3A_117 = vector.broadcast %mul3A_116 : f32 to vector<8x1xf32>
    %mul3A_118 = arith.mulf %dot_general3A_115, %mul3A_117 : vector<8x1xf32>
    %eq3A_119 = vector.broadcast %broadcast_in_dim3A_22 : vector<1x2048xi32> to vector<8x2048xi32>
    %eq3A_120 = arith.cmpi eq, %iota3A, %eq3A_119 : vector<8x2048xi32>
    %jit3A_121 = arith.constant 0.000000e+00 : f32
    %broadcast_in_dim3A_122 = vector.shape_cast %mul3A_118 : vector<8x1xf32> to vector<8x1xf32>
    %broadcast_in_dim3A_123 = vector.broadcast %broadcast_in_dim3A_122 : vector<8x1xf32> to vector<8x2048xf32>
    %broadcast_in_dim3A_124 = vector.broadcast %jit3A_121 : f32 to vector<8x2048xf32>
    %select_n3A_125 = arith.select %eq3A_120, %broadcast_in_dim3A_123, %broadcast_in_dim3A_124 : vector<8x2048xi1>, vector<8x2048xf32>
    %reduce_sum3A_126 = arith.constant dense<0.000000e+00> : vector<2048xf32>
    %reduce_sum3A_127 = vector.multi_reduction <add>, %select_n3A_125, %reduce_sum3A_126 [0] : vector<8x2048xf32> to vector<2048xf32>
    %broadcast_in_dim3A_128 = vector.shape_cast %reduce_sum3A_127 : vector<2048xf32> to vector<1x2048xf32>
    %eq3A_129 = vector.broadcast %broadcast_in_dim3A_38 : vector<1x2048xi32> to vector<8x2048xi32>
    %eq3A_130 = arith.cmpi eq, %iota3A, %eq3A_129 : vector<8x2048xi32>
    %add3A_131 = arith.addf %mul3A_118, %broadcast_in_dim3A_104 : vector<8x1xf32>
    %jit3A_132 = arith.constant 0.000000e+00 : f32
    %broadcast_in_dim3A_133 = vector.shape_cast %add3A_131 : vector<8x1xf32> to vector<8x1xf32>
    %broadcast_in_dim3A_134 = vector.broadcast %broadcast_in_dim3A_133 : vector<8x1xf32> to vector<8x2048xf32>
    %broadcast_in_dim3A_135 = vector.broadcast %jit3A_132 : f32 to vector<8x2048xf32>
    %select_n3A_136 = arith.select %eq3A_130, %broadcast_in_dim3A_134, %broadcast_in_dim3A_135 : vector<8x2048xi1>, vector<8x2048xf32>
    %reduce_sum3A_137 = arith.constant dense<0.000000e+00> : vector<2048xf32>
    %reduce_sum3A_138 = vector.multi_reduction <add>, %select_n3A_136, %reduce_sum3A_137 [0] : vector<8x2048xf32> to vector<2048xf32>
    %broadcast_in_dim3A_139 = vector.shape_cast %reduce_sum3A_138 : vector<2048xf32> to vector<1x2048xf32>
    %add3A_140 = arith.addf %broadcast_in_dim3A_128, %broadcast_in_dim3A_81 : vector<1x2048xf32>
    %convert_element_type3A_141 = arith.fptosi %add3A_140 : vector<1x2048xf32> to vector<1x2048xi32>
    %swap3A_142 = arith.constant 0 : index
    %swap3A_143 = arith.constant 0 : index
    %swap3A_144 = vector.load %arg5[%swap3A_142, %swap3A_143] : memref<1x2048xi32, #tpu.memory_space<vmem>>, vector<1x2048xi32>
    tpu.vector_store %arg5[%swap3A_142, %swap3A_143], %convert_element_type3A_141 {strides = array<i32>} : memref<1x2048xi32, #tpu.memory_space<vmem>>, vector<1x2048xi32>,
    %add3A_145 = arith.addf %broadcast_in_dim3A_139, %broadcast_in_dim3A_101 : vector<1x2048xf32>
    %convert_element_type3A_146 = arith.fptosi %add3A_145 : vector<1x2048xf32> to vector<1x2048xi32>
    %swap3A_147 = arith.constant 0 : index
    %swap3A_148 = arith.constant 0 : index
    %swap3A_149 = vector.load %arg6[%swap3A_147, %swap3A_148] : memref<1x2048xi32, #tpu.memory_space<vmem>>, vector<1x2048xi32>
    tpu.vector_store %arg6[%swap3A_147, %swap3A_148], %convert_element_type3A_146 {strides = array<i32>} : memref<1x2048xi32, #tpu.memory_space<vmem>>, vector<1x2048xi32>,
    %swap3A_150 = arith.constant 0 : index
    %swap3A_151 = arith.constant 0 : index
    %swap3A_152 = vector.load %arg7[%swap3A_150, %swap3A_151] : memref<1x2048xf32, #tpu.memory_space<vmem>>, vector<1x2048xf32>
    tpu.vector_store %arg7[%swap3A_150, %swap3A_151], %div3A_42 {strides = array<i32>} : memref<1x2048xf32, #tpu.memory_space<vmem>>, vector<1x2048xf32>,
    %swap3A_153 = arith.constant 0 : index
    %swap3A_154 = arith.constant 0 : index
    %swap3A_155 = vector.load %arg8[%swap3A_153, %swap3A_154] : memref<1x2048xf32, #tpu.memory_space<vmem>>, vector<1x2048xf32>
    tpu.vector_store %arg8[%swap3A_153, %swap3A_154], %div3A_46 {strides = array<i32>} : memref<1x2048xf32, #tpu.memory_space<vmem>>, vector<1x2048xf32>,
    %iota3A_156 = tpu.iota {dimensions = array<i32: 1>} : vector<8x16xi32>
    %convert_element_type3A_157 = arith.sitofp %iota3A_156 : vector<8x16xi32> to vector<8x16xf32>
    %iota3A_158 = tpu.iota {dimensions = array<i32: 0>} : vector<8x16xi32>
    %le3A = vector.broadcast %dot_general3A_115 : vector<8x1xf32> to vector<8x16xf32>
    %le3A_159 = arith.cmpf ole, %le3A, %convert_element_type3A_157 : vector<8x16xf32>
    %gt3A = arith.constant 0.000000e+00 : f32
    %gt3A_160 = vector.broadcast %gt3A : f32 to vector<8x1xf32>
    %gt3A_161 = arith.cmpf ogt, %floor3A, %gt3A_160 : vector<8x1xf32>
    %and3A_162 = vector.broadcast %gt3A_161 : vector<8x1xi1> to vector<8x16xi1>
    %and3A_163 = arith.andi %le3A_159, %and3A_162 : vector<8x16xi1>
    %jit3A_164 = arith.constant 0 : i32
    %broadcast_in_dim3A_165 = vector.broadcast %jit3A_164 : i32 to vector<8x16xi32>
    %select_n3A_166 = arith.select %and3A_163, %iota3A_158, %broadcast_in_dim3A_165 : vector<8x16xi1>, vector<8x16xi32>
    %reduce_max3A_167 = arith.constant dense<-2147483648> : vector<16xi32>
    %reduce_max3A_168 = vector.multi_reduction <maxsi>, %select_n3A_166, %reduce_max3A_167 [0] : vector<8x16xi32> to vector<16xi32>
    %broadcast_in_dim3A_169 = vector.shape_cast %reduce_max3A_168 : vector<16xi32> to vector<1x16xi32>
    %swap3A_170 = arith.constant 0 : index
    %swap3A_171 = arith.constant 0 : index
    %swap3A_172 = vector.load %arg9[%swap3A_170, %swap3A_171] : memref<1x16xi32, #tpu.memory_space<vmem>>, vector<1x16xi32>
    tpu.vector_store %arg9[%swap3A_170, %swap3A_171], %broadcast_in_dim3A_169 {strides = array<i32>} : memref<1x16xi32, #tpu.memory_space<vmem>>, vector<1x16xi32>,
    %reduce_sum3A_173 = arith.constant dense<0.000000e+00> : vector<1xf32>
    %reduce_sum3A_174 = vector.multi_reduction <add>, %floor3A, %reduce_sum3A_173 [0] : vector<8x1xf32> to vector<1xf32>
    %broadcast_in_dim3A_175 = vector.shape_cast %reduce_sum3A_174 : vector<1xf32> to vector<1x1xf32>
    %convert_element_type3A_176 = arith.fptosi %broadcast_in_dim3A_175 : vector<1x1xf32> to vector<1x1xi32>
    %swap3A_177 = arith.constant 0 : index
    %swap3A_178 = arith.constant 0 : index
    %swap3A_179 = vector.load %arg10[%swap3A_177, %swap3A_178] : memref<1x1xi32, #tpu.memory_space<vmem>>, vector<1x1xi32>
    tpu.vector_store %arg10[%swap3A_177, %swap3A_178], %convert_element_type3A_176 {strides = array<i32>} : memref<1x1xi32, #tpu.memory_space<vmem>>, vector<1x1xi32>,
    return
  }
}

</mosaic_0001>

<sc_bundles>
// kernel: kernel.6.cloned.1.call-start
scs
__scs_entry_jumppad:
0x0: {  	(pc) =	sbr.rel $0x88, $3  }
0x1: {  	(tag) =	ssettag $0x0;
	lr =	simm.s32 $0x1  }
0x2: {  	[smem:$0x3F9A] =	sst lr;
	_ =	strace $0xD0000000  }
0x3: {  	_ = 	snop  }
0x4: {  	_ = 	snop  }
0x5: {  	_ = 	snop  }
0x6: {  	_ = 	snop  }
0x7: {  	_ = 	snop  }
__scs_overlays_trampoline_lowered:
0x8: {  	[smem:$0x3FA9] =	sst s0  }
0x9: {  	[smem:$0x3FAA] =	sst s1  }
0xa: {  	[smem:$0x3FAB] =	sst s2  }
0xb: {  	[smem:$0x3FAC] =	sst s3  }
0xc: {  	[smem:$0x3FAD] =	sst s4  }
0xd: {  	[smem:$0x3FAE] =	sst s5  }
0xe: {  	[smem:$0x3FAF] =	sst s6  }
0xf: {  	[smem:$0x3FB0] =	sst s7  }
0x10: {  	[smem:$0x3FB1] =	sst s8  }
0x11: {  	[smem:$0x3FB2] =	sst s9;
	s0 =	simm.s32 @!p0 $0x0  }
0x12: {  	s1 =	sld [smem:$0x3F98];
	s0 =	simm.s32 @p0 $0x1  }
0x13: {  	[smem:$0x3FB3] =	sst s0;
	s0 =	simm.s32 @!p1 $0x0  }
0x14: {  	s2 =	sld [smem:$0x3F97];
	s0 =	simm.s32 @p1 $0x1  }
0x15: {  	[smem:$0x3FB4] =	sst s0;
	s0 =	simm.s32 @!p2 $0x0  }
0x16: {  	s3 =	sld [smem:$0x3FDB];
	s0 =	simm.s32 @p2 $0x1  }
0x17: {  	s4 =	simm.s32 $0x1BF5;
	[smem:$0x3FB6] =	sst s0  }
0x18: {  	s0 =	sld [smem:$0x3F99];
	_ =	swait.ge [sflag:s4], $0x0  }
0x19: {  	s7 =	sld [smem:$0x3F9A]  }
0x1a: {  	s8 =	sadd.s32 $0xFFFFE003, lr  }
0x1b: {  	s9 =	sadd.s32 $0xFFFFFEF7, lr;
	s5 =	simm.s32 $0xFFFFFFFF;
	p2 =	slt.u32 s8, $0xFFFFF086  }
0x1c: {  	p1 =	slt.u32 s9, $0xF7A;
	s5 =	simm.s32 @!p2 $0x0  }
0x1d: {  	s5 =	simm.s32 @p1 $0x1;
	p0 =	seq.s32 s7, s2  }
0x1e: {  	s7 =	smul.u32 @!p0 $0xF7A, s2;
	p2 =	seq.s32 @!p0 s5, $0x0  }
0x1f: {  	s9 =	smul.u32 $0xF7A, s1;
	s8 =	simm.s32 @!p0 $0x1BF5;
	p2 =	por !p2, p0  }
0x20: {  	[sflag:s8] =	ssyncset.s32 @!p0 $0xFFFFF086;
	s6 =	sadd.s32 @!p0 s3, s7;
	s7 =	simm.s32 @!p0 $0x108  }
0x21: {  	s3 =	sadd.s32 s3, s9;
	s6 =	sadd.s32 @!p0 $0x88, s6;
	s7 =	simm.s32 @p2 $0x1082  }
0x22: {  	[simem:s7], [sflag:s8] =	dma.local @!p0 [hbm:s6], $0xF7A  }
0x23: {  	s9 =	sor.u32 $0xD0000000, s2;
	s6 =	simm.s32 $0x108;
	_ =	swait.ge @!p0 [sflag:s8], $0x0  }
0x24: {  	s3 =	sadd.s32 $0x88, s3;
	s6 =	simm.s32 @!p1 $0x1082;
	[sflag:s4] =	ssyncset.s32 $0xFFFFF086  }
0x25: {  	[simem:s6], [sflag:s4] =	dma.local [hbm:s3], $0xF7A  }
0x26: {  	[smem:$0x3F9A] =	sst s1;
	(tag) =	ssettag s2;
	_ =	strace s9  }
0x27: {  	s1 =	sld [smem:$0x3FAA]  }
0x28: {  	s2 =	sld [smem:$0x3FAB]  }
0x29: {  	s4 =	sld [smem:$0x3FAD]  }
0x2a: {  	p0 =	seq.s32 s5, $0x0;
	s5 =	sld [smem:$0x3FAE]  }
0x2b: {  	s6 =	sld [smem:$0x3FAF]  }
0x2c: {  	s7 =	sld [smem:$0x3FB0]  }
0x2d: {  	s3 =	simm.s32 $0x108;
	s8 =	sld [smem:$0x3FB1]  }
0x2e: {  	s3 =	simm.s32 @!p0 $0x1082;
	s9 =	sld [smem:$0x3FB2]  }
0x2f: {  	lr =	sadd.s32 s0, s3;
	s0 =	sld [smem:$0x3FA9]  }
0x30: {  	s3 =	sld [smem:$0x3FAC]  }
0x31: {  	[smem:$0x3FB5] =	sst s10  }
0x32: {  	s10 =	sld [smem:$0x3FB3];
	_ =	sdelay $0x3  }
0x33: {  	p0 =	seq.s32 s10, $0x1;
	s10 =	sld [smem:$0x3FB5];
	_ =	sdelay $0x3  }
0x34: {  	[smem:$0x3FB5] =	sst s10  }
0x35: {  	s10 =	sld [smem:$0x3FB4];
	_ =	sdelay $0x3  }
0x36: {  	p1 =	seq.s32 s10, $0x1;
	s10 =	sld [smem:$0x3FB5];
	_ =	sdelay $0x3  }
0x37: {  	[smem:$0x3FB5] =	sst s10  }
0x38: {  	s10 =	sld [smem:$0x3FB6]  }
0x39: {  	_ = 	snop;
	(pc) =	sbr.ind lr, $3  }
0x3a: {  	_ = 	snop  }
0x3b: {  	_ = 	snop  }
0x3c: {  	p2 =	seq.s32 s10, $0x1;
	s10 =	sld [smem:$0x3FB5]  }
0x3d: {  	_ =	shalt  }
0x3e: {  	_ =	shalt  }
0x3f: {  	_ =	shalt  }
0x40: {  	_ =	shalt  }
0x41: {  	_ =	shalt  }
0x42: {  	_ =	shalt  }
0x43: {  	_ =	shalt  }
0x44: {  	_ =	shalt  }
0x45: {  	_ =	shalt  }
0x46: {  	_ =	shalt  }
0x47: {  	_ =	shalt  }
0x48: {  	_ =	shalt  }
0x49: {  	_ =	shalt  }
0x4a: {  	_ =	shalt  }
0x4b: {  	_ =	shalt  }
0x4c: {  	_ =	shalt  }
0x4d: {  	_ =	shalt  }
0x4e: {  	_ =	shalt  }
0x4f: {  	_ =	shalt  }
0x50: {  	_ =	shalt  }
0x51: {  	_ =	shalt  }
0x52: {  	_ =	shalt  }
0x53: {  	_ =	shalt  }
0x54: {  	_ =	shalt  }
0x55: {  	_ =	shalt  }
0x56: {  	_ =	shalt  }
0x57: {  	_ =	shalt  }
0x58: {  	_ =	shalt  }
0x59: {  	_ =	shalt  }
0x5a: {  	_ =	shalt  }
0x5b: {  	_ =	shalt  }
0x5c: {  	_ =	shalt  }
0x5d: {  	_ =	shalt  }
0x5e: {  	_ =	shalt  }
0x5f: {  	_ =	shalt  }
0x60: {  	_ =	shalt  }
0x61: {  	_ =	shalt  }
0x62: {  	_ =	shalt  }
0x63: {  	_ =	shalt  }
0x64: {  	_ =	shalt  }
0x65: {  	_ =	shalt  }
0x66: {  	_ =	shalt  }
0x67: {  	_ =	shalt  }
0x68: {  	_ =	shalt  }
0x69: {  	_ =	shalt  }
0x6a: {  	_ =	shalt  }
0x6b: {  	_ =	shalt  }
0x6c: {  	_ =	shalt  }
0x6d: {  	_ =	shalt  }
0x6e: {  	_ =	shalt  }
0x6f: {  	_ =	shalt  }
0x70: {  	_ =	shalt  }
0x71: {  	_ =	shalt  }
0x72: {  	_ =	shalt  }
0x73: {  	_ =	shalt  }
0x74: {  	_ =	shalt  }
0x75: {  	_ =	shalt  }
0x76: {  	_ =	shalt  }
0x77: {  	_ =	shalt  }
0x78: {  	_ =	shalt  }
0x79: {  	_ =	shalt  }
0x7a: {  	_ =	shalt  }
0x7b: {  	_ =	shalt  }
0x7c: {  	_ =	shalt  }
0x7d: {  	_ =	shalt  }
0x7e: {  	_ =	shalt  }
0x7f: {  	_ =	shalt  }
0x80: {  	_ =	shalt  }
0x81: {  	_ =	shalt  }
0x82: {  	_ =	shalt  }
0x83: {  	_ =	shalt  }
0x84: {  	_ =	shalt  }
0x85: {  	_ =	shalt  }
0x86: {  	_ =	shalt  }
0x87: {  	_ =	shalt  }
.Lfunc_end0:
.L_simem_size_0:
called_computation_lowered:
.L_overlay_start_0:
0x88: {  	s2 =	sld [smem:$0x3FD9]  }
0x89: {  	s3 =	sld [smem:$0x3FFE];
	_ =	sdelay $0x1  }
0x8a: {  	s1 =	srdreg.scid  }
0x8b: {  	s0 =	sand.u32 $0x1, s1  }
0x8c: {  	s17 =	sshll.u32 s0, $0xA;
	s2 =	sadd.s32 s3, s2  }
0x8d: {  	s2 =	sadd.s32 s2, s17  }
0x8e: {  	[smem:$0x3FC1] =	sst s2  }
0x8f: {  	_ = 	snop  }
0x90: {  	s2 =	sld [smem:$0x3FD0];
	(tm) =	ssettm $0x1  }
0x91: {  	s18 =	sld [smem:$0x3FFB];
	_ =	sdelay $0x3  }
0x92: {  	_ =	strace s18  }
0x93: {  	s3 =	sld [smem:$0x3FFC];
	_ =	sdelay $0x3  }
0x94: {  	_ =	strace s3  }
0x95: {  	s3 =	sld [smem:$0x3FFD];
	_ =	sdelay $0x3  }
0x96: {  	_ =	strace s3  }
0x97: {  	_ =	strace $0x8FFFFFFF  }
0x98: {  	s19 =	sld [smem:$0x3FDB];
	_ =	sdelay $0x1  }
0x99: {  	s4 =	simm.s32 $_scs_section_size  }
0x9a: {  	s5 =	simm.s32 $_size__tile_overlayer_lowered;
	s6 =	simm.s32 $_tile_overlayer_lowered  }
0x9b: {  	s22 =	simm.s32 $0x1BFF;
	s21 =	sshll.u32 s6, $0x1;
	s3 =	sadd.s32 s4, s19  }
0x9c: {  	s7 =	simm.s32 $0x0;
	s20 =	sshll.u32 s5, $0x1;
	s5 =	sadd.s32 s21, s3  }
0x9d: {  	[timem:s7], [sflag:s22] =	dma.local [hbm:s5], s20  }
0x9e: {  	_ =	swait.ge [sflag:s22], s20  }
0x9f: {  	s4 =	ssub.s32 $0x0, s20;
	[sflag:s22] =	ssyncset.done $0x0  }
0xa0: {  	[sflag:s22] =	ssyncadd.s32 s4;
	_ =	sdelay $0x1  }
0xa1: {  	s23 =	simm.s32 $0x1B8B  }
0xa2: {  	_ =	swait.ge [sflag:s23], $0x1  }
0xa3: {  	[sflag:s23] =	ssyncset.done $0x0  }
0xa4: {  	s25 =	simm.s32 $0x1B8E;
	s24 =	sld [smem:$0x3FFE];
	[sflag:s23] =	ssyncadd.s32 $0xFFFFFFFF  }
0xa5: {  	s26 =	simm.s32 $execute0_lowered;
	[smem:$0x3FD2] =	sst s25  }
0xa6: {  	s5 =	sshll.u32 s26, $0x1;
	_ =	strace $0x80000046;
	[dreg:$0x1] =	wrdreg $0xFFFFFFFF  }
0xa7: {  	s28 =	simm.s32 $_size_execute0_lowered;
	s3 =	sadd.s32 s3, s5;
	[dreg:$0x0] =	wrdreg $0x0  }
0xa8: {  	s5 =	sshll.u32 s28, $0x1;
	[dreg:$0x2] =	wrdreg s3  }
0xa9: {  	[dreg:$0x3] =	wrdreg s5  }
0xaa: {  	[dreg:$0x4] =	wrdreg $0xC0  }
0xab: {  	_ =	task [dreg:s7], $0x5FFFF  }
0xac: {  	[dreg:$0x1] =	wrdreg $0xFFFFFFFF  }
0xad: {  	[dreg:$0x0] =	wrdreg $0x60  }
0xae: {  	[dreg:$0x2] =	wrdreg s2  }
0xaf: {  	[dreg:$0x3] =	wrdreg s24  }
0xb0: {  	[dreg:$0x4] =	wrdreg $0x9  }
0xb1: {  	_ =	task.clear_ibuf [dreg:s7], $0x5FFFF;
	_ =	strace $0x90000046  }
0xb2: {  	s29 =	simm.s32 $0x9;
	_ =	strace $0x80000048  }
0xb3: {  	_ =	swait.ge [sflag:s29], $0x1  }
0xb4: {  	[sflag:s29] =	ssyncadd.s32 $0xFFFFFFFF  }
0xb5: {  	_ =	strace $0x90000048  }
0xb6: {  	_ =	sfence  }
0xb7: {  	s30 =	sld [smem:$0x0];
	_ =	sdelay $0x2  }
0xb8: {  	s31 =	sshll.u32 s1, $0xD;
	s1 =	sshrl.u32 s1, $0x2  }
0xb9: {  	s3 =	sand.u32 $0x4000, s31;
	s1 =	sadd.s32 s1, s30  }
0xba: {  	s0 =	sor.u32 s3, s0;
	s1 =	sshll.u32 s1, $0x11  }
0xbb: {  	s0 =	sor.u32 s1, s0  }
0xbc: {  	s0 =	sadd.s32 $0x8F2B, s0  }
0xbd: {  	[sflag:s0] =	ssyncadd.remote.s32 $0x1  }
0xbe: {  	_ =	sfence.sel $0xFFFF  }
0xbf: {  	[dreg:$0x0] =	wrdreg $0xFFFFFFFF;
	(pc) =	sbr.abs _section_cstart, $3  }
0xc0: {  	[dreg:$0x1] =	wrdreg $0xFFFFFFFF  }
0xc1: {  	_ =	task.clear_ibuf [dreg:s7], $0x2FFFF;
	_ =	strace $0x9FFFFFFF  }
0xc2: {  	(tm) =	ssettm $0x7FFFFFFF  }
0xc3: {  	_ =	shalt  }
tec
execute0_lowered:
.L_overlay_start_1:
0x0: {  	(tag) =	ssettag $0x1  }
0x1: {  	s4 =	rddreg [dreg:$0x0]  }
0x2: {  	s7 =	rddreg [dreg:$0x1];
	s2 =	srdreg.scid  }
0x3: {  	s0 =	rddreg [dreg:$0x2];
	s1 =	stileid.u32;
	s11 =	simm.s32 $0x6080  }
0x4: {  	s12 =	simm.s32 $0x800;
	s13 =	simm.s32 $0xC00;
	s14 =	simm.s32 $0x1400  }
0x5: {  	s15 =	simm.s32 $0x1800;
	s16 =	simm.s32 $0x2000;
	s17 =	simm.s32 $0x2400  }
0x6: {  	s18 =	simm.s32 $0x2C00;
	s19 =	simm.s32 $0x3000;
	s20 =	simm.s32 $0x3800  }
0x7: {  	s21 =	simm.s32 $0x3C00;
	s22 =	simm.s32 $0x4400;
	s23 =	simm.s32 $0x4800  }
0x8: {  	s24 =	simm.s32 $0x5000;
	s25 =	simm.s32 $0x5400;
	s26 =	simm.s32 $0x5C00  }
0x9: {  	s28 =	simm.s32 $0x1;
	s3 =	sand.u32 $0x1, s2;
	s2 =	simm.s32 $0x0  }
0xa: {  	s5 =	sshll.u32 s1, $0x4;
	s6 =	sshll.u32 s3, $0x3;
	[smem:$0x7FF] =	sst s2  }
0xb: {  	s31 =	ssub.s32 $0x2, s3;
	s3 =	sadd.s32 $0x2800, s7;
	s5 =	sor.u32 s6, s5  }
0xc: {  	_ =	strace $0x80000047;
	s8 =	sshrl.u32 s31, $0x1;
	s9 =	smul.u32 $0x180, s5  }
0xd: {  	v2 =	vlaneseq.u32;
	s10 =	sadd.s32 s5, s7;
	s8 =	ssub.s32 s31, s8;
	s7 =	sadd.s32 $0x2900, s7  }
0xe: {  	vm0 =	vmmov $0xffff;
	vm1 =	vmmov $0xff;
	v1 =	vshrl.u32 v2, $0x3;
	s5 =	sadd.s32 $0x2200, s10;
	s6 =	sadd.s32 $0x2000, s10;
	s8 =	smax.u32 s8, $0x1  }
0xf: {  	v0 =	vand.u32 $0x7, v2;
	v2 =	vor.u32 $0x8, v2;
	v1 =	vmul.u32 $0x8, v1;
	s10 =	simm.s32 $0x6000;
	s4 =	sadd.s32 s4, s9;
	s9 =	simm.s32 $0x2  }
.LBB2_1:
0x10: {  	[tilespmem:s2], [sflag:$0x2] =	stream.linear.gather [hbm4b:s4+s2], $0x6000, $0x38;
	[tilespmem:$0x6100] =	vst v63  }
0x11: {  	_ =	swait.ge [sflag:s9], $0x6000  }
0x12: {  	[sflag:s9] =	ssyncset.done $0x0  }
0x13: {  	[sflag:s9] =	ssyncadd.s32 $0xFFFFA000  }
0x14: {  	[tilespmem:s10], [sflag:$0x2] =	stream.linear.gather [hbm4b:s5+s2], $0x40, $0x38;
	[tilespmem:$0x6100] =	vst v63  }
0x15: {  	_ =	swait.ge [sflag:s9], $0x40  }
0x16: {  	[sflag:s9] =	ssyncset.done $0x0  }
0x17: {  	[sflag:s9] =	ssyncadd.s32 $0xFFFFFFC0  }
0x18: {  	[tilespmem:s11], [sflag:$0x2] =	stream.linear.gather [hbm4b:s6+s2], $0x40, $0x38;
	[tilespmem:$0x6100] =	vst v63  }
0x19: {  	_ =	swait.ge [sflag:s9], $0x40  }
0x1a: {  	[sflag:s9] =	ssyncset.done $0x0  }
0x1b: {  	[sflag:s9] =	ssyncadd.s32 $0xFFFFFFC0  }
0x1c: {  	v3 =	vld [tilespmem:$0x6000];
	_ =	sdelay $0x4  }
0x1d: {  	v4 =	vshrl.u32 v3, $0x3  }
0x1e: {  	v4 =	vmul.u32 $0x18, v4  }
0x1f: {  	v3 =	vand.u32 $0x7, v3  }
0x20: {  	v3 =	vor.u32 v3, v4  }
0x21: {  	v4 =	vperm.xlane v3, v0;
	_ =	sdelay $0x1  }
0x22: {  	v4 =	vadd.s32 v1, v4;
	_ =	sdelay $0x1  }
0x23: {  	v3 =	vperm.xlane v3, v2;
	_ =	sdelay $0x1  }
0x24: {  	v3 =	vadd.s32 v1, v3  }
0x25: {  	[hbm4b:s3+s2] =	stream.indirect_vreg.scatter [tilespmem:s2], [sflag:$0x1], $0x80, v4, vm0, $0xb8;
	[tilespmem:$0x6100] =	vst v63  }
0x26: {  	_ = 	snop  }
0x27: {  	[hbm4b:s7+s2] =	stream.indirect_vreg.scatter [tilespmem:s12], [sflag:$0x1], $0x80, v4, vm1, $0xb8;
	[tilespmem:$0x6100] =	vst v63  }
0x28: {  	_ = 	snop  }
0x29: {  	[hbm4b:s3+s2] =	stream.indirect_vreg.scatter [tilespmem:s13], [sflag:$0x1], $0x80, v3, vm0, $0xb8;
	[tilespmem:$0x6100] =	vst v63  }
0x2a: {  	_ = 	snop  }
0x2b: {  	[hbm4b:s7+s2] =	stream.indirect_vreg.scatter [tilespmem:s14], [sflag:$0x1], $0x80, v3, vm1, $0xb8;
	[tilespmem:$0x6100] =	vst v63  }
0x2c: {  	v3 =	vld [tilespmem:$0x6010];
	_ =	sdelay $0x4  }
0x2d: {  	v57 =	vshrl.u32 v3, $0x3  }
0x2e: {  	v4 =	vmul.u32 $0x18, v57  }
0x2f: {  	v3 =	vand.u32 $0x7, v3  }
0x30: {  	v3 =	vor.u32 v3, v4  }
0x31: {  	v4 =	vperm.xlane v3, v0;
	_ =	sdelay $0x1  }
0x32: {  	v4 =	vadd.s32 v1, v4;
	_ =	sdelay $0x1  }
0x33: {  	v3 =	vperm.xlane v3, v2;
	_ =	sdelay $0x1  }
0x34: {  	v3 =	vadd.s32 v1, v3  }
0x35: {  	[hbm4b:s3+s2] =	stream.indirect_vreg.scatter [tilespmem:s15], [sflag:$0x1], $0x80, v4, vm0, $0xb8;
	[tilespmem:$0x6100] =	vst v63  }
0x36: {  	_ = 	snop  }
0x37: {  	[hbm4b:s7+s2] =	stream.indirect_vreg.scatter [tilespmem:s16], [sflag:$0x1], $0x80, v4, vm1, $0xb8;
	[tilespmem:$0x6100] =	vst v63  }
0x38: {  	_ = 	snop  }
0x39: {  	[hbm4b:s3+s2] =	stream.indirect_vreg.scatter [tilespmem:s17], [sflag:$0x1], $0x80, v3, vm0, $0xb8;
	[tilespmem:$0x6100] =	vst v63  }
0x3a: {  	_ = 	snop  }
0x3b: {  	[hbm4b:s7+s2] =	stream.indirect_vreg.scatter [tilespmem:s18], [sflag:$0x1], $0x80, v3, vm1, $0xb8;
	[tilespmem:$0x6100] =	vst v63  }
0x3c: {  	v3 =	vld [tilespmem:$0x6020];
	_ =	sdelay $0x4  }
0x3d: {  	v58 =	vshrl.u32 v3, $0x3  }
0x3e: {  	v4 =	vmul.u32 $0x18, v58  }
0x3f: {  	v3 =	vand.u32 $0x7, v3  }
0x40: {  	v3 =	vor.u32 v3, v4  }
0x41: {  	v4 =	vperm.xlane v3, v0;
	_ =	sdelay $0x1  }
0x42: {  	v4 =	vadd.s32 v1, v4;
	_ =	sdelay $0x1  }
0x43: {  	v3 =	vperm.xlane v3, v2;
	_ =	sdelay $0x1  }
0x44: {  	v3 =	vadd.s32 v1, v3  }
0x45: {  	[hbm4b:s3+s2] =	stream.indirect_vreg.scatter [tilespmem:s19], [sflag:$0x1], $0x80, v4, vm0, $0xb8;
	[tilespmem:$0x6100] =	vst v63  }
0x46: {  	_ = 	snop  }
0x47: {  	[hbm4b:s7+s2] =	stream.indirect_vreg.scatter [tilespmem:s20], [sflag:$0x1], $0x80, v4, vm1, $0xb8;
	[tilespmem:$0x6100] =	vst v63  }
0x48: {  	_ = 	snop  }
0x49: {  	[hbm4b:s3+s2] =	stream.indirect_vreg.scatter [tilespmem:s21], [sflag:$0x1], $0x80, v3, vm0, $0xb8;
	[tilespmem:$0x6100] =	vst v63  }
0x4a: {  	_ = 	snop  }
0x4b: {  	[hbm4b:s7+s2] =	stream.indirect_vreg.scatter [tilespmem:s22], [sflag:$0x1], $0x80, v3, vm1, $0xb8;
	[tilespmem:$0x6100] =	vst v63  }
0x4c: {  	v3 =	vld [tilespmem:$0x6030];
	_ =	sdelay $0x4  }
0x4d: {  	v59 =	vshrl.u32 v3, $0x3  }
0x4e: {  	v4 =	vmul.u32 $0x18, v59  }
0x4f: {  	v3 =	vand.u32 $0x7, v3  }
0x50: {  	v3 =	vor.u32 v3, v4  }
0x51: {  	v4 =	vperm.xlane v3, v0;
	_ =	sdelay $0x1  }
0x52: {  	v4 =	vadd.s32 v1, v4;
	_ =	sdelay $0x1  }
0x53: {  	v3 =	vperm.xlane v3, v2;
	_ =	sdelay $0x1  }
0x54: {  	v3 =	vadd.s32 v1, v3  }
0x55: {  	[hbm4b:s3+s2] =	stream.indirect_vreg.scatter [tilespmem:s23], [sflag:$0x1], $0x80, v4, vm0, $0xb8;
	[tilespmem:$0x6100] =	vst v63  }
0x56: {  	_ = 	snop  }
0x57: {  	[hbm4b:s7+s2] =	stream.indirect_vreg.scatter [tilespmem:s24], [sflag:$0x1], $0x80, v4, vm1, $0xb8;
	[tilespmem:$0x6100] =	vst v63  }
0x58: {  	_ = 	snop  }
0x59: {  	[hbm4b:s3+s2] =	stream.indirect_vreg.scatter [tilespmem:s25], [sflag:$0x1], $0x80, v3, vm0, $0xb8;
	[tilespmem:$0x6100] =	vst v63  }
0x5a: {  	_ = 	snop  }
0x5b: {  	[hbm4b:s7+s2] =	stream.indirect_vreg.scatter [tilespmem:s26], [sflag:$0x1], $0x80, v3, vm1, $0xb8;
	[tilespmem:$0x6100] =	vst v63  }
0x5c: {  	v3 =	vld [tilespmem:$0x6080];
	_ =	sdelay $0x4  }
0x5d: {  	v60 =	vshrl.u32 v3, $0x3  }
0x5e: {  	v4 =	vmul.u32 $0x18, v60  }
0x5f: {  	v3 =	vand.u32 $0x7, v3  }
0x60: {  	v3 =	vor.u32 v3, v4  }
0x61: {  	v4 =	vperm.xlane v3, v0;
	_ =	sdelay $0x1  }
0x62: {  	v4 =	vadd.s32 v1, v4;
	_ =	sdelay $0x1  }
0x63: {  	v3 =	vperm.xlane v3, v2;
	_ =	sdelay $0x1  }
0x64: {  	v3 =	vadd.s32 v1, v3  }
0x65: {  	[hbm4b:s3+s2] =	stream.indirect_vreg.scatter [tilespmem:s2], [sflag:$0x1], $0x80, v4, vm0, $0xb8;
	[tilespmem:$0x6100] =	vst v63  }
0x66: {  	_ = 	snop  }
0x67: {  	[hbm4b:s7+s2] =	stream.indirect_vreg.scatter [tilespmem:s12], [sflag:$0x1], $0x80, v4, vm1, $0xb8;
	[tilespmem:$0x6100] =	vst v63  }
0x68: {  	_ = 	snop  }
0x69: {  	[hbm4b:s3+s2] =	stream.indirect_vreg.scatter [tilespmem:s13], [sflag:$0x1], $0x80, v3, vm0, $0xb8;
	[tilespmem:$0x6100] =	vst v63  }
0x6a: {  	_ = 	snop  }
0x6b: {  	[hbm4b:s7+s2] =	stream.indirect_vreg.scatter [tilespmem:s14], [sflag:$0x1], $0x80, v3, vm1, $0xb8;
	[tilespmem:$0x6100] =	vst v63  }
0x6c: {  	v3 =	vld [tilespmem:$0x6090];
	_ =	sdelay $0x4  }
0x6d: {  	v61 =	vshrl.u32 v3, $0x3  }
0x6e: {  	v4 =	vmul.u32 $0x18, v61  }
0x6f: {  	v3 =	vand.u32 $0x7, v3  }
0x70: {  	v3 =	vor.u32 v3, v4  }
0x71: {  	v4 =	vperm.xlane v3, v0;
	_ =	sdelay $0x1  }
0x72: {  	v4 =	vadd.s32 v1, v4;
	_ =	sdelay $0x1  }
0x73: {  	v3 =	vperm.xlane v3, v2;
	_ =	sdelay $0x1  }
0x74: {  	v3 =	vadd.s32 v1, v3  }
0x75: {  	[hbm4b:s3+s2] =	stream.indirect_vreg.scatter [tilespmem:s15], [sflag:$0x1], $0x80, v4, vm0, $0xb8;
	[tilespmem:$0x6100] =	vst v63  }
0x76: {  	_ = 	snop  }
0x77: {  	[hbm4b:s7+s2] =	stream.indirect_vreg.scatter [tilespmem:s16], [sflag:$0x1], $0x80, v4, vm1, $0xb8;
	[tilespmem:$0x6100] =	vst v63  }
0x78: {  	_ = 	snop  }
0x79: {  	[hbm4b:s3+s2] =	stream.indirect_vreg.scatter [tilespmem:s17], [sflag:$0x1], $0x80, v3, vm0, $0xb8;
	[tilespmem:$0x6100] =	vst v63  }
0x7a: {  	_ = 	snop  }
0x7b: {  	[hbm4b:s7+s2] =	stream.indirect_vreg.scatter [tilespmem:s18], [sflag:$0x1], $0x80, v3, vm1, $0xb8;
	[tilespmem:$0x6100] =	vst v63  }
0x7c: {  	v3 =	vld [tilespmem:$0x60A0];
	_ =	sdelay $0x4  }
0x7d: {  	v62 =	vshrl.u32 v3, $0x3  }
0x7e: {  	v4 =	vmul.u32 $0x18, v62  }
0x7f: {  	v3 =	vand.u32 $0x7, v3  }
0x80: {  	v3 =	vor.u32 v3, v4  }
0x81: {  	v4 =	vperm.xlane v3, v0;
	_ =	sdelay $0x1  }
0x82: {  	v4 =	vadd.s32 v1, v4;
	_ =	sdelay $0x1  }
0x83: {  	v3 =	vperm.xlane v3, v2;
	_ =	sdelay $0x1  }
0x84: {  	v3 =	vadd.s32 v1, v3  }
0x85: {  	[hbm4b:s3+s2] =	stream.indirect_vreg.scatter [tilespmem:s19], [sflag:$0x1], $0x80, v4, vm0, $0xb8;
	[tilespmem:$0x6100] =	vst v63  }
0x86: {  	_ = 	snop  }
0x87: {  	[hbm4b:s7+s2] =	stream.indirect_vreg.scatter [tilespmem:s20], [sflag:$0x1], $0x80, v4, vm1, $0xb8;
	[tilespmem:$0x6100] =	vst v63  }
0x88: {  	_ = 	snop  }
0x89: {  	[hbm4b:s3+s2] =	stream.indirect_vreg.scatter [tilespmem:s21], [sflag:$0x1], $0x80, v3, vm0, $0xb8;
	[tilespmem:$0x6100] =	vst v63  }
0x8a: {  	_ = 	snop  }
0x8b: {  	[hbm4b:s7+s2] =	stream.indirect_vreg.scatter [tilespmem:s22], [sflag:$0x1], $0x80, v3, vm1, $0xb8;
	[tilespmem:$0x6100] =	vst v63  }
0x8c: {  	v3 =	vld [tilespmem:$0x60B0];
	_ =	sdelay $0x4  }
0x8d: {  	v63 =	vshrl.u32 v3, $0x3  }
0x8e: {  	v4 =	vmul.u32 $0x18, v63  }
0x8f: {  	v3 =	vand.u32 $0x7, v3  }
0x90: {  	v3 =	vor.u32 v3, v4  }
0x91: {  	v4 =	vperm.xlane v3, v0;
	_ =	sdelay $0x1  }
0x92: {  	v4 =	vadd.s32 v1, v4;
	_ =	sdelay $0x1  }
0x93: {  	v3 =	vperm.xlane v3, v2;
	_ =	sdelay $0x1  }
0x94: {  	v3 =	vadd.s32 v1, v3  }
0x95: {  	[hbm4b:s3+s2] =	stream.indirect_vreg.scatter [tilespmem:s23], [sflag:$0x1], $0x80, v4, vm0, $0xb8;
	[tilespmem:$0x6100] =	vst v63  }
0x96: {  	_ = 	snop  }
0x97: {  	[hbm4b:s7+s2] =	stream.indirect_vreg.scatter [tilespmem:s24], [sflag:$0x1], $0x80, v4, vm1, $0xb8;
	[tilespmem:$0x6100] =	vst v63  }
0x98: {  	_ = 	snop  }
0x99: {  	[hbm4b:s3+s2] =	stream.indirect_vreg.scatter [tilespmem:s25], [sflag:$0x1], $0x80, v3, vm0, $0xb8;
	[tilespmem:$0x6100] =	vst v63  }
0x9a: {  	_ = 	snop  }
0x9b: {  	[hbm4b:s7+s2] =	stream.indirect_vreg.scatter [tilespmem:s26], [sflag:$0x1], $0x80, v3, vm1, $0xb8;
	[tilespmem:$0x6100] =	vst v63  }
0x9c: {  	p0 =	sne.s32 s8, $0x1;
	_ =	swait.ge [sflag:s28], $0x6000  }
.Ltmp0:
0x9d: {  	[sflag:s28] =	ssyncset.done $0x0;
	(pc) =	sbr.rel @p0 .LBB2_1-.Ltmp0, $4  }
0x9e: {  	[sflag:s28] =	ssyncadd.s32 $0xFFFFA000  }
0x9f: {  	_ =	swait.ge [sflag:s28], $0x6000  }
0xa0: {  	[sflag:s28] =	ssyncset.done $0x0  }
0xa1: {  	s8 =	sadd.s32 $0xFFFFFFFF, s8;
	[sflag:s28] =	ssyncadd.s32 $0xFFFFA000  }
0xa2: {  	_ =	sfence.sel $0x180000  }
0xa3: {  	[bflag:$0x0] =	sbarrier.arrive $0xFFFF  }
0xa4: {  	p0 =	sne.s32 s1, $0x0;
	_ =	strace $0x90000047  }
0xa5: {  	s0 =	sadd.s32 @!p0 $0x100000, s0;
	[bflag:$0x2] =	sbarrier.arrive $0xFFFF  }
0xa6: {  	[sflag:s0] =	ssyncadd.tile.s32 @!p0 $0x1;
	_ =	shalt  }
.Lfunc_end2:
_tile_overlayer_lowered:
.L_overlay_start_2:
0xa7: {  	(tag) =	ssettag $0x2  }
0xa8: {  	s0 =	rddreg [dreg:$0x0];
	s2 =	stileid.u32  }
0xa9: {  	s1 =	rddreg [dreg:$0x1];
	p0 =	sne.s32 s2, $0x0  }
0xaa: {  	s3 =	rddreg [dreg:$0x2];
	[bflag:$0x3] =	sbarrier.arrive $0xFFFF;
	s2 =	simm.s32 @!p0 $0x1C02  }
0xab: {  	[timem:s3], [sflag:s2] =	dma.local @!p0 [hbm:s0], s1  }
0xac: {  	s0 =	simm.s32 @!p0 $0x2  }
0xad: {  	_ =	swait.ge @!p0 [sflag:s0], s1  }
0xae: {  	s1 =	ssub.s32 @!p0 $0x0, s1;
	[sflag:s0] =	ssyncset.done @!p0 $0x0  }
0xaf: {  	[sflag:s0] =	ssyncadd.s32 @!p0 s1  }
0xb0: {  	[bflag:$0x3] =	sbarrier.arrive $0xFFFF  }
0xb1: {  	_ =	shalt  }

// kernel: kernel.9.cloned.1.call-start
scs
__scs_entry_jumppad:
0x0: {  	(pc) =	sbr.rel $0x88, $3  }
0x1: {  	(tag) =	ssettag $0x0;
	lr =	simm.s32 $0x1  }
0x2: {  	[smem:$0x3F9A] =	sst lr;
	_ =	strace $0xD0000000  }
0x3: {  	_ = 	snop  }
0x4: {  	_ = 	snop  }
0x5: {  	_ = 	snop  }
0x6: {  	_ = 	snop  }
0x7: {  	_ = 	snop  }
__scs_overlays_trampoline_lowered:
0x8: {  	[smem:$0x3FA9] =	sst s0  }
0x9: {  	[smem:$0x3FAA] =	sst s1  }
0xa: {  	[smem:$0x3FAB] =	sst s2  }
0xb: {  	[smem:$0x3FAC] =	sst s3  }
0xc: {  	[smem:$0x3FAD] =	sst s4  }
0xd: {  	[smem:$0x3FAE] =	sst s5  }
0xe: {  	[smem:$0x3FAF] =	sst s6  }
0xf: {  	[smem:$0x3FB0] =	sst s7  }
0x10: {  	[smem:$0x3FB1] =	sst s8  }
0x11: {  	[smem:$0x3FB2] =	sst s9;
	s0 =	simm.s32 @!p0 $0x0  }
0x12: {  	s1 =	sld [smem:$0x3F98];
	s0 =	simm.s32 @p0 $0x1  }
0x13: {  	[smem:$0x3FB3] =	sst s0;
	s0 =	simm.s32 @!p1 $0x0  }
0x14: {  	s2 =	sld [smem:$0x3F97];
	s0 =	simm.s32 @p1 $0x1  }
0x15: {  	[smem:$0x3FB4] =	sst s0;
	s0 =	simm.s32 @!p2 $0x0  }
0x16: {  	s3 =	sld [smem:$0x3FDB];
	s0 =	simm.s32 @p2 $0x1  }
0x17: {  	s4 =	simm.s32 $0x1BF5;
	[smem:$0x3FB6] =	sst s0  }
0x18: {  	s0 =	sld [smem:$0x3F99];
	_ =	swait.ge [sflag:s4], $0x0  }
0x19: {  	s7 =	sld [smem:$0x3F9A]  }
0x1a: {  	s8 =	sadd.s32 $0xFFFFE003, lr  }
0x1b: {  	s9 =	sadd.s32 $0xFFFFFEF7, lr;
	s5 =	simm.s32 $0xFFFFFFFF;
	p2 =	slt.u32 s8, $0xFFFFF086  }
0x1c: {  	p1 =	slt.u32 s9, $0xF7A;
	s5 =	simm.s32 @!p2 $0x0  }
0x1d: {  	s5 =	simm.s32 @p1 $0x1;
	p0 =	seq.s32 s7, s2  }
0x1e: {  	s7 =	smul.u32 @!p0 $0xF7A, s2;
	p2 =	seq.s32 @!p0 s5, $0x0  }
0x1f: {  	s9 =	smul.u32 $0xF7A, s1;
	s8 =	simm.s32 @!p0 $0x1BF5;
	p2 =	por !p2, p0  }
0x20: {  	[sflag:s8] =	ssyncset.s32 @!p0 $0xFFFFF086;
	s6 =	sadd.s32 @!p0 s3, s7;
	s7 =	simm.s32 @!p0 $0x108  }
0x21: {  	s3 =	sadd.s32 s3, s9;
	s6 =	sadd.s32 @!p0 $0x88, s6;
	s7 =	simm.s32 @p2 $0x1082  }
0x22: {  	[simem:s7], [sflag:s8] =	dma.local @!p0 [hbm:s6], $0xF7A  }
0x23: {  	s9 =	sor.u32 $0xD0000000, s2;
	s6 =	simm.s32 $0x108;
	_ =	swait.ge @!p0 [sflag:s8], $0x0  }
0x24: {  	s3 =	sadd.s32 $0x88, s3;
	s6 =	simm.s32 @!p1 $0x1082;
	[sflag:s4] =	ssyncset.s32 $0xFFFFF086  }
0x25: {  	[simem:s6], [sflag:s4] =	dma.local [hbm:s3], $0xF7A  }
0x26: {  	[smem:$0x3F9A] =	sst s1;
	(tag) =	ssettag s2;
	_ =	strace s9  }
0x27: {  	s1 =	sld [smem:$0x3FAA]  }
0x28: {  	s2 =	sld [smem:$0x3FAB]  }
0x29: {  	s4 =	sld [smem:$0x3FAD]  }
0x2a: {  	p0 =	seq.s32 s5, $0x0;
	s5 =	sld [smem:$0x3FAE]  }
0x2b: {  	s6 =	sld [smem:$0x3FAF]  }
0x2c: {  	s7 =	sld [smem:$0x3FB0]  }
0x2d: {  	s3 =	simm.s32 $0x108;
	s8 =	sld [smem:$0x3FB1]  }
0x2e: {  	s3 =	simm.s32 @!p0 $0x1082;
	s9 =	sld [smem:$0x3FB2]  }
0x2f: {  	lr =	sadd.s32 s0, s3;
	s0 =	sld [smem:$0x3FA9]  }
0x30: {  	s3 =	sld [smem:$0x3FAC]  }
0x31: {  	[smem:$0x3FB5] =	sst s10  }
0x32: {  	s10 =	sld [smem:$0x3FB3];
	_ =	sdelay $0x3  }
0x33: {  	p0 =	seq.s32 s10, $0x1;
	s10 =	sld [smem:$0x3FB5];
	_ =	sdelay $0x3  }
0x34: {  	[smem:$0x3FB5] =	sst s10  }
0x35: {  	s10 =	sld [smem:$0x3FB4];
	_ =	sdelay $0x3  }
0x36: {  	p1 =	seq.s32 s10, $0x1;
	s10 =	sld [smem:$0x3FB5];
	_ =	sdelay $0x3  }
0x37: {  	[smem:$0x3FB5] =	sst s10  }
0x38: {  	s10 =	sld [smem:$0x3FB6]  }
0x39: {  	_ = 	snop;
	(pc) =	sbr.ind lr, $3  }
0x3a: {  	_ = 	snop  }
0x3b: {  	_ = 	snop  }
0x3c: {  	p2 =	seq.s32 s10, $0x1;
	s10 =	sld [smem:$0x3FB5]  }
0x3d: {  	_ =	shalt  }
0x3e: {  	_ =	shalt  }
0x3f: {  	_ =	shalt  }
0x40: {  	_ =	shalt  }
0x41: {  	_ =	shalt  }
0x42: {  	_ =	shalt  }
0x43: {  	_ =	shalt  }
0x44: {  	_ =	shalt  }
0x45: {  	_ =	shalt  }
0x46: {  	_ =	shalt  }
0x47: {  	_ =	shalt  }
0x48: {  	_ =	shalt  }
0x49: {  	_ =	shalt  }
0x4a: {  	_ =	shalt  }
0x4b: {  	_ =	shalt  }
0x4c: {  	_ =	shalt  }
0x4d: {  	_ =	shalt  }
0x4e: {  	_ =	shalt  }
0x4f: {  	_ =	shalt  }
0x50: {  	_ =	shalt  }
0x51: {  	_ =	shalt  }
0x52: {  	_ =	shalt  }
0x53: {  	_ =	shalt  }
0x54: {  	_ =	shalt  }
0x55: {  	_ =	shalt  }
0x56: {  	_ =	shalt  }
0x57: {  	_ =	shalt  }
0x58: {  	_ =	shalt  }
0x59: {  	_ =	shalt  }
0x5a: {  	_ =	shalt  }
0x5b: {  	_ =	shalt  }
0x5c: {  	_ =	shalt  }
0x5d: {  	_ =	shalt  }
0x5e: {  	_ =	shalt  }
0x5f: {  	_ =	shalt  }
0x60: {  	_ =	shalt  }
0x61: {  	_ =	shalt  }
0x62: {  	_ =	shalt  }
0x63: {  	_ =	shalt  }
0x64: {  	_ =	shalt  }
0x65: {  	_ =	shalt  }
0x66: {  	_ =	shalt  }
0x67: {  	_ =	shalt  }
0x68: {  	_ =	shalt  }
0x69: {  	_ =	shalt  }
0x6a: {  	_ =	shalt  }
0x6b: {  	_ =	shalt  }
0x6c: {  	_ =	shalt  }
0x6d: {  	_ =	shalt  }
0x6e: {  	_ =	shalt  }
0x6f: {  	_ =	shalt  }
0x70: {  	_ =	shalt  }
0x71: {  	_ =	shalt  }
0x72: {  	_ =	shalt  }
0x73: {  	_ =	shalt  }
0x74: {  	_ =	shalt  }
0x75: {  	_ =	shalt  }
0x76: {  	_ =	shalt  }
0x77: {  	_ =	shalt  }
0x78: {  	_ =	shalt  }
0x79: {  	_ =	shalt  }
0x7a: {  	_ =	shalt  }
0x7b: {  	_ =	shalt  }
0x7c: {  	_ =	shalt  }
0x7d: {  	_ =	shalt  }
0x7e: {  	_ =	shalt  }
0x7f: {  	_ =	shalt  }
0x80: {  	_ =	shalt  }
0x81: {  	_ =	shalt  }
0x82: {  	_ =	shalt  }
0x83: {  	_ =	shalt  }
0x84: {  	_ =	shalt  }
0x85: {  	_ =	shalt  }
0x86: {  	_ =	shalt  }
0x87: {  	_ =	shalt  }
.Lfunc_end0:
.L_simem_size_0:
called_computation.1_lowered:
.L_overlay_start_0:
0x88: {  	s2 =	sld [smem:$0x3FD9]  }
0x89: {  	s3 =	sld [smem:$0x3FFE];
	_ =	sdelay $0x1  }
0x8a: {  	s1 =	srdreg.scid  }
0x8b: {  	s0 =	sand.u32 $0x1, s1  }
0x8c: {  	s17 =	sshll.u32 s0, $0xA;
	s2 =	sadd.s32 s3, s2  }
0x8d: {  	s2 =	sadd.s32 s2, s17  }
0x8e: {  	[smem:$0x3FC1] =	sst s2  }
0x8f: {  	_ = 	snop  }
0x90: {  	s2 =	sld [smem:$0x3FD0];
	(tm) =	ssettm $0x1  }
0x91: {  	s18 =	sld [smem:$0x3FFB];
	_ =	sdelay $0x3  }
0x92: {  	_ =	strace s18  }
0x93: {  	s3 =	sld [smem:$0x3FFC];
	_ =	sdelay $0x3  }
0x94: {  	_ =	strace s3  }
0x95: {  	s3 =	sld [smem:$0x3FFD];
	_ =	sdelay $0x3  }
0x96: {  	_ =	strace s3  }
0x97: {  	_ =	strace $0x8FFFFFFF  }
0x98: {  	s19 =	sld [smem:$0x3FDB];
	_ =	sdelay $0x1  }
0x99: {  	s4 =	simm.s32 $_scs_section_size  }
0x9a: {  	s5 =	simm.s32 $_size__tile_overlayer_lowered;
	s6 =	simm.s32 $_tile_overlayer_lowered  }
0x9b: {  	s22 =	simm.s32 $0x1BFF;
	s21 =	sshll.u32 s6, $0x1;
	s3 =	sadd.s32 s4, s19  }
0x9c: {  	s7 =	simm.s32 $0x0;
	s20 =	sshll.u32 s5, $0x1;
	s5 =	sadd.s32 s21, s3  }
0x9d: {  	[timem:s7], [sflag:s22] =	dma.local [hbm:s5], s20  }
0x9e: {  	_ =	swait.ge [sflag:s22], s20  }
0x9f: {  	s4 =	ssub.s32 $0x0, s20;
	[sflag:s22] =	ssyncset.done $0x0  }
0xa0: {  	[sflag:s22] =	ssyncadd.s32 s4;
	_ =	sdelay $0x1  }
0xa1: {  	s23 =	simm.s32 $0x1B8B  }
0xa2: {  	_ =	swait.ge [sflag:s23], $0x1  }
0xa3: {  	[sflag:s23] =	ssyncset.done $0x0  }
0xa4: {  	s25 =	simm.s32 $0x1B8E;
	s24 =	sld [smem:$0x3FFE];
	[sflag:s23] =	ssyncadd.s32 $0xFFFFFFFF  }
0xa5: {  	s26 =	simm.s32 $execute0_lowered;
	[smem:$0x3FD2] =	sst s25  }
0xa6: {  	s5 =	sshll.u32 s26, $0x1;
	_ =	strace $0x80000049;
	[dreg:$0x1] =	wrdreg $0xFFFFFFFF  }
0xa7: {  	s28 =	simm.s32 $_size_execute0_lowered;
	s3 =	sadd.s32 s3, s5;
	[dreg:$0x0] =	wrdreg $0x0  }
0xa8: {  	s5 =	sshll.u32 s28, $0x1;
	[dreg:$0x2] =	wrdreg s3  }
0xa9: {  	[dreg:$0x3] =	wrdreg s5  }
0xaa: {  	[dreg:$0x4] =	wrdreg $0xC0  }
0xab: {  	_ =	task [dreg:s7], $0x5FFFF  }
0xac: {  	[dreg:$0x1] =	wrdreg $0xFFFFFFFF  }
0xad: {  	[dreg:$0x0] =	wrdreg $0x60  }
0xae: {  	[dreg:$0x2] =	wrdreg s24  }
0xaf: {  	[dreg:$0x3] =	wrdreg s2  }
0xb0: {  	[dreg:$0x4] =	wrdreg $0x9  }
0xb1: {  	_ =	task.clear_ibuf [dreg:s7], $0x5FFFF;
	_ =	strace $0x90000049  }
0xb2: {  	s29 =	simm.s32 $0x9;
	_ =	strace $0x8000004B  }
0xb3: {  	_ =	swait.ge [sflag:s29], $0x1  }
0xb4: {  	[sflag:s29] =	ssyncadd.s32 $0xFFFFFFFF  }
0xb5: {  	_ =	strace $0x9000004B  }
0xb6: {  	_ =	sfence  }
0xb7: {  	s30 =	sld [smem:$0x0];
	_ =	sdelay $0x2  }
0xb8: {  	s31 =	sshll.u32 s1, $0xD;
	s1 =	sshrl.u32 s1, $0x2  }
0xb9: {  	s3 =	sand.u32 $0x4000, s31;
	s1 =	sadd.s32 s1, s30  }
0xba: {  	s0 =	sor.u32 s3, s0;
	s1 =	sshll.u32 s1, $0x11  }
0xbb: {  	s0 =	sor.u32 s1, s0  }
0xbc: {  	s0 =	sadd.s32 $0x8F2B, s0  }
0xbd: {  	[sflag:s0] =	ssyncadd.remote.s32 $0x1  }
0xbe: {  	_ =	sfence.sel $0xFFFF  }
0xbf: {  	[dreg:$0x0] =	wrdreg $0xFFFFFFFF;
	(pc) =	sbr.abs _section_cstart, $3  }
0xc0: {  	[dreg:$0x1] =	wrdreg $0xFFFFFFFF  }
0xc1: {  	_ =	task.clear_ibuf [dreg:s7], $0x2FFFF;
	_ =	strace $0x9FFFFFFF  }
0xc2: {  	(tm) =	ssettm $0x7FFFFFFF  }
0xc3: {  	_ =	shalt  }
tec
execute0_lowered:
.L_overlay_start_1:
0x0: {  	(tag) =	ssettag $0x1  }
0x1: {  	s0 =	rddreg [dreg:$0x0]  }
0x2: {  	s1 =	rddreg [dreg:$0x1]  }
0x3: {  	s2 =	srdreg.scid;
	s4 =	stileid.u32  }
0x4: {  	s12 =	simm.s32 $0x3;
	s16 =	simm.s32 $0x200;
	s15 =	simm.s32 $0x13200  }
0x5: {  	s17 =	simm.s32 $0x13A00;
	s18 =	simm.s32 $0x14200;
	s19 =	simm.s32 $0x14A00  }
0x6: {  	s20 =	simm.s32 $0x15200;
	s21 =	simm.s32 $0x15A00;
	s22 =	simm.s32 $0x16200  }
0x7: {  	s23 =	simm.s32 $0x16A00;
	s24 =	simm.s32 $0x17200;
	s25 =	simm.s32 $0x17A00  }
0x8: {  	s26 =	simm.s32 $0x1;
	s28 =	simm.s32 $0x2;
	s29 =	simm.s32 $0x0  }
0x9: {  	s3 =	sand.u32 $0x1, s2;
	s2 =	simm.s32 $0x0;
	s4 =	sshll.u32 s4, $0x4  }
0xa: {  	s9 =	sadd.s32 $0x2A00, s0;
	s5 =	sshll.u32 s3, $0x3;
	[smem:$0x7FF] =	sst s2  }
0xb: {  	s30 =	ssub.s32 $0x2, s3;
	s3 =	sadd.s32 $0x2800, s0;
	s7 =	sor.u32 s5, s4  }
0xc: {  	_ =	strace $0x8000004A;
	s31 =	sshrl.u32 s30, $0x1;
	s8 =	sadd.s32 s7, s0  }
0xd: {  	v2 =	vlaneseq.u32;
	s11 =	ssub.s32 s30, s31;
	s10 =	smul.u32 $0x300, s7;
	s4 =	sadd.s32 $0x2200, s8  }
0xe: {  	vm0 =	vmmov $0xffff;
	v1 =	vshrl.u32 v2, $0x3;
	s5 =	sadd.s32 $0x2000, s8;
	s6 =	sadd.s32 $0x2400, s8;
	s7 =	sadd.s32 $0x2600, s8  }
0xf: {  	v0 =	vand.u32 $0x7, v2;
	v2 =	vor.u32 $0x8, v2;
	v1 =	vmul.u32 $0x8, v1;
	s8 =	sadd.s32 $0x2900, s0;
	s11 =	smax.u32 s11, $0x1;
	s10 =	sadd.s32 s1, s10  }
.LBB2_1:
0x10: {  	[tilespmem:s2], [sflag:$0x3] =	stream.linear.gather [hbm4b:s4+s2], $0x40, $0x38;
	[tilespmem:$0x18200] =	vst v63  }
0x11: {  	_ =	swait.ge [sflag:s12], $0x40  }
0x12: {  	[sflag:s12] =	ssyncset.done $0x0  }
0x13: {  	s0 =	simm.s32 $0x80;
	[sflag:s12] =	ssyncadd.s32 $0xFFFFFFC0  }
0x14: {  	[tilespmem:s0], [sflag:$0x3] =	stream.linear.gather [hbm4b:s5+s2], $0x40, $0x38;
	[tilespmem:$0x18200] =	vst v63  }
0x15: {  	_ =	swait.ge [sflag:s12], $0x40  }
0x16: {  	[sflag:s12] =	ssyncset.done $0x0  }
0x17: {  	s14 =	simm.s32 $0x100;
	[sflag:s12] =	ssyncadd.s32 $0xFFFFFFC0  }
0x18: {  	[tilespmem:s14], [sflag:$0x3] =	stream.linear.gather [hbm4b:s6+s2], $0x40, $0x38;
	[tilespmem:$0x18200] =	vst v63  }
0x19: {  	_ =	swait.ge [sflag:s12], $0x40  }
0x1a: {  	[sflag:s12] =	ssyncset.done $0x0  }
0x1b: {  	s1 =	simm.s32 $0x180;
	[sflag:s12] =	ssyncadd.s32 $0xFFFFFFC0  }
0x1c: {  	[tilespmem:s1], [sflag:$0x3] =	stream.linear.gather [hbm4b:s7+s2], $0x40, $0x38;
	[tilespmem:$0x18200] =	vst v63  }
0x1d: {  	_ =	swait.ge [sflag:s12], $0x40  }
0x1e: {  	[sflag:s12] =	ssyncset.done $0x0  }
0x1f: {  	[sflag:s12] =	ssyncadd.s32 $0xFFFFFFC0  }
0x20: {  	v3 =	vld [tilespmem:$0x0];
	_ =	sdelay $0x4  }
0x21: {  	v4 =	vshrl.u32 v3, $0x3  }
0x22: {  	v4 =	vmul.u32 $0x30, v4  }
0x23: {  	v3 =	vand.u32 $0x7, v3  }
0x24: {  	v3 =	vor.u32 v3, v4  }
0x25: {  	v4 =	vperm.xlane v3, v0;
	_ =	sdelay $0x1  }
0x26: {  	v4 =	vadd.s32 v1, v4;
	_ =	sdelay $0x3  }
0x27: {  	v3 =	vperm.xlane v3, v2  }
0x28: {  	[tilespmem:s16], [sflag:$0x1] =	stream.indirect_vreg.gather [hbm4b:s3+s2], $0x80, v4, vm0, $0xb8;
	[tilespmem:$0x18200] =	vst v63  }
0x29: {  	s13 =	simm.s32 $0xA00;
	v3 =	vadd.s32 v1, v3  }
0x2a: {  	[tilespmem:s13], [sflag:$0x1] =	stream.indirect_vreg.gather [hbm4b:s8+s2], $0x80, v4, vm0, $0xb8;
	[tilespmem:$0x18200] =	vst v63  }
0x2b: {  	s14 =	simm.s32 $0x1200  }
0x2c: {  	[tilespmem:s14], [sflag:$0x1] =	stream.indirect_vreg.gather [hbm4b:s9+s2], $0x80, v4, vm0, $0xb8;
	[tilespmem:$0x18200] =	vst v63  }
0x2d: {  	s1 =	simm.s32 $0x1A00  }
0x2e: {  	[tilespmem:s1], [sflag:$0x1] =	stream.indirect_vreg.gather [hbm4b:s3+s2], $0x80, v3, vm0, $0xb8;
	[tilespmem:$0x18200] =	vst v63  }
0x2f: {  	s13 =	simm.s32 $0x2200  }
0x30: {  	[tilespmem:s13], [sflag:$0x1] =	stream.indirect_vreg.gather [hbm4b:s8+s2], $0x80, v3, vm0, $0xb8;
	[tilespmem:$0x18200] =	vst v63  }
0x31: {  	s14 =	simm.s32 $0x2A00  }
0x32: {  	[tilespmem:s14], [sflag:$0x1] =	stream.indirect_vreg.gather [hbm4b:s9+s2], $0x80, v3, vm0, $0xb8;
	[tilespmem:$0x18200] =	vst v63  }
0x33: {  	v3 =	vld [tilespmem:$0x10];
	_ =	sdelay $0x4  }
0x34: {  	v4 =	vshrl.u32 v3, $0x3  }
0x35: {  	v4 =	vmul.u32 $0x30, v4  }
0x36: {  	v3 =	vand.u32 $0x7, v3  }
0x37: {  	v3 =	vor.u32 v3, v4  }
0x38: {  	v4 =	vperm.xlane v3, v0;
	_ =	sdelay $0x1  }
0x39: {  	v4 =	vadd.s32 v1, v4;
	_ =	sdelay $0x3  }
0x3a: {  	s1 =	simm.s32 $0x3200;
	v3 =	vperm.xlane v3, v2  }
0x3b: {  	[tilespmem:s1], [sflag:$0x1] =	stream.indirect_vreg.gather [hbm4b:s3+s2], $0x80, v4, vm0, $0xb8;
	[tilespmem:$0x18200] =	vst v63  }
0x3c: {  	s13 =	simm.s32 $0x3A00;
	v3 =	vadd.s32 v1, v3  }
0x3d: {  	[tilespmem:s13], [sflag:$0x1] =	stream.indirect_vreg.gather [hbm4b:s8+s2], $0x80, v4, vm0, $0xb8;
	[tilespmem:$0x18200] =	vst v63  }
0x3e: {  	s14 =	simm.s32 $0x4200  }
0x3f: {  	[tilespmem:s14], [sflag:$0x1] =	stream.indirect_vreg.gather [hbm4b:s9+s2], $0x80, v4, vm0, $0xb8;
	[tilespmem:$0x18200] =	vst v63  }
0x40: {  	s1 =	simm.s32 $0x4A00  }
0x41: {  	[tilespmem:s1], [sflag:$0x1] =	stream.indirect_vreg.gather [hbm4b:s3+s2], $0x80, v3, vm0, $0xb8;
	[tilespmem:$0x18200] =	vst v63  }
0x42: {  	s13 =	simm.s32 $0x5200  }
0x43: {  	[tilespmem:s13], [sflag:$0x1] =	stream.indirect_vreg.gather [hbm4b:s8+s2], $0x80, v3, vm0, $0xb8;
	[tilespmem:$0x18200] =	vst v63  }
0x44: {  	s14 =	simm.s32 $0x5A00  }
0x45: {  	[tilespmem:s14], [sflag:$0x1] =	stream.indirect_vreg.gather [hbm4b:s9+s2], $0x80, v3, vm0, $0xb8;
	[tilespmem:$0x18200] =	vst v63  }
0x46: {  	v3 =	vld [tilespmem:$0x80];
	_ =	sdelay $0x4  }
0x47: {  	v4 =	vshrl.u32 v3, $0x3  }
0x48: {  	v4 =	vmul.u32 $0x30, v4  }
0x49: {  	v3 =	vand.u32 $0x7, v3  }
0x4a: {  	v3 =	vor.u32 v3, v4  }
0x4b: {  	v4 =	vperm.xlane v3, v0;
	_ =	sdelay $0x1  }
0x4c: {  	v4 =	vadd.s32 v1, v4;
	_ =	sdelay $0x3  }
0x4d: {  	s1 =	simm.s32 $0xC200;
	v3 =	vperm.xlane v3, v2  }
0x4e: {  	[tilespmem:s1], [sflag:$0x1] =	stream.indirect_vreg.gather [hbm4b:s3+s2], $0x80, v4, vm0, $0xb8;
	[tilespmem:$0x18200] =	vst v63  }
0x4f: {  	s13 =	simm.s32 $0xCA00;
	v3 =	vadd.s32 v1, v3  }
0x50: {  	[tilespmem:s13], [sflag:$0x1] =	stream.indirect_vreg.gather [hbm4b:s8+s2], $0x80, v4, vm0, $0xb8;
	[tilespmem:$0x18200] =	vst v63  }
0x51: {  	s14 =	simm.s32 $0xD200  }
0x52: {  	[tilespmem:s14], [sflag:$0x1] =	stream.indirect_vreg.gather [hbm4b:s9+s2], $0x80, v4, vm0, $0xb8;
	[tilespmem:$0x18200] =	vst v63  }
0x53: {  	s1 =	simm.s32 $0xDA00  }
0x54: {  	[tilespmem:s1], [sflag:$0x1] =	stream.indirect_vreg.gather [hbm4b:s3+s2], $0x80, v3, vm0, $0xb8;
	[tilespmem:$0x18200] =	vst v63  }
0x55: {  	s13 =	simm.s32 $0xE200  }
0x56: {  	[tilespmem:s13], [sflag:$0x1] =	stream.indirect_vreg.gather [hbm4b:s8+s2], $0x80, v3, vm0, $0xb8;
	[tilespmem:$0x18200] =	vst v63  }
0x57: {  	s14 =	simm.s32 $0xEA00  }
0x58: {  	[tilespmem:s14], [sflag:$0x1] =	stream.indirect_vreg.gather [hbm4b:s9+s2], $0x80, v3, vm0, $0xb8;
	[tilespmem:$0x18200] =	vst v63  }
0x59: {  	v3 =	vld [tilespmem:$0x90];
	_ =	sdelay $0x4  }
0x5a: {  	v4 =	vshrl.u32 v3, $0x3  }
0x5b: {  	v4 =	vmul.u32 $0x30, v4  }
0x5c: {  	v3 =	vand.u32 $0x7, v3  }
0x5d: {  	v3 =	vor.u32 v3, v4  }
0x5e: {  	v4 =	vperm.xlane v3, v0;
	_ =	sdelay $0x1  }
0x5f: {  	v4 =	vadd.s32 v1, v4;
	_ =	sdelay $0x3  }
0x60: {  	s1 =	simm.s32 $0xF200;
	v3 =	vperm.xlane v3, v2  }
0x61: {  	[tilespmem:s1], [sflag:$0x1] =	stream.indirect_vreg.gather [hbm4b:s3+s2], $0x80, v4, vm0, $0xb8;
	[tilespmem:$0x18200] =	vst v63  }
0x62: {  	s13 =	simm.s32 $0xFA00;
	v3 =	vadd.s32 v1, v3  }
0x63: {  	[tilespmem:s13], [sflag:$0x1] =	stream.indirect_vreg.gather [hbm4b:s8+s2], $0x80, v4, vm0, $0xb8;
	[tilespmem:$0x18200] =	vst v63  }
0x64: {  	s14 =	simm.s32 $0x10200  }
0x65: {  	[tilespmem:s14], [sflag:$0x1] =	stream.indirect_vreg.gather [hbm4b:s9+s2], $0x80, v4, vm0, $0xb8;
	[tilespmem:$0x18200] =	vst v63  }
0x66: {  	s1 =	simm.s32 $0x10A00  }
0x67: {  	[tilespmem:s1], [sflag:$0x1] =	stream.indirect_vreg.gather [hbm4b:s3+s2], $0x80, v3, vm0, $0xb8;
	[tilespmem:$0x18200] =	vst v63  }
0x68: {  	s13 =	simm.s32 $0x11200  }
0x69: {  	[tilespmem:s13], [sflag:$0x1] =	stream.indirect_vreg.gather [hbm4b:s8+s2], $0x80, v3, vm0, $0xb8;
	[tilespmem:$0x18200] =	vst v63  }
0x6a: {  	s14 =	simm.s32 $0x11A00  }
0x6b: {  	[tilespmem:s14], [sflag:$0x1] =	stream.indirect_vreg.gather [hbm4b:s9+s2], $0x80, v3, vm0, $0xb8;
	[tilespmem:$0x18200] =	vst v63  }
0x6c: {  	v3 =	vld [tilespmem:$0x20];
	_ =	sdelay $0x4  }
0x6d: {  	v4 =	vshrl.u32 v3, $0x3  }
0x6e: {  	v4 =	vmul.u32 $0x30, v4  }
0x6f: {  	v3 =	vand.u32 $0x7, v3  }
0x70: {  	v3 =	vor.u32 v3, v4  }
0x71: {  	v4 =	vperm.xlane v3, v0;
	_ =	sdelay $0x1  }
0x72: {  	v4 =	vadd.s32 v1, v4;
	_ =	sdelay $0x3  }
0x73: {  	s1 =	simm.s32 $0x6200;
	v3 =	vperm.xlane v3, v2  }
0x74: {  	[tilespmem:s1], [sflag:$0x2] =	stream.indirect_vreg.gather [hbm4b:s3+s2], $0x80, v4, vm0, $0xb8;
	[tilespmem:$0x18200] =	vst v63  }
0x75: {  	s13 =	simm.s32 $0x6A00;
	v3 =	vadd.s32 v1, v3  }
0x76: {  	[tilespmem:s13], [sflag:$0x2] =	stream.indirect_vreg.gather [hbm4b:s8+s2], $0x80, v4, vm0, $0xb8;
	[tilespmem:$0x18200] =	vst v63  }
0x77: {  	s14 =	simm.s32 $0x7200  }
0x78: {  	[tilespmem:s14], [sflag:$0x2] =	stream.indirect_vreg.gather [hbm4b:s9+s2], $0x80, v4, vm0, $0xb8;
	[tilespmem:$0x18200] =	vst v63  }
0x79: {  	s1 =	simm.s32 $0x7A00  }
0x7a: {  	[tilespmem:s1], [sflag:$0x2] =	stream.indirect_vreg.gather [hbm4b:s3+s2], $0x80, v3, vm0, $0xb8;
	[tilespmem:$0x18200] =	vst v63  }
0x7b: {  	s13 =	simm.s32 $0x8200  }
0x7c: {  	[tilespmem:s13], [sflag:$0x2] =	stream.indirect_vreg.gather [hbm4b:s8+s2], $0x80, v3, vm0, $0xb8;
	[tilespmem:$0x18200] =	vst v63  }
0x7d: {  	s14 =	simm.s32 $0x8A00  }
0x7e: {  	[tilespmem:s14], [sflag:$0x2] =	stream.indirect_vreg.gather [hbm4b:s9+s2], $0x80, v3, vm0, $0xb8;
	[tilespmem:$0x18200] =	vst v63  }
0x7f: {  	v3 =	vld [tilespmem:$0x30];
	_ =	sdelay $0x4  }
0x80: {  	v4 =	vshrl.u32 v3, $0x3  }
0x81: {  	v4 =	vmul.u32 $0x30, v4  }
0x82: {  	v3 =	vand.u32 $0x7, v3  }
0x83: {  	v3 =	vor.u32 v3, v4  }
0x84: {  	v4 =	vperm.xlane v3, v0;
	_ =	sdelay $0x1  }
0x85: {  	v4 =	vadd.s32 v1, v4;
	_ =	sdelay $0x3  }
0x86: {  	s1 =	simm.s32 $0x9200;
	v3 =	vperm.xlane v3, v2  }
0x87: {  	[tilespmem:s1], [sflag:$0x2] =	stream.indirect_vreg.gather [hbm4b:s3+s2], $0x80, v4, vm0, $0xb8;
	[tilespmem:$0x18200] =	vst v63  }
0x88: {  	s13 =	simm.s32 $0x9A00;
	v3 =	vadd.s32 v1, v3  }
0x89: {  	[tilespmem:s13], [sflag:$0x2] =	stream.indirect_vreg.gather [hbm4b:s8+s2], $0x80, v4, vm0, $0xb8;
	[tilespmem:$0x18200] =	vst v63  }
0x8a: {  	s14 =	simm.s32 $0xA200  }
0x8b: {  	[tilespmem:s14], [sflag:$0x2] =	stream.indirect_vreg.gather [hbm4b:s9+s2], $0x80, v4, vm0, $0xb8;
	[tilespmem:$0x18200] =	vst v63  }
0x8c: {  	s1 =	simm.s32 $0xAA00  }
0x8d: {  	[tilespmem:s1], [sflag:$0x2] =	stream.indirect_vreg.gather [hbm4b:s3+s2], $0x80, v3, vm0, $0xb8;
	[tilespmem:$0x18200] =	vst v63  }
0x8e: {  	s13 =	simm.s32 $0xB200  }
0x8f: {  	[tilespmem:s13], [sflag:$0x2] =	stream.indirect_vreg.gather [hbm4b:s8+s2], $0x80, v3, vm0, $0xb8;
	[tilespmem:$0x18200] =	vst v63  }
0x90: {  	s14 =	simm.s32 $0xBA00  }
0x91: {  	[tilespmem:s14], [sflag:$0x2] =	stream.indirect_vreg.gather [hbm4b:s9+s2], $0x80, v3, vm0, $0xb8;
	[tilespmem:$0x18200] =	vst v63  }
0x92: {  	v3 =	vld [tilespmem:$0xA0];
	_ =	sdelay $0x4  }
0x93: {  	v4 =	vshrl.u32 v3, $0x3  }
0x94: {  	v4 =	vmul.u32 $0x30, v4  }
0x95: {  	v3 =	vand.u32 $0x7, v3  }
0x96: {  	v3 =	vor.u32 v3, v4  }
0x97: {  	v4 =	vperm.xlane v3, v0;
	_ =	sdelay $0x1  }
0x98: {  	v4 =	vadd.s32 v1, v4;
	_ =	sdelay $0x3  }
0x99: {  	s1 =	simm.s32 $0x12200;
	v3 =	vperm.xlane v3, v2  }
0x9a: {  	[tilespmem:s1], [sflag:$0x2] =	stream.indirect_vreg.gather [hbm4b:s3+s2], $0x80, v4, vm0, $0xb8;
	[tilespmem:$0x18200] =	vst v63  }
0x9b: {  	s13 =	simm.s32 $0x12A00;
	v3 =	vadd.s32 v1, v3  }
0x9c: {  	[tilespmem:s13], [sflag:$0x2] =	stream.indirect_vreg.gather [hbm4b:s8+s2], $0x80, v4, vm0, $0xb8;
	[tilespmem:$0x18200] =	vst v63  }
0x9d: {  	_ = 	snop  }
0x9e: {  	[tilespmem:s15], [sflag:$0x2] =	stream.indirect_vreg.gather [hbm4b:s9+s2], $0x80, v4, vm0, $0xb8;
	[tilespmem:$0x18200] =	vst v63  }
0x9f: {  	_ = 	snop  }
0xa0: {  	[tilespmem:s17], [sflag:$0x2] =	stream.indirect_vreg.gather [hbm4b:s3+s2], $0x80, v3, vm0, $0xb8;
	[tilespmem:$0x18200] =	vst v63  }
0xa1: {  	_ = 	snop  }
0xa2: {  	[tilespmem:s18], [sflag:$0x2] =	stream.indirect_vreg.gather [hbm4b:s8+s2], $0x80, v3, vm0, $0xb8;
	[tilespmem:$0x18200] =	vst v63  }
0xa3: {  	_ = 	snop  }
0xa4: {  	[tilespmem:s19], [sflag:$0x2] =	stream.indirect_vreg.gather [hbm4b:s9+s2], $0x80, v3, vm0, $0xb8;
	[tilespmem:$0x18200] =	vst v63  }
0xa5: {  	v3 =	vld [tilespmem:$0xB0];
	_ =	sdelay $0x4  }
0xa6: {  	v4 =	vshrl.u32 v3, $0x3  }
0xa7: {  	v4 =	vmul.u32 $0x30, v4  }
0xa8: {  	v3 =	vand.u32 $0x7, v3  }
0xa9: {  	v3 =	vor.u32 v3, v4  }
0xaa: {  	v4 =	vperm.xlane v3, v0;
	_ =	sdelay $0x1  }
0xab: {  	v4 =	vadd.s32 v1, v4;
	_ =	sdelay $0x3  }
0xac: {  	v3 =	vperm.xlane v3, v2  }
0xad: {  	[tilespmem:s20], [sflag:$0x2] =	stream.indirect_vreg.gather [hbm4b:s3+s2], $0x80, v4, vm0, $0xb8;
	[tilespmem:$0x18200] =	vst v63  }
0xae: {  	v3 =	vadd.s32 v1, v3  }
0xaf: {  	[tilespmem:s21], [sflag:$0x2] =	stream.indirect_vreg.gather [hbm4b:s8+s2], $0x80, v4, vm0, $0xb8;
	[tilespmem:$0x18200] =	vst v63  }
0xb0: {  	_ = 	snop  }
0xb1: {  	[tilespmem:s22], [sflag:$0x2] =	stream.indirect_vreg.gather [hbm4b:s9+s2], $0x80, v4, vm0, $0xb8;
	[tilespmem:$0x18200] =	vst v63  }
0xb2: {  	_ = 	snop  }
0xb3: {  	[tilespmem:s23], [sflag:$0x2] =	stream.indirect_vreg.gather [hbm4b:s3+s2], $0x80, v3, vm0, $0xb8;
	[tilespmem:$0x18200] =	vst v63  }
0xb4: {  	_ = 	snop  }
0xb5: {  	[tilespmem:s24], [sflag:$0x2] =	stream.indirect_vreg.gather [hbm4b:s8+s2], $0x80, v3, vm0, $0xb8;
	[tilespmem:$0x18200] =	vst v63  }
0xb6: {  	_ = 	snop  }
0xb7: {  	[tilespmem:s25], [sflag:$0x2] =	stream.indirect_vreg.gather [hbm4b:s9+s2], $0x80, v3, vm0, $0xb8;
	[tilespmem:$0x18200] =	vst v63  }
0xb8: {  	_ =	swait.ge [sflag:s26], $0x6000  }
0xb9: {  	[sflag:s26] =	ssyncset.done $0x0  }
0xba: {  	s14 =	simm.s32 $0x0;
	[sflag:s26] =	ssyncadd.s32 $0xFFFFA000  }
0xbb: {  	s0 =	smul.u32 $0x1800, s14;
	_ =	swait.ge [sflag:s26], $0x6000  }
0xbc: {  	s1 =	sand.u32 $0x380, s2;
	[sflag:s26] =	ssyncset.done $0x0  }
0xbd: {  	s30 =	sor.u32 s1, s0;
	[sflag:s26] =	ssyncadd.s32 $0xFFFFA000  }
0xbe: {  	v3 =	vld [tilespmem:s30+$0xC200]  }
0xbf: {  	v4 =	vld [tilespmem:s30+$0x210]  }
0xc0: {  	v5 =	vld [tilespmem:s30+$0xC210]  }
0xc1: {  	v6 =	vld [tilespmem:s30+$0x220]  }
0xc2: {  	v7 =	vld [tilespmem:s30+$0xC220]  }
0xc3: {  	v8 =	vld [tilespmem:s30+$0x230]  }
0xc4: {  	v9 =	vld [tilespmem:s30+$0xC230]  }
0xc5: {  	v10 =	vld [tilespmem:s30+$0x240]  }
0xc6: {  	v11 =	vld [tilespmem:s30+$0xC240]  }
0xc7: {  	v12 =	vld [tilespmem:s30+$0x250]  }
0xc8: {  	v13 =	vld [tilespmem:s30+$0x260]  }
0xc9: {  	v14 =	vld [tilespmem:s30+$0x270]  }
0xca: {  	v15 =	vld [tilespmem:s30+$0x600]  }
0xcb: {  	v16 =	vld [tilespmem:s30+$0x610]  }
0xcc: {  	v17 =	vld [tilespmem:s30+$0x620]  }
0xcd: {  	v18 =	vld [tilespmem:s30+$0x630]  }
0xce: {  	v19 =	vld [tilespmem:s30+$0x640]  }
0xcf: {  	v20 =	vld [tilespmem:s30+$0x650]  }
0xd0: {  	v21 =	vld [tilespmem:s30+$0x660]  }
0xd1: {  	v22 =	vld [tilespmem:s30+$0x670]  }
0xd2: {  	v23 =	vld [tilespmem:s30+$0xA00]  }
0xd3: {  	v24 =	vld [tilespmem:s30+$0xA10]  }
0xd4: {  	v25 =	vld [tilespmem:s30+$0xA20]  }
0xd5: {  	v26 =	vld [tilespmem:s30+$0xA30]  }
0xd6: {  	v27 =	vld [tilespmem:s30+$0xA40]  }
0xd7: {  	v28 =	vld [tilespmem:s30+$0xA50]  }
0xd8: {  	v29 =	vld [tilespmem:s30+$0xA60]  }
0xd9: {  	v30 =	vld [tilespmem:s30+$0xA70]  }
0xda: {  	v31 =	vld [tilespmem:s30+$0xE00]  }
0xdb: {  	v32 =	vld [tilespmem:s30+$0xE10]  }
0xdc: {  	v35 =	vld [tilespmem:s30+$0xE20]  }
0xdd: {  	v36 =	vld [tilespmem:s30+$0xE30]  }
0xde: {  	v37 =	vld [tilespmem:s30+$0xE40]  }
0xdf: {  	v38 =	vld [tilespmem:s30+$0xE50]  }
0xe0: {  	v39 =	vld [tilespmem:s30+$0xE60]  }
0xe1: {  	v40 =	vld [tilespmem:s30+$0xE70]  }
0xe2: {  	v41 =	vld [tilespmem:s30+$0x1200]  }
0xe3: {  	v42 =	vld [tilespmem:s30+$0x1210]  }
0xe4: {  	v43 =	vld [tilespmem:s30+$0x1220]  }
0xe5: {  	v44 =	vld [tilespmem:s30+$0x1230]  }
0xe6: {  	v45 =	vld [tilespmem:s30+$0x1240]  }
0xe7: {  	v46 =	vld [tilespmem:s30+$0x1250]  }
0xe8: {  	v47 =	vld [tilespmem:s30+$0x1260]  }
0xe9: {  	v48 =	vld [tilespmem:s30+$0x1270]  }
0xea: {  	v49 =	vld [tilespmem:s30+$0x1600]  }
0xeb: {  	s31 =	simm.s32 $0x1;
	v50 =	vld [tilespmem:s30+$0x1610]  }
0xec: {  	s0 =	simm.s32 $0x0;
	s1 =	simm.s32 $0x0;
	s13 =	sand.u32 $0x10, s2;
	v51 =	vld [tilespmem:s30+$0xD620]  }
.LBB2_2:
0xed: {  	p0 =	sne.s32 s31, $0x1F;
	v33 =	vld [tilespmem:s13+$0x100]  }
0xee: {  	v34 =	vld [tilespmem:s13+$0x180]  }
0xef: {  	v52 =	vmov s0;
	s0 =	smov.u32 s31;
	v53 =	vld [tilespmem:s30+$0xD630]  }
0xf0: {  	v52 =	vand.u32 $0xF, v52;
	v54 =	vld [tilespmem:s30+$0x1630]  }
0xf1: {  	v52 =	vbroadcast v52, $0x0;
	v55 =	vld [tilespmem:s30+$0x1620]  }
0xf2: {  	v56 =	vld [tilespmem:s30+$0xD610]  }
0xf3: {  	v33 =	vperm.xlane v33, v52;
	v34 =	vperm.xlane v34, v52;
	v52 =	vld [tilespmem:s30+$0xD600]  }
0xf4: {  	v57 =	vld [tilespmem:s30+$0xD270]  }
0xf5: {  	v58 =	vld [tilespmem:s30+$0xD260];
	v54 =	vmul.f32 v54, v33;
	v53 =	vmul.f32 v53, v34  }
0xf6: {  	v51 =	vmul.f32 v51, v34;
	v59 =	vld [tilespmem:s30+$0xD250];
	v55 =	vmul.f32 v55, v33  }
0xf7: {  	v50 =	vmul.f32 v50, v33;
	v60 =	vld [tilespmem:s30+$0xD240];
	v56 =	vmul.f32 v56, v34;
	v53 =	vadd.f32 v53, v54  }
0xf8: {  	v49 =	vmul.f32 v49, v33;
	v54 =	vld [tilespmem:s30+$0xD230];
	v52 =	vmul.f32 v52, v34;
	v51 =	vadd.f32 v51, v55  }
0xf9: {  	v48 =	vmul.f32 v48, v33;
	v55 =	vld [tilespmem:s30+$0xD220];
	v57 =	vmul.f32 v57, v34;
	v50 =	vadd.f32 v56, v50;
	[tilespmem:s30+$0x1630] =	vst v53  }
0xfa: {  	v47 =	vmul.f32 v47, v33;
	v53 =	vld [tilespmem:s30+$0xD210];
	v56 =	vmul.f32 v58, v34;
	v49 =	vadd.f32 v52, v49;
	[tilespmem:s30+$0x1620] =	vst v51  }
0xfb: {  	v46 =	vmul.f32 v46, v33;
	v51 =	vld [tilespmem:s30+$0xD200];
	v52 =	vmul.f32 v59, v34;
	v48 =	vadd.f32 v57, v48;
	[tilespmem:s30+$0x1610] =	vst v50  }
0xfc: {  	v45 =	vmul.f32 v45, v33;
	v50 =	vld [tilespmem:s30+$0xCE70];
	v57 =	vmul.f32 v60, v34;
	v47 =	vadd.f32 v56, v47;
	[tilespmem:s30+$0x1600] =	vst v49  }
0xfd: {  	v44 =	vmul.f32 v44, v33;
	v49 =	vld [tilespmem:s30+$0xCE60];
	v54 =	vmul.f32 v54, v34;
	v46 =	vadd.f32 v52, v46;
	[tilespmem:s30+$0x1270] =	vst v48  }
0xfe: {  	v43 =	vmul.f32 v43, v33;
	v48 =	vld [tilespmem:s30+$0xCE50];
	v52 =	vmul.f32 v55, v34;
	v45 =	vadd.f32 v57, v45;
	[tilespmem:s30+$0x1260] =	vst v47  }
0xff: {  	v42 =	vmul.f32 v42, v33;
	v47 =	vld [tilespmem:s30+$0xCE40];
	v53 =	vmul.f32 v53, v34;
	v44 =	vadd.f32 v54, v44;
	[tilespmem:s30+$0x1250] =	vst v46  }
0x100: {  	v41 =	vmul.f32 v41, v33;
	v46 =	vld [tilespmem:s30+$0xCE30];
	v51 =	vmul.f32 v51, v34;
	v43 =	vadd.f32 v52, v43;
	[tilespmem:s30+$0x1240] =	vst v45  }
0x101: {  	v40 =	vmul.f32 v40, v33;
	v45 =	vld [tilespmem:s30+$0xCE20];
	v50 =	vmul.f32 v50, v34;
	v42 =	vadd.f32 v53, v42;
	[tilespmem:s30+$0x1230] =	vst v44  }
0x102: {  	v39 =	vmul.f32 v39, v33;
	v44 =	vld [tilespmem:s30+$0xCE10];
	v49 =	vmul.f32 v49, v34;
	v41 =	vadd.f32 v51, v41;
	[tilespmem:s30+$0x1220] =	vst v43  }
0x103: {  	v38 =	vmul.f32 v38, v33;
	v43 =	vld [tilespmem:s30+$0xCE00];
	v48 =	vmul.f32 v48, v34;
	v40 =	vadd.f32 v50, v40;
	[tilespmem:s30+$0x1210] =	vst v42  }
0x104: {  	v37 =	vmul.f32 v37, v33;
	v42 =	vld [tilespmem:s30+$0xCA70];
	v47 =	vmul.f32 v47, v34;
	v39 =	vadd.f32 v49, v39;
	[tilespmem:s30+$0x1200] =	vst v41  }
0x105: {  	v36 =	vmul.f32 v36, v33;
	v41 =	vld [tilespmem:s30+$0xCA60];
	v46 =	vmul.f32 v46, v34;
	v38 =	vadd.f32 v48, v38;
	[tilespmem:s30+$0xE70] =	vst v40  }
0x106: {  	v35 =	vmul.f32 v35, v33;
	v40 =	vld [tilespmem:s30+$0xCA50];
	v45 =	vmul.f32 v45, v34;
	v37 =	vadd.f32 v47, v37;
	[tilespmem:s30+$0xE60] =	vst v39  }
0x107: {  	v32 =	vmul.f32 v32, v33;
	v39 =	vld [tilespmem:s30+$0xCA40];
	v44 =	vmul.f32 v44, v34;
	v36 =	vadd.f32 v46, v36;
	[tilespmem:s30+$0xE50] =	vst v38  }
0x108: {  	v31 =	vmul.f32 v31, v33;
	v38 =	vld [tilespmem:s30+$0xCA30];
	v43 =	vmul.f32 v43, v34;
	v35 =	vadd.f32 v45, v35;
	[tilespmem:s30+$0xE40] =	vst v37  }
0x109: {  	v30 =	vmul.f32 v30, v33;
	v37 =	vld [tilespmem:s30+$0xCA20];
	v42 =	vmul.f32 v42, v34;
	v32 =	vadd.f32 v44, v32;
	[tilespmem:s30+$0xE30] =	vst v36  }
0x10a: {  	v29 =	vmul.f32 v29, v33;
	v36 =	vld [tilespmem:s30+$0xCA10];
	v41 =	vmul.f32 v41, v34;
	v31 =	vadd.f32 v43, v31;
	[tilespmem:s30+$0xE20] =	vst v35  }
0x10b: {  	v28 =	vmul.f32 v28, v33;
	v35 =	vld [tilespmem:s30+$0xCA00];
	v40 =	vmul.f32 v40, v34;
	v30 =	vadd.f32 v42, v30;
	[tilespmem:s30+$0xE10] =	vst v32  }
0x10c: {  	v27 =	vmul.f32 v27, v33;
	v32 =	vld [tilespmem:s30+$0xC670];
	v39 =	vmul.f32 v39, v34;
	v29 =	vadd.f32 v41, v29;
	[tilespmem:s30+$0xE00] =	vst v31  }
0x10d: {  	v26 =	vmul.f32 v26, v33;
	v31 =	vld [tilespmem:s30+$0xC660];
	v38 =	vmul.f32 v38, v34;
	v28 =	vadd.f32 v40, v28;
	[tilespmem:s30+$0xA70] =	vst v30  }
0x10e: {  	v25 =	vmul.f32 v25, v33;
	v30 =	vld [tilespmem:s30+$0xC650];
	v37 =	vmul.f32 v37, v34;
	v27 =	vadd.f32 v39, v27;
	[tilespmem:s30+$0xA60] =	vst v29  }
0x10f: {  	v24 =	vmul.f32 v24, v33;
	v29 =	vld [tilespmem:s30+$0xC640];
	v36 =	vmul.f32 v36, v34;
	v26 =	vadd.f32 v38, v26;
	[tilespmem:s30+$0xA50] =	vst v28  }
0x110: {  	v23 =	vmul.f32 v23, v33;
	v28 =	vld [tilespmem:s30+$0xC630];
	v35 =	vmul.f32 v35, v34;
	v25 =	vadd.f32 v37, v25;
	[tilespmem:s30+$0xA40] =	vst v27  }
0x111: {  	v22 =	vmul.f32 v22, v33;
	v27 =	vld [tilespmem:s30+$0xC620];
	v32 =	vmul.f32 v32, v34;
	v24 =	vadd.f32 v36, v24;
	[tilespmem:s30+$0xA30] =	vst v26  }
0x112: {  	v21 =	vmul.f32 v21, v33;
	v26 =	vld [tilespmem:s30+$0xC610];
	v31 =	vmul.f32 v31, v34;
	v23 =	vadd.f32 v35, v23;
	[tilespmem:s30+$0xA20] =	vst v25  }
0x113: {  	v20 =	vmul.f32 v20, v33;
	v25 =	vld [tilespmem:s30+$0xC600];
	v30 =	vmul.f32 v30, v34;
	v22 =	vadd.f32 v32, v22;
	[tilespmem:s30+$0xA10] =	vst v24  }
0x114: {  	v19 =	vmul.f32 v19, v33;
	v24 =	vld [tilespmem:s30+$0xC270];
	v29 =	vmul.f32 v29, v34;
	v21 =	vadd.f32 v31, v21;
	[tilespmem:s30+$0xA00] =	vst v23  }
0x115: {  	v18 =	vmul.f32 v18, v33;
	v23 =	vld [tilespmem:s30+$0xC260];
	v28 =	vmul.f32 v28, v34;
	v20 =	vadd.f32 v30, v20;
	[tilespmem:s30+$0x670] =	vst v22  }
0x116: {  	v17 =	vmul.f32 v17, v33;
	v22 =	vld [tilespmem:s30+$0xC250];
	v27 =	vmul.f32 v27, v34;
	v19 =	vadd.f32 v29, v19;
	[tilespmem:s30+$0x660] =	vst v21  }
0x117: {  	v16 =	vmul.f32 v16, v33;
	v21 =	vmul.f32 v26, v34;
	v18 =	vadd.f32 v28, v18;
	[tilespmem:s30+$0x650] =	vst v20;
	v20 =	vld [tilespmem:s30+$0xD640]  }
0x118: {  	v15 =	vmul.f32 v15, v33;
	v25 =	vmul.f32 v25, v34;
	v17 =	vadd.f32 v27, v17;
	[tilespmem:s30+$0x640] =	vst v19;
	v19 =	vld [tilespmem:s30+$0xD650]  }
0x119: {  	v14 =	vmul.f32 v14, v33;
	v24 =	vmul.f32 v24, v34;
	v16 =	vadd.f32 v21, v16;
	[tilespmem:s30+$0x630] =	vst v18;
	v18 =	vld [tilespmem:s30+$0xD660]  }
0x11a: {  	v13 =	vmul.f32 v13, v33;
	v21 =	vmul.f32 v23, v34;
	v15 =	vadd.f32 v25, v15;
	[tilespmem:s30+$0x620] =	vst v17;
	v17 =	vld [tilespmem:s30+$0xD670]  }
0x11b: {  	v12 =	vmul.f32 v12, v33;
	v22 =	vmul.f32 v22, v34;
	v14 =	vadd.f32 v24, v14;
	[tilespmem:s30+$0x610] =	vst v16;
	v16 =	vld [tilespmem:s30+$0x1640]  }
0x11c: {  	v10 =	vmul.f32 v10, v33;
	v11 =	vmul.f32 v11, v34;
	v13 =	vadd.f32 v21, v13;
	[tilespmem:s30+$0x600] =	vst v15;
	v15 =	vld [tilespmem:s30+$0x1650]  }
0x11d: {  	v8 =	vmul.f32 v8, v33;
	v9 =	vmul.f32 v9, v34;
	v12 =	vadd.f32 v22, v12;
	[tilespmem:s30+$0x270] =	vst v14;
	v14 =	vld [tilespmem:s30+$0x1660]  }
0x11e: {  	v6 =	vmul.f32 v6, v33;
	v7 =	vmul.f32 v7, v34;
	v10 =	vadd.f32 v11, v10;
	[tilespmem:s30+$0x260] =	vst v13;
	v11 =	vld [tilespmem:s30+$0x1670]  }
0x11f: {  	s13 =	sshrl.u32 s31, $0x3;
	v4 =	vmul.f32 v4, v33;
	v5 =	vmul.f32 v5, v34;
	v8 =	vadd.f32 v9, v8;
	v13 =	vld [tilespmem:s30+$0x200];
	[tilespmem:s30+$0x250] =	vst v12  }
0x120: {  	s1 =	sadd.s32 $0x80, s1;
	s13 =	smul.u32 $0x1800, s13;
	v6 =	vadd.f32 v7, v6;
	v9 =	vmul.f32 v20, v34;
	[tilespmem:s30+$0x240] =	vst v10;
	v7 =	vmul.f32 v16, v33  }
0x121: {  	s14 =	sand.u32 $0x380, s1;
	v4 =	vadd.f32 v5, v4;
	[tilespmem:s30+$0x230] =	vst v8;
	v5 =	vmul.f32 v15, v33;
	v8 =	vmul.f32 v19, v34  }
0x122: {  	s13 =	sor.u32 s14, s13;
	[tilespmem:s30+$0x220] =	vst v6;
	v6 =	vadd.f32 v9, v7;
	v7 =	vmul.f32 v14, v33;
	v9 =	vmul.f32 v18, v34  }
0x123: {  	v12 =	vmul.f32 v17, v34;
	v10 =	vld [tilespmem:s13+$0xC200];
	[tilespmem:s30+$0x210] =	vst v4;
	v8 =	vadd.f32 v8, v5;
	v11 =	vmul.f32 v11, v33  }
0x124: {  	v3 =	vmul.f32 v3, v34;
	v4 =	vld [tilespmem:s13+$0x210];
	v13 =	vmul.f32 v13, v33;
	[tilespmem:s30+$0x1640] =	vst v6;
	v7 =	vadd.f32 v9, v7  }
0x125: {  	v5 =	vld [tilespmem:s13+$0xC210];
	[tilespmem:s30+$0x1650] =	vst v8;
	v8 =	vadd.f32 v12, v11  }
0x126: {  	v6 =	vld [tilespmem:s13+$0x220];
	v9 =	vadd.f32 v3, v13;
	[tilespmem:s30+$0x1660] =	vst v7  }
0x127: {  	v7 =	vld [tilespmem:s13+$0xC220];
	[tilespmem:s30+$0x1670] =	vst v8  }
0x128: {  	v8 =	vld [tilespmem:s13+$0x230];
	[tilespmem:s30+$0x200] =	vst v9;
	v3 =	vmov v10;
	s30 =	smov.u32 s13  }
0x129: {  	v9 =	vld [tilespmem:s30+$0xC230]  }
0x12a: {  	v10 =	vld [tilespmem:s30+$0x240]  }
0x12b: {  	v11 =	vld [tilespmem:s30+$0xC240]  }
0x12c: {  	v12 =	vld [tilespmem:s30+$0x250]  }
0x12d: {  	v13 =	vld [tilespmem:s30+$0x260]  }
0x12e: {  	v14 =	vld [tilespmem:s30+$0x270]  }
0x12f: {  	v15 =	vld [tilespmem:s30+$0x600]  }
0x130: {  	v16 =	vld [tilespmem:s30+$0x610]  }
0x131: {  	v17 =	vld [tilespmem:s30+$0x620]  }
0x132: {  	v18 =	vld [tilespmem:s30+$0x630]  }
0x133: {  	v19 =	vld [tilespmem:s30+$0x640]  }
0x134: {  	v20 =	vld [tilespmem:s30+$0x650]  }
0x135: {  	v21 =	vld [tilespmem:s30+$0x660]  }
0x136: {  	v22 =	vld [tilespmem:s30+$0x670]  }
0x137: {  	v23 =	vld [tilespmem:s30+$0xA00]  }
0x138: {  	v24 =	vld [tilespmem:s30+$0xA10]  }
0x139: {  	v25 =	vld [tilespmem:s30+$0xA20]  }
0x13a: {  	v26 =	vld [tilespmem:s30+$0xA30]  }
0x13b: {  	v27 =	vld [tilespmem:s30+$0xA40]  }
0x13c: {  	v28 =	vld [tilespmem:s30+$0xA50]  }
0x13d: {  	v29 =	vld [tilespmem:s30+$0xA60]  }
0x13e: {  	v30 =	vld [tilespmem:s30+$0xA70]  }
0x13f: {  	v31 =	vld [tilespmem:s30+$0xE00]  }
0x140: {  	v32 =	vld [tilespmem:s30+$0xE10]  }
0x141: {  	v35 =	vld [tilespmem:s30+$0xE20]  }
0x142: {  	v36 =	vld [tilespmem:s30+$0xE30]  }
0x143: {  	v37 =	vld [tilespmem:s30+$0xE40]  }
0x144: {  	v38 =	vld [tilespmem:s30+$0xE50]  }
0x145: {  	v39 =	vld [tilespmem:s30+$0xE60]  }
0x146: {  	v40 =	vld [tilespmem:s30+$0xE70]  }
0x147: {  	v41 =	vld [tilespmem:s30+$0x1200]  }
0x148: {  	v42 =	vld [tilespmem:s30+$0x1210]  }
0x149: {  	v43 =	vld [tilespmem:s30+$0x1220]  }
0x14a: {  	v44 =	vld [tilespmem:s30+$0x1230]  }
0x14b: {  	v45 =	vld [tilespmem:s30+$0x1240]  }
0x14c: {  	v46 =	vld [tilespmem:s30+$0x1250]  }
.Ltmp0:
0x14d: {  	v47 =	vld [tilespmem:s30+$0x1260];
	(pc) =	sbr.rel @p0 .LBB2_2-.Ltmp0, $4  }
0x14e: {  	v48 =	vld [tilespmem:s30+$0x1270]  }
0x14f: {  	v49 =	vld [tilespmem:s30+$0x1600]  }
0x150: {  	v50 =	vld [tilespmem:s30+$0x1610]  }
0x151: {  	s31 =	sadd.s32 $0x1, s31;
	s13 =	sand.u32 $0x10, s0;
	v51 =	vld [tilespmem:s30+$0xD620]  }
0x152: {  	v33 =	vld [tilespmem:s13+$0x100]  }
0x153: {  	v34 =	vld [tilespmem:s13+$0x180]  }
0x154: {  	v52 =	vld [tilespmem:s30+$0xD630];
	v53 =	vmov s0  }
0x155: {  	v54 =	vld [tilespmem:s30+$0x1630];
	v53 =	vand.u32 $0xF, v53  }
0x156: {  	v55 =	vld [tilespmem:s30+$0x1620];
	v53 =	vbroadcast v53, $0x0  }
0x157: {  	v56 =	vld [tilespmem:s30+$0xD610]  }
0x158: {  	v57 =	vld [tilespmem:s30+$0xD600];
	v33 =	vperm.xlane v33, v53  }
0x159: {  	v58 =	vld [tilespmem:s30+$0xD260];
	v34 =	vperm.xlane v34, v53  }
0x15a: {  	v60 =	vld [tilespmem:s30+$0xD240];
	v54 =	vmul.f32 v54, v33  }
0x15b: {  	v59 =	vld [tilespmem:s30+$0xD250];
	v52 =	vmul.f32 v52, v34;
	v55 =	vmul.f32 v55, v33  }
0x15c: {  	v61 =	vld [tilespmem:s30+$0xD220];
	v51 =	vmul.f32 v51, v34;
	v50 =	vmul.f32 v50, v33  }
0x15d: {  	v62 =	vmul.f32 v56, v34;
	v49 =	vmul.f32 v49, v33;
	v52 =	vadd.f32 v52, v54  }
0x15e: {  	v53 =	vld [tilespmem:s30+$0xD270];
	v63 =	vmul.f32 v57, v34;
	v46 =	vmul.f32 v46, v33;
	v51 =	vadd.f32 v51, v55  }
0x15f: {  	v45 =	vmul.f32 v45, v33;
	v57 =	vmul.f32 v60, v34;
	v60 =	vld [tilespmem:s30+$0xCE30];
	v50 =	vadd.f32 v62, v50;
	[tilespmem:s30+$0x1630] =	vst v52  }
0x160: {  	v43 =	vmul.f32 v43, v33;
	v54 =	vld [tilespmem:s30+$0xD230];
	v49 =	vadd.f32 v63, v49;
	v63 =	vmul.f32 v59, v34;
	[tilespmem:s30+$0x1620] =	vst v51  }
0x161: {  	v61 =	vmul.f32 v61, v34;
	v62 =	vmul.f32 v58, v34;
	v58 =	vld [tilespmem:s30+$0xCE40];
	v45 =	vadd.f32 v57, v45;
	[tilespmem:s30+$0x1610] =	vst v50  }
0x162: {  	v48 =	vmul.f32 v48, v33;
	v47 =	vmul.f32 v47, v33;
	v52 =	vld [tilespmem:s30+$0xD210];
	[tilespmem:s30+$0x1600] =	vst v49;
	v46 =	vadd.f32 v63, v46  }
0x163: {  	v44 =	vmul.f32 v44, v33;
	v43 =	vadd.f32 v61, v43;
	v53 =	vmul.f32 v53, v34;
	v51 =	vld [tilespmem:s30+$0xD200];
	[tilespmem:s30+$0x1240] =	vst v45  }
0x164: {  	v36 =	vmul.f32 v36, v33;
	v50 =	vld [tilespmem:s30+$0xCE70];
	v47 =	vadd.f32 v62, v47;
	[tilespmem:s30+$0x1250] =	vst v46;
	v46 =	vmul.f32 v60, v34  }
0x165: {  	v42 =	vmul.f32 v42, v33;
	v49 =	vld [tilespmem:s30+$0xCE60];
	[tilespmem:s30+$0x1220] =	vst v43;
	v48 =	vadd.f32 v53, v48;
	v59 =	vmul.f32 v54, v34  }
0x166: {  	v37 =	vmul.f32 v37, v33;
	v62 =	vld [tilespmem:s30+$0xCE20];
	[tilespmem:s30+$0x1260] =	vst v47;
	v47 =	vmul.f32 v58, v34;
	v36 =	vadd.f32 v46, v36  }
0x167: {  	v41 =	vmul.f32 v41, v33;
	v61 =	vld [tilespmem:s30+$0xCA10];
	[tilespmem:s30+$0x1270] =	vst v48;
	v44 =	vadd.f32 v59, v44;
	v52 =	vmul.f32 v52, v34  }
0x168: {  	v40 =	vmul.f32 v40, v33;
	v63 =	vld [tilespmem:s30+$0xCE10];
	v51 =	vmul.f32 v51, v34;
	v37 =	vadd.f32 v47, v37;
	[tilespmem:s30+$0xE30] =	vst v36  }
0x169: {  	v39 =	vmul.f32 v39, v33;
	v60 =	vld [tilespmem:s30+$0xCA20];
	v50 =	vmul.f32 v50, v34;
	[tilespmem:s30+$0x1230] =	vst v44;
	v42 =	vadd.f32 v52, v42  }
0x16a: {  	v38 =	vmul.f32 v38, v33;
	v54 =	vld [tilespmem:s30+$0xCE00];
	v49 =	vmul.f32 v49, v34;
	v41 =	vadd.f32 v51, v41;
	[tilespmem:s30+$0xE40] =	vst v37  }
0x16b: {  	v35 =	vmul.f32 v35, v33;
	v48 =	vld [tilespmem:s30+$0xCE50];
	v45 =	vmul.f32 v62, v34;
	v40 =	vadd.f32 v50, v40;
	[tilespmem:s30+$0x1210] =	vst v42  }
0x16c: {  	v24 =	vmul.f32 v24, v33;
	v55 =	vld [tilespmem:s30+$0xCA70];
	v36 =	vmul.f32 v61, v34;
	v39 =	vadd.f32 v49, v39;
	[tilespmem:s30+$0x1200] =	vst v41  }
0x16d: {  	v56 =	vld [tilespmem:s30+$0xCA60];
	v32 =	vmul.f32 v32, v33;
	v44 =	vmul.f32 v63, v34;
	v35 =	vadd.f32 v45, v35;
	[tilespmem:s30+$0xE70] =	vst v40  }
0x16e: {  	v25 =	vmul.f32 v25, v33;
	v57 =	vld [tilespmem:s30+$0xCA50];
	v37 =	vmul.f32 v60, v34;
	v24 =	vadd.f32 v36, v24;
	[tilespmem:s30+$0xE60] =	vst v39  }
0x16f: {  	v31 =	vmul.f32 v31, v33;
	v58 =	vld [tilespmem:s30+$0xCA40];
	v43 =	vmul.f32 v54, v34;
	v32 =	vadd.f32 v44, v32;
	[tilespmem:s30+$0xE20] =	vst v35  }
0x170: {  	v30 =	vmul.f32 v30, v33;
	v62 =	vld [tilespmem:s30+$0xCA00];
	v48 =	vmul.f32 v48, v34;
	v25 =	vadd.f32 v37, v25;
	[tilespmem:s30+$0xA10] =	vst v24  }
0x171: {  	v29 =	vmul.f32 v29, v33;
	v59 =	vld [tilespmem:s30+$0xCA30];
	v42 =	vmul.f32 v55, v34;
	v31 =	vadd.f32 v43, v31;
	[tilespmem:s30+$0xE10] =	vst v32  }
0x172: {  	v28 =	vmul.f32 v28, v33;
	v63 =	vld [tilespmem:s30+$0xC670];
	v41 =	vmul.f32 v56, v34;
	v38 =	vadd.f32 v48, v38;
	[tilespmem:s30+$0xA20] =	vst v25  }
0x173: {  	v27 =	vmul.f32 v27, v33;
	v40 =	vmul.f32 v57, v34;
	v30 =	vadd.f32 v42, v30;
	[tilespmem:s30+$0xE00] =	vst v31;
	v31 =	vld [tilespmem:s30+$0xC660]  }
0x174: {  	v26 =	vmul.f32 v26, v33;
	v39 =	vmul.f32 v58, v34;
	v29 =	vadd.f32 v41, v29;
	[tilespmem:s30+$0xE50] =	vst v38  }
0x175: {  	v23 =	vmul.f32 v23, v33;
	v35 =	vmul.f32 v62, v34;
	v28 =	vadd.f32 v40, v28;
	[tilespmem:s30+$0xA70] =	vst v30;
	v30 =	vld [tilespmem:s30+$0xC650]  }
0x176: {  	v22 =	vmul.f32 v22, v33;
	v27 =	vadd.f32 v39, v27;
	v38 =	vmul.f32 v59, v34;
	[tilespmem:s30+$0xA60] =	vst v29;
	v29 =	vld [tilespmem:s30+$0xC640]  }
0x177: {  	v21 =	vmul.f32 v21, v33;
	v32 =	vmul.f32 v63, v34;
	v23 =	vadd.f32 v35, v23;
	[tilespmem:s30+$0xA50] =	vst v28;
	v28 =	vld [tilespmem:s30+$0xC630]  }
0x178: {  	v20 =	vmul.f32 v20, v33;
	[tilespmem:s30+$0xA40] =	vst v27;
	v27 =	vld [tilespmem:s30+$0xC620];
	v26 =	vadd.f32 v38, v26;
	v31 =	vmul.f32 v31, v34  }
0x179: {  	v19 =	vmul.f32 v19, v33;
	v18 =	vmul.f32 v18, v33;
	v22 =	vadd.f32 v32, v22;
	[tilespmem:s30+$0xA00] =	vst v23  }
0x17a: {  	v10 =	vmul.f32 v10, v33;
	[tilespmem:s30+$0xA30] =	vst v26;
	v26 =	vld [tilespmem:s30+$0xC610];
	v23 =	vmul.f32 v30, v34;
	v21 =	vadd.f32 v31, v21  }
0x17b: {  	v11 =	vmul.f32 v11, v34;
	v25 =	vld [tilespmem:s30+$0xC600];
	[tilespmem:s30+$0x670] =	vst v22;
	v22 =	vmul.f32 v29, v34  }
0x17c: {  	v17 =	vmul.f32 v17, v33;
	v24 =	vld [tilespmem:s30+$0xC270];
	v20 =	vadd.f32 v23, v20;
	[tilespmem:s30+$0x660] =	vst v21;
	v21 =	vmul.f32 v28, v34  }
0x17d: {  	v10 =	vadd.f32 v11, v10;
	v11 =	vld [tilespmem:s30+$0x1670];
	v19 =	vadd.f32 v22, v19;
	v22 =	vmul.f32 v27, v34  }
0x17e: {  	v30 =	vld [tilespmem:s30+$0xC260];
	[tilespmem:s30+$0x650] =	vst v20;
	v18 =	vadd.f32 v21, v18  }
0x17f: {  	v16 =	vmul.f32 v16, v33;
	v23 =	vld [tilespmem:s30+$0xC250];
	[tilespmem:s30+$0x640] =	vst v19;
	v17 =	vadd.f32 v22, v17;
	v21 =	vmul.f32 v26, v34  }
0x180: {  	v15 =	vmul.f32 v15, v33;
	v20 =	vld [tilespmem:s30+$0xD640];
	[tilespmem:s30+$0x630] =	vst v18;
	v18 =	vmul.f32 v25, v34  }
0x181: {  	v14 =	vmul.f32 v14, v33;
	v19 =	vld [tilespmem:s30+$0xD650];
	[tilespmem:s30+$0x620] =	vst v17;
	v17 =	vmul.f32 v24, v34;
	v16 =	vadd.f32 v21, v16  }
0x182: {  	v22 =	vld [tilespmem:s30+$0xD660];
	v15 =	vadd.f32 v18, v15  }
0x183: {  	v13 =	vmul.f32 v13, v33;
	v14 =	vadd.f32 v17, v14;
	v17 =	vld [tilespmem:s30+$0x1640];
	[tilespmem:s30+$0x610] =	vst v16;
	v16 =	vmul.f32 v30, v34  }
0x184: {  	v8 =	vmul.f32 v8, v33;
	v9 =	vmul.f32 v9, v34;
	[tilespmem:s30+$0x600] =	vst v15;
	v15 =	vld [tilespmem:s30+$0x1650]  }
0x185: {  	v6 =	vmul.f32 v6, v33;
	v7 =	vmul.f32 v7, v34;
	[tilespmem:s30+$0x270] =	vst v14;
	v14 =	vld [tilespmem:s30+$0x1660];
	v13 =	vadd.f32 v16, v13  }
0x186: {  	v4 =	vmul.f32 v4, v33;
	v5 =	vmul.f32 v5, v34;
	v8 =	vadd.f32 v9, v8;
	[tilespmem:s30+$0x240] =	vst v10;
	v18 =	vld [tilespmem:s30+$0xD670]  }
0x187: {  	v12 =	vmul.f32 v12, v33;
	v6 =	vadd.f32 v7, v6;
	v21 =	vmul.f32 v23, v34;
	[tilespmem:s30+$0x260] =	vst v13;
	v13 =	vld [tilespmem:s30+$0x200]  }
0x188: {  	v4 =	vadd.f32 v5, v4;
	[tilespmem:s30+$0x230] =	vst v8;
	v9 =	vmul.f32 v20, v34;
	v7 =	vmul.f32 v17, v33  }
0x189: {  	[tilespmem:s30+$0x220] =	vst v6;
	v12 =	vadd.f32 v21, v12;
	v8 =	vmul.f32 v19, v34;
	v5 =	vmul.f32 v15, v33  }
0x18a: {  	[tilespmem:s30+$0x210] =	vst v4;
	v6 =	vadd.f32 v9, v7;
	v7 =	vmul.f32 v14, v33;
	v9 =	vmul.f32 v22, v34  }
0x18b: {  	[tilespmem:s30+$0x250] =	vst v12;
	v4 =	vadd.f32 v8, v5;
	v5 =	vmul.f32 v11, v33;
	v8 =	vmul.f32 v18, v34  }
0x18c: {  	v3 =	vmul.f32 v3, v34;
	[tilespmem:s30+$0x1640] =	vst v6;
	v6 =	vadd.f32 v9, v7;
	v10 =	vmul.f32 v13, v33  }
0x18d: {  	[tilespmem:s30+$0x1650] =	vst v4;
	v4 =	vadd.f32 v8, v5  }
0x18e: {  	[tilespmem:s30+$0x1660] =	vst v6;
	v3 =	vadd.f32 v3, v10  }
0x18f: {  	[tilespmem:s30+$0x1670] =	vst v4  }
0x190: {  	[tilespmem:s30+$0x200] =	vst v3  }
0x191: {  	_ =	swait.ge [sflag:s28], $0x6000  }
0x192: {  	[sflag:s28] =	ssyncset.done $0x0  }
0x193: {  	s14 =	simm.s32 $0x4;
	[sflag:s28] =	ssyncadd.s32 $0xFFFFA000  }
0x194: {  	s31 =	simm.s32 $0x1000;
	s0 =	smul.u32 $0x1800, s14;
	_ =	swait.ge [sflag:s28], $0x6000  }
0x195: {  	s1 =	sand.u32 $0x380, s31;
	[sflag:s28] =	ssyncset.done $0x0  }
0x196: {  	s30 =	sor.u32 s1, s0;
	[sflag:s28] =	ssyncadd.s32 $0xFFFFA000  }
0x197: {  	v3 =	vld [tilespmem:s30+$0xC200]  }
0x198: {  	v4 =	vld [tilespmem:s30+$0x210]  }
0x199: {  	v5 =	vld [tilespmem:s30+$0xC210]  }
0x19a: {  	v6 =	vld [tilespmem:s30+$0x220]  }
0x19b: {  	v7 =	vld [tilespmem:s30+$0xC220]  }
0x19c: {  	v8 =	vld [tilespmem:s30+$0x230]  }
0x19d: {  	v9 =	vld [tilespmem:s30+$0xC230]  }
0x19e: {  	v10 =	vld [tilespmem:s30+$0x240]  }
0x19f: {  	v11 =	vld [tilespmem:s30+$0xC240]  }
0x1a0: {  	v12 =	vld [tilespmem:s30+$0x250]  }
0x1a1: {  	v13 =	vld [tilespmem:s30+$0x260]  }
0x1a2: {  	v14 =	vld [tilespmem:s30+$0x270]  }
0x1a3: {  	v15 =	vld [tilespmem:s30+$0x600]  }
0x1a4: {  	v16 =	vld [tilespmem:s30+$0x610]  }
0x1a5: {  	v17 =	vld [tilespmem:s30+$0x620]  }
0x1a6: {  	v18 =	vld [tilespmem:s30+$0x630]  }
0x1a7: {  	v19 =	vld [tilespmem:s30+$0x640]  }
0x1a8: {  	v20 =	vld [tilespmem:s30+$0x650]  }
0x1a9: {  	v21 =	vld [tilespmem:s30+$0x660]  }
0x1aa: {  	v22 =	vld [tilespmem:s30+$0x670]  }
0x1ab: {  	v23 =	vld [tilespmem:s30+$0xA00]  }
0x1ac: {  	v24 =	vld [tilespmem:s30+$0xA10]  }
0x1ad: {  	v25 =	vld [tilespmem:s30+$0xA20]  }
0x1ae: {  	v26 =	vld [tilespmem:s30+$0xA30]  }
0x1af: {  	v27 =	vld [tilespmem:s30+$0xA40]  }
0x1b0: {  	v28 =	vld [tilespmem:s30+$0xA50]  }
0x1b1: {  	v29 =	vld [tilespmem:s30+$0xA60]  }
0x1b2: {  	v30 =	vld [tilespmem:s30+$0xA70]  }
0x1b3: {  	v31 =	vld [tilespmem:s30+$0xE00]  }
0x1b4: {  	v32 =	vld [tilespmem:s30+$0xE10]  }
0x1b5: {  	v35 =	vld [tilespmem:s30+$0xE20]  }
0x1b6: {  	v36 =	vld [tilespmem:s30+$0xE30]  }
0x1b7: {  	v37 =	vld [tilespmem:s30+$0xE40]  }
0x1b8: {  	v38 =	vld [tilespmem:s30+$0xE50]  }
0x1b9: {  	v39 =	vld [tilespmem:s30+$0xE60]  }
0x1ba: {  	v40 =	vld [tilespmem:s30+$0xE70]  }
0x1bb: {  	v41 =	vld [tilespmem:s30+$0x1200]  }
0x1bc: {  	v42 =	vld [tilespmem:s30+$0x1210]  }
0x1bd: {  	v43 =	vld [tilespmem:s30+$0x1220]  }
0x1be: {  	v44 =	vld [tilespmem:s30+$0x1230]  }
0x1bf: {  	v45 =	vld [tilespmem:s30+$0x1240]  }
0x1c0: {  	v46 =	vld [tilespmem:s30+$0x1250]  }
0x1c1: {  	v47 =	vld [tilespmem:s30+$0x1260]  }
0x1c2: {  	v48 =	vld [tilespmem:s30+$0x1270]  }
0x1c3: {  	v49 =	vld [tilespmem:s30+$0x1600]  }
0x1c4: {  	s0 =	simm.s32 $0x20;
	v50 =	vld [tilespmem:s30+$0x1610]  }
0x1c5: {  	s1 =	simm.s32 $0x21;
	s13 =	sand.u32 $0x30, s0;
	v51 =	vld [tilespmem:s30+$0xD620]  }
.LBB2_4:
0x1c6: {  	p0 =	sne.s32 s1, $0x3F;
	v33 =	vld [tilespmem:s13+$0x100]  }
0x1c7: {  	v34 =	vld [tilespmem:s13+$0x180]  }
0x1c8: {  	v52 =	vmov s0;
	s0 =	smov.u32 s1;
	v53 =	vld [tilespmem:s30+$0xD630]  }
0x1c9: {  	v52 =	vand.u32 $0xF, v52;
	v54 =	vld [tilespmem:s30+$0x1630]  }
0x1ca: {  	v52 =	vbroadcast v52, $0x0;
	v55 =	vld [tilespmem:s30+$0x1620]  }
0x1cb: {  	v56 =	vld [tilespmem:s30+$0xD610]  }
0x1cc: {  	v33 =	vperm.xlane v33, v52;
	v34 =	vperm.xlane v34, v52;
	v52 =	vld [tilespmem:s30+$0xD600]  }
0x1cd: {  	v57 =	vld [tilespmem:s30+$0xD270]  }
0x1ce: {  	v58 =	vld [tilespmem:s30+$0xD260];
	v54 =	vmul.f32 v54, v33;
	v53 =	vmul.f32 v53, v34  }
0x1cf: {  	v51 =	vmul.f32 v51, v34;
	v59 =	vld [tilespmem:s30+$0xD250];
	v55 =	vmul.f32 v55, v33  }
0x1d0: {  	v50 =	vmul.f32 v50, v33;
	v60 =	vld [tilespmem:s30+$0xD240];
	v56 =	vmul.f32 v56, v34;
	v53 =	vadd.f32 v53, v54  }
0x1d1: {  	v49 =	vmul.f32 v49, v33;
	v54 =	vld [tilespmem:s30+$0xD230];
	v52 =	vmul.f32 v52, v34;
	v51 =	vadd.f32 v51, v55  }
0x1d2: {  	v48 =	vmul.f32 v48, v33;
	v55 =	vld [tilespmem:s30+$0xD220];
	v57 =	vmul.f32 v57, v34;
	v50 =	vadd.f32 v56, v50;
	[tilespmem:s30+$0x1630] =	vst v53  }
0x1d3: {  	v47 =	vmul.f32 v47, v33;
	v53 =	vld [tilespmem:s30+$0xD210];
	v56 =	vmul.f32 v58, v34;
	v49 =	vadd.f32 v52, v49;
	[tilespmem:s30+$0x1620] =	vst v51  }
0x1d4: {  	v46 =	vmul.f32 v46, v33;
	v51 =	vld [tilespmem:s30+$0xD200];
	v52 =	vmul.f32 v59, v34;
	v48 =	vadd.f32 v57, v48;
	[tilespmem:s30+$0x1610] =	vst v50  }
0x1d5: {  	v45 =	vmul.f32 v45, v33;
	v50 =	vld [tilespmem:s30+$0xCE70];
	v57 =	vmul.f32 v60, v34;
	v47 =	vadd.f32 v56, v47;
	[tilespmem:s30+$0x1600] =	vst v49  }
0x1d6: {  	v44 =	vmul.f32 v44, v33;
	v49 =	vld [tilespmem:s30+$0xCE60];
	v54 =	vmul.f32 v54, v34;
	v46 =	vadd.f32 v52, v46;
	[tilespmem:s30+$0x1270] =	vst v48  }
0x1d7: {  	v43 =	vmul.f32 v43, v33;
	v48 =	vld [tilespmem:s30+$0xCE50];
	v52 =	vmul.f32 v55, v34;
	v45 =	vadd.f32 v57, v45;
	[tilespmem:s30+$0x1260] =	vst v47  }
0x1d8: {  	v42 =	vmul.f32 v42, v33;
	v47 =	vld [tilespmem:s30+$0xCE40];
	v53 =	vmul.f32 v53, v34;
	v44 =	vadd.f32 v54, v44;
	[tilespmem:s30+$0x1250] =	vst v46  }
0x1d9: {  	v41 =	vmul.f32 v41, v33;
	v46 =	vld [tilespmem:s30+$0xCE30];
	v51 =	vmul.f32 v51, v34;
	v43 =	vadd.f32 v52, v43;
	[tilespmem:s30+$0x1240] =	vst v45  }
0x1da: {  	v40 =	vmul.f32 v40, v33;
	v45 =	vld [tilespmem:s30+$0xCE20];
	v50 =	vmul.f32 v50, v34;
	v42 =	vadd.f32 v53, v42;
	[tilespmem:s30+$0x1230] =	vst v44  }
0x1db: {  	v39 =	vmul.f32 v39, v33;
	v44 =	vld [tilespmem:s30+$0xCE10];
	v49 =	vmul.f32 v49, v34;
	v41 =	vadd.f32 v51, v41;
	[tilespmem:s30+$0x1220] =	vst v43  }
0x1dc: {  	v38 =	vmul.f32 v38, v33;
	v43 =	vld [tilespmem:s30+$0xCE00];
	v48 =	vmul.f32 v48, v34;
	v40 =	vadd.f32 v50, v40;
	[tilespmem:s30+$0x1210] =	vst v42  }
0x1dd: {  	v37 =	vmul.f32 v37, v33;
	v42 =	vld [tilespmem:s30+$0xCA70];
	v47 =	vmul.f32 v47, v34;
	v39 =	vadd.f32 v49, v39;
	[tilespmem:s30+$0x1200] =	vst v41  }
0x1de: {  	v36 =	vmul.f32 v36, v33;
	v41 =	vld [tilespmem:s30+$0xCA60];
	v46 =	vmul.f32 v46, v34;
	v38 =	vadd.f32 v48, v38;
	[tilespmem:s30+$0xE70] =	vst v40  }
0x1df: {  	v35 =	vmul.f32 v35, v33;
	v40 =	vld [tilespmem:s30+$0xCA50];
	v45 =	vmul.f32 v45, v34;
	v37 =	vadd.f32 v47, v37;
	[tilespmem:s30+$0xE60] =	vst v39  }
0x1e0: {  	v32 =	vmul.f32 v32, v33;
	v39 =	vld [tilespmem:s30+$0xCA40];
	v44 =	vmul.f32 v44, v34;
	v36 =	vadd.f32 v46, v36;
	[tilespmem:s30+$0xE50] =	vst v38  }
0x1e1: {  	v31 =	vmul.f32 v31, v33;
	v38 =	vld [tilespmem:s30+$0xCA30];
	v43 =	vmul.f32 v43, v34;
	v35 =	vadd.f32 v45, v35;
	[tilespmem:s30+$0xE40] =	vst v37  }
0x1e2: {  	v30 =	vmul.f32 v30, v33;
	v37 =	vld [tilespmem:s30+$0xCA20];
	v42 =	vmul.f32 v42, v34;
	v32 =	vadd.f32 v44, v32;
	[tilespmem:s30+$0xE30] =	vst v36  }
0x1e3: {  	v29 =	vmul.f32 v29, v33;
	v36 =	vld [tilespmem:s30+$0xCA10];
	v41 =	vmul.f32 v41, v34;
	v31 =	vadd.f32 v43, v31;
	[tilespmem:s30+$0xE20] =	vst v35  }
0x1e4: {  	v28 =	vmul.f32 v28, v33;
	v35 =	vld [tilespmem:s30+$0xCA00];
	v40 =	vmul.f32 v40, v34;
	v30 =	vadd.f32 v42, v30;
	[tilespmem:s30+$0xE10] =	vst v32  }
0x1e5: {  	v27 =	vmul.f32 v27, v33;
	v32 =	vld [tilespmem:s30+$0xC670];
	v39 =	vmul.f32 v39, v34;
	v29 =	vadd.f32 v41, v29;
	[tilespmem:s30+$0xE00] =	vst v31  }
0x1e6: {  	v26 =	vmul.f32 v26, v33;
	v31 =	vld [tilespmem:s30+$0xC660];
	v38 =	vmul.f32 v38, v34;
	v28 =	vadd.f32 v40, v28;
	[tilespmem:s30+$0xA70] =	vst v30  }
0x1e7: {  	v25 =	vmul.f32 v25, v33;
	v30 =	vld [tilespmem:s30+$0xC650];
	v37 =	vmul.f32 v37, v34;
	v27 =	vadd.f32 v39, v27;
	[tilespmem:s30+$0xA60] =	vst v29  }
0x1e8: {  	v24 =	vmul.f32 v24, v33;
	v29 =	vld [tilespmem:s30+$0xC640];
	v36 =	vmul.f32 v36, v34;
	v26 =	vadd.f32 v38, v26;
	[tilespmem:s30+$0xA50] =	vst v28  }
0x1e9: {  	v23 =	vmul.f32 v23, v33;
	v28 =	vld [tilespmem:s30+$0xC630];
	v35 =	vmul.f32 v35, v34;
	v25 =	vadd.f32 v37, v25;
	[tilespmem:s30+$0xA40] =	vst v27  }
0x1ea: {  	v22 =	vmul.f32 v22, v33;
	v27 =	vld [tilespmem:s30+$0xC620];
	v32 =	vmul.f32 v32, v34;
	v24 =	vadd.f32 v36, v24;
	[tilespmem:s30+$0xA30] =	vst v26  }
0x1eb: {  	v21 =	vmul.f32 v21, v33;
	v26 =	vld [tilespmem:s30+$0xC610];
	v31 =	vmul.f32 v31, v34;
	v23 =	vadd.f32 v35, v23;
	[tilespmem:s30+$0xA20] =	vst v25  }
0x1ec: {  	v20 =	vmul.f32 v20, v33;
	v25 =	vld [tilespmem:s30+$0xC600];
	v30 =	vmul.f32 v30, v34;
	v22 =	vadd.f32 v32, v22;
	[tilespmem:s30+$0xA10] =	vst v24  }
0x1ed: {  	v19 =	vmul.f32 v19, v33;
	v24 =	vld [tilespmem:s30+$0xC270];
	v29 =	vmul.f32 v29, v34;
	v21 =	vadd.f32 v31, v21;
	[tilespmem:s30+$0xA00] =	vst v23  }
0x1ee: {  	v18 =	vmul.f32 v18, v33;
	v23 =	vld [tilespmem:s30+$0xC260];
	v28 =	vmul.f32 v28, v34;
	v20 =	vadd.f32 v30, v20;
	[tilespmem:s30+$0x670] =	vst v22  }
0x1ef: {  	v17 =	vmul.f32 v17, v33;
	v22 =	vld [tilespmem:s30+$0xC250];
	v27 =	vmul.f32 v27, v34;
	v19 =	vadd.f32 v29, v19;
	[tilespmem:s30+$0x660] =	vst v21  }
0x1f0: {  	v16 =	vmul.f32 v16, v33;
	v21 =	vmul.f32 v26, v34;
	v18 =	vadd.f32 v28, v18;
	[tilespmem:s30+$0x650] =	vst v20;
	v20 =	vld [tilespmem:s30+$0xD640]  }
0x1f1: {  	v15 =	vmul.f32 v15, v33;
	v25 =	vmul.f32 v25, v34;
	v17 =	vadd.f32 v27, v17;
	[tilespmem:s30+$0x640] =	vst v19;
	v19 =	vld [tilespmem:s30+$0xD650]  }
0x1f2: {  	v14 =	vmul.f32 v14, v33;
	v24 =	vmul.f32 v24, v34;
	v16 =	vadd.f32 v21, v16;
	[tilespmem:s30+$0x630] =	vst v18;
	v18 =	vld [tilespmem:s30+$0xD660]  }
0x1f3: {  	v13 =	vmul.f32 v13, v33;
	v21 =	vmul.f32 v23, v34;
	v15 =	vadd.f32 v25, v15;
	[tilespmem:s30+$0x620] =	vst v17;
	v17 =	vld [tilespmem:s30+$0xD670]  }
0x1f4: {  	v12 =	vmul.f32 v12, v33;
	v22 =	vmul.f32 v22, v34;
	v14 =	vadd.f32 v24, v14;
	[tilespmem:s30+$0x610] =	vst v16;
	v16 =	vld [tilespmem:s30+$0x1640]  }
0x1f5: {  	v10 =	vmul.f32 v10, v33;
	v11 =	vmul.f32 v11, v34;
	v13 =	vadd.f32 v21, v13;
	[tilespmem:s30+$0x600] =	vst v15;
	v15 =	vld [tilespmem:s30+$0x1650]  }
0x1f6: {  	v8 =	vmul.f32 v8, v33;
	v9 =	vmul.f32 v9, v34;
	v12 =	vadd.f32 v22, v12;
	[tilespmem:s30+$0x270] =	vst v14;
	v14 =	vld [tilespmem:s30+$0x1660]  }
0x1f7: {  	v6 =	vmul.f32 v6, v33;
	v7 =	vmul.f32 v7, v34;
	v10 =	vadd.f32 v11, v10;
	[tilespmem:s30+$0x260] =	vst v13;
	v11 =	vld [tilespmem:s30+$0x1670]  }
0x1f8: {  	s13 =	sshrl.u32 s1, $0x3;
	v4 =	vmul.f32 v4, v33;
	v5 =	vmul.f32 v5, v34;
	v8 =	vadd.f32 v9, v8;
	v13 =	vld [tilespmem:s30+$0x200];
	[tilespmem:s30+$0x250] =	vst v12  }
0x1f9: {  	s31 =	sadd.s32 $0x80, s31;
	s13 =	smul.u32 $0x1800, s13;
	v6 =	vadd.f32 v7, v6;
	v9 =	vmul.f32 v20, v34;
	[tilespmem:s30+$0x240] =	vst v10;
	v7 =	vmul.f32 v16, v33  }
0x1fa: {  	s14 =	sand.u32 $0x380, s31;
	v4 =	vadd.f32 v5, v4;
	[tilespmem:s30+$0x230] =	vst v8;
	v5 =	vmul.f32 v15, v33;
	v8 =	vmul.f32 v19, v34  }
0x1fb: {  	s13 =	sor.u32 s14, s13;
	[tilespmem:s30+$0x220] =	vst v6;
	v6 =	vadd.f32 v9, v7;
	v7 =	vmul.f32 v14, v33;
	v9 =	vmul.f32 v18, v34  }
0x1fc: {  	v12 =	vmul.f32 v17, v34;
	v10 =	vld [tilespmem:s13+$0xC200];
	[tilespmem:s30+$0x210] =	vst v4;
	v8 =	vadd.f32 v8, v5;
	v11 =	vmul.f32 v11, v33  }
0x1fd: {  	v3 =	vmul.f32 v3, v34;
	v4 =	vld [tilespmem:s13+$0x210];
	v13 =	vmul.f32 v13, v33;
	[tilespmem:s30+$0x1640] =	vst v6;
	v7 =	vadd.f32 v9, v7  }
0x1fe: {  	v5 =	vld [tilespmem:s13+$0xC210];
	[tilespmem:s30+$0x1650] =	vst v8;
	v8 =	vadd.f32 v12, v11  }
0x1ff: {  	v6 =	vld [tilespmem:s13+$0x220];
	v9 =	vadd.f32 v3, v13;
	[tilespmem:s30+$0x1660] =	vst v7  }
0x200: {  	v7 =	vld [tilespmem:s13+$0xC220];
	[tilespmem:s30+$0x1670] =	vst v8  }
0x201: {  	v8 =	vld [tilespmem:s13+$0x230];
	[tilespmem:s30+$0x200] =	vst v9;
	v3 =	vmov v10;
	s30 =	smov.u32 s13  }
0x202: {  	v9 =	vld [tilespmem:s30+$0xC230]  }
0x203: {  	v10 =	vld [tilespmem:s30+$0x240]  }
0x204: {  	v11 =	vld [tilespmem:s30+$0xC240]  }
0x205: {  	v12 =	vld [tilespmem:s30+$0x250]  }
0x206: {  	v13 =	vld [tilespmem:s30+$0x260]  }
0x207: {  	v14 =	vld [tilespmem:s30+$0x270]  }
0x208: {  	v15 =	vld [tilespmem:s30+$0x600]  }
0x209: {  	v16 =	vld [tilespmem:s30+$0x610]  }
0x20a: {  	v17 =	vld [tilespmem:s30+$0x620]  }
0x20b: {  	v18 =	vld [tilespmem:s30+$0x630]  }
0x20c: {  	v19 =	vld [tilespmem:s30+$0x640]  }
0x20d: {  	v20 =	vld [tilespmem:s30+$0x650]  }
0x20e: {  	v21 =	vld [tilespmem:s30+$0x660]  }
0x20f: {  	v22 =	vld [tilespmem:s30+$0x670]  }
0x210: {  	v23 =	vld [tilespmem:s30+$0xA00]  }
0x211: {  	v24 =	vld [tilespmem:s30+$0xA10]  }
0x212: {  	v25 =	vld [tilespmem:s30+$0xA20]  }
0x213: {  	v26 =	vld [tilespmem:s30+$0xA30]  }
0x214: {  	v27 =	vld [tilespmem:s30+$0xA40]  }
0x215: {  	v28 =	vld [tilespmem:s30+$0xA50]  }
0x216: {  	v29 =	vld [tilespmem:s30+$0xA60]  }
0x217: {  	v30 =	vld [tilespmem:s30+$0xA70]  }
0x218: {  	v31 =	vld [tilespmem:s30+$0xE00]  }
0x219: {  	v32 =	vld [tilespmem:s30+$0xE10]  }
0x21a: {  	v35 =	vld [tilespmem:s30+$0xE20]  }
0x21b: {  	v36 =	vld [tilespmem:s30+$0xE30]  }
0x21c: {  	v37 =	vld [tilespmem:s30+$0xE40]  }
0x21d: {  	v38 =	vld [tilespmem:s30+$0xE50]  }
0x21e: {  	v39 =	vld [tilespmem:s30+$0xE60]  }
0x21f: {  	v40 =	vld [tilespmem:s30+$0xE70]  }
0x220: {  	v41 =	vld [tilespmem:s30+$0x1200]  }
0x221: {  	v42 =	vld [tilespmem:s30+$0x1210]  }
0x222: {  	v43 =	vld [tilespmem:s30+$0x1220]  }
0x223: {  	v44 =	vld [tilespmem:s30+$0x1230]  }
0x224: {  	v45 =	vld [tilespmem:s30+$0x1240]  }
0x225: {  	v46 =	vld [tilespmem:s30+$0x1250]  }
.Ltmp1:
0x226: {  	v47 =	vld [tilespmem:s30+$0x1260];
	(pc) =	sbr.rel @p0 .LBB2_4-.Ltmp1, $4  }
0x227: {  	v48 =	vld [tilespmem:s30+$0x1270]  }
0x228: {  	v49 =	vld [tilespmem:s30+$0x1600]  }
0x229: {  	v50 =	vld [tilespmem:s30+$0x1610]  }
0x22a: {  	s1 =	sadd.s32 $0x1, s1;
	s13 =	sand.u32 $0x30, s0;
	v51 =	vld [tilespmem:s30+$0xD620]  }
0x22b: {  	v33 =	vld [tilespmem:s13+$0x100]  }
0x22c: {  	v34 =	vld [tilespmem:s13+$0x180]  }
0x22d: {  	v52 =	vld [tilespmem:s30+$0xD630];
	v53 =	vmov s0  }
0x22e: {  	v54 =	vld [tilespmem:s30+$0x1630];
	v53 =	vand.u32 $0xF, v53  }
0x22f: {  	v55 =	vld [tilespmem:s30+$0x1620];
	v53 =	vbroadcast v53, $0x0  }
0x230: {  	v56 =	vld [tilespmem:s30+$0xD610]  }
0x231: {  	v57 =	vld [tilespmem:s30+$0xD600];
	v33 =	vperm.xlane v33, v53  }
0x232: {  	v58 =	vld [tilespmem:s30+$0xD260];
	v34 =	vperm.xlane v34, v53  }
0x233: {  	v61 =	vld [tilespmem:s30+$0xD220];
	v54 =	vmul.f32 v54, v33  }
0x234: {  	v59 =	vld [tilespmem:s30+$0xD250];
	v52 =	vmul.f32 v52, v34;
	v55 =	vmul.f32 v55, v33  }
0x235: {  	v51 =	vmul.f32 v51, v34;
	v50 =	vmul.f32 v50, v33  }
0x236: {  	v60 =	vld [tilespmem:s30+$0xD240];
	v62 =	vmul.f32 v56, v34;
	v49 =	vmul.f32 v49, v33;
	v52 =	vadd.f32 v52, v54  }
0x237: {  	v53 =	vld [tilespmem:s30+$0xD270];
	v63 =	vmul.f32 v57, v34;
	v47 =	vmul.f32 v47, v33;
	v51 =	vadd.f32 v51, v55  }
0x238: {  	v58 =	vmul.f32 v58, v34;
	v57 =	vmul.f32 v61, v34;
	v61 =	vld [tilespmem:s30+$0xCA70];
	v50 =	vadd.f32 v62, v50;
	[tilespmem:s30+$0x1630] =	vst v52  }
0x239: {  	v46 =	vmul.f32 v46, v33;
	v59 =	vmul.f32 v59, v34;
	v56 =	vld [tilespmem:s30+$0xC640];
	v49 =	vadd.f32 v63, v49;
	[tilespmem:s30+$0x1620] =	vst v51  }
0x23a: {  	v43 =	vmul.f32 v43, v33;
	v10 =	vmul.f32 v10, v33;
	v54 =	vld [tilespmem:s30+$0xD230];
	v47 =	vadd.f32 v58, v47;
	[tilespmem:s30+$0x1610] =	vst v50  }
0x23b: {  	v11 =	vmul.f32 v11, v34;
	v8 =	vmul.f32 v8, v33;
	v46 =	vadd.f32 v59, v46;
	v58 =	vld [tilespmem:s30+$0xCE20];
	[tilespmem:s30+$0x1600] =	vst v49  }
0x23c: {  	v9 =	vmul.f32 v9, v34;
	v6 =	vmul.f32 v6, v33;
	v43 =	vadd.f32 v57, v43;
	v59 =	vld [tilespmem:s30+$0xCE10];
	[tilespmem:s30+$0x1260] =	vst v47  }
0x23d: {  	v7 =	vmul.f32 v7, v34;
	v62 =	vmul.f32 v60, v34;
	v60 =	vld [tilespmem:s30+$0xCE00];
	v10 =	vadd.f32 v11, v10;
	[tilespmem:s30+$0x1250] =	vst v46  }
0x23e: {  	v45 =	vmul.f32 v45, v33;
	v55 =	vld [tilespmem:s30+$0xC650];
	v8 =	vadd.f32 v9, v8;
	[tilespmem:s30+$0x1220] =	vst v43  }
0x23f: {  	v4 =	vmul.f32 v4, v33;
	v5 =	vmul.f32 v5, v34;
	v6 =	vadd.f32 v7, v6;
	v52 =	vld [tilespmem:s30+$0xD210];
	[tilespmem:s30+$0x240] =	vst v10  }
0x240: {  	v48 =	vmul.f32 v48, v33;
	v53 =	vmul.f32 v53, v34;
	v51 =	vld [tilespmem:s30+$0xD200];
	v45 =	vadd.f32 v62, v45;
	[tilespmem:s30+$0x230] =	vst v8  }
0x241: {  	v44 =	vmul.f32 v44, v33;
	v4 =	vadd.f32 v5, v4;
	v50 =	vld [tilespmem:s30+$0xCE70];
	[tilespmem:s30+$0x220] =	vst v6;
	v63 =	vmul.f32 v54, v34  }
0x242: {  	v35 =	vmul.f32 v35, v33;
	v49 =	vld [tilespmem:s30+$0xCE60];
	v48 =	vadd.f32 v53, v48;
	[tilespmem:s30+$0x1240] =	vst v45;
	v45 =	vmul.f32 v58, v34  }
0x243: {  	v31 =	vmul.f32 v31, v33;
	v47 =	vld [tilespmem:s30+$0xCE40];
	[tilespmem:s30+$0x210] =	vst v4;
	v43 =	vmul.f32 v60, v34;
	v44 =	vadd.f32 v63, v44  }
0x244: {  	v42 =	vmul.f32 v42, v33;
	v46 =	vld [tilespmem:s30+$0xCE30];
	[tilespmem:s30+$0x1270] =	vst v48;
	v52 =	vmul.f32 v52, v34;
	v35 =	vadd.f32 v45, v35  }
0x245: {  	v41 =	vmul.f32 v41, v33;
	v57 =	vld [tilespmem:s30+$0xC630];
	v51 =	vmul.f32 v51, v34;
	v31 =	vadd.f32 v43, v31;
	[tilespmem:s30+$0x1230] =	vst v44  }
0x246: {  	v40 =	vmul.f32 v40, v33;
	v48 =	vld [tilespmem:s30+$0xCE50];
	v50 =	vmul.f32 v50, v34;
	v42 =	vadd.f32 v52, v42;
	[tilespmem:s30+$0xE20] =	vst v35  }
0x247: {  	v39 =	vmul.f32 v39, v33;
	v54 =	vld [tilespmem:s30+$0xC660];
	v49 =	vmul.f32 v49, v34;
	v41 =	vadd.f32 v51, v41;
	[tilespmem:s30+$0xE00] =	vst v31  }
0x248: {  	v37 =	vmul.f32 v37, v33;
	v62 =	vld [tilespmem:s30+$0xCA60];
	v47 =	vmul.f32 v47, v34;
	v40 =	vadd.f32 v50, v40;
	[tilespmem:s30+$0x1210] =	vst v42  }
0x249: {  	v36 =	vmul.f32 v36, v33;
	v53 =	vld [tilespmem:s30+$0xC670];
	v46 =	vmul.f32 v46, v34;
	v39 =	vadd.f32 v49, v39;
	[tilespmem:s30+$0x1200] =	vst v41  }
0x24a: {  	v32 =	vmul.f32 v32, v33;
	v58 =	vld [tilespmem:s30+$0xC620];
	v37 =	vadd.f32 v47, v37;
	v44 =	vmul.f32 v59, v34;
	[tilespmem:s30+$0xE70] =	vst v40  }
0x24b: {  	v38 =	vmul.f32 v38, v33;
	v63 =	vld [tilespmem:s30+$0xCA50];
	v36 =	vadd.f32 v46, v36;
	v48 =	vmul.f32 v48, v34;
	[tilespmem:s30+$0xE60] =	vst v39  }
0x24c: {  	v21 =	vmul.f32 v21, v33;
	v60 =	vld [tilespmem:s30+$0xC600];
	v31 =	vmul.f32 v54, v34;
	[tilespmem:s30+$0xE40] =	vst v37;
	v32 =	vadd.f32 v44, v32  }
0x24d: {  	v30 =	vmul.f32 v30, v33;
	v43 =	vld [tilespmem:s30+$0xD670];
	[tilespmem:s30+$0xE30] =	vst v36;
	v42 =	vmul.f32 v61, v34;
	v38 =	vadd.f32 v48, v38  }
0x24e: {  	v29 =	vmul.f32 v29, v33;
	v49 =	vld [tilespmem:s30+$0xCA30];
	v41 =	vmul.f32 v62, v34;
	v21 =	vadd.f32 v31, v21;
	[tilespmem:s30+$0xE10] =	vst v32  }
0x24f: {  	v20 =	vmul.f32 v20, v33;
	v50 =	vld [tilespmem:s30+$0xCA20];
	v62 =	vmul.f32 v55, v34;
	v30 =	vadd.f32 v42, v30;
	[tilespmem:s30+$0xE50] =	vst v38  }
0x250: {  	v28 =	vmul.f32 v28, v33;
	v51 =	vld [tilespmem:s30+$0xCA10];
	v40 =	vmul.f32 v63, v34;
	v29 =	vadd.f32 v41, v29;
	[tilespmem:s30+$0x660] =	vst v21  }
0x251: {  	v19 =	vmul.f32 v19, v33;
	v52 =	vld [tilespmem:s30+$0xCA00];
	v31 =	vmul.f32 v56, v34;
	v20 =	vadd.f32 v62, v20;
	[tilespmem:s30+$0xA70] =	vst v30  }
0x252: {  	v22 =	vmul.f32 v22, v33;
	v45 =	vld [tilespmem:s30+$0x1640];
	v32 =	vmul.f32 v53, v34;
	v28 =	vadd.f32 v40, v28;
	[tilespmem:s30+$0xA60] =	vst v29  }
0x253: {  	v26 =	vmul.f32 v26, v33;
	v59 =	vld [tilespmem:s30+$0xC610];
	v38 =	vmul.f32 v49, v34;
	v19 =	vadd.f32 v31, v19;
	[tilespmem:s30+$0x650] =	vst v20  }
0x254: {  	v25 =	vmul.f32 v25, v33;
	v46 =	vld [tilespmem:s30+$0x1650];
	v37 =	vmul.f32 v50, v34;
	v22 =	vadd.f32 v32, v22;
	[tilespmem:s30+$0xA50] =	vst v28  }
0x255: {  	v24 =	vmul.f32 v24, v33;
	v61 =	vld [tilespmem:s30+$0xC270];
	v36 =	vmul.f32 v51, v34;
	v26 =	vadd.f32 v38, v26;
	[tilespmem:s30+$0x640] =	vst v19  }
0x256: {  	v23 =	vmul.f32 v23, v33;
	v48 =	vld [tilespmem:s30+$0xCA40];
	v35 =	vmul.f32 v52, v34;
	v25 =	vadd.f32 v37, v25;
	[tilespmem:s30+$0x670] =	vst v22  }
0x257: {  	v15 =	vmul.f32 v15, v33;
	v63 =	vld [tilespmem:s30+$0xC260];
	v40 =	vmul.f32 v60, v34;
	v24 =	vadd.f32 v36, v24;
	[tilespmem:s30+$0xA30] =	vst v26  }
0x258: {  	v18 =	vmul.f32 v18, v33;
	v41 =	vld [tilespmem:s30+$0xD660];
	v23 =	vadd.f32 v35, v23;
	v35 =	vmul.f32 v57, v34;
	[tilespmem:s30+$0xA20] =	vst v25  }
0x259: {  	v17 =	vmul.f32 v17, v33;
	v49 =	vld [tilespmem:s30+$0x1670];
	v37 =	vmul.f32 v58, v34;
	v15 =	vadd.f32 v40, v15;
	[tilespmem:s30+$0xA10] =	vst v24  }
0x25a: {  	v14 =	vmul.f32 v14, v33;
	v50 =	vld [tilespmem:s30+$0x200];
	v42 =	vmul.f32 v61, v34;
	[tilespmem:s30+$0xA00] =	vst v23;
	v18 =	vadd.f32 v35, v18  }
0x25b: {  	v27 =	vmul.f32 v27, v33;
	v32 =	vld [tilespmem:s30+$0xC250];
	v39 =	vmul.f32 v48, v34;
	v17 =	vadd.f32 v37, v17;
	[tilespmem:s30+$0x600] =	vst v15  }
0x25c: {  	v13 =	vmul.f32 v13, v33;
	v36 =	vld [tilespmem:s30+$0xD640];
	v44 =	vmul.f32 v63, v34;
	v14 =	vadd.f32 v42, v14;
	[tilespmem:s30+$0x630] =	vst v18  }
0x25d: {  	v16 =	vmul.f32 v16, v33;
	v38 =	vld [tilespmem:s30+$0xD650];
	v27 =	vadd.f32 v39, v27;
	v39 =	vmul.f32 v59, v34;
	[tilespmem:s30+$0x620] =	vst v17  }
0x25e: {  	v60 =	vmul.f32 v43, v34;
	v48 =	vld [tilespmem:s30+$0x1660];
	v13 =	vadd.f32 v44, v13;
	v59 =	vmul.f32 v49, v33;
	[tilespmem:s30+$0x270] =	vst v14  }
0x25f: {  	v3 =	vmul.f32 v3, v34;
	v61 =	vmul.f32 v50, v33;
	[tilespmem:s30+$0xA40] =	vst v27;
	v16 =	vadd.f32 v39, v16  }
0x260: {  	v12 =	vmul.f32 v12, v33;
	v47 =	vmul.f32 v32, v34;
	[tilespmem:s30+$0x260] =	vst v13;
	v63 =	vadd.f32 v60, v59  }
0x261: {  	v51 =	vmul.f32 v45, v33;
	v52 =	vmul.f32 v36, v34;
	v3 =	vadd.f32 v3, v61;
	[tilespmem:s30+$0x610] =	vst v16  }
0x262: {  	v53 =	vmul.f32 v46, v33;
	v54 =	vmul.f32 v38, v34;
	v12 =	vadd.f32 v47, v12;
	[tilespmem:s30+$0x1670] =	vst v63  }
0x263: {  	v57 =	vmul.f32 v41, v34;
	v56 =	vmul.f32 v48, v33;
	v55 =	vadd.f32 v52, v51;
	[tilespmem:s30+$0x200] =	vst v3  }
0x264: {  	v58 =	vadd.f32 v54, v53;
	[tilespmem:s30+$0x250] =	vst v12  }
0x265: {  	s29 =	sadd.s32 $0x1, s29;
	v62 =	vadd.f32 v57, v56;
	[tilespmem:s30+$0x1640] =	vst v55  }
0x266: {  	p0 =	sne.s32 s29, s11;
	[tilespmem:s30+$0x1650] =	vst v58  }
.Ltmp2:
0x267: {  	[tilespmem:s30+$0x1660] =	vst v62;
	(pc) =	sbr.rel @p0 .LBB2_1-.Ltmp2, $4  }
0x268: {  	[hbm4b:s10+s2] =	stream.linear.scatter [tilespmem:s16], [sflag:$0x3], $0xC000, $0x38;
	[tilespmem:$0x18200] =	vst v63  }
0x269: {  	_ =	swait.ge [sflag:s12], $0xC000  }
0x26a: {  	[sflag:s12] =	ssyncset.done $0x0  }
0x26b: {  	[sflag:s12] =	ssyncadd.s32 $0xFFFF4000  }
0x26c: {  	_ =	sfence.sel $0x180000  }
0x26d: {  	[bflag:$0x0] =	sbarrier.arrive $0xFFFF  }
0x26e: {  	_ =	strace $0x9000004A  }
0x26f: {  	s0 =	stileid.u32;
	[bflag:$0x2] =	sbarrier.arrive $0xFFFF  }
0x270: {  	p0 =	sne.s32 s0, $0x0;
	s0 =	rddreg [dreg:$0x2]  }
0x271: {  	s0 =	sadd.s32 @!p0 $0x100000, s0  }
0x272: {  	[sflag:s0] =	ssyncadd.tile.s32 @!p0 $0x1;
	_ =	shalt  }
.Lfunc_end2:
_tile_overlayer_lowered:
.L_overlay_start_2:
0x273: {  	(tag) =	ssettag $0x2  }
0x274: {  	s0 =	rddreg [dreg:$0x0];
	s2 =	stileid.u32  }
0x275: {  	s1 =	rddreg [dreg:$0x1];
	p0 =	sne.s32 s2, $0x0  }
0x276: {  	s3 =	rddreg [dreg:$0x2];
	[bflag:$0x3] =	sbarrier.arrive $0xFFFF;
	s2 =	simm.s32 @!p0 $0x1C03  }
0x277: {  	[timem:s3], [sflag:s2] =	dma.local @!p0 [hbm:s0], s1  }
0x278: {  	s0 =	simm.s32 @!p0 $0x3  }
0x279: {  	_ =	swait.ge @!p0 [sflag:s0], s1  }
0x27a: {  	s1 =	ssub.s32 @!p0 $0x0, s1;
	[sflag:s0] =	ssyncset.done @!p0 $0x0  }
0x27b: {  	[sflag:s0] =	ssyncadd.s32 @!p0 s1  }
0x27c: {  	[bflag:$0x3] =	sbarrier.arrive $0xFFFF  }
0x27d: {  	_ =	shalt  }

</sc_bundles>
